<compile_context>
chip_gen: v7x
topology: tpu7x:2x2x1
jax: 0.10.2.dev20260603
libtpu: 0.0.44.dev20260713+nightly
codegen_flags: <defaults>
</compile_context>

<pallas_src>
import functools

import jax
import jax.numpy as jnp
from jax import lax
from jax.experimental import pallas as pl
from jax.experimental.pallas import tpu as pltpu
from jax.experimental.pallas import tpu_sc as plsc

N = 10000
E = 320000
HALF = 64
HD = 128
W = 128
NSUB = 16
NCORE = 2
WIN_PER_SUB = 160
WIN_TOTAL = WIN_PER_SUB * NSUB
E_PAD = WIN_TOTAL * W - E
IDX_BLK = 16
NPADROW = 64
RCHUNK = 632
ROW_BLOCK = 2000


def _relu(v):
    return jnp.maximum(v, 0.0)


def _dot(a, b):
    return jnp.dot(a, b, preferred_element_type=jnp.float32)



def _head_body(x_ref, w1_ref, b1_ref, w2_ref, b2_ref, out_ref):
    x = x_ref[...]
    a = _relu(_dot(x[:, :HALF], w1_ref[...]) + b1_ref[...])
    b = _relu(_dot(x[:, HALF:], w1_ref[...]) + b1_ref[...])
    h = _dot(a + b, w2_ref[...]) + b2_ref[...]
    out_ref[0] = h[:, :HD]
    out_ref[1] = h[:, HD:]


def _head(x, w1, b1, w2, b2):
    grid = (N // ROW_BLOCK,)
    return pl.pallas_call(
        _head_body,
        grid=grid,
        in_specs=[
            pl.BlockSpec((ROW_BLOCK, 2 * HALF), lambda i: (i, 0)),
            pl.BlockSpec(w1.shape, lambda i: (0, 0)),
            pl.BlockSpec(b1.shape, lambda i: (0, 0)),
            pl.BlockSpec(w2.shape, lambda i: (0, 0)),
            pl.BlockSpec(b2.shape, lambda i: (0, 0)),
        ],
        out_specs=pl.BlockSpec((2, ROW_BLOCK, HD), lambda i: (0, i, 0)),
        out_shape=jax.ShapeDtypeStruct((2, N, HD), jnp.float32),
        compiler_params=pltpu.CompilerParams(
            dimension_semantics=("parallel",)),
    )(x, w1, b1, w2, b2)


def _gin_body(h2_ref, wa_ref, ba_ref, wb_ref, bb_ref, out_ref):
    z = jnp.concatenate([h2_ref[0], h2_ref[1]], axis=1)
    y = _relu(_dot(z, wa_ref[...]) + ba_ref[...])
    o = _relu(_dot(y, wb_ref[...]) + bb_ref[...])
    out_ref[0] = o[:, :HD]
    out_ref[1] = o[:, HD:]


def _gin(h2, wa, ba, wb, bb):
    grid = (N // ROW_BLOCK,)
    return pl.pallas_call(
        _gin_body,
        grid=grid,
        in_specs=[
            pl.BlockSpec((2, ROW_BLOCK, HD), lambda i: (0, i, 0)),
            pl.BlockSpec(wa.shape, lambda i: (0, 0)),
            pl.BlockSpec(ba.shape, lambda i: (0, 0)),
            pl.BlockSpec(wb.shape, lambda i: (0, 0)),
            pl.BlockSpec(bb.shape, lambda i: (0, 0)),
        ],
        out_specs=pl.BlockSpec((2, ROW_BLOCK, HD), lambda i: (0, i, 0)),
        out_shape=jax.ShapeDtypeStruct((2, N, HD), jnp.float32),
        compiler_params=pltpu.CompilerParams(
            dimension_semantics=("parallel",)),
    )(h2, wa, ba, wb, bb)


def _tail_body(h2_ref, wa_ref, ba_ref, wb_ref, bb_ref,
               o1_ref, p1_ref, o2_ref, p2_ref, o3_ref, p3_ref, out_ref):
    z = jnp.concatenate([h2_ref[0], h2_ref[1]], axis=1)
    y = _relu(_dot(z, wa_ref[...]) + ba_ref[...])
    t = _relu(_dot(y, wb_ref[...]) + bb_ref[...])
    u = _relu(_dot(t, o1_ref[...]) + p1_ref[...])
    v = _relu(_dot(u, o2_ref[...]) + p2_ref[...])
    out_ref[...] = _dot(v, o3_ref[...]) + p3_ref[...]


def _tail(h2, wa, ba, wb, bb, o1, p1, o2, p2, o3, p3):
    grid = (N // ROW_BLOCK,)
    ws = [wa, ba, wb, bb, o1, p1, o2, p2, o3, p3]
    return pl.pallas_call(
        _tail_body,
        grid=grid,
        in_specs=[pl.BlockSpec((2, ROW_BLOCK, HD), lambda i: (0, i, 0))]
        + [pl.BlockSpec(w.shape, lambda i: (0,) * w.ndim) for w in ws],
        out_specs=pl.BlockSpec((ROW_BLOCK, 64), lambda i: (i, 0)),
        out_shape=jax.ShapeDtypeStruct((N, 64), jnp.float32),
        compiler_params=pltpu.CompilerParams(
            dimension_semantics=("parallel",)),
    )(h2, *ws)



def _sc_agg(h2flat, srcs2, dsts2):
    mesh = plsc.VectorSubcoreMesh(core_axis_name="c", subcore_axis_name="s")

    @functools.partial(
        pl.kernel,
        out_type=jax.ShapeDtypeStruct((NCORE * N, HD), jnp.float32),
        mesh=mesh,
        scratch_types=[
            pltpu.VMEM((2, IDX_BLK, W), jnp.int32),
            pltpu.VMEM((2, IDX_BLK, W), jnp.int32),
            pltpu.VMEM((W, HD), jnp.float32),
            pltpu.VMEM((W, HD), jnp.float32),
            pltpu.VMEM_SHARED((N + NPADROW, HD), jnp.float32),
            pltpu.SemaphoreType.DMA,
            pltpu.SemaphoreType.DMA,
            pltpu.SemaphoreType.DMA,
            pltpu.SemaphoreType.DMA,
            pltpu.SemaphoreType.DMA,
            pltpu.SemaphoreType.DMA,
        ],
    )
    def k(h_hbm, src_hbm, dst_hbm, out_hbm, src_v, dst_v, buf0, buf1, acc,
          sem0, sem1, ssem0, ssem1, isem_s, isem_d):
        c = lax.axis_index("c")
        s = lax.axis_index("s")
        r0 = jnp.where(s == NSUB - 1, N - RCHUNK, s * RCHUNK)
        pltpu.sync_copy(h_hbm.at[pl.ds(c * N + r0, RCHUNK)],
                        acc.at[pl.ds(r0, RCHUNK)])
        plsc.subcore_barrier()
        w0 = c * WIN_TOTAL + s * WIN_PER_SUB
        d0 = s * WIN_PER_SUB

        bufs = (buf0, buf1)
        sems = (sem0, sem1)
        ssems = (ssem0, ssem1)
        NBLK = WIN_PER_SUB // IDX_BLK

        def wait_scatter(b, p):
            pltpu.make_async_copy(bufs[b], acc.at[dst_v.at[p].at[0]],
                                  ssems[b]).wait()

        def fetch_idx(g, p):
            pltpu.async_copy(src_hbm.at[pl.ds(w0 + g * IDX_BLK, IDX_BLK)],
                             src_v.at[p], isem_s)
            pltpu.async_copy(dst_hbm.at[pl.ds(d0 + g * IDX_BLK, IDX_BLK)],
                             dst_v.at[p], isem_d)

        def wait_idx(g, p):
            pltpu.make_async_copy(src_hbm.at[pl.ds(w0 + g * IDX_BLK, IDX_BLK)],
                                  src_v.at[p], isem_s).wait()
            pltpu.make_async_copy(dst_hbm.at[pl.ds(d0 + g * IDX_BLK, IDX_BLK)],
                                  dst_v.at[p], isem_d).wait()

        fetch_idx(0, 0)

        def block(g, carry):
            p = lax.rem(g, 2)
            wait_idx(g, p)

            @pl.when(g > 0)
            def _():
                wait_scatter(0, p)
            sv = src_v.at[p]
            dv = dst_v.at[p]
            gd = [pltpu.async_copy(h_hbm.at[sv.at[0]], buf0, sem0), None]
            for j in range(IDX_BLK):
                cur = j % 2
                nxt = 1 - cur
                if j + 1 < IDX_BLK:
                    if j >= 1:
                        wait_scatter(nxt, p)
                    else:
                        @pl.when(g > 0)
                        def _():
                            wait_scatter(1, p)
                        @pl.when(g + 1 < NBLK)
                        def _():
                            fetch_idx(g + 1, 1 - p)
                    gd[nxt] = pltpu.async_copy(
                        h_hbm.at[sv.at[j + 1]], bufs[nxt], sems[nxt])
                gd[cur].wait()
                pltpu.async_copy(bufs[cur], acc.at[dv.at[j]], ssems[cur],
                                 add=True)
            return carry

        lax.fori_loop(0, NBLK, block, 0)
        wait_scatter(0, 0)
        wait_scatter(1, 0)
        plsc.subcore_barrier()
        pltpu.sync_copy(acc.at[pl.ds(r0, RCHUNK)],
                        out_hbm.at[pl.ds(c * N + r0, RCHUNK)])

    return k(h2flat, srcs2, dsts2)



def _fold_bn(lin, bn, scale):
    g = bn["gamma"] * scale
    return lin["W"] * g[None, :], lin["b"] * g + bn["beta"]


def kernel(x, edge_index, params):
    inv = 1.0 / jnp.sqrt(jnp.float32(1.0 + 1e-5))

    mlp = params["mlp"]
    w1, b1 = _fold_bn(mlp["lin1"], mlp["bn1"], inv)
    w2 = mlp["lin2"]["W"]
    b2 = 2.0 * mlp["lin2"]["b"]

    gin_w = []
    for lp in params["gin"]:
        wa, ba = _fold_bn(lp["lin1"], lp["bn"], inv)
        gin_w.append((wa, ba[None, :], lp["lin2"]["W"], lp["lin2"]["b"][None, :]))

    op = params["out"]
    o1, p1 = _fold_bn(op["lin1"], op["bn1"], inv)
    o2, p2 = _fold_bn(op["lin2"], op["bn2"], inv)
    o3, p3 = op["lin3"]["W"], op["lin3"]["b"]

    src = edge_index[0].astype(jnp.int32)
    dst = edge_index[1].astype(jnp.int32)
    pad = jnp.arange(E_PAD, dtype=jnp.int32)
    src = jnp.concatenate([src, pad % N])
    dst = jnp.concatenate([dst, pad % NPADROW + N])
    srcs2 = jnp.concatenate([src, src + N]).reshape(NCORE * WIN_TOTAL, W)
    dsts2 = dst.reshape(WIN_TOTAL, W)

    h2 = _head(x, w1, b1[None, :], w2, b2[None, :])
    for layer in range(3):
        acc = _sc_agg(h2.reshape(NCORE * N, HD), srcs2, dsts2)
        acc = acc.reshape(NCORE, N, HD)
        if layer < 2:
            h2 = _gin(acc, *gin_w[layer])
        else:
            wa, ba, wb, bb = gin_w[2]
            out = _tail(acc, wa, ba, wb, bb,
                        o1, p1[None, :], o2, p2[None, :], o3, p3[None, :])
    return out

# --- scband reference (transcript-rebuilt; emitter-appended) ---
"""Pipeline reference for scband-gin-13752485281960 (READ-ONLY COPY).

The authoritative reference and input builder live on the scoring server;
editing this copy changes nothing except your own understanding.
"""

import jax, jax.numpy as jnp
import numpy as np

N = 10000
E = 320000
IN_CH = 128
HALF = 64
MLP_H = 256
MLP_O = 256
GIN_H = 256
GIN_O = 192
OUT_H = 64
OUT_CH = 64


def _lin_init(key, fin, fout):
    k1, k2 = jax.random.split(key)
    s = 1.0 / np.sqrt(fin)
    return {"W": jax.random.uniform(k1, (fin, fout), jnp.float32, -s, s),
            "b": jax.random.uniform(k2, (fout,), jnp.float32, -s, s)}


def _bn_init(dim):
    return {"gamma": jnp.ones((dim,), jnp.float32), "beta": jnp.zeros((dim,), jnp.float32)}


def setup_inputs(seed: int = 0):
    key = jax.random.key(seed)
    ks = jax.random.split(key, 16)
    x = jax.random.normal(ks[0], (N, IN_CH), dtype=jnp.float32)
    edge_index = jax.random.randint(ks[1], (2, E), 0, N)
    params = {
        "mlp": {"lin1": _lin_init(ks[2], HALF, MLP_H), "bn1": _bn_init(MLP_H),
                "lin2": _lin_init(ks[3], MLP_H, MLP_O)},
        "gin": (
            {"lin1": _lin_init(ks[4], MLP_O, GIN_H), "bn": _bn_init(GIN_H), "lin2": _lin_init(ks[5], GIN_H, GIN_H)},
            {"lin1": _lin_init(ks[6], GIN_H, GIN_H), "bn": _bn_init(GIN_H), "lin2": _lin_init(ks[7], GIN_H, GIN_H)},
            {"lin1": _lin_init(ks[8], GIN_H, GIN_H), "bn": _bn_init(GIN_H), "lin2": _lin_init(ks[9], GIN_H, GIN_O)},
        ),
        "out": {"lin1": _lin_init(ks[10], GIN_O, OUT_H), "bn1": _bn_init(OUT_H),
                "lin2": _lin_init(ks[11], OUT_H, OUT_H), "bn2": _bn_init(OUT_H),
                "lin3": _lin_init(ks[12], OUT_H, OUT_CH)},
    }
    return {"x": x, "edge_index": edge_index, "params": params}


def _lin(x, p):
    return x @ p["W"] + p["b"]


def _bn(x, p):
    # BatchNorm1d in eval mode with default running stats (mean=0, var=1)
    return p["gamma"] * (x / jnp.sqrt(1.0 + 1e-5)) + p["beta"]


def _mlp_head(x, p):
    # PyG-style MLP, num_layers=2: Linear -> BN -> ReLU -> Linear
    h = jax.nn.relu(_bn(_lin(x, p["lin1"]), p["bn1"]))
    return _lin(h, p["lin2"])


def _gin_nn(x, p):
    # Sequential(Linear, BatchNorm1d, ReLU, Linear, ReLU)
    h = jax.nn.relu(_bn(_lin(x, p["lin1"]), p["bn"]))
    return jax.nn.relu(_lin(h, p["lin2"]))


def _out_mlp(x, p):
    # PyG-style MLP, num_layers=3
    h = jax.nn.relu(_bn(_lin(x, p["lin1"]), p["bn1"]))
    h = jax.nn.relu(_bn(_lin(h, p["lin2"]), p["bn2"]))
    return _lin(h, p["lin3"])


def _forward(x, params, edge_index):
    x1 = _mlp_head(x[:, :HALF], params["mlp"])
    x2 = _mlp_head(x[:, HALF:], params["mlp"])
    h = x1 + x2
    src = edge_index[0]
    dst = edge_index[1]
    for lp in params["gin"]:
        # GINConv with eps=0: nn((1+eps)*x + sum_{j in N(i)} x_j)
        agg = jax.ops.segment_sum(h[src], dst, num_segments=N)
        h = _gin_nn(h + agg, lp)
        # dropout is identity in eval mode
    return _out_mlp(h, params["out"])


def reference(x, edge_index, params):
    return _forward(x, params, edge_index)

if __name__ == "__main__":
    import jax
    _d = setup_inputs()
    print(jax.jit(kernel)(*tuple(_d.values())))

</pallas_src>

<mosaic_0001>
#map = affine_map<(d0, d1) -> (0, 0)>
module attributes {stable_mosaic.version = 14 : i64} {
  func.func @k(%arg0: i32, %arg1: i32, %arg2: memref<20000x128xf32, #tpu.memory_space<hbm>>, %arg3: memref<5120x128xi32, #tpu.memory_space<hbm>>, %arg4: memref<2560x128xi32, #tpu.memory_space<hbm>>, %arg5: memref<20000x128xf32, #tpu.memory_space<hbm>>, %arg6: memref<2x16x128xi32, #tpu.memory_space<vmem>>, %arg7: memref<2x16x128xi32, #tpu.memory_space<vmem>>, %arg8: memref<128x128xf32, #tpu.memory_space<vmem>>, %arg9: memref<128x128xf32, #tpu.memory_space<vmem>>, %arg10: memref<10064x128xf32, #tpu.memory_space<vmem_shared>>, %arg11: memref<!tpu.dma_semaphore, #tpu.memory_space<semaphore_mem>>, %arg12: memref<!tpu.dma_semaphore, #tpu.memory_space<semaphore_mem>>, %arg13: memref<!tpu.dma_semaphore, #tpu.memory_space<semaphore_mem>>, %arg14: memref<!tpu.dma_semaphore, #tpu.memory_space<semaphore_mem>>, %arg15: memref<!tpu.dma_semaphore, #tpu.memory_space<semaphore_mem>>, %arg16: memref<!tpu.dma_semaphore, #tpu.memory_space<semaphore_mem>>) attributes {dimension_semantics = [#tpu.dimension_semantics<core_parallel>, #tpu.dimension_semantics<subcore_parallel>], iteration_bounds = array<i64: 2, 16>, scalar_prefetch = 0 : i64, scratch_operands = 11 : i64, tpu.core_type = #tpu.core_type<sc_vector_subcore>, window_params = [{transform_indices = #map}, {transform_indices = #map}, {transform_indices = #map}, {transform_indices = #map}]} {
    %eq3A = arith.constant 15 : i32
    %eq3A_0 = arith.cmpi eq, %arg1, %eq3A : i32
    %mul3A = arith.constant 632 : i32
    %mul3A_1 = arith.muli %arg1, %mul3A : i32
    %jit3A = arith.constant 9368 : i32
    %select_n3A = arith.select %eq3A_0, %jit3A, %mul3A_1 : i32
    %mul3A_2 = arith.constant 10000 : i32
    %mul3A_3 = arith.muli %arg0, %mul3A_2 : i32
    %add3A = arith.addi %mul3A_3, %select_n3A : i32
    "tpu.region"() ({
      %run_scoped3A = tpu.sem_alloc : memref<!tpu.dma_semaphore, #tpu.memory_space<semaphore_mem>>
      %dma_start3A_72 = arith.constant 0 : i32
      %dma_start3A_73 = tpu.memref_slice %arg10[%select_n3A, %dma_start3A_72] : memref<10064x128xf32, #tpu.memory_space<vmem_shared>> -> memref<632x128xf32, #tpu.memory_space<vmem_shared>>
      %dma_start3A_74 = arith.constant 0 : i32
      %dma_start3A_75 = tpu.memref_slice %arg2[%add3A, %dma_start3A_74] : memref<20000x128xf32, #tpu.memory_space<hbm>> -> memref<632x128xf32, #tpu.memory_space<hbm>>
      tpu.enqueue_dma source(%dma_start3A_75 : memref<632x128xf32, #tpu.memory_space<hbm>>) target(%dma_start3A_73 : memref<632x128xf32, #tpu.memory_space<vmem_shared>>) target_semaphore(%run_scoped3A : memref<!tpu.dma_semaphore, #tpu.memory_space<semaphore_mem>>)
      %dma_wait3A_76 = arith.constant 0 : i32
      %dma_wait3A_77 = tpu.memref_slice %arg10[%select_n3A, %dma_wait3A_76] : memref<10064x128xf32, #tpu.memory_space<vmem_shared>> -> memref<632x128xf32, #tpu.memory_space<vmem_shared>>
      %dma_wait3A_78 = arith.constant 0 : i32
      %dma_wait3A_79 = tpu.memref_slice %arg2[%add3A, %dma_wait3A_78] : memref<20000x128xf32, #tpu.memory_space<hbm>> -> memref<632x128xf32, #tpu.memory_space<hbm>>
      tpu.wait_dma2 semaphore(%run_scoped3A : memref<!tpu.dma_semaphore, #tpu.memory_space<semaphore_mem>>) src(%dma_wait3A_79 : memref<632x128xf32, #tpu.memory_space<hbm>>) dst(%dma_wait3A_77 : memref<632x128xf32, #tpu.memory_space<vmem_shared>>)
      tpu.yield
    }) : () -> ()
    %barrier3A = arith.constant 0 : index
    tpu.barrier barrier_id(%barrier3A)
    %mul3A_4 = arith.constant 2560 : i32
    %mul3A_5 = arith.muli %arg0, %mul3A_4 : i32
    %mul3A_6 = arith.constant 160 : i32
    %mul3A_7 = arith.muli %arg1, %mul3A_6 : i32
    %add3A_8 = arith.addi %mul3A_5, %mul3A_7 : i32
    %mul3A_9 = arith.constant 160 : i32
    %mul3A_10 = arith.muli %arg1, %mul3A_9 : i32
    %add3A_11 = arith.constant 0 : i32
    %add3A_12 = arith.addi %add3A_8, %add3A_11 : i32
    %dma_start3A = arith.constant 0 : i32
    %dma_start3A_13 = arith.constant 0 : i32
    %dma_start3A_14 = arith.constant 0 : i32
    %dma_start3A_15 = tpu.memref_slice %arg6[%dma_start3A, %dma_start3A_13, %dma_start3A_14] : memref<2x16x128xi32, #tpu.memory_space<vmem>> -> memref<1x16x128xi32, #tpu.memory_space<vmem>>
    %dma_start3A_16 = tpu.memref_squeeze %dma_start3A_15 : memref<1x16x128xi32, #tpu.memory_space<vmem>> -> memref<16x128xi32, #tpu.memory_space<vmem>>
    %dma_start3A_17 = arith.constant 0 : i32
    %dma_start3A_18 = tpu.memref_slice %arg3[%add3A_12, %dma_start3A_17] : memref<5120x128xi32, #tpu.memory_space<hbm>> -> memref<16x128xi32, #tpu.memory_space<hbm>>
    %dma_start3A_19 = arith.constant 0 : i32
    %dma_start3A_20 = arith.constant 0 : i32
    %dma_start3A_21 = tpu.memref_slice %arg6[%dma_start3A, %dma_start3A_19, %dma_start3A_20] : memref<2x16x128xi32, #tpu.memory_space<vmem>> -> memref<1x16x128xi32, #tpu.memory_space<vmem>>
    %dma_start3A_22 = tpu.memref_squeeze %dma_start3A_21 : memref<1x16x128xi32, #tpu.memory_space<vmem>> -> memref<16x128xi32, #tpu.memory_space<vmem>>
    %dma_start3A_23 = arith.constant 0 : i32
    %dma_start3A_24 = tpu.memref_slice %arg3[%add3A_12, %dma_start3A_23] : memref<5120x128xi32, #tpu.memory_space<hbm>> -> memref<16x128xi32, #tpu.memory_space<hbm>>
    tpu.enqueue_dma source(%dma_start3A_24 : memref<16x128xi32, #tpu.memory_space<hbm>>) target(%dma_start3A_22 : memref<16x128xi32, #tpu.memory_space<vmem>>) target_semaphore(%arg15 : memref<!tpu.dma_semaphore, #tpu.memory_space<semaphore_mem>>)
    %add3A_25 = arith.constant 0 : i32
    %add3A_26 = arith.addi %mul3A_10, %add3A_25 : i32
    %dma_start3A_27 = arith.constant 0 : i32
    %dma_start3A_28 = arith.constant 0 : i32
    %dma_start3A_29 = arith.constant 0 : i32
    %dma_start3A_30 = tpu.memref_slice %arg7[%dma_start3A_27, %dma_start3A_28, %dma_start3A_29] : memref<2x16x128xi32, #tpu.memory_space<vmem>> -> memref<1x16x128xi32, #tpu.memory_space<vmem>>
    %dma_start3A_31 = tpu.memref_squeeze %dma_start3A_30 : memref<1x16x128xi32, #tpu.memory_space<vmem>> -> memref<16x128xi32, #tpu.memory_space<vmem>>
    %dma_start3A_32 = arith.constant 0 : i32
    %dma_start3A_33 = tpu.memref_slice %arg4[%add3A_26, %dma_start3A_32] : memref<2560x128xi32, #tpu.memory_space<hbm>> -> memref<16x128xi32, #tpu.memory_space<hbm>>
    %dma_start3A_34 = arith.constant 0 : i32
    %dma_start3A_35 = arith.constant 0 : i32
    %dma_start3A_36 = tpu.memref_slice %arg7[%dma_start3A_27, %dma_start3A_34, %dma_start3A_35] : memref<2x16x128xi32, #tpu.memory_space<vmem>> -> memref<1x16x128xi32, #tpu.memory_space<vmem>>
    %dma_start3A_37 = tpu.memref_squeeze %dma_start3A_36 : memref<1x16x128xi32, #tpu.memory_space<vmem>> -> memref<16x128xi32, #tpu.memory_space<vmem>>
    %dma_start3A_38 = arith.constant 0 : i32
    %dma_start3A_39 = tpu.memref_slice %arg4[%add3A_26, %dma_start3A_38] : memref<2560x128xi32, #tpu.memory_space<hbm>> -> memref<16x128xi32, #tpu.memory_space<hbm>>
    tpu.enqueue_dma source(%dma_start3A_39 : memref<16x128xi32, #tpu.memory_space<hbm>>) target(%dma_start3A_37 : memref<16x128xi32, #tpu.memory_space<vmem>>) target_semaphore(%arg16 : memref<!tpu.dma_semaphore, #tpu.memory_space<semaphore_mem>>)
    %scan3A = arith.constant 0 : i32
    %scan3A_40 = arith.constant 0 : i32
    %scan3A_41 = arith.constant 10 : i32
    %scan3A_42 = arith.addi %scan3A_40, %scan3A_41 : i32
    %scan3A_43 = arith.constant 1 : i32
    scf.for %scan3A_72 = %scan3A_40 to %scan3A_42 step %scan3A_43  : i32 {
      %rem3A = arith.constant 2 : i32
      %rem3A_73 = arith.remsi %scan3A_72, %rem3A : i32
      %mul3A_74 = arith.constant 16 : i32
      %mul3A_75 = arith.muli %scan3A_72, %mul3A_74 : i32
      %add3A_76 = arith.addi %add3A_8, %mul3A_75 : i32
      %dma_wait3A_77 = arith.constant 0 : i32
      %dma_wait3A_78 = arith.constant 0 : i32
      %dma_wait3A_79 = tpu.memref_slice %arg6[%rem3A_73, %dma_wait3A_77, %dma_wait3A_78] : memref<2x16x128xi32, #tpu.memory_space<vmem>> -> memref<1x16x128xi32, #tpu.memory_space<vmem>>
      %dma_wait3A_80 = tpu.memref_squeeze %dma_wait3A_79 : memref<1x16x128xi32, #tpu.memory_space<vmem>> -> memref<16x128xi32, #tpu.memory_space<vmem>>
      %dma_wait3A_81 = arith.constant 0 : i32
      %dma_wait3A_82 = tpu.memref_slice %arg3[%add3A_76, %dma_wait3A_81] : memref<5120x128xi32, #tpu.memory_space<hbm>> -> memref<16x128xi32, #tpu.memory_space<hbm>>
      %dma_wait3A_83 = arith.constant 0 : i32
      %dma_wait3A_84 = arith.constant 0 : i32
      %dma_wait3A_85 = tpu.memref_slice %arg6[%rem3A_73, %dma_wait3A_83, %dma_wait3A_84] : memref<2x16x128xi32, #tpu.memory_space<vmem>> -> memref<1x16x128xi32, #tpu.memory_space<vmem>>
      %dma_wait3A_86 = tpu.memref_squeeze %dma_wait3A_85 : memref<1x16x128xi32, #tpu.memory_space<vmem>> -> memref<16x128xi32, #tpu.memory_space<vmem>>
      %dma_wait3A_87 = arith.constant 0 : i32
      %dma_wait3A_88 = tpu.memref_slice %arg3[%add3A_76, %dma_wait3A_87] : memref<5120x128xi32, #tpu.memory_space<hbm>> -> memref<16x128xi32, #tpu.memory_space<hbm>>
      tpu.wait_dma2 semaphore(%arg15 : memref<!tpu.dma_semaphore, #tpu.memory_space<semaphore_mem>>) src(%dma_wait3A_88 : memref<16x128xi32, #tpu.memory_space<hbm>>) dst(%dma_wait3A_86 : memref<16x128xi32, #tpu.memory_space<vmem>>)
      %mul3A_89 = arith.constant 16 : i32
      %mul3A_90 = arith.muli %scan3A_72, %mul3A_89 : i32
      %add3A_91 = arith.addi %mul3A_10, %mul3A_90 : i32
      %dma_wait3A_92 = arith.constant 0 : i32
      %dma_wait3A_93 = arith.constant 0 : i32
      %dma_wait3A_94 = tpu.memref_slice %arg7[%rem3A_73, %dma_wait3A_92, %dma_wait3A_93] : memref<2x16x128xi32, #tpu.memory_space<vmem>> -> memref<1x16x128xi32, #tpu.memory_space<vmem>>
      %dma_wait3A_95 = tpu.memref_squeeze %dma_wait3A_94 : memref<1x16x128xi32, #tpu.memory_space<vmem>> -> memref<16x128xi32, #tpu.memory_space<vmem>>
      %dma_wait3A_96 = arith.constant 0 : i32
      %dma_wait3A_97 = tpu.memref_slice %arg4[%add3A_91, %dma_wait3A_96] : memref<2560x128xi32, #tpu.memory_space<hbm>> -> memref<16x128xi32, #tpu.memory_space<hbm>>
      %dma_wait3A_98 = arith.constant 0 : i32
      %dma_wait3A_99 = arith.constant 0 : i32
      %dma_wait3A_100 = tpu.memref_slice %arg7[%rem3A_73, %dma_wait3A_98, %dma_wait3A_99] : memref<2x16x128xi32, #tpu.memory_space<vmem>> -> memref<1x16x128xi32, #tpu.memory_space<vmem>>
      %dma_wait3A_101 = tpu.memref_squeeze %dma_wait3A_100 : memref<1x16x128xi32, #tpu.memory_space<vmem>> -> memref<16x128xi32, #tpu.memory_space<vmem>>
      %dma_wait3A_102 = arith.constant 0 : i32
      %dma_wait3A_103 = tpu.memref_slice %arg4[%add3A_91, %dma_wait3A_102] : memref<2560x128xi32, #tpu.memory_space<hbm>> -> memref<16x128xi32, #tpu.memory_space<hbm>>
      tpu.wait_dma2 semaphore(%arg16 : memref<!tpu.dma_semaphore, #tpu.memory_space<semaphore_mem>>) src(%dma_wait3A_103 : memref<16x128xi32, #tpu.memory_space<hbm>>) dst(%dma_wait3A_101 : memref<16x128xi32, #tpu.memory_space<vmem>>)
      %gt3A = arith.constant 0 : i32
      %gt3A_104 = arith.cmpi sgt, %scan3A_72, %gt3A : i32
      %convert_element_type3A = arith.extui %gt3A_104 : i1 to i32
      %cond3A = arith.constant 0 : i32
      %cond3A_105 = arith.cmpi ne, %convert_element_type3A, %cond3A : i32
      scf.if %cond3A_105 {
        %dma_wait3A_799 = arith.constant 0 : i32
        %dma_wait3A_800 = arith.constant 0 : i32
        %dma_wait3A_801 = arith.constant 0 : i32
        %dma_wait3A_802 = tpu.memref_slice %arg7[%rem3A_73, %dma_wait3A_800, %dma_wait3A_801] : memref<2x16x128xi32, #tpu.memory_space<vmem>> -> memref<1x16x128xi32, #tpu.memory_space<vmem>>
        %dma_wait3A_803 = tpu.memref_squeeze %dma_wait3A_802 : memref<1x16x128xi32, #tpu.memory_space<vmem>> -> memref<16x128xi32, #tpu.memory_space<vmem>>
        %dma_wait3A_804 = arith.constant 0 : i32
        %dma_wait3A_805 = tpu.memref_slice %dma_wait3A_803[%dma_wait3A_799, %dma_wait3A_804] : memref<16x128xi32, #tpu.memory_space<vmem>> -> memref<1x128xi32, #tpu.memory_space<vmem>>
        %dma_wait3A_806 = tpu.memref_squeeze %dma_wait3A_805 : memref<1x128xi32, #tpu.memory_space<vmem>> -> memref<128xi32, #tpu.memory_space<vmem>>
        %dma_wait3A_807 = arith.constant 0 : i32
        %dma_wait3A_808 = arith.constant 0 : i32
        %dma_wait3A_809 = tpu.memref_slice %arg10[%dma_wait3A_807, %dma_wait3A_808] : memref<10064x128xf32, #tpu.memory_space<vmem_shared>> -> memref<10064x128xf32, #tpu.memory_space<vmem_shared>>
        tpu.wait_indirect_dma semaphore(%arg13 : memref<!tpu.dma_semaphore, #tpu.memory_space<semaphore_mem>>) src(%arg8 : memref<128x128xf32, #tpu.memory_space<vmem>>) dst(%dma_wait3A_809 : memref<10064x128xf32, #tpu.memory_space<vmem_shared>>)
      } else {
      }
      %dma_start3A_106 = arith.constant 0 : i32
      %dma_start3A_107 = arith.constant 0 : i32
      %dma_start3A_108 = arith.constant 0 : i32
      %dma_start3A_109 = tpu.memref_slice %arg6[%rem3A_73, %dma_start3A_107, %dma_start3A_108] : memref<2x16x128xi32, #tpu.memory_space<vmem>> -> memref<1x16x128xi32, #tpu.memory_space<vmem>>
      %dma_start3A_110 = tpu.memref_squeeze %dma_start3A_109 : memref<1x16x128xi32, #tpu.memory_space<vmem>> -> memref<16x128xi32, #tpu.memory_space<vmem>>
      %dma_start3A_111 = arith.constant 0 : i32
      %dma_start3A_112 = tpu.memref_slice %dma_start3A_110[%dma_start3A_106, %dma_start3A_111] : memref<16x128xi32, #tpu.memory_space<vmem>> -> memref<1x128xi32, #tpu.memory_space<vmem>>
      %dma_start3A_113 = tpu.memref_squeeze %dma_start3A_112 : memref<1x128xi32, #tpu.memory_space<vmem>> -> memref<128xi32, #tpu.memory_space<vmem>>
      %dma_start3A_114 = arith.constant 0 : i32
      %dma_start3A_115 = arith.constant 0 : i32
      %dma_start3A_116 = tpu.memref_slice %arg2[%dma_start3A_114, %dma_start3A_115] : memref<20000x128xf32, #tpu.memory_space<hbm>> -> memref<20000x128xf32, #tpu.memory_space<hbm>>
      tpu.enqueue_indirect_dma source(%dma_start3A_116 : memref<20000x128xf32, #tpu.memory_space<hbm>>) target(%arg8 : memref<128x128xf32, #tpu.memory_space<vmem>>) offsets(%dma_start3A_113 : memref<128xi32, #tpu.memory_space<vmem>>) semaphore(%arg11 : memref<!tpu.dma_semaphore, #tpu.memory_space<semaphore_mem>>)
      %gt3A_117 = arith.constant 0 : i32
      %gt3A_118 = arith.cmpi sgt, %scan3A_72, %gt3A_117 : i32
      %convert_element_type3A_119 = arith.extui %gt3A_118 : i1 to i32
      %cond3A_120 = arith.constant 0 : i32
      %cond3A_121 = arith.cmpi ne, %convert_element_type3A_119, %cond3A_120 : i32
      scf.if %cond3A_121 {
        %dma_wait3A_799 = arith.constant 0 : i32
        %dma_wait3A_800 = arith.constant 0 : i32
        %dma_wait3A_801 = arith.constant 0 : i32
        %dma_wait3A_802 = tpu.memref_slice %arg7[%rem3A_73, %dma_wait3A_800, %dma_wait3A_801] : memref<2x16x128xi32, #tpu.memory_space<vmem>> -> memref<1x16x128xi32, #tpu.memory_space<vmem>>
        %dma_wait3A_803 = tpu.memref_squeeze %dma_wait3A_802 : memref<1x16x128xi32, #tpu.memory_space<vmem>> -> memref<16x128xi32, #tpu.memory_space<vmem>>
        %dma_wait3A_804 = arith.constant 0 : i32
        %dma_wait3A_805 = tpu.memref_slice %dma_wait3A_803[%dma_wait3A_799, %dma_wait3A_804] : memref<16x128xi32, #tpu.memory_space<vmem>> -> memref<1x128xi32, #tpu.memory_space<vmem>>
        %dma_wait3A_806 = tpu.memref_squeeze %dma_wait3A_805 : memref<1x128xi32, #tpu.memory_space<vmem>> -> memref<128xi32, #tpu.memory_space<vmem>>
        %dma_wait3A_807 = arith.constant 0 : i32
        %dma_wait3A_808 = arith.constant 0 : i32
        %dma_wait3A_809 = tpu.memref_slice %arg10[%dma_wait3A_807, %dma_wait3A_808] : memref<10064x128xf32, #tpu.memory_space<vmem_shared>> -> memref<10064x128xf32, #tpu.memory_space<vmem_shared>>
        tpu.wait_indirect_dma semaphore(%arg14 : memref<!tpu.dma_semaphore, #tpu.memory_space<semaphore_mem>>) src(%arg9 : memref<128x128xf32, #tpu.memory_space<vmem>>) dst(%dma_wait3A_809 : memref<10064x128xf32, #tpu.memory_space<vmem_shared>>)
      } else {
      }
      %add3A_122 = arith.constant 1 : i32
      %add3A_123 = arith.addi %scan3A_72, %add3A_122 : i32
      %lt3A = arith.constant 10 : i32
      %lt3A_124 = arith.cmpi slt, %add3A_123, %lt3A : i32
      %convert_element_type3A_125 = arith.extui %lt3A_124 : i1 to i32
      %cond3A_126 = arith.constant 0 : i32
      %cond3A_127 = arith.cmpi ne, %convert_element_type3A_125, %cond3A_126 : i32
      scf.if %cond3A_127 {
        %add3A_799 = arith.constant 1 : i32
        %add3A_800 = arith.addi %scan3A_72, %add3A_799 : i32
        %sub3A = arith.constant 1 : i32
        %sub3A_801 = arith.subi %sub3A, %rem3A_73 : i32
        %mul3A_802 = arith.constant 16 : i32
        %mul3A_803 = arith.muli %add3A_800, %mul3A_802 : i32
        %add3A_804 = arith.addi %add3A_8, %mul3A_803 : i32
        %dma_start3A_805 = arith.constant 0 : i32
        %dma_start3A_806 = arith.constant 0 : i32
        %dma_start3A_807 = tpu.memref_slice %arg6[%sub3A_801, %dma_start3A_805, %dma_start3A_806] : memref<2x16x128xi32, #tpu.memory_space<vmem>> -> memref<1x16x128xi32, #tpu.memory_space<vmem>>
        %dma_start3A_808 = tpu.memref_squeeze %dma_start3A_807 : memref<1x16x128xi32, #tpu.memory_space<vmem>> -> memref<16x128xi32, #tpu.memory_space<vmem>>
        %dma_start3A_809 = arith.constant 0 : i32
        %dma_start3A_810 = tpu.memref_slice %arg3[%add3A_804, %dma_start3A_809] : memref<5120x128xi32, #tpu.memory_space<hbm>> -> memref<16x128xi32, #tpu.memory_space<hbm>>
        %dma_start3A_811 = arith.constant 0 : i32
        %dma_start3A_812 = arith.constant 0 : i32
        %dma_start3A_813 = tpu.memref_slice %arg6[%sub3A_801, %dma_start3A_811, %dma_start3A_812] : memref<2x16x128xi32, #tpu.memory_space<vmem>> -> memref<1x16x128xi32, #tpu.memory_space<vmem>>
        %dma_start3A_814 = tpu.memref_squeeze %dma_start3A_813 : memref<1x16x128xi32, #tpu.memory_space<vmem>> -> memref<16x128xi32, #tpu.memory_space<vmem>>
        %dma_start3A_815 = arith.constant 0 : i32
        %dma_start3A_816 = tpu.memref_slice %arg3[%add3A_804, %dma_start3A_815] : memref<5120x128xi32, #tpu.memory_space<hbm>> -> memref<16x128xi32, #tpu.memory_space<hbm>>
        tpu.enqueue_dma source(%dma_start3A_816 : memref<16x128xi32, #tpu.memory_space<hbm>>) target(%dma_start3A_814 : memref<16x128xi32, #tpu.memory_space<vmem>>) target_semaphore(%arg15 : memref<!tpu.dma_semaphore, #tpu.memory_space<semaphore_mem>>)
        %mul3A_817 = arith.constant 16 : i32
        %mul3A_818 = arith.muli %add3A_800, %mul3A_817 : i32
        %add3A_819 = arith.addi %mul3A_10, %mul3A_818 : i32
        %dma_start3A_820 = arith.constant 0 : i32
        %dma_start3A_821 = arith.constant 0 : i32
        %dma_start3A_822 = tpu.memref_slice %arg7[%sub3A_801, %dma_start3A_820, %dma_start3A_821] : memref<2x16x128xi32, #tpu.memory_space<vmem>> -> memref<1x16x128xi32, #tpu.memory_space<vmem>>
        %dma_start3A_823 = tpu.memref_squeeze %dma_start3A_822 : memref<1x16x128xi32, #tpu.memory_space<vmem>> -> memref<16x128xi32, #tpu.memory_space<vmem>>
        %dma_start3A_824 = arith.constant 0 : i32
        %dma_start3A_825 = tpu.memref_slice %arg4[%add3A_819, %dma_start3A_824] : memref<2560x128xi32, #tpu.memory_space<hbm>> -> memref<16x128xi32, #tpu.memory_space<hbm>>
        %dma_start3A_826 = arith.constant 0 : i32
        %dma_start3A_827 = arith.constant 0 : i32
        %dma_start3A_828 = tpu.memref_slice %arg7[%sub3A_801, %dma_start3A_826, %dma_start3A_827] : memref<2x16x128xi32, #tpu.memory_space<vmem>> -> memref<1x16x128xi32, #tpu.memory_space<vmem>>
        %dma_start3A_829 = tpu.memref_squeeze %dma_start3A_828 : memref<1x16x128xi32, #tpu.memory_space<vmem>> -> memref<16x128xi32, #tpu.memory_space<vmem>>
        %dma_start3A_830 = arith.constant 0 : i32
        %dma_start3A_831 = tpu.memref_slice %arg4[%add3A_819, %dma_start3A_830] : memref<2560x128xi32, #tpu.memory_space<hbm>> -> memref<16x128xi32, #tpu.memory_space<hbm>>
        tpu.enqueue_dma source(%dma_start3A_831 : memref<16x128xi32, #tpu.memory_space<hbm>>) target(%dma_start3A_829 : memref<16x128xi32, #tpu.memory_space<vmem>>) target_semaphore(%arg16 : memref<!tpu.dma_semaphore, #tpu.memory_space<semaphore_mem>>)
      } else {
      }
      %dma_start3A_128 = arith.constant 1 : i32
      %dma_start3A_129 = arith.constant 0 : i32
      %dma_start3A_130 = arith.constant 0 : i32
      %dma_start3A_131 = tpu.memref_slice %arg6[%rem3A_73, %dma_start3A_129, %dma_start3A_130] : memref<2x16x128xi32, #tpu.memory_space<vmem>> -> memref<1x16x128xi32, #tpu.memory_space<vmem>>
      %dma_start3A_132 = tpu.memref_squeeze %dma_start3A_131 : memref<1x16x128xi32, #tpu.memory_space<vmem>> -> memref<16x128xi32, #tpu.memory_space<vmem>>
      %dma_start3A_133 = arith.constant 0 : i32
      %dma_start3A_134 = tpu.memref_slice %dma_start3A_132[%dma_start3A_128, %dma_start3A_133] : memref<16x128xi32, #tpu.memory_space<vmem>> -> memref<1x128xi32, #tpu.memory_space<vmem>>
      %dma_start3A_135 = tpu.memref_squeeze %dma_start3A_134 : memref<1x128xi32, #tpu.memory_space<vmem>> -> memref<128xi32, #tpu.memory_space<vmem>>
      %dma_start3A_136 = arith.constant 0 : i32
      %dma_start3A_137 = arith.constant 0 : i32
      %dma_start3A_138 = tpu.memref_slice %arg2[%dma_start3A_136, %dma_start3A_137] : memref<20000x128xf32, #tpu.memory_space<hbm>> -> memref<20000x128xf32, #tpu.memory_space<hbm>>
      tpu.enqueue_indirect_dma source(%dma_start3A_138 : memref<20000x128xf32, #tpu.memory_space<hbm>>) target(%arg9 : memref<128x128xf32, #tpu.memory_space<vmem>>) offsets(%dma_start3A_135 : memref<128xi32, #tpu.memory_space<vmem>>) semaphore(%arg12 : memref<!tpu.dma_semaphore, #tpu.memory_space<semaphore_mem>>)
      %dma_wait3A_139 = arith.constant 0 : i32
      %dma_wait3A_140 = arith.constant 0 : i32
      %dma_wait3A_141 = arith.constant 0 : i32
      %dma_wait3A_142 = tpu.memref_slice %arg6[%rem3A_73, %dma_wait3A_140, %dma_wait3A_141] : memref<2x16x128xi32, #tpu.memory_space<vmem>> -> memref<1x16x128xi32, #tpu.memory_space<vmem>>
      %dma_wait3A_143 = tpu.memref_squeeze %dma_wait3A_142 : memref<1x16x128xi32, #tpu.memory_space<vmem>> -> memref<16x128xi32, #tpu.memory_space<vmem>>
      %dma_wait3A_144 = arith.constant 0 : i32
      %dma_wait3A_145 = tpu.memref_slice %dma_wait3A_143[%dma_wait3A_139, %dma_wait3A_144] : memref<16x128xi32, #tpu.memory_space<vmem>> -> memref<1x128xi32, #tpu.memory_space<vmem>>
      %dma_wait3A_146 = tpu.memref_squeeze %dma_wait3A_145 : memref<1x128xi32, #tpu.memory_space<vmem>> -> memref<128xi32, #tpu.memory_space<vmem>>
      %dma_wait3A_147 = arith.constant 0 : i32
      %dma_wait3A_148 = arith.constant 0 : i32
      %dma_wait3A_149 = tpu.memref_slice %arg2[%dma_wait3A_147, %dma_wait3A_148] : memref<20000x128xf32, #tpu.memory_space<hbm>> -> memref<20000x128xf32, #tpu.memory_space<hbm>>
      tpu.wait_indirect_dma semaphore(%arg11 : memref<!tpu.dma_semaphore, #tpu.memory_space<semaphore_mem>>) src(%dma_wait3A_149 : memref<20000x128xf32, #tpu.memory_space<hbm>>) dst(%arg8 : memref<128x128xf32, #tpu.memory_space<vmem>>)
      %dma_start3A_150 = arith.constant 0 : i32
      %dma_start3A_151 = arith.constant 0 : i32
      %dma_start3A_152 = arith.constant 0 : i32
      %dma_start3A_153 = tpu.memref_slice %arg7[%rem3A_73, %dma_start3A_151, %dma_start3A_152] : memref<2x16x128xi32, #tpu.memory_space<vmem>> -> memref<1x16x128xi32, #tpu.memory_space<vmem>>
      %dma_start3A_154 = tpu.memref_squeeze %dma_start3A_153 : memref<1x16x128xi32, #tpu.memory_space<vmem>> -> memref<16x128xi32, #tpu.memory_space<vmem>>
      %dma_start3A_155 = arith.constant 0 : i32
      %dma_start3A_156 = tpu.memref_slice %dma_start3A_154[%dma_start3A_150, %dma_start3A_155] : memref<16x128xi32, #tpu.memory_space<vmem>> -> memref<1x128xi32, #tpu.memory_space<vmem>>
      %dma_start3A_157 = tpu.memref_squeeze %dma_start3A_156 : memref<1x128xi32, #tpu.memory_space<vmem>> -> memref<128xi32, #tpu.memory_space<vmem>>
      %dma_start3A_158 = arith.constant 0 : i32
      %dma_start3A_159 = arith.constant 0 : i32
      %dma_start3A_160 = tpu.memref_slice %arg10[%dma_start3A_158, %dma_start3A_159] : memref<10064x128xf32, #tpu.memory_space<vmem_shared>> -> memref<10064x128xf32, #tpu.memory_space<vmem_shared>>
      tpu.enqueue_indirect_dma source(%arg8 : memref<128x128xf32, #tpu.memory_space<vmem>>) target(%dma_start3A_160 : memref<10064x128xf32, #tpu.memory_space<vmem_shared>>) offsets(%dma_start3A_157 : memref<128xi32, #tpu.memory_space<vmem>>) semaphore(%arg13 : memref<!tpu.dma_semaphore, #tpu.memory_space<semaphore_mem>>) {add = true}
      %dma_wait3A_161 = arith.constant 0 : i32
      %dma_wait3A_162 = arith.constant 0 : i32
      %dma_wait3A_163 = arith.constant 0 : i32
      %dma_wait3A_164 = tpu.memref_slice %arg7[%rem3A_73, %dma_wait3A_162, %dma_wait3A_163] : memref<2x16x128xi32, #tpu.memory_space<vmem>> -> memref<1x16x128xi32, #tpu.memory_space<vmem>>
      %dma_wait3A_165 = tpu.memref_squeeze %dma_wait3A_164 : memref<1x16x128xi32, #tpu.memory_space<vmem>> -> memref<16x128xi32, #tpu.memory_space<vmem>>
      %dma_wait3A_166 = arith.constant 0 : i32
      %dma_wait3A_167 = tpu.memref_slice %dma_wait3A_165[%dma_wait3A_161, %dma_wait3A_166] : memref<16x128xi32, #tpu.memory_space<vmem>> -> memref<1x128xi32, #tpu.memory_space<vmem>>
      %dma_wait3A_168 = tpu.memref_squeeze %dma_wait3A_167 : memref<1x128xi32, #tpu.memory_space<vmem>> -> memref<128xi32, #tpu.memory_space<vmem>>
      %dma_wait3A_169 = arith.constant 0 : i32
      %dma_wait3A_170 = arith.constant 0 : i32
      %dma_wait3A_171 = tpu.memref_slice %arg10[%dma_wait3A_169, %dma_wait3A_170] : memref<10064x128xf32, #tpu.memory_space<vmem_shared>> -> memref<10064x128xf32, #tpu.memory_space<vmem_shared>>
      tpu.wait_indirect_dma semaphore(%arg13 : memref<!tpu.dma_semaphore, #tpu.memory_space<semaphore_mem>>) src(%arg8 : memref<128x128xf32, #tpu.memory_space<vmem>>) dst(%dma_wait3A_171 : memref<10064x128xf32, #tpu.memory_space<vmem_shared>>)
      %dma_start3A_172 = arith.constant 2 : i32
      %dma_start3A_173 = arith.constant 0 : i32
      %dma_start3A_174 = arith.constant 0 : i32
      %dma_start3A_175 = tpu.memref_slice %arg6[%rem3A_73, %dma_start3A_173, %dma_start3A_174] : memref<2x16x128xi32, #tpu.memory_space<vmem>> -> memref<1x16x128xi32, #tpu.memory_space<vmem>>
      %dma_start3A_176 = tpu.memref_squeeze %dma_start3A_175 : memref<1x16x128xi32, #tpu.memory_space<vmem>> -> memref<16x128xi32, #tpu.memory_space<vmem>>
      %dma_start3A_177 = arith.constant 0 : i32
      %dma_start3A_178 = tpu.memref_slice %dma_start3A_176[%dma_start3A_172, %dma_start3A_177] : memref<16x128xi32, #tpu.memory_space<vmem>> -> memref<1x128xi32, #tpu.memory_space<vmem>>
      %dma_start3A_179 = tpu.memref_squeeze %dma_start3A_178 : memref<1x128xi32, #tpu.memory_space<vmem>> -> memref<128xi32, #tpu.memory_space<vmem>>
      %dma_start3A_180 = arith.constant 0 : i32
      %dma_start3A_181 = arith.constant 0 : i32
      %dma_start3A_182 = tpu.memref_slice %arg2[%dma_start3A_180, %dma_start3A_181] : memref<20000x128xf32, #tpu.memory_space<hbm>> -> memref<20000x128xf32, #tpu.memory_space<hbm>>
      tpu.enqueue_indirect_dma source(%dma_start3A_182 : memref<20000x128xf32, #tpu.memory_space<hbm>>) target(%arg8 : memref<128x128xf32, #tpu.memory_space<vmem>>) offsets(%dma_start3A_179 : memref<128xi32, #tpu.memory_space<vmem>>) semaphore(%arg11 : memref<!tpu.dma_semaphore, #tpu.memory_space<semaphore_mem>>)
      %dma_wait3A_183 = arith.constant 1 : i32
      %dma_wait3A_184 = arith.constant 0 : i32
      %dma_wait3A_185 = arith.constant 0 : i32
      %dma_wait3A_186 = tpu.memref_slice %arg6[%rem3A_73, %dma_wait3A_184, %dma_wait3A_185] : memref<2x16x128xi32, #tpu.memory_space<vmem>> -> memref<1x16x128xi32, #tpu.memory_space<vmem>>
      %dma_wait3A_187 = tpu.memref_squeeze %dma_wait3A_186 : memref<1x16x128xi32, #tpu.memory_space<vmem>> -> memref<16x128xi32, #tpu.memory_space<vmem>>
      %dma_wait3A_188 = arith.constant 0 : i32
      %dma_wait3A_189 = tpu.memref_slice %dma_wait3A_187[%dma_wait3A_183, %dma_wait3A_188] : memref<16x128xi32, #tpu.memory_space<vmem>> -> memref<1x128xi32, #tpu.memory_space<vmem>>
      %dma_wait3A_190 = tpu.memref_squeeze %dma_wait3A_189 : memref<1x128xi32, #tpu.memory_space<vmem>> -> memref<128xi32, #tpu.memory_space<vmem>>
      %dma_wait3A_191 = arith.constant 0 : i32
      %dma_wait3A_192 = arith.constant 0 : i32
      %dma_wait3A_193 = tpu.memref_slice %arg2[%dma_wait3A_191, %dma_wait3A_192] : memref<20000x128xf32, #tpu.memory_space<hbm>> -> memref<20000x128xf32, #tpu.memory_space<hbm>>
      tpu.wait_indirect_dma semaphore(%arg12 : memref<!tpu.dma_semaphore, #tpu.memory_space<semaphore_mem>>) src(%dma_wait3A_193 : memref<20000x128xf32, #tpu.memory_space<hbm>>) dst(%arg9 : memref<128x128xf32, #tpu.memory_space<vmem>>)
      %dma_start3A_194 = arith.constant 1 : i32
      %dma_start3A_195 = arith.constant 0 : i32
      %dma_start3A_196 = arith.constant 0 : i32
      %dma_start3A_197 = tpu.memref_slice %arg7[%rem3A_73, %dma_start3A_195, %dma_start3A_196] : memref<2x16x128xi32, #tpu.memory_space<vmem>> -> memref<1x16x128xi32, #tpu.memory_space<vmem>>
      %dma_start3A_198 = tpu.memref_squeeze %dma_start3A_197 : memref<1x16x128xi32, #tpu.memory_space<vmem>> -> memref<16x128xi32, #tpu.memory_space<vmem>>
      %dma_start3A_199 = arith.constant 0 : i32
      %dma_start3A_200 = tpu.memref_slice %dma_start3A_198[%dma_start3A_194, %dma_start3A_199] : memref<16x128xi32, #tpu.memory_space<vmem>> -> memref<1x128xi32, #tpu.memory_space<vmem>>
      %dma_start3A_201 = tpu.memref_squeeze %dma_start3A_200 : memref<1x128xi32, #tpu.memory_space<vmem>> -> memref<128xi32, #tpu.memory_space<vmem>>
      %dma_start3A_202 = arith.constant 0 : i32
      %dma_start3A_203 = arith.constant 0 : i32
      %dma_start3A_204 = tpu.memref_slice %arg10[%dma_start3A_202, %dma_start3A_203] : memref<10064x128xf32, #tpu.memory_space<vmem_shared>> -> memref<10064x128xf32, #tpu.memory_space<vmem_shared>>
      tpu.enqueue_indirect_dma source(%arg9 : memref<128x128xf32, #tpu.memory_space<vmem>>) target(%dma_start3A_204 : memref<10064x128xf32, #tpu.memory_space<vmem_shared>>) offsets(%dma_start3A_201 : memref<128xi32, #tpu.memory_space<vmem>>) semaphore(%arg14 : memref<!tpu.dma_semaphore, #tpu.memory_space<semaphore_mem>>) {add = true}
      %dma_wait3A_205 = arith.constant 0 : i32
      %dma_wait3A_206 = arith.constant 0 : i32
      %dma_wait3A_207 = arith.constant 0 : i32
      %dma_wait3A_208 = tpu.memref_slice %arg7[%rem3A_73, %dma_wait3A_206, %dma_wait3A_207] : memref<2x16x128xi32, #tpu.memory_space<vmem>> -> memref<1x16x128xi32, #tpu.memory_space<vmem>>
      %dma_wait3A_209 = tpu.memref_squeeze %dma_wait3A_208 : memref<1x16x128xi32, #tpu.memory_space<vmem>> -> memref<16x128xi32, #tpu.memory_space<vmem>>
      %dma_wait3A_210 = arith.constant 0 : i32
      %dma_wait3A_211 = tpu.memref_slice %dma_wait3A_209[%dma_wait3A_205, %dma_wait3A_210] : memref<16x128xi32, #tpu.memory_space<vmem>> -> memref<1x128xi32, #tpu.memory_space<vmem>>
      %dma_wait3A_212 = tpu.memref_squeeze %dma_wait3A_211 : memref<1x128xi32, #tpu.memory_space<vmem>> -> memref<128xi32, #tpu.memory_space<vmem>>
      %dma_wait3A_213 = arith.constant 0 : i32
      %dma_wait3A_214 = arith.constant 0 : i32
      %dma_wait3A_215 = tpu.memref_slice %arg10[%dma_wait3A_213, %dma_wait3A_214] : memref<10064x128xf32, #tpu.memory_space<vmem_shared>> -> memref<10064x128xf32, #tpu.memory_space<vmem_shared>>
      tpu.wait_indirect_dma semaphore(%arg14 : memref<!tpu.dma_semaphore, #tpu.memory_space<semaphore_mem>>) src(%arg9 : memref<128x128xf32, #tpu.memory_space<vmem>>) dst(%dma_wait3A_215 : memref<10064x128xf32, #tpu.memory_space<vmem_shared>>)
      %dma_start3A_216 = arith.constant 3 : i32
      %dma_start3A_217 = arith.constant 0 : i32
      %dma_start3A_218 = arith.constant 0 : i32
      %dma_start3A_219 = tpu.memref_slice %arg6[%rem3A_73, %dma_start3A_217, %dma_start3A_218] : memref<2x16x128xi32, #tpu.memory_space<vmem>> -> memref<1x16x128xi32, #tpu.memory_space<vmem>>
      %dma_start3A_220 = tpu.memref_squeeze %dma_start3A_219 : memref<1x16x128xi32, #tpu.memory_space<vmem>> -> memref<16x128xi32, #tpu.memory_space<vmem>>
      %dma_start3A_221 = arith.constant 0 : i32
      %dma_start3A_222 = tpu.memref_slice %dma_start3A_220[%dma_start3A_216, %dma_start3A_221] : memref<16x128xi32, #tpu.memory_space<vmem>> -> memref<1x128xi32, #tpu.memory_space<vmem>>
      %dma_start3A_223 = tpu.memref_squeeze %dma_start3A_222 : memref<1x128xi32, #tpu.memory_space<vmem>> -> memref<128xi32, #tpu.memory_space<vmem>>
      %dma_start3A_224 = arith.constant 0 : i32
      %dma_start3A_225 = arith.constant 0 : i32
      %dma_start3A_226 = tpu.memref_slice %arg2[%dma_start3A_224, %dma_start3A_225] : memref<20000x128xf32, #tpu.memory_space<hbm>> -> memref<20000x128xf32, #tpu.memory_space<hbm>>
      tpu.enqueue_indirect_dma source(%dma_start3A_226 : memref<20000x128xf32, #tpu.memory_space<hbm>>) target(%arg9 : memref<128x128xf32, #tpu.memory_space<vmem>>) offsets(%dma_start3A_223 : memref<128xi32, #tpu.memory_space<vmem>>) semaphore(%arg12 : memref<!tpu.dma_semaphore, #tpu.memory_space<semaphore_mem>>)
      %dma_wait3A_227 = arith.constant 2 : i32
      %dma_wait3A_228 = arith.constant 0 : i32
      %dma_wait3A_229 = arith.constant 0 : i32
      %dma_wait3A_230 = tpu.memref_slice %arg6[%rem3A_73, %dma_wait3A_228, %dma_wait3A_229] : memref<2x16x128xi32, #tpu.memory_space<vmem>> -> memref<1x16x128xi32, #tpu.memory_space<vmem>>
      %dma_wait3A_231 = tpu.memref_squeeze %dma_wait3A_230 : memref<1x16x128xi32, #tpu.memory_space<vmem>> -> memref<16x128xi32, #tpu.memory_space<vmem>>
      %dma_wait3A_232 = arith.constant 0 : i32
      %dma_wait3A_233 = tpu.memref_slice %dma_wait3A_231[%dma_wait3A_227, %dma_wait3A_232] : memref<16x128xi32, #tpu.memory_space<vmem>> -> memref<1x128xi32, #tpu.memory_space<vmem>>
      %dma_wait3A_234 = tpu.memref_squeeze %dma_wait3A_233 : memref<1x128xi32, #tpu.memory_space<vmem>> -> memref<128xi32, #tpu.memory_space<vmem>>
      %dma_wait3A_235 = arith.constant 0 : i32
      %dma_wait3A_236 = arith.constant 0 : i32
      %dma_wait3A_237 = tpu.memref_slice %arg2[%dma_wait3A_235, %dma_wait3A_236] : memref<20000x128xf32, #tpu.memory_space<hbm>> -> memref<20000x128xf32, #tpu.memory_space<hbm>>
      tpu.wait_indirect_dma semaphore(%arg11 : memref<!tpu.dma_semaphore, #tpu.memory_space<semaphore_mem>>) src(%dma_wait3A_237 : memref<20000x128xf32, #tpu.memory_space<hbm>>) dst(%arg8 : memref<128x128xf32, #tpu.memory_space<vmem>>)
      %dma_start3A_238 = arith.constant 2 : i32
      %dma_start3A_239 = arith.constant 0 : i32
      %dma_start3A_240 = arith.constant 0 : i32
      %dma_start3A_241 = tpu.memref_slice %arg7[%rem3A_73, %dma_start3A_239, %dma_start3A_240] : memref<2x16x128xi32, #tpu.memory_space<vmem>> -> memref<1x16x128xi32, #tpu.memory_space<vmem>>
      %dma_start3A_242 = tpu.memref_squeeze %dma_start3A_241 : memref<1x16x128xi32, #tpu.memory_space<vmem>> -> memref<16x128xi32, #tpu.memory_space<vmem>>
      %dma_start3A_243 = arith.constant 0 : i32
      %dma_start3A_244 = tpu.memref_slice %dma_start3A_242[%dma_start3A_238, %dma_start3A_243] : memref<16x128xi32, #tpu.memory_space<vmem>> -> memref<1x128xi32, #tpu.memory_space<vmem>>
      %dma_start3A_245 = tpu.memref_squeeze %dma_start3A_244 : memref<1x128xi32, #tpu.memory_space<vmem>> -> memref<128xi32, #tpu.memory_space<vmem>>
      %dma_start3A_246 = arith.constant 0 : i32
      %dma_start3A_247 = arith.constant 0 : i32
      %dma_start3A_248 = tpu.memref_slice %arg10[%dma_start3A_246, %dma_start3A_247] : memref<10064x128xf32, #tpu.memory_space<vmem_shared>> -> memref<10064x128xf32, #tpu.memory_space<vmem_shared>>
      tpu.enqueue_indirect_dma source(%arg8 : memref<128x128xf32, #tpu.memory_space<vmem>>) target(%dma_start3A_248 : memref<10064x128xf32, #tpu.memory_space<vmem_shared>>) offsets(%dma_start3A_245 : memref<128xi32, #tpu.memory_space<vmem>>) semaphore(%arg13 : memref<!tpu.dma_semaphore, #tpu.memory_space<semaphore_mem>>) {add = true}
      %dma_wait3A_249 = arith.constant 0 : i32
      %dma_wait3A_250 = arith.constant 0 : i32
      %dma_wait3A_251 = arith.constant 0 : i32
      %dma_wait3A_252 = tpu.memref_slice %arg7[%rem3A_73, %dma_wait3A_250, %dma_wait3A_251] : memref<2x16x128xi32, #tpu.memory_space<vmem>> -> memref<1x16x128xi32, #tpu.memory_space<vmem>>
      %dma_wait3A_253 = tpu.memref_squeeze %dma_wait3A_252 : memref<1x16x128xi32, #tpu.memory_space<vmem>> -> memref<16x128xi32, #tpu.memory_space<vmem>>
      %dma_wait3A_254 = arith.constant 0 : i32
      %dma_wait3A_255 = tpu.memref_slice %dma_wait3A_253[%dma_wait3A_249, %dma_wait3A_254] : memref<16x128xi32, #tpu.memory_space<vmem>> -> memref<1x128xi32, #tpu.memory_space<vmem>>
      %dma_wait3A_256 = tpu.memref_squeeze %dma_wait3A_255 : memref<1x128xi32, #tpu.memory_space<vmem>> -> memref<128xi32, #tpu.memory_space<vmem>>
      %dma_wait3A_257 = arith.constant 0 : i32
      %dma_wait3A_258 = arith.constant 0 : i32
      %dma_wait3A_259 = tpu.memref_slice %arg10[%dma_wait3A_257, %dma_wait3A_258] : memref<10064x128xf32, #tpu.memory_space<vmem_shared>> -> memref<10064x128xf32, #tpu.memory_space<vmem_shared>>
      tpu.wait_indirect_dma semaphore(%arg13 : memref<!tpu.dma_semaphore, #tpu.memory_space<semaphore_mem>>) src(%arg8 : memref<128x128xf32, #tpu.memory_space<vmem>>) dst(%dma_wait3A_259 : memref<10064x128xf32, #tpu.memory_space<vmem_shared>>)
      %dma_start3A_260 = arith.constant 4 : i32
      %dma_start3A_261 = arith.constant 0 : i32
      %dma_start3A_262 = arith.constant 0 : i32
      %dma_start3A_263 = tpu.memref_slice %arg6[%rem3A_73, %dma_start3A_261, %dma_start3A_262] : memref<2x16x128xi32, #tpu.memory_space<vmem>> -> memref<1x16x128xi32, #tpu.memory_space<vmem>>
      %dma_start3A_264 = tpu.memref_squeeze %dma_start3A_263 : memref<1x16x128xi32, #tpu.memory_space<vmem>> -> memref<16x128xi32, #tpu.memory_space<vmem>>
      %dma_start3A_265 = arith.constant 0 : i32
      %dma_start3A_266 = tpu.memref_slice %dma_start3A_264[%dma_start3A_260, %dma_start3A_265] : memref<16x128xi32, #tpu.memory_space<vmem>> -> memref<1x128xi32, #tpu.memory_space<vmem>>
      %dma_start3A_267 = tpu.memref_squeeze %dma_start3A_266 : memref<1x128xi32, #tpu.memory_space<vmem>> -> memref<128xi32, #tpu.memory_space<vmem>>
      %dma_start3A_268 = arith.constant 0 : i32
      %dma_start3A_269 = arith.constant 0 : i32
      %dma_start3A_270 = tpu.memref_slice %arg2[%dma_start3A_268, %dma_start3A_269] : memref<20000x128xf32, #tpu.memory_space<hbm>> -> memref<20000x128xf32, #tpu.memory_space<hbm>>
      tpu.enqueue_indirect_dma source(%dma_start3A_270 : memref<20000x128xf32, #tpu.memory_space<hbm>>) target(%arg8 : memref<128x128xf32, #tpu.memory_space<vmem>>) offsets(%dma_start3A_267 : memref<128xi32, #tpu.memory_space<vmem>>) semaphore(%arg11 : memref<!tpu.dma_semaphore, #tpu.memory_space<semaphore_mem>>)
      %dma_wait3A_271 = arith.constant 3 : i32
      %dma_wait3A_272 = arith.constant 0 : i32
      %dma_wait3A_273 = arith.constant 0 : i32
      %dma_wait3A_274 = tpu.memref_slice %arg6[%rem3A_73, %dma_wait3A_272, %dma_wait3A_273] : memref<2x16x128xi32, #tpu.memory_space<vmem>> -> memref<1x16x128xi32, #tpu.memory_space<vmem>>
      %dma_wait3A_275 = tpu.memref_squeeze %dma_wait3A_274 : memref<1x16x128xi32, #tpu.memory_space<vmem>> -> memref<16x128xi32, #tpu.memory_space<vmem>>
      %dma_wait3A_276 = arith.constant 0 : i32
      %dma_wait3A_277 = tpu.memref_slice %dma_wait3A_275[%dma_wait3A_271, %dma_wait3A_276] : memref<16x128xi32, #tpu.memory_space<vmem>> -> memref<1x128xi32, #tpu.memory_space<vmem>>
      %dma_wait3A_278 = tpu.memref_squeeze %dma_wait3A_277 : memref<1x128xi32, #tpu.memory_space<vmem>> -> memref<128xi32, #tpu.memory_space<vmem>>
      %dma_wait3A_279 = arith.constant 0 : i32
      %dma_wait3A_280 = arith.constant 0 : i32
      %dma_wait3A_281 = tpu.memref_slice %arg2[%dma_wait3A_279, %dma_wait3A_280] : memref<20000x128xf32, #tpu.memory_space<hbm>> -> memref<20000x128xf32, #tpu.memory_space<hbm>>
      tpu.wait_indirect_dma semaphore(%arg12 : memref<!tpu.dma_semaphore, #tpu.memory_space<semaphore_mem>>) src(%dma_wait3A_281 : memref<20000x128xf32, #tpu.memory_space<hbm>>) dst(%arg9 : memref<128x128xf32, #tpu.memory_space<vmem>>)
      %dma_start3A_282 = arith.constant 3 : i32
      %dma_start3A_283 = arith.constant 0 : i32
      %dma_start3A_284 = arith.constant 0 : i32
      %dma_start3A_285 = tpu.memref_slice %arg7[%rem3A_73, %dma_start3A_283, %dma_start3A_284] : memref<2x16x128xi32, #tpu.memory_space<vmem>> -> memref<1x16x128xi32, #tpu.memory_space<vmem>>
      %dma_start3A_286 = tpu.memref_squeeze %dma_start3A_285 : memref<1x16x128xi32, #tpu.memory_space<vmem>> -> memref<16x128xi32, #tpu.memory_space<vmem>>
      %dma_start3A_287 = arith.constant 0 : i32
      %dma_start3A_288 = tpu.memref_slice %dma_start3A_286[%dma_start3A_282, %dma_start3A_287] : memref<16x128xi32, #tpu.memory_space<vmem>> -> memref<1x128xi32, #tpu.memory_space<vmem>>
      %dma_start3A_289 = tpu.memref_squeeze %dma_start3A_288 : memref<1x128xi32, #tpu.memory_space<vmem>> -> memref<128xi32, #tpu.memory_space<vmem>>
      %dma_start3A_290 = arith.constant 0 : i32
      %dma_start3A_291 = arith.constant 0 : i32
      %dma_start3A_292 = tpu.memref_slice %arg10[%dma_start3A_290, %dma_start3A_291] : memref<10064x128xf32, #tpu.memory_space<vmem_shared>> -> memref<10064x128xf32, #tpu.memory_space<vmem_shared>>
      tpu.enqueue_indirect_dma source(%arg9 : memref<128x128xf32, #tpu.memory_space<vmem>>) target(%dma_start3A_292 : memref<10064x128xf32, #tpu.memory_space<vmem_shared>>) offsets(%dma_start3A_289 : memref<128xi32, #tpu.memory_space<vmem>>) semaphore(%arg14 : memref<!tpu.dma_semaphore, #tpu.memory_space<semaphore_mem>>) {add = true}
      %dma_wait3A_293 = arith.constant 0 : i32
      %dma_wait3A_294 = arith.constant 0 : i32
      %dma_wait3A_295 = arith.constant 0 : i32
      %dma_wait3A_296 = tpu.memref_slice %arg7[%rem3A_73, %dma_wait3A_294, %dma_wait3A_295] : memref<2x16x128xi32, #tpu.memory_space<vmem>> -> memref<1x16x128xi32, #tpu.memory_space<vmem>>
      %dma_wait3A_297 = tpu.memref_squeeze %dma_wait3A_296 : memref<1x16x128xi32, #tpu.memory_space<vmem>> -> memref<16x128xi32, #tpu.memory_space<vmem>>
      %dma_wait3A_298 = arith.constant 0 : i32
      %dma_wait3A_299 = tpu.memref_slice %dma_wait3A_297[%dma_wait3A_293, %dma_wait3A_298] : memref<16x128xi32, #tpu.memory_space<vmem>> -> memref<1x128xi32, #tpu.memory_space<vmem>>
      %dma_wait3A_300 = tpu.memref_squeeze %dma_wait3A_299 : memref<1x128xi32, #tpu.memory_space<vmem>> -> memref<128xi32, #tpu.memory_space<vmem>>
      %dma_wait3A_301 = arith.constant 0 : i32
      %dma_wait3A_302 = arith.constant 0 : i32
      %dma_wait3A_303 = tpu.memref_slice %arg10[%dma_wait3A_301, %dma_wait3A_302] : memref<10064x128xf32, #tpu.memory_space<vmem_shared>> -> memref<10064x128xf32, #tpu.memory_space<vmem_shared>>
      tpu.wait_indirect_dma semaphore(%arg14 : memref<!tpu.dma_semaphore, #tpu.memory_space<semaphore_mem>>) src(%arg9 : memref<128x128xf32, #tpu.memory_space<vmem>>) dst(%dma_wait3A_303 : memref<10064x128xf32, #tpu.memory_space<vmem_shared>>)
      %dma_start3A_304 = arith.constant 5 : i32
      %dma_start3A_305 = arith.constant 0 : i32
      %dma_start3A_306 = arith.constant 0 : i32
      %dma_start3A_307 = tpu.memref_slice %arg6[%rem3A_73, %dma_start3A_305, %dma_start3A_306] : memref<2x16x128xi32, #tpu.memory_space<vmem>> -> memref<1x16x128xi32, #tpu.memory_space<vmem>>
      %dma_start3A_308 = tpu.memref_squeeze %dma_start3A_307 : memref<1x16x128xi32, #tpu.memory_space<vmem>> -> memref<16x128xi32, #tpu.memory_space<vmem>>
      %dma_start3A_309 = arith.constant 0 : i32
      %dma_start3A_310 = tpu.memref_slice %dma_start3A_308[%dma_start3A_304, %dma_start3A_309] : memref<16x128xi32, #tpu.memory_space<vmem>> -> memref<1x128xi32, #tpu.memory_space<vmem>>
      %dma_start3A_311 = tpu.memref_squeeze %dma_start3A_310 : memref<1x128xi32, #tpu.memory_space<vmem>> -> memref<128xi32, #tpu.memory_space<vmem>>
      %dma_start3A_312 = arith.constant 0 : i32
      %dma_start3A_313 = arith.constant 0 : i32
      %dma_start3A_314 = tpu.memref_slice %arg2[%dma_start3A_312, %dma_start3A_313] : memref<20000x128xf32, #tpu.memory_space<hbm>> -> memref<20000x128xf32, #tpu.memory_space<hbm>>
      tpu.enqueue_indirect_dma source(%dma_start3A_314 : memref<20000x128xf32, #tpu.memory_space<hbm>>) target(%arg9 : memref<128x128xf32, #tpu.memory_space<vmem>>) offsets(%dma_start3A_311 : memref<128xi32, #tpu.memory_space<vmem>>) semaphore(%arg12 : memref<!tpu.dma_semaphore, #tpu.memory_space<semaphore_mem>>)
      %dma_wait3A_315 = arith.constant 4 : i32
      %dma_wait3A_316 = arith.constant 0 : i32
      %dma_wait3A_317 = arith.constant 0 : i32
      %dma_wait3A_318 = tpu.memref_slice %arg6[%rem3A_73, %dma_wait3A_316, %dma_wait3A_317] : memref<2x16x128xi32, #tpu.memory_space<vmem>> -> memref<1x16x128xi32, #tpu.memory_space<vmem>>
      %dma_wait3A_319 = tpu.memref_squeeze %dma_wait3A_318 : memref<1x16x128xi32, #tpu.memory_space<vmem>> -> memref<16x128xi32, #tpu.memory_space<vmem>>
      %dma_wait3A_320 = arith.constant 0 : i32
      %dma_wait3A_321 = tpu.memref_slice %dma_wait3A_319[%dma_wait3A_315, %dma_wait3A_320] : memref<16x128xi32, #tpu.memory_space<vmem>> -> memref<1x128xi32, #tpu.memory_space<vmem>>
      %dma_wait3A_322 = tpu.memref_squeeze %dma_wait3A_321 : memref<1x128xi32, #tpu.memory_space<vmem>> -> memref<128xi32, #tpu.memory_space<vmem>>
      %dma_wait3A_323 = arith.constant 0 : i32
      %dma_wait3A_324 = arith.constant 0 : i32
      %dma_wait3A_325 = tpu.memref_slice %arg2[%dma_wait3A_323, %dma_wait3A_324] : memref<20000x128xf32, #tpu.memory_space<hbm>> -> memref<20000x128xf32, #tpu.memory_space<hbm>>
      tpu.wait_indirect_dma semaphore(%arg11 : memref<!tpu.dma_semaphore, #tpu.memory_space<semaphore_mem>>) src(%dma_wait3A_325 : memref<20000x128xf32, #tpu.memory_space<hbm>>) dst(%arg8 : memref<128x128xf32, #tpu.memory_space<vmem>>)
      %dma_start3A_326 = arith.constant 4 : i32
      %dma_start3A_327 = arith.constant 0 : i32
      %dma_start3A_328 = arith.constant 0 : i32
      %dma_start3A_329 = tpu.memref_slice %arg7[%rem3A_73, %dma_start3A_327, %dma_start3A_328] : memref<2x16x128xi32, #tpu.memory_space<vmem>> -> memref<1x16x128xi32, #tpu.memory_space<vmem>>
      %dma_start3A_330 = tpu.memref_squeeze %dma_start3A_329 : memref<1x16x128xi32, #tpu.memory_space<vmem>> -> memref<16x128xi32, #tpu.memory_space<vmem>>
      %dma_start3A_331 = arith.constant 0 : i32
      %dma_start3A_332 = tpu.memref_slice %dma_start3A_330[%dma_start3A_326, %dma_start3A_331] : memref<16x128xi32, #tpu.memory_space<vmem>> -> memref<1x128xi32, #tpu.memory_space<vmem>>
      %dma_start3A_333 = tpu.memref_squeeze %dma_start3A_332 : memref<1x128xi32, #tpu.memory_space<vmem>> -> memref<128xi32, #tpu.memory_space<vmem>>
      %dma_start3A_334 = arith.constant 0 : i32
      %dma_start3A_335 = arith.constant 0 : i32
      %dma_start3A_336 = tpu.memref_slice %arg10[%dma_start3A_334, %dma_start3A_335] : memref<10064x128xf32, #tpu.memory_space<vmem_shared>> -> memref<10064x128xf32, #tpu.memory_space<vmem_shared>>
      tpu.enqueue_indirect_dma source(%arg8 : memref<128x128xf32, #tpu.memory_space<vmem>>) target(%dma_start3A_336 : memref<10064x128xf32, #tpu.memory_space<vmem_shared>>) offsets(%dma_start3A_333 : memref<128xi32, #tpu.memory_space<vmem>>) semaphore(%arg13 : memref<!tpu.dma_semaphore, #tpu.memory_space<semaphore_mem>>) {add = true}
      %dma_wait3A_337 = arith.constant 0 : i32
      %dma_wait3A_338 = arith.constant 0 : i32
      %dma_wait3A_339 = arith.constant 0 : i32
      %dma_wait3A_340 = tpu.memref_slice %arg7[%rem3A_73, %dma_wait3A_338, %dma_wait3A_339] : memref<2x16x128xi32, #tpu.memory_space<vmem>> -> memref<1x16x128xi32, #tpu.memory_space<vmem>>
      %dma_wait3A_341 = tpu.memref_squeeze %dma_wait3A_340 : memref<1x16x128xi32, #tpu.memory_space<vmem>> -> memref<16x128xi32, #tpu.memory_space<vmem>>
      %dma_wait3A_342 = arith.constant 0 : i32
      %dma_wait3A_343 = tpu.memref_slice %dma_wait3A_341[%dma_wait3A_337, %dma_wait3A_342] : memref<16x128xi32, #tpu.memory_space<vmem>> -> memref<1x128xi32, #tpu.memory_space<vmem>>
      %dma_wait3A_344 = tpu.memref_squeeze %dma_wait3A_343 : memref<1x128xi32, #tpu.memory_space<vmem>> -> memref<128xi32, #tpu.memory_space<vmem>>
      %dma_wait3A_345 = arith.constant 0 : i32
      %dma_wait3A_346 = arith.constant 0 : i32
      %dma_wait3A_347 = tpu.memref_slice %arg10[%dma_wait3A_345, %dma_wait3A_346] : memref<10064x128xf32, #tpu.memory_space<vmem_shared>> -> memref<10064x128xf32, #tpu.memory_space<vmem_shared>>
      tpu.wait_indirect_dma semaphore(%arg13 : memref<!tpu.dma_semaphore, #tpu.memory_space<semaphore_mem>>) src(%arg8 : memref<128x128xf32, #tpu.memory_space<vmem>>) dst(%dma_wait3A_347 : memref<10064x128xf32, #tpu.memory_space<vmem_shared>>)
      %dma_start3A_348 = arith.constant 6 : i32
      %dma_start3A_349 = arith.constant 0 : i32
      %dma_start3A_350 = arith.constant 0 : i32
      %dma_start3A_351 = tpu.memref_slice %arg6[%rem3A_73, %dma_start3A_349, %dma_start3A_350] : memref<2x16x128xi32, #tpu.memory_space<vmem>> -> memref<1x16x128xi32, #tpu.memory_space<vmem>>
      %dma_start3A_352 = tpu.memref_squeeze %dma_start3A_351 : memref<1x16x128xi32, #tpu.memory_space<vmem>> -> memref<16x128xi32, #tpu.memory_space<vmem>>
      %dma_start3A_353 = arith.constant 0 : i32
      %dma_start3A_354 = tpu.memref_slice %dma_start3A_352[%dma_start3A_348, %dma_start3A_353] : memref<16x128xi32, #tpu.memory_space<vmem>> -> memref<1x128xi32, #tpu.memory_space<vmem>>
      %dma_start3A_355 = tpu.memref_squeeze %dma_start3A_354 : memref<1x128xi32, #tpu.memory_space<vmem>> -> memref<128xi32, #tpu.memory_space<vmem>>
      %dma_start3A_356 = arith.constant 0 : i32
      %dma_start3A_357 = arith.constant 0 : i32
      %dma_start3A_358 = tpu.memref_slice %arg2[%dma_start3A_356, %dma_start3A_357] : memref<20000x128xf32, #tpu.memory_space<hbm>> -> memref<20000x128xf32, #tpu.memory_space<hbm>>
      tpu.enqueue_indirect_dma source(%dma_start3A_358 : memref<20000x128xf32, #tpu.memory_space<hbm>>) target(%arg8 : memref<128x128xf32, #tpu.memory_space<vmem>>) offsets(%dma_start3A_355 : memref<128xi32, #tpu.memory_space<vmem>>) semaphore(%arg11 : memref<!tpu.dma_semaphore, #tpu.memory_space<semaphore_mem>>)
      %dma_wait3A_359 = arith.constant 5 : i32
      %dma_wait3A_360 = arith.constant 0 : i32
      %dma_wait3A_361 = arith.constant 0 : i32
      %dma_wait3A_362 = tpu.memref_slice %arg6[%rem3A_73, %dma_wait3A_360, %dma_wait3A_361] : memref<2x16x128xi32, #tpu.memory_space<vmem>> -> memref<1x16x128xi32, #tpu.memory_space<vmem>>
      %dma_wait3A_363 = tpu.memref_squeeze %dma_wait3A_362 : memref<1x16x128xi32, #tpu.memory_space<vmem>> -> memref<16x128xi32, #tpu.memory_space<vmem>>
      %dma_wait3A_364 = arith.constant 0 : i32
      %dma_wait3A_365 = tpu.memref_slice %dma_wait3A_363[%dma_wait3A_359, %dma_wait3A_364] : memref<16x128xi32, #tpu.memory_space<vmem>> -> memref<1x128xi32, #tpu.memory_space<vmem>>
      %dma_wait3A_366 = tpu.memref_squeeze %dma_wait3A_365 : memref<1x128xi32, #tpu.memory_space<vmem>> -> memref<128xi32, #tpu.memory_space<vmem>>
      %dma_wait3A_367 = arith.constant 0 : i32
      %dma_wait3A_368 = arith.constant 0 : i32
      %dma_wait3A_369 = tpu.memref_slice %arg2[%dma_wait3A_367, %dma_wait3A_368] : memref<20000x128xf32, #tpu.memory_space<hbm>> -> memref<20000x128xf32, #tpu.memory_space<hbm>>
      tpu.wait_indirect_dma semaphore(%arg12 : memref<!tpu.dma_semaphore, #tpu.memory_space<semaphore_mem>>) src(%dma_wait3A_369 : memref<20000x128xf32, #tpu.memory_space<hbm>>) dst(%arg9 : memref<128x128xf32, #tpu.memory_space<vmem>>)
      %dma_start3A_370 = arith.constant 5 : i32
      %dma_start3A_371 = arith.constant 0 : i32
      %dma_start3A_372 = arith.constant 0 : i32
      %dma_start3A_373 = tpu.memref_slice %arg7[%rem3A_73, %dma_start3A_371, %dma_start3A_372] : memref<2x16x128xi32, #tpu.memory_space<vmem>> -> memref<1x16x128xi32, #tpu.memory_space<vmem>>
      %dma_start3A_374 = tpu.memref_squeeze %dma_start3A_373 : memref<1x16x128xi32, #tpu.memory_space<vmem>> -> memref<16x128xi32, #tpu.memory_space<vmem>>
      %dma_start3A_375 = arith.constant 0 : i32
      %dma_start3A_376 = tpu.memref_slice %dma_start3A_374[%dma_start3A_370, %dma_start3A_375] : memref<16x128xi32, #tpu.memory_space<vmem>> -> memref<1x128xi32, #tpu.memory_space<vmem>>
      %dma_start3A_377 = tpu.memref_squeeze %dma_start3A_376 : memref<1x128xi32, #tpu.memory_space<vmem>> -> memref<128xi32, #tpu.memory_space<vmem>>
      %dma_start3A_378 = arith.constant 0 : i32
      %dma_start3A_379 = arith.constant 0 : i32
      %dma_start3A_380 = tpu.memref_slice %arg10[%dma_start3A_378, %dma_start3A_379] : memref<10064x128xf32, #tpu.memory_space<vmem_shared>> -> memref<10064x128xf32, #tpu.memory_space<vmem_shared>>
      tpu.enqueue_indirect_dma source(%arg9 : memref<128x128xf32, #tpu.memory_space<vmem>>) target(%dma_start3A_380 : memref<10064x128xf32, #tpu.memory_space<vmem_shared>>) offsets(%dma_start3A_377 : memref<128xi32, #tpu.memory_space<vmem>>) semaphore(%arg14 : memref<!tpu.dma_semaphore, #tpu.memory_space<semaphore_mem>>) {add = true}
      %dma_wait3A_381 = arith.constant 0 : i32
      %dma_wait3A_382 = arith.constant 0 : i32
      %dma_wait3A_383 = arith.constant 0 : i32
      %dma_wait3A_384 = tpu.memref_slice %arg7[%rem3A_73, %dma_wait3A_382, %dma_wait3A_383] : memref<2x16x128xi32, #tpu.memory_space<vmem>> -> memref<1x16x128xi32, #tpu.memory_space<vmem>>
      %dma_wait3A_385 = tpu.memref_squeeze %dma_wait3A_384 : memref<1x16x128xi32, #tpu.memory_space<vmem>> -> memref<16x128xi32, #tpu.memory_space<vmem>>
      %dma_wait3A_386 = arith.constant 0 : i32
      %dma_wait3A_387 = tpu.memref_slice %dma_wait3A_385[%dma_wait3A_381, %dma_wait3A_386] : memref<16x128xi32, #tpu.memory_space<vmem>> -> memref<1x128xi32, #tpu.memory_space<vmem>>
      %dma_wait3A_388 = tpu.memref_squeeze %dma_wait3A_387 : memref<1x128xi32, #tpu.memory_space<vmem>> -> memref<128xi32, #tpu.memory_space<vmem>>
      %dma_wait3A_389 = arith.constant 0 : i32
      %dma_wait3A_390 = arith.constant 0 : i32
      %dma_wait3A_391 = tpu.memref_slice %arg10[%dma_wait3A_389, %dma_wait3A_390] : memref<10064x128xf32, #tpu.memory_space<vmem_shared>> -> memref<10064x128xf32, #tpu.memory_space<vmem_shared>>
      tpu.wait_indirect_dma semaphore(%arg14 : memref<!tpu.dma_semaphore, #tpu.memory_space<semaphore_mem>>) src(%arg9 : memref<128x128xf32, #tpu.memory_space<vmem>>) dst(%dma_wait3A_391 : memref<10064x128xf32, #tpu.memory_space<vmem_shared>>)
      %dma_start3A_392 = arith.constant 7 : i32
      %dma_start3A_393 = arith.constant 0 : i32
      %dma_start3A_394 = arith.constant 0 : i32
      %dma_start3A_395 = tpu.memref_slice %arg6[%rem3A_73, %dma_start3A_393, %dma_start3A_394] : memref<2x16x128xi32, #tpu.memory_space<vmem>> -> memref<1x16x128xi32, #tpu.memory_space<vmem>>
      %dma_start3A_396 = tpu.memref_squeeze %dma_start3A_395 : memref<1x16x128xi32, #tpu.memory_space<vmem>> -> memref<16x128xi32, #tpu.memory_space<vmem>>
      %dma_start3A_397 = arith.constant 0 : i32
      %dma_start3A_398 = tpu.memref_slice %dma_start3A_396[%dma_start3A_392, %dma_start3A_397] : memref<16x128xi32, #tpu.memory_space<vmem>> -> memref<1x128xi32, #tpu.memory_space<vmem>>
      %dma_start3A_399 = tpu.memref_squeeze %dma_start3A_398 : memref<1x128xi32, #tpu.memory_space<vmem>> -> memref<128xi32, #tpu.memory_space<vmem>>
      %dma_start3A_400 = arith.constant 0 : i32
      %dma_start3A_401 = arith.constant 0 : i32
      %dma_start3A_402 = tpu.memref_slice %arg2[%dma_start3A_400, %dma_start3A_401] : memref<20000x128xf32, #tpu.memory_space<hbm>> -> memref<20000x128xf32, #tpu.memory_space<hbm>>
      tpu.enqueue_indirect_dma source(%dma_start3A_402 : memref<20000x128xf32, #tpu.memory_space<hbm>>) target(%arg9 : memref<128x128xf32, #tpu.memory_space<vmem>>) offsets(%dma_start3A_399 : memref<128xi32, #tpu.memory_space<vmem>>) semaphore(%arg12 : memref<!tpu.dma_semaphore, #tpu.memory_space<semaphore_mem>>)
      %dma_wait3A_403 = arith.constant 6 : i32
      %dma_wait3A_404 = arith.constant 0 : i32
      %dma_wait3A_405 = arith.constant 0 : i32
      %dma_wait3A_406 = tpu.memref_slice %arg6[%rem3A_73, %dma_wait3A_404, %dma_wait3A_405] : memref<2x16x128xi32, #tpu.memory_space<vmem>> -> memref<1x16x128xi32, #tpu.memory_space<vmem>>
      %dma_wait3A_407 = tpu.memref_squeeze %dma_wait3A_406 : memref<1x16x128xi32, #tpu.memory_space<vmem>> -> memref<16x128xi32, #tpu.memory_space<vmem>>
      %dma_wait3A_408 = arith.constant 0 : i32
      %dma_wait3A_409 = tpu.memref_slice %dma_wait3A_407[%dma_wait3A_403, %dma_wait3A_408] : memref<16x128xi32, #tpu.memory_space<vmem>> -> memref<1x128xi32, #tpu.memory_space<vmem>>
      %dma_wait3A_410 = tpu.memref_squeeze %dma_wait3A_409 : memref<1x128xi32, #tpu.memory_space<vmem>> -> memref<128xi32, #tpu.memory_space<vmem>>
      %dma_wait3A_411 = arith.constant 0 : i32
      %dma_wait3A_412 = arith.constant 0 : i32
      %dma_wait3A_413 = tpu.memref_slice %arg2[%dma_wait3A_411, %dma_wait3A_412] : memref<20000x128xf32, #tpu.memory_space<hbm>> -> memref<20000x128xf32, #tpu.memory_space<hbm>>
      tpu.wait_indirect_dma semaphore(%arg11 : memref<!tpu.dma_semaphore, #tpu.memory_space<semaphore_mem>>) src(%dma_wait3A_413 : memref<20000x128xf32, #tpu.memory_space<hbm>>) dst(%arg8 : memref<128x128xf32, #tpu.memory_space<vmem>>)
      %dma_start3A_414 = arith.constant 6 : i32
      %dma_start3A_415 = arith.constant 0 : i32
      %dma_start3A_416 = arith.constant 0 : i32
      %dma_start3A_417 = tpu.memref_slice %arg7[%rem3A_73, %dma_start3A_415, %dma_start3A_416] : memref<2x16x128xi32, #tpu.memory_space<vmem>> -> memref<1x16x128xi32, #tpu.memory_space<vmem>>
      %dma_start3A_418 = tpu.memref_squeeze %dma_start3A_417 : memref<1x16x128xi32, #tpu.memory_space<vmem>> -> memref<16x128xi32, #tpu.memory_space<vmem>>
      %dma_start3A_419 = arith.constant 0 : i32
      %dma_start3A_420 = tpu.memref_slice %dma_start3A_418[%dma_start3A_414, %dma_start3A_419] : memref<16x128xi32, #tpu.memory_space<vmem>> -> memref<1x128xi32, #tpu.memory_space<vmem>>
      %dma_start3A_421 = tpu.memref_squeeze %dma_start3A_420 : memref<1x128xi32, #tpu.memory_space<vmem>> -> memref<128xi32, #tpu.memory_space<vmem>>
      %dma_start3A_422 = arith.constant 0 : i32
      %dma_start3A_423 = arith.constant 0 : i32
      %dma_start3A_424 = tpu.memref_slice %arg10[%dma_start3A_422, %dma_start3A_423] : memref<10064x128xf32, #tpu.memory_space<vmem_shared>> -> memref<10064x128xf32, #tpu.memory_space<vmem_shared>>
      tpu.enqueue_indirect_dma source(%arg8 : memref<128x128xf32, #tpu.memory_space<vmem>>) target(%dma_start3A_424 : memref<10064x128xf32, #tpu.memory_space<vmem_shared>>) offsets(%dma_start3A_421 : memref<128xi32, #tpu.memory_space<vmem>>) semaphore(%arg13 : memref<!tpu.dma_semaphore, #tpu.memory_space<semaphore_mem>>) {add = true}
      %dma_wait3A_425 = arith.constant 0 : i32
      %dma_wait3A_426 = arith.constant 0 : i32
      %dma_wait3A_427 = arith.constant 0 : i32
      %dma_wait3A_428 = tpu.memref_slice %arg7[%rem3A_73, %dma_wait3A_426, %dma_wait3A_427] : memref<2x16x128xi32, #tpu.memory_space<vmem>> -> memref<1x16x128xi32, #tpu.memory_space<vmem>>
      %dma_wait3A_429 = tpu.memref_squeeze %dma_wait3A_428 : memref<1x16x128xi32, #tpu.memory_space<vmem>> -> memref<16x128xi32, #tpu.memory_space<vmem>>
      %dma_wait3A_430 = arith.constant 0 : i32
      %dma_wait3A_431 = tpu.memref_slice %dma_wait3A_429[%dma_wait3A_425, %dma_wait3A_430] : memref<16x128xi32, #tpu.memory_space<vmem>> -> memref<1x128xi32, #tpu.memory_space<vmem>>
      %dma_wait3A_432 = tpu.memref_squeeze %dma_wait3A_431 : memref<1x128xi32, #tpu.memory_space<vmem>> -> memref<128xi32, #tpu.memory_space<vmem>>
      %dma_wait3A_433 = arith.constant 0 : i32
      %dma_wait3A_434 = arith.constant 0 : i32
      %dma_wait3A_435 = tpu.memref_slice %arg10[%dma_wait3A_433, %dma_wait3A_434] : memref<10064x128xf32, #tpu.memory_space<vmem_shared>> -> memref<10064x128xf32, #tpu.memory_space<vmem_shared>>
      tpu.wait_indirect_dma semaphore(%arg13 : memref<!tpu.dma_semaphore, #tpu.memory_space<semaphore_mem>>) src(%arg8 : memref<128x128xf32, #tpu.memory_space<vmem>>) dst(%dma_wait3A_435 : memref<10064x128xf32, #tpu.memory_space<vmem_shared>>)
      %dma_start3A_436 = arith.constant 8 : i32
      %dma_start3A_437 = arith.constant 0 : i32
      %dma_start3A_438 = arith.constant 0 : i32
      %dma_start3A_439 = tpu.memref_slice %arg6[%rem3A_73, %dma_start3A_437, %dma_start3A_438] : memref<2x16x128xi32, #tpu.memory_space<vmem>> -> memref<1x16x128xi32, #tpu.memory_space<vmem>>
      %dma_start3A_440 = tpu.memref_squeeze %dma_start3A_439 : memref<1x16x128xi32, #tpu.memory_space<vmem>> -> memref<16x128xi32, #tpu.memory_space<vmem>>
      %dma_start3A_441 = arith.constant 0 : i32
      %dma_start3A_442 = tpu.memref_slice %dma_start3A_440[%dma_start3A_436, %dma_start3A_441] : memref<16x128xi32, #tpu.memory_space<vmem>> -> memref<1x128xi32, #tpu.memory_space<vmem>>
      %dma_start3A_443 = tpu.memref_squeeze %dma_start3A_442 : memref<1x128xi32, #tpu.memory_space<vmem>> -> memref<128xi32, #tpu.memory_space<vmem>>
      %dma_start3A_444 = arith.constant 0 : i32
      %dma_start3A_445 = arith.constant 0 : i32
      %dma_start3A_446 = tpu.memref_slice %arg2[%dma_start3A_444, %dma_start3A_445] : memref<20000x128xf32, #tpu.memory_space<hbm>> -> memref<20000x128xf32, #tpu.memory_space<hbm>>
      tpu.enqueue_indirect_dma source(%dma_start3A_446 : memref<20000x128xf32, #tpu.memory_space<hbm>>) target(%arg8 : memref<128x128xf32, #tpu.memory_space<vmem>>) offsets(%dma_start3A_443 : memref<128xi32, #tpu.memory_space<vmem>>) semaphore(%arg11 : memref<!tpu.dma_semaphore, #tpu.memory_space<semaphore_mem>>)
      %dma_wait3A_447 = arith.constant 7 : i32
      %dma_wait3A_448 = arith.constant 0 : i32
      %dma_wait3A_449 = arith.constant 0 : i32
      %dma_wait3A_450 = tpu.memref_slice %arg6[%rem3A_73, %dma_wait3A_448, %dma_wait3A_449] : memref<2x16x128xi32, #tpu.memory_space<vmem>> -> memref<1x16x128xi32, #tpu.memory_space<vmem>>
      %dma_wait3A_451 = tpu.memref_squeeze %dma_wait3A_450 : memref<1x16x128xi32, #tpu.memory_space<vmem>> -> memref<16x128xi32, #tpu.memory_space<vmem>>
      %dma_wait3A_452 = arith.constant 0 : i32
      %dma_wait3A_453 = tpu.memref_slice %dma_wait3A_451[%dma_wait3A_447, %dma_wait3A_452] : memref<16x128xi32, #tpu.memory_space<vmem>> -> memref<1x128xi32, #tpu.memory_space<vmem>>
      %dma_wait3A_454 = tpu.memref_squeeze %dma_wait3A_453 : memref<1x128xi32, #tpu.memory_space<vmem>> -> memref<128xi32, #tpu.memory_space<vmem>>
      %dma_wait3A_455 = arith.constant 0 : i32
      %dma_wait3A_456 = arith.constant 0 : i32
      %dma_wait3A_457 = tpu.memref_slice %arg2[%dma_wait3A_455, %dma_wait3A_456] : memref<20000x128xf32, #tpu.memory_space<hbm>> -> memref<20000x128xf32, #tpu.memory_space<hbm>>
      tpu.wait_indirect_dma semaphore(%arg12 : memref<!tpu.dma_semaphore, #tpu.memory_space<semaphore_mem>>) src(%dma_wait3A_457 : memref<20000x128xf32, #tpu.memory_space<hbm>>) dst(%arg9 : memref<128x128xf32, #tpu.memory_space<vmem>>)
      %dma_start3A_458 = arith.constant 7 : i32
      %dma_start3A_459 = arith.constant 0 : i32
      %dma_start3A_460 = arith.constant 0 : i32
      %dma_start3A_461 = tpu.memref_slice %arg7[%rem3A_73, %dma_start3A_459, %dma_start3A_460] : memref<2x16x128xi32, #tpu.memory_space<vmem>> -> memref<1x16x128xi32, #tpu.memory_space<vmem>>
      %dma_start3A_462 = tpu.memref_squeeze %dma_start3A_461 : memref<1x16x128xi32, #tpu.memory_space<vmem>> -> memref<16x128xi32, #tpu.memory_space<vmem>>
      %dma_start3A_463 = arith.constant 0 : i32
      %dma_start3A_464 = tpu.memref_slice %dma_start3A_462[%dma_start3A_458, %dma_start3A_463] : memref<16x128xi32, #tpu.memory_space<vmem>> -> memref<1x128xi32, #tpu.memory_space<vmem>>
      %dma_start3A_465 = tpu.memref_squeeze %dma_start3A_464 : memref<1x128xi32, #tpu.memory_space<vmem>> -> memref<128xi32, #tpu.memory_space<vmem>>
      %dma_start3A_466 = arith.constant 0 : i32
      %dma_start3A_467 = arith.constant 0 : i32
      %dma_start3A_468 = tpu.memref_slice %arg10[%dma_start3A_466, %dma_start3A_467] : memref<10064x128xf32, #tpu.memory_space<vmem_shared>> -> memref<10064x128xf32, #tpu.memory_space<vmem_shared>>
      tpu.enqueue_indirect_dma source(%arg9 : memref<128x128xf32, #tpu.memory_space<vmem>>) target(%dma_start3A_468 : memref<10064x128xf32, #tpu.memory_space<vmem_shared>>) offsets(%dma_start3A_465 : memref<128xi32, #tpu.memory_space<vmem>>) semaphore(%arg14 : memref<!tpu.dma_semaphore, #tpu.memory_space<semaphore_mem>>) {add = true}
      %dma_wait3A_469 = arith.constant 0 : i32
      %dma_wait3A_470 = arith.constant 0 : i32
      %dma_wait3A_471 = arith.constant 0 : i32
      %dma_wait3A_472 = tpu.memref_slice %arg7[%rem3A_73, %dma_wait3A_470, %dma_wait3A_471] : memref<2x16x128xi32, #tpu.memory_space<vmem>> -> memref<1x16x128xi32, #tpu.memory_space<vmem>>
      %dma_wait3A_473 = tpu.memref_squeeze %dma_wait3A_472 : memref<1x16x128xi32, #tpu.memory_space<vmem>> -> memref<16x128xi32, #tpu.memory_space<vmem>>
      %dma_wait3A_474 = arith.constant 0 : i32
      %dma_wait3A_475 = tpu.memref_slice %dma_wait3A_473[%dma_wait3A_469, %dma_wait3A_474] : memref<16x128xi32, #tpu.memory_space<vmem>> -> memref<1x128xi32, #tpu.memory_space<vmem>>
      %dma_wait3A_476 = tpu.memref_squeeze %dma_wait3A_475 : memref<1x128xi32, #tpu.memory_space<vmem>> -> memref<128xi32, #tpu.memory_space<vmem>>
      %dma_wait3A_477 = arith.constant 0 : i32
      %dma_wait3A_478 = arith.constant 0 : i32
      %dma_wait3A_479 = tpu.memref_slice %arg10[%dma_wait3A_477, %dma_wait3A_478] : memref<10064x128xf32, #tpu.memory_space<vmem_shared>> -> memref<10064x128xf32, #tpu.memory_space<vmem_shared>>
      tpu.wait_indirect_dma semaphore(%arg14 : memref<!tpu.dma_semaphore, #tpu.memory_space<semaphore_mem>>) src(%arg9 : memref<128x128xf32, #tpu.memory_space<vmem>>) dst(%dma_wait3A_479 : memref<10064x128xf32, #tpu.memory_space<vmem_shared>>)
      %dma_start3A_480 = arith.constant 9 : i32
      %dma_start3A_481 = arith.constant 0 : i32
      %dma_start3A_482 = arith.constant 0 : i32
      %dma_start3A_483 = tpu.memref_slice %arg6[%rem3A_73, %dma_start3A_481, %dma_start3A_482] : memref<2x16x128xi32, #tpu.memory_space<vmem>> -> memref<1x16x128xi32, #tpu.memory_space<vmem>>
      %dma_start3A_484 = tpu.memref_squeeze %dma_start3A_483 : memref<1x16x128xi32, #tpu.memory_space<vmem>> -> memref<16x128xi32, #tpu.memory_space<vmem>>
      %dma_start3A_485 = arith.constant 0 : i32
      %dma_start3A_486 = tpu.memref_slice %dma_start3A_484[%dma_start3A_480, %dma_start3A_485] : memref<16x128xi32, #tpu.memory_space<vmem>> -> memref<1x128xi32, #tpu.memory_space<vmem>>
      %dma_start3A_487 = tpu.memref_squeeze %dma_start3A_486 : memref<1x128xi32, #tpu.memory_space<vmem>> -> memref<128xi32, #tpu.memory_space<vmem>>
      %dma_start3A_488 = arith.constant 0 : i32
      %dma_start3A_489 = arith.constant 0 : i32
      %dma_start3A_490 = tpu.memref_slice %arg2[%dma_start3A_488, %dma_start3A_489] : memref<20000x128xf32, #tpu.memory_space<hbm>> -> memref<20000x128xf32, #tpu.memory_space<hbm>>
      tpu.enqueue_indirect_dma source(%dma_start3A_490 : memref<20000x128xf32, #tpu.memory_space<hbm>>) target(%arg9 : memref<128x128xf32, #tpu.memory_space<vmem>>) offsets(%dma_start3A_487 : memref<128xi32, #tpu.memory_space<vmem>>) semaphore(%arg12 : memref<!tpu.dma_semaphore, #tpu.memory_space<semaphore_mem>>)
      %dma_wait3A_491 = arith.constant 8 : i32
      %dma_wait3A_492 = arith.constant 0 : i32
      %dma_wait3A_493 = arith.constant 0 : i32
      %dma_wait3A_494 = tpu.memref_slice %arg6[%rem3A_73, %dma_wait3A_492, %dma_wait3A_493] : memref<2x16x128xi32, #tpu.memory_space<vmem>> -> memref<1x16x128xi32, #tpu.memory_space<vmem>>
      %dma_wait3A_495 = tpu.memref_squeeze %dma_wait3A_494 : memref<1x16x128xi32, #tpu.memory_space<vmem>> -> memref<16x128xi32, #tpu.memory_space<vmem>>
      %dma_wait3A_496 = arith.constant 0 : i32
      %dma_wait3A_497 = tpu.memref_slice %dma_wait3A_495[%dma_wait3A_491, %dma_wait3A_496] : memref<16x128xi32, #tpu.memory_space<vmem>> -> memref<1x128xi32, #tpu.memory_space<vmem>>
      %dma_wait3A_498 = tpu.memref_squeeze %dma_wait3A_497 : memref<1x128xi32, #tpu.memory_space<vmem>> -> memref<128xi32, #tpu.memory_space<vmem>>
      %dma_wait3A_499 = arith.constant 0 : i32
      %dma_wait3A_500 = arith.constant 0 : i32
      %dma_wait3A_501 = tpu.memref_slice %arg2[%dma_wait3A_499, %dma_wait3A_500] : memref<20000x128xf32, #tpu.memory_space<hbm>> -> memref<20000x128xf32, #tpu.memory_space<hbm>>
      tpu.wait_indirect_dma semaphore(%arg11 : memref<!tpu.dma_semaphore, #tpu.memory_space<semaphore_mem>>) src(%dma_wait3A_501 : memref<20000x128xf32, #tpu.memory_space<hbm>>) dst(%arg8 : memref<128x128xf32, #tpu.memory_space<vmem>>)
      %dma_start3A_502 = arith.constant 8 : i32
      %dma_start3A_503 = arith.constant 0 : i32
      %dma_start3A_504 = arith.constant 0 : i32
      %dma_start3A_505 = tpu.memref_slice %arg7[%rem3A_73, %dma_start3A_503, %dma_start3A_504] : memref<2x16x128xi32, #tpu.memory_space<vmem>> -> memref<1x16x128xi32, #tpu.memory_space<vmem>>
      %dma_start3A_506 = tpu.memref_squeeze %dma_start3A_505 : memref<1x16x128xi32, #tpu.memory_space<vmem>> -> memref<16x128xi32, #tpu.memory_space<vmem>>
      %dma_start3A_507 = arith.constant 0 : i32
      %dma_start3A_508 = tpu.memref_slice %dma_start3A_506[%dma_start3A_502, %dma_start3A_507] : memref<16x128xi32, #tpu.memory_space<vmem>> -> memref<1x128xi32, #tpu.memory_space<vmem>>
      %dma_start3A_509 = tpu.memref_squeeze %dma_start3A_508 : memref<1x128xi32, #tpu.memory_space<vmem>> -> memref<128xi32, #tpu.memory_space<vmem>>
      %dma_start3A_510 = arith.constant 0 : i32
      %dma_start3A_511 = arith.constant 0 : i32
      %dma_start3A_512 = tpu.memref_slice %arg10[%dma_start3A_510, %dma_start3A_511] : memref<10064x128xf32, #tpu.memory_space<vmem_shared>> -> memref<10064x128xf32, #tpu.memory_space<vmem_shared>>
      tpu.enqueue_indirect_dma source(%arg8 : memref<128x128xf32, #tpu.memory_space<vmem>>) target(%dma_start3A_512 : memref<10064x128xf32, #tpu.memory_space<vmem_shared>>) offsets(%dma_start3A_509 : memref<128xi32, #tpu.memory_space<vmem>>) semaphore(%arg13 : memref<!tpu.dma_semaphore, #tpu.memory_space<semaphore_mem>>) {add = true}
      %dma_wait3A_513 = arith.constant 0 : i32
      %dma_wait3A_514 = arith.constant 0 : i32
      %dma_wait3A_515 = arith.constant 0 : i32
      %dma_wait3A_516 = tpu.memref_slice %arg7[%rem3A_73, %dma_wait3A_514, %dma_wait3A_515] : memref<2x16x128xi32, #tpu.memory_space<vmem>> -> memref<1x16x128xi32, #tpu.memory_space<vmem>>
      %dma_wait3A_517 = tpu.memref_squeeze %dma_wait3A_516 : memref<1x16x128xi32, #tpu.memory_space<vmem>> -> memref<16x128xi32, #tpu.memory_space<vmem>>
      %dma_wait3A_518 = arith.constant 0 : i32
      %dma_wait3A_519 = tpu.memref_slice %dma_wait3A_517[%dma_wait3A_513, %dma_wait3A_518] : memref<16x128xi32, #tpu.memory_space<vmem>> -> memref<1x128xi32, #tpu.memory_space<vmem>>
      %dma_wait3A_520 = tpu.memref_squeeze %dma_wait3A_519 : memref<1x128xi32, #tpu.memory_space<vmem>> -> memref<128xi32, #tpu.memory_space<vmem>>
      %dma_wait3A_521 = arith.constant 0 : i32
      %dma_wait3A_522 = arith.constant 0 : i32
      %dma_wait3A_523 = tpu.memref_slice %arg10[%dma_wait3A_521, %dma_wait3A_522] : memref<10064x128xf32, #tpu.memory_space<vmem_shared>> -> memref<10064x128xf32, #tpu.memory_space<vmem_shared>>
      tpu.wait_indirect_dma semaphore(%arg13 : memref<!tpu.dma_semaphore, #tpu.memory_space<semaphore_mem>>) src(%arg8 : memref<128x128xf32, #tpu.memory_space<vmem>>) dst(%dma_wait3A_523 : memref<10064x128xf32, #tpu.memory_space<vmem_shared>>)
      %dma_start3A_524 = arith.constant 10 : i32
      %dma_start3A_525 = arith.constant 0 : i32
      %dma_start3A_526 = arith.constant 0 : i32
      %dma_start3A_527 = tpu.memref_slice %arg6[%rem3A_73, %dma_start3A_525, %dma_start3A_526] : memref<2x16x128xi32, #tpu.memory_space<vmem>> -> memref<1x16x128xi32, #tpu.memory_space<vmem>>
      %dma_start3A_528 = tpu.memref_squeeze %dma_start3A_527 : memref<1x16x128xi32, #tpu.memory_space<vmem>> -> memref<16x128xi32, #tpu.memory_space<vmem>>
      %dma_start3A_529 = arith.constant 0 : i32
      %dma_start3A_530 = tpu.memref_slice %dma_start3A_528[%dma_start3A_524, %dma_start3A_529] : memref<16x128xi32, #tpu.memory_space<vmem>> -> memref<1x128xi32, #tpu.memory_space<vmem>>
      %dma_start3A_531 = tpu.memref_squeeze %dma_start3A_530 : memref<1x128xi32, #tpu.memory_space<vmem>> -> memref<128xi32, #tpu.memory_space<vmem>>
      %dma_start3A_532 = arith.constant 0 : i32
      %dma_start3A_533 = arith.constant 0 : i32
      %dma_start3A_534 = tpu.memref_slice %arg2[%dma_start3A_532, %dma_start3A_533] : memref<20000x128xf32, #tpu.memory_space<hbm>> -> memref<20000x128xf32, #tpu.memory_space<hbm>>
      tpu.enqueue_indirect_dma source(%dma_start3A_534 : memref<20000x128xf32, #tpu.memory_space<hbm>>) target(%arg8 : memref<128x128xf32, #tpu.memory_space<vmem>>) offsets(%dma_start3A_531 : memref<128xi32, #tpu.memory_space<vmem>>) semaphore(%arg11 : memref<!tpu.dma_semaphore, #tpu.memory_space<semaphore_mem>>)
      %dma_wait3A_535 = arith.constant 9 : i32
      %dma_wait3A_536 = arith.constant 0 : i32
      %dma_wait3A_537 = arith.constant 0 : i32
      %dma_wait3A_538 = tpu.memref_slice %arg6[%rem3A_73, %dma_wait3A_536, %dma_wait3A_537] : memref<2x16x128xi32, #tpu.memory_space<vmem>> -> memref<1x16x128xi32, #tpu.memory_space<vmem>>
      %dma_wait3A_539 = tpu.memref_squeeze %dma_wait3A_538 : memref<1x16x128xi32, #tpu.memory_space<vmem>> -> memref<16x128xi32, #tpu.memory_space<vmem>>
      %dma_wait3A_540 = arith.constant 0 : i32
      %dma_wait3A_541 = tpu.memref_slice %dma_wait3A_539[%dma_wait3A_535, %dma_wait3A_540] : memref<16x128xi32, #tpu.memory_space<vmem>> -> memref<1x128xi32, #tpu.memory_space<vmem>>
      %dma_wait3A_542 = tpu.memref_squeeze %dma_wait3A_541 : memref<1x128xi32, #tpu.memory_space<vmem>> -> memref<128xi32, #tpu.memory_space<vmem>>
      %dma_wait3A_543 = arith.constant 0 : i32
      %dma_wait3A_544 = arith.constant 0 : i32
      %dma_wait3A_545 = tpu.memref_slice %arg2[%dma_wait3A_543, %dma_wait3A_544] : memref<20000x128xf32, #tpu.memory_space<hbm>> -> memref<20000x128xf32, #tpu.memory_space<hbm>>
      tpu.wait_indirect_dma semaphore(%arg12 : memref<!tpu.dma_semaphore, #tpu.memory_space<semaphore_mem>>) src(%dma_wait3A_545 : memref<20000x128xf32, #tpu.memory_space<hbm>>) dst(%arg9 : memref<128x128xf32, #tpu.memory_space<vmem>>)
      %dma_start3A_546 = arith.constant 9 : i32
      %dma_start3A_547 = arith.constant 0 : i32
      %dma_start3A_548 = arith.constant 0 : i32
      %dma_start3A_549 = tpu.memref_slice %arg7[%rem3A_73, %dma_start3A_547, %dma_start3A_548] : memref<2x16x128xi32, #tpu.memory_space<vmem>> -> memref<1x16x128xi32, #tpu.memory_space<vmem>>
      %dma_start3A_550 = tpu.memref_squeeze %dma_start3A_549 : memref<1x16x128xi32, #tpu.memory_space<vmem>> -> memref<16x128xi32, #tpu.memory_space<vmem>>
      %dma_start3A_551 = arith.constant 0 : i32
      %dma_start3A_552 = tpu.memref_slice %dma_start3A_550[%dma_start3A_546, %dma_start3A_551] : memref<16x128xi32, #tpu.memory_space<vmem>> -> memref<1x128xi32, #tpu.memory_space<vmem>>
      %dma_start3A_553 = tpu.memref_squeeze %dma_start3A_552 : memref<1x128xi32, #tpu.memory_space<vmem>> -> memref<128xi32, #tpu.memory_space<vmem>>
      %dma_start3A_554 = arith.constant 0 : i32
      %dma_start3A_555 = arith.constant 0 : i32
      %dma_start3A_556 = tpu.memref_slice %arg10[%dma_start3A_554, %dma_start3A_555] : memref<10064x128xf32, #tpu.memory_space<vmem_shared>> -> memref<10064x128xf32, #tpu.memory_space<vmem_shared>>
      tpu.enqueue_indirect_dma source(%arg9 : memref<128x128xf32, #tpu.memory_space<vmem>>) target(%dma_start3A_556 : memref<10064x128xf32, #tpu.memory_space<vmem_shared>>) offsets(%dma_start3A_553 : memref<128xi32, #tpu.memory_space<vmem>>) semaphore(%arg14 : memref<!tpu.dma_semaphore, #tpu.memory_space<semaphore_mem>>) {add = true}
      %dma_wait3A_557 = arith.constant 0 : i32
      %dma_wait3A_558 = arith.constant 0 : i32
      %dma_wait3A_559 = arith.constant 0 : i32
      %dma_wait3A_560 = tpu.memref_slice %arg7[%rem3A_73, %dma_wait3A_558, %dma_wait3A_559] : memref<2x16x128xi32, #tpu.memory_space<vmem>> -> memref<1x16x128xi32, #tpu.memory_space<vmem>>
      %dma_wait3A_561 = tpu.memref_squeeze %dma_wait3A_560 : memref<1x16x128xi32, #tpu.memory_space<vmem>> -> memref<16x128xi32, #tpu.memory_space<vmem>>
      %dma_wait3A_562 = arith.constant 0 : i32
      %dma_wait3A_563 = tpu.memref_slice %dma_wait3A_561[%dma_wait3A_557, %dma_wait3A_562] : memref<16x128xi32, #tpu.memory_space<vmem>> -> memref<1x128xi32, #tpu.memory_space<vmem>>
      %dma_wait3A_564 = tpu.memref_squeeze %dma_wait3A_563 : memref<1x128xi32, #tpu.memory_space<vmem>> -> memref<128xi32, #tpu.memory_space<vmem>>
      %dma_wait3A_565 = arith.constant 0 : i32
      %dma_wait3A_566 = arith.constant 0 : i32
      %dma_wait3A_567 = tpu.memref_slice %arg10[%dma_wait3A_565, %dma_wait3A_566] : memref<10064x128xf32, #tpu.memory_space<vmem_shared>> -> memref<10064x128xf32, #tpu.memory_space<vmem_shared>>
      tpu.wait_indirect_dma semaphore(%arg14 : memref<!tpu.dma_semaphore, #tpu.memory_space<semaphore_mem>>) src(%arg9 : memref<128x128xf32, #tpu.memory_space<vmem>>) dst(%dma_wait3A_567 : memref<10064x128xf32, #tpu.memory_space<vmem_shared>>)
      %dma_start3A_568 = arith.constant 11 : i32
      %dma_start3A_569 = arith.constant 0 : i32
      %dma_start3A_570 = arith.constant 0 : i32
      %dma_start3A_571 = tpu.memref_slice %arg6[%rem3A_73, %dma_start3A_569, %dma_start3A_570] : memref<2x16x128xi32, #tpu.memory_space<vmem>> -> memref<1x16x128xi32, #tpu.memory_space<vmem>>
      %dma_start3A_572 = tpu.memref_squeeze %dma_start3A_571 : memref<1x16x128xi32, #tpu.memory_space<vmem>> -> memref<16x128xi32, #tpu.memory_space<vmem>>
      %dma_start3A_573 = arith.constant 0 : i32
      %dma_start3A_574 = tpu.memref_slice %dma_start3A_572[%dma_start3A_568, %dma_start3A_573] : memref<16x128xi32, #tpu.memory_space<vmem>> -> memref<1x128xi32, #tpu.memory_space<vmem>>
      %dma_start3A_575 = tpu.memref_squeeze %dma_start3A_574 : memref<1x128xi32, #tpu.memory_space<vmem>> -> memref<128xi32, #tpu.memory_space<vmem>>
      %dma_start3A_576 = arith.constant 0 : i32
      %dma_start3A_577 = arith.constant 0 : i32
      %dma_start3A_578 = tpu.memref_slice %arg2[%dma_start3A_576, %dma_start3A_577] : memref<20000x128xf32, #tpu.memory_space<hbm>> -> memref<20000x128xf32, #tpu.memory_space<hbm>>
      tpu.enqueue_indirect_dma source(%dma_start3A_578 : memref<20000x128xf32, #tpu.memory_space<hbm>>) target(%arg9 : memref<128x128xf32, #tpu.memory_space<vmem>>) offsets(%dma_start3A_575 : memref<128xi32, #tpu.memory_space<vmem>>) semaphore(%arg12 : memref<!tpu.dma_semaphore, #tpu.memory_space<semaphore_mem>>)
      %dma_wait3A_579 = arith.constant 10 : i32
      %dma_wait3A_580 = arith.constant 0 : i32
      %dma_wait3A_581 = arith.constant 0 : i32
      %dma_wait3A_582 = tpu.memref_slice %arg6[%rem3A_73, %dma_wait3A_580, %dma_wait3A_581] : memref<2x16x128xi32, #tpu.memory_space<vmem>> -> memref<1x16x128xi32, #tpu.memory_space<vmem>>
      %dma_wait3A_583 = tpu.memref_squeeze %dma_wait3A_582 : memref<1x16x128xi32, #tpu.memory_space<vmem>> -> memref<16x128xi32, #tpu.memory_space<vmem>>
      %dma_wait3A_584 = arith.constant 0 : i32
      %dma_wait3A_585 = tpu.memref_slice %dma_wait3A_583[%dma_wait3A_579, %dma_wait3A_584] : memref<16x128xi32, #tpu.memory_space<vmem>> -> memref<1x128xi32, #tpu.memory_space<vmem>>
      %dma_wait3A_586 = tpu.memref_squeeze %dma_wait3A_585 : memref<1x128xi32, #tpu.memory_space<vmem>> -> memref<128xi32, #tpu.memory_space<vmem>>
      %dma_wait3A_587 = arith.constant 0 : i32
      %dma_wait3A_588 = arith.constant 0 : i32
      %dma_wait3A_589 = tpu.memref_slice %arg2[%dma_wait3A_587, %dma_wait3A_588] : memref<20000x128xf32, #tpu.memory_space<hbm>> -> memref<20000x128xf32, #tpu.memory_space<hbm>>
      tpu.wait_indirect_dma semaphore(%arg11 : memref<!tpu.dma_semaphore, #tpu.memory_space<semaphore_mem>>) src(%dma_wait3A_589 : memref<20000x128xf32, #tpu.memory_space<hbm>>) dst(%arg8 : memref<128x128xf32, #tpu.memory_space<vmem>>)
      %dma_start3A_590 = arith.constant 10 : i32
      %dma_start3A_591 = arith.constant 0 : i32
      %dma_start3A_592 = arith.constant 0 : i32
      %dma_start3A_593 = tpu.memref_slice %arg7[%rem3A_73, %dma_start3A_591, %dma_start3A_592] : memref<2x16x128xi32, #tpu.memory_space<vmem>> -> memref<1x16x128xi32, #tpu.memory_space<vmem>>
      %dma_start3A_594 = tpu.memref_squeeze %dma_start3A_593 : memref<1x16x128xi32, #tpu.memory_space<vmem>> -> memref<16x128xi32, #tpu.memory_space<vmem>>
      %dma_start3A_595 = arith.constant 0 : i32
      %dma_start3A_596 = tpu.memref_slice %dma_start3A_594[%dma_start3A_590, %dma_start3A_595] : memref<16x128xi32, #tpu.memory_space<vmem>> -> memref<1x128xi32, #tpu.memory_space<vmem>>
      %dma_start3A_597 = tpu.memref_squeeze %dma_start3A_596 : memref<1x128xi32, #tpu.memory_space<vmem>> -> memref<128xi32, #tpu.memory_space<vmem>>
      %dma_start3A_598 = arith.constant 0 : i32
      %dma_start3A_599 = arith.constant 0 : i32
      %dma_start3A_600 = tpu.memref_slice %arg10[%dma_start3A_598, %dma_start3A_599] : memref<10064x128xf32, #tpu.memory_space<vmem_shared>> -> memref<10064x128xf32, #tpu.memory_space<vmem_shared>>
      tpu.enqueue_indirect_dma source(%arg8 : memref<128x128xf32, #tpu.memory_space<vmem>>) target(%dma_start3A_600 : memref<10064x128xf32, #tpu.memory_space<vmem_shared>>) offsets(%dma_start3A_597 : memref<128xi32, #tpu.memory_space<vmem>>) semaphore(%arg13 : memref<!tpu.dma_semaphore, #tpu.memory_space<semaphore_mem>>) {add = true}
      %dma_wait3A_601 = arith.constant 0 : i32
      %dma_wait3A_602 = arith.constant 0 : i32
      %dma_wait3A_603 = arith.constant 0 : i32
      %dma_wait3A_604 = tpu.memref_slice %arg7[%rem3A_73, %dma_wait3A_602, %dma_wait3A_603] : memref<2x16x128xi32, #tpu.memory_space<vmem>> -> memref<1x16x128xi32, #tpu.memory_space<vmem>>
      %dma_wait3A_605 = tpu.memref_squeeze %dma_wait3A_604 : memref<1x16x128xi32, #tpu.memory_space<vmem>> -> memref<16x128xi32, #tpu.memory_space<vmem>>
      %dma_wait3A_606 = arith.constant 0 : i32
      %dma_wait3A_607 = tpu.memref_slice %dma_wait3A_605[%dma_wait3A_601, %dma_wait3A_606] : memref<16x128xi32, #tpu.memory_space<vmem>> -> memref<1x128xi32, #tpu.memory_space<vmem>>
      %dma_wait3A_608 = tpu.memref_squeeze %dma_wait3A_607 : memref<1x128xi32, #tpu.memory_space<vmem>> -> memref<128xi32, #tpu.memory_space<vmem>>
      %dma_wait3A_609 = arith.constant 0 : i32
      %dma_wait3A_610 = arith.constant 0 : i32
      %dma_wait3A_611 = tpu.memref_slice %arg10[%dma_wait3A_609, %dma_wait3A_610] : memref<10064x128xf32, #tpu.memory_space<vmem_shared>> -> memref<10064x128xf32, #tpu.memory_space<vmem_shared>>
      tpu.wait_indirect_dma semaphore(%arg13 : memref<!tpu.dma_semaphore, #tpu.memory_space<semaphore_mem>>) src(%arg8 : memref<128x128xf32, #tpu.memory_space<vmem>>) dst(%dma_wait3A_611 : memref<10064x128xf32, #tpu.memory_space<vmem_shared>>)
      %dma_start3A_612 = arith.constant 12 : i32
      %dma_start3A_613 = arith.constant 0 : i32
      %dma_start3A_614 = arith.constant 0 : i32
      %dma_start3A_615 = tpu.memref_slice %arg6[%rem3A_73, %dma_start3A_613, %dma_start3A_614] : memref<2x16x128xi32, #tpu.memory_space<vmem>> -> memref<1x16x128xi32, #tpu.memory_space<vmem>>
      %dma_start3A_616 = tpu.memref_squeeze %dma_start3A_615 : memref<1x16x128xi32, #tpu.memory_space<vmem>> -> memref<16x128xi32, #tpu.memory_space<vmem>>
      %dma_start3A_617 = arith.constant 0 : i32
      %dma_start3A_618 = tpu.memref_slice %dma_start3A_616[%dma_start3A_612, %dma_start3A_617] : memref<16x128xi32, #tpu.memory_space<vmem>> -> memref<1x128xi32, #tpu.memory_space<vmem>>
      %dma_start3A_619 = tpu.memref_squeeze %dma_start3A_618 : memref<1x128xi32, #tpu.memory_space<vmem>> -> memref<128xi32, #tpu.memory_space<vmem>>
      %dma_start3A_620 = arith.constant 0 : i32
      %dma_start3A_621 = arith.constant 0 : i32
      %dma_start3A_622 = tpu.memref_slice %arg2[%dma_start3A_620, %dma_start3A_621] : memref<20000x128xf32, #tpu.memory_space<hbm>> -> memref<20000x128xf32, #tpu.memory_space<hbm>>
      tpu.enqueue_indirect_dma source(%dma_start3A_622 : memref<20000x128xf32, #tpu.memory_space<hbm>>) target(%arg8 : memref<128x128xf32, #tpu.memory_space<vmem>>) offsets(%dma_start3A_619 : memref<128xi32, #tpu.memory_space<vmem>>) semaphore(%arg11 : memref<!tpu.dma_semaphore, #tpu.memory_space<semaphore_mem>>)
      %dma_wait3A_623 = arith.constant 11 : i32
      %dma_wait3A_624 = arith.constant 0 : i32
      %dma_wait3A_625 = arith.constant 0 : i32
      %dma_wait3A_626 = tpu.memref_slice %arg6[%rem3A_73, %dma_wait3A_624, %dma_wait3A_625] : memref<2x16x128xi32, #tpu.memory_space<vmem>> -> memref<1x16x128xi32, #tpu.memory_space<vmem>>
      %dma_wait3A_627 = tpu.memref_squeeze %dma_wait3A_626 : memref<1x16x128xi32, #tpu.memory_space<vmem>> -> memref<16x128xi32, #tpu.memory_space<vmem>>
      %dma_wait3A_628 = arith.constant 0 : i32
      %dma_wait3A_629 = tpu.memref_slice %dma_wait3A_627[%dma_wait3A_623, %dma_wait3A_628] : memref<16x128xi32, #tpu.memory_space<vmem>> -> memref<1x128xi32, #tpu.memory_space<vmem>>
      %dma_wait3A_630 = tpu.memref_squeeze %dma_wait3A_629 : memref<1x128xi32, #tpu.memory_space<vmem>> -> memref<128xi32, #tpu.memory_space<vmem>>
      %dma_wait3A_631 = arith.constant 0 : i32
      %dma_wait3A_632 = arith.constant 0 : i32
      %dma_wait3A_633 = tpu.memref_slice %arg2[%dma_wait3A_631, %dma_wait3A_632] : memref<20000x128xf32, #tpu.memory_space<hbm>> -> memref<20000x128xf32, #tpu.memory_space<hbm>>
      tpu.wait_indirect_dma semaphore(%arg12 : memref<!tpu.dma_semaphore, #tpu.memory_space<semaphore_mem>>) src(%dma_wait3A_633 : memref<20000x128xf32, #tpu.memory_space<hbm>>) dst(%arg9 : memref<128x128xf32, #tpu.memory_space<vmem>>)
      %dma_start3A_634 = arith.constant 11 : i32
      %dma_start3A_635 = arith.constant 0 : i32
      %dma_start3A_636 = arith.constant 0 : i32
      %dma_start3A_637 = tpu.memref_slice %arg7[%rem3A_73, %dma_start3A_635, %dma_start3A_636] : memref<2x16x128xi32, #tpu.memory_space<vmem>> -> memref<1x16x128xi32, #tpu.memory_space<vmem>>
      %dma_start3A_638 = tpu.memref_squeeze %dma_start3A_637 : memref<1x16x128xi32, #tpu.memory_space<vmem>> -> memref<16x128xi32, #tpu.memory_space<vmem>>
      %dma_start3A_639 = arith.constant 0 : i32
      %dma_start3A_640 = tpu.memref_slice %dma_start3A_638[%dma_start3A_634, %dma_start3A_639] : memref<16x128xi32, #tpu.memory_space<vmem>> -> memref<1x128xi32, #tpu.memory_space<vmem>>
      %dma_start3A_641 = tpu.memref_squeeze %dma_start3A_640 : memref<1x128xi32, #tpu.memory_space<vmem>> -> memref<128xi32, #tpu.memory_space<vmem>>
      %dma_start3A_642 = arith.constant 0 : i32
      %dma_start3A_643 = arith.constant 0 : i32
      %dma_start3A_644 = tpu.memref_slice %arg10[%dma_start3A_642, %dma_start3A_643] : memref<10064x128xf32, #tpu.memory_space<vmem_shared>> -> memref<10064x128xf32, #tpu.memory_space<vmem_shared>>
      tpu.enqueue_indirect_dma source(%arg9 : memref<128x128xf32, #tpu.memory_space<vmem>>) target(%dma_start3A_644 : memref<10064x128xf32, #tpu.memory_space<vmem_shared>>) offsets(%dma_start3A_641 : memref<128xi32, #tpu.memory_space<vmem>>) semaphore(%arg14 : memref<!tpu.dma_semaphore, #tpu.memory_space<semaphore_mem>>) {add = true}
      %dma_wait3A_645 = arith.constant 0 : i32
      %dma_wait3A_646 = arith.constant 0 : i32
      %dma_wait3A_647 = arith.constant 0 : i32
      %dma_wait3A_648 = tpu.memref_slice %arg7[%rem3A_73, %dma_wait3A_646, %dma_wait3A_647] : memref<2x16x128xi32, #tpu.memory_space<vmem>> -> memref<1x16x128xi32, #tpu.memory_space<vmem>>
      %dma_wait3A_649 = tpu.memref_squeeze %dma_wait3A_648 : memref<1x16x128xi32, #tpu.memory_space<vmem>> -> memref<16x128xi32, #tpu.memory_space<vmem>>
      %dma_wait3A_650 = arith.constant 0 : i32
      %dma_wait3A_651 = tpu.memref_slice %dma_wait3A_649[%dma_wait3A_645, %dma_wait3A_650] : memref<16x128xi32, #tpu.memory_space<vmem>> -> memref<1x128xi32, #tpu.memory_space<vmem>>
      %dma_wait3A_652 = tpu.memref_squeeze %dma_wait3A_651 : memref<1x128xi32, #tpu.memory_space<vmem>> -> memref<128xi32, #tpu.memory_space<vmem>>
      %dma_wait3A_653 = arith.constant 0 : i32
      %dma_wait3A_654 = arith.constant 0 : i32
      %dma_wait3A_655 = tpu.memref_slice %arg10[%dma_wait3A_653, %dma_wait3A_654] : memref<10064x128xf32, #tpu.memory_space<vmem_shared>> -> memref<10064x128xf32, #tpu.memory_space<vmem_shared>>
      tpu.wait_indirect_dma semaphore(%arg14 : memref<!tpu.dma_semaphore, #tpu.memory_space<semaphore_mem>>) src(%arg9 : memref<128x128xf32, #tpu.memory_space<vmem>>) dst(%dma_wait3A_655 : memref<10064x128xf32, #tpu.memory_space<vmem_shared>>)
      %dma_start3A_656 = arith.constant 13 : i32
      %dma_start3A_657 = arith.constant 0 : i32
      %dma_start3A_658 = arith.constant 0 : i32
      %dma_start3A_659 = tpu.memref_slice %arg6[%rem3A_73, %dma_start3A_657, %dma_start3A_658] : memref<2x16x128xi32, #tpu.memory_space<vmem>> -> memref<1x16x128xi32, #tpu.memory_space<vmem>>
      %dma_start3A_660 = tpu.memref_squeeze %dma_start3A_659 : memref<1x16x128xi32, #tpu.memory_space<vmem>> -> memref<16x128xi32, #tpu.memory_space<vmem>>
      %dma_start3A_661 = arith.constant 0 : i32
      %dma_start3A_662 = tpu.memref_slice %dma_start3A_660[%dma_start3A_656, %dma_start3A_661] : memref<16x128xi32, #tpu.memory_space<vmem>> -> memref<1x128xi32, #tpu.memory_space<vmem>>
      %dma_start3A_663 = tpu.memref_squeeze %dma_start3A_662 : memref<1x128xi32, #tpu.memory_space<vmem>> -> memref<128xi32, #tpu.memory_space<vmem>>
      %dma_start3A_664 = arith.constant 0 : i32
      %dma_start3A_665 = arith.constant 0 : i32
      %dma_start3A_666 = tpu.memref_slice %arg2[%dma_start3A_664, %dma_start3A_665] : memref<20000x128xf32, #tpu.memory_space<hbm>> -> memref<20000x128xf32, #tpu.memory_space<hbm>>
      tpu.enqueue_indirect_dma source(%dma_start3A_666 : memref<20000x128xf32, #tpu.memory_space<hbm>>) target(%arg9 : memref<128x128xf32, #tpu.memory_space<vmem>>) offsets(%dma_start3A_663 : memref<128xi32, #tpu.memory_space<vmem>>) semaphore(%arg12 : memref<!tpu.dma_semaphore, #tpu.memory_space<semaphore_mem>>)
      %dma_wait3A_667 = arith.constant 12 : i32
      %dma_wait3A_668 = arith.constant 0 : i32
      %dma_wait3A_669 = arith.constant 0 : i32
      %dma_wait3A_670 = tpu.memref_slice %arg6[%rem3A_73, %dma_wait3A_668, %dma_wait3A_669] : memref<2x16x128xi32, #tpu.memory_space<vmem>> -> memref<1x16x128xi32, #tpu.memory_space<vmem>>
      %dma_wait3A_671 = tpu.memref_squeeze %dma_wait3A_670 : memref<1x16x128xi32, #tpu.memory_space<vmem>> -> memref<16x128xi32, #tpu.memory_space<vmem>>
      %dma_wait3A_672 = arith.constant 0 : i32
      %dma_wait3A_673 = tpu.memref_slice %dma_wait3A_671[%dma_wait3A_667, %dma_wait3A_672] : memref<16x128xi32, #tpu.memory_space<vmem>> -> memref<1x128xi32, #tpu.memory_space<vmem>>
      %dma_wait3A_674 = tpu.memref_squeeze %dma_wait3A_673 : memref<1x128xi32, #tpu.memory_space<vmem>> -> memref<128xi32, #tpu.memory_space<vmem>>
      %dma_wait3A_675 = arith.constant 0 : i32
      %dma_wait3A_676 = arith.constant 0 : i32
      %dma_wait3A_677 = tpu.memref_slice %arg2[%dma_wait3A_675, %dma_wait3A_676] : memref<20000x128xf32, #tpu.memory_space<hbm>> -> memref<20000x128xf32, #tpu.memory_space<hbm>>
      tpu.wait_indirect_dma semaphore(%arg11 : memref<!tpu.dma_semaphore, #tpu.memory_space<semaphore_mem>>) src(%dma_wait3A_677 : memref<20000x128xf32, #tpu.memory_space<hbm>>) dst(%arg8 : memref<128x128xf32, #tpu.memory_space<vmem>>)
      %dma_start3A_678 = arith.constant 12 : i32
      %dma_start3A_679 = arith.constant 0 : i32
      %dma_start3A_680 = arith.constant 0 : i32
      %dma_start3A_681 = tpu.memref_slice %arg7[%rem3A_73, %dma_start3A_679, %dma_start3A_680] : memref<2x16x128xi32, #tpu.memory_space<vmem>> -> memref<1x16x128xi32, #tpu.memory_space<vmem>>
      %dma_start3A_682 = tpu.memref_squeeze %dma_start3A_681 : memref<1x16x128xi32, #tpu.memory_space<vmem>> -> memref<16x128xi32, #tpu.memory_space<vmem>>
      %dma_start3A_683 = arith.constant 0 : i32
      %dma_start3A_684 = tpu.memref_slice %dma_start3A_682[%dma_start3A_678, %dma_start3A_683] : memref<16x128xi32, #tpu.memory_space<vmem>> -> memref<1x128xi32, #tpu.memory_space<vmem>>
      %dma_start3A_685 = tpu.memref_squeeze %dma_start3A_684 : memref<1x128xi32, #tpu.memory_space<vmem>> -> memref<128xi32, #tpu.memory_space<vmem>>
      %dma_start3A_686 = arith.constant 0 : i32
      %dma_start3A_687 = arith.constant 0 : i32
      %dma_start3A_688 = tpu.memref_slice %arg10[%dma_start3A_686, %dma_start3A_687] : memref<10064x128xf32, #tpu.memory_space<vmem_shared>> -> memref<10064x128xf32, #tpu.memory_space<vmem_shared>>
      tpu.enqueue_indirect_dma source(%arg8 : memref<128x128xf32, #tpu.memory_space<vmem>>) target(%dma_start3A_688 : memref<10064x128xf32, #tpu.memory_space<vmem_shared>>) offsets(%dma_start3A_685 : memref<128xi32, #tpu.memory_space<vmem>>) semaphore(%arg13 : memref<!tpu.dma_semaphore, #tpu.memory_space<semaphore_mem>>) {add = true}
      %dma_wait3A_689 = arith.constant 0 : i32
      %dma_wait3A_690 = arith.constant 0 : i32
      %dma_wait3A_691 = arith.constant 0 : i32
      %dma_wait3A_692 = tpu.memref_slice %arg7[%rem3A_73, %dma_wait3A_690, %dma_wait3A_691] : memref<2x16x128xi32, #tpu.memory_space<vmem>> -> memref<1x16x128xi32, #tpu.memory_space<vmem>>
      %dma_wait3A_693 = tpu.memref_squeeze %dma_wait3A_692 : memref<1x16x128xi32, #tpu.memory_space<vmem>> -> memref<16x128xi32, #tpu.memory_space<vmem>>
      %dma_wait3A_694 = arith.constant 0 : i32
      %dma_wait3A_695 = tpu.memref_slice %dma_wait3A_693[%dma_wait3A_689, %dma_wait3A_694] : memref<16x128xi32, #tpu.memory_space<vmem>> -> memref<1x128xi32, #tpu.memory_space<vmem>>
      %dma_wait3A_696 = tpu.memref_squeeze %dma_wait3A_695 : memref<1x128xi32, #tpu.memory_space<vmem>> -> memref<128xi32, #tpu.memory_space<vmem>>
      %dma_wait3A_697 = arith.constant 0 : i32
      %dma_wait3A_698 = arith.constant 0 : i32
      %dma_wait3A_699 = tpu.memref_slice %arg10[%dma_wait3A_697, %dma_wait3A_698] : memref<10064x128xf32, #tpu.memory_space<vmem_shared>> -> memref<10064x128xf32, #tpu.memory_space<vmem_shared>>
      tpu.wait_indirect_dma semaphore(%arg13 : memref<!tpu.dma_semaphore, #tpu.memory_space<semaphore_mem>>) src(%arg8 : memref<128x128xf32, #tpu.memory_space<vmem>>) dst(%dma_wait3A_699 : memref<10064x128xf32, #tpu.memory_space<vmem_shared>>)
      %dma_start3A_700 = arith.constant 14 : i32
      %dma_start3A_701 = arith.constant 0 : i32
      %dma_start3A_702 = arith.constant 0 : i32
      %dma_start3A_703 = tpu.memref_slice %arg6[%rem3A_73, %dma_start3A_701, %dma_start3A_702] : memref<2x16x128xi32, #tpu.memory_space<vmem>> -> memref<1x16x128xi32, #tpu.memory_space<vmem>>
      %dma_start3A_704 = tpu.memref_squeeze %dma_start3A_703 : memref<1x16x128xi32, #tpu.memory_space<vmem>> -> memref<16x128xi32, #tpu.memory_space<vmem>>
      %dma_start3A_705 = arith.constant 0 : i32
      %dma_start3A_706 = tpu.memref_slice %dma_start3A_704[%dma_start3A_700, %dma_start3A_705] : memref<16x128xi32, #tpu.memory_space<vmem>> -> memref<1x128xi32, #tpu.memory_space<vmem>>
      %dma_start3A_707 = tpu.memref_squeeze %dma_start3A_706 : memref<1x128xi32, #tpu.memory_space<vmem>> -> memref<128xi32, #tpu.memory_space<vmem>>
      %dma_start3A_708 = arith.constant 0 : i32
      %dma_start3A_709 = arith.constant 0 : i32
      %dma_start3A_710 = tpu.memref_slice %arg2[%dma_start3A_708, %dma_start3A_709] : memref<20000x128xf32, #tpu.memory_space<hbm>> -> memref<20000x128xf32, #tpu.memory_space<hbm>>
      tpu.enqueue_indirect_dma source(%dma_start3A_710 : memref<20000x128xf32, #tpu.memory_space<hbm>>) target(%arg8 : memref<128x128xf32, #tpu.memory_space<vmem>>) offsets(%dma_start3A_707 : memref<128xi32, #tpu.memory_space<vmem>>) semaphore(%arg11 : memref<!tpu.dma_semaphore, #tpu.memory_space<semaphore_mem>>)
      %dma_wait3A_711 = arith.constant 13 : i32
      %dma_wait3A_712 = arith.constant 0 : i32
      %dma_wait3A_713 = arith.constant 0 : i32
      %dma_wait3A_714 = tpu.memref_slice %arg6[%rem3A_73, %dma_wait3A_712, %dma_wait3A_713] : memref<2x16x128xi32, #tpu.memory_space<vmem>> -> memref<1x16x128xi32, #tpu.memory_space<vmem>>
      %dma_wait3A_715 = tpu.memref_squeeze %dma_wait3A_714 : memref<1x16x128xi32, #tpu.memory_space<vmem>> -> memref<16x128xi32, #tpu.memory_space<vmem>>
      %dma_wait3A_716 = arith.constant 0 : i32
      %dma_wait3A_717 = tpu.memref_slice %dma_wait3A_715[%dma_wait3A_711, %dma_wait3A_716] : memref<16x128xi32, #tpu.memory_space<vmem>> -> memref<1x128xi32, #tpu.memory_space<vmem>>
      %dma_wait3A_718 = tpu.memref_squeeze %dma_wait3A_717 : memref<1x128xi32, #tpu.memory_space<vmem>> -> memref<128xi32, #tpu.memory_space<vmem>>
      %dma_wait3A_719 = arith.constant 0 : i32
      %dma_wait3A_720 = arith.constant 0 : i32
      %dma_wait3A_721 = tpu.memref_slice %arg2[%dma_wait3A_719, %dma_wait3A_720] : memref<20000x128xf32, #tpu.memory_space<hbm>> -> memref<20000x128xf32, #tpu.memory_space<hbm>>
      tpu.wait_indirect_dma semaphore(%arg12 : memref<!tpu.dma_semaphore, #tpu.memory_space<semaphore_mem>>) src(%dma_wait3A_721 : memref<20000x128xf32, #tpu.memory_space<hbm>>) dst(%arg9 : memref<128x128xf32, #tpu.memory_space<vmem>>)
      %dma_start3A_722 = arith.constant 13 : i32
      %dma_start3A_723 = arith.constant 0 : i32
      %dma_start3A_724 = arith.constant 0 : i32
      %dma_start3A_725 = tpu.memref_slice %arg7[%rem3A_73, %dma_start3A_723, %dma_start3A_724] : memref<2x16x128xi32, #tpu.memory_space<vmem>> -> memref<1x16x128xi32, #tpu.memory_space<vmem>>
      %dma_start3A_726 = tpu.memref_squeeze %dma_start3A_725 : memref<1x16x128xi32, #tpu.memory_space<vmem>> -> memref<16x128xi32, #tpu.memory_space<vmem>>
      %dma_start3A_727 = arith.constant 0 : i32
      %dma_start3A_728 = tpu.memref_slice %dma_start3A_726[%dma_start3A_722, %dma_start3A_727] : memref<16x128xi32, #tpu.memory_space<vmem>> -> memref<1x128xi32, #tpu.memory_space<vmem>>
      %dma_start3A_729 = tpu.memref_squeeze %dma_start3A_728 : memref<1x128xi32, #tpu.memory_space<vmem>> -> memref<128xi32, #tpu.memory_space<vmem>>
      %dma_start3A_730 = arith.constant 0 : i32
      %dma_start3A_731 = arith.constant 0 : i32
      %dma_start3A_732 = tpu.memref_slice %arg10[%dma_start3A_730, %dma_start3A_731] : memref<10064x128xf32, #tpu.memory_space<vmem_shared>> -> memref<10064x128xf32, #tpu.memory_space<vmem_shared>>
      tpu.enqueue_indirect_dma source(%arg9 : memref<128x128xf32, #tpu.memory_space<vmem>>) target(%dma_start3A_732 : memref<10064x128xf32, #tpu.memory_space<vmem_shared>>) offsets(%dma_start3A_729 : memref<128xi32, #tpu.memory_space<vmem>>) semaphore(%arg14 : memref<!tpu.dma_semaphore, #tpu.memory_space<semaphore_mem>>) {add = true}
      %dma_wait3A_733 = arith.constant 0 : i32
      %dma_wait3A_734 = arith.constant 0 : i32
      %dma_wait3A_735 = arith.constant 0 : i32
      %dma_wait3A_736 = tpu.memref_slice %arg7[%rem3A_73, %dma_wait3A_734, %dma_wait3A_735] : memref<2x16x128xi32, #tpu.memory_space<vmem>> -> memref<1x16x128xi32, #tpu.memory_space<vmem>>
      %dma_wait3A_737 = tpu.memref_squeeze %dma_wait3A_736 : memref<1x16x128xi32, #tpu.memory_space<vmem>> -> memref<16x128xi32, #tpu.memory_space<vmem>>
      %dma_wait3A_738 = arith.constant 0 : i32
      %dma_wait3A_739 = tpu.memref_slice %dma_wait3A_737[%dma_wait3A_733, %dma_wait3A_738] : memref<16x128xi32, #tpu.memory_space<vmem>> -> memref<1x128xi32, #tpu.memory_space<vmem>>
      %dma_wait3A_740 = tpu.memref_squeeze %dma_wait3A_739 : memref<1x128xi32, #tpu.memory_space<vmem>> -> memref<128xi32, #tpu.memory_space<vmem>>
      %dma_wait3A_741 = arith.constant 0 : i32
      %dma_wait3A_742 = arith.constant 0 : i32
      %dma_wait3A_743 = tpu.memref_slice %arg10[%dma_wait3A_741, %dma_wait3A_742] : memref<10064x128xf32, #tpu.memory_space<vmem_shared>> -> memref<10064x128xf32, #tpu.memory_space<vmem_shared>>
      tpu.wait_indirect_dma semaphore(%arg14 : memref<!tpu.dma_semaphore, #tpu.memory_space<semaphore_mem>>) src(%arg9 : memref<128x128xf32, #tpu.memory_space<vmem>>) dst(%dma_wait3A_743 : memref<10064x128xf32, #tpu.memory_space<vmem_shared>>)
      %dma_start3A_744 = arith.constant 15 : i32
      %dma_start3A_745 = arith.constant 0 : i32
      %dma_start3A_746 = arith.constant 0 : i32
      %dma_start3A_747 = tpu.memref_slice %arg6[%rem3A_73, %dma_start3A_745, %dma_start3A_746] : memref<2x16x128xi32, #tpu.memory_space<vmem>> -> memref<1x16x128xi32, #tpu.memory_space<vmem>>
      %dma_start3A_748 = tpu.memref_squeeze %dma_start3A_747 : memref<1x16x128xi32, #tpu.memory_space<vmem>> -> memref<16x128xi32, #tpu.memory_space<vmem>>
      %dma_start3A_749 = arith.constant 0 : i32
      %dma_start3A_750 = tpu.memref_slice %dma_start3A_748[%dma_start3A_744, %dma_start3A_749] : memref<16x128xi32, #tpu.memory_space<vmem>> -> memref<1x128xi32, #tpu.memory_space<vmem>>
      %dma_start3A_751 = tpu.memref_squeeze %dma_start3A_750 : memref<1x128xi32, #tpu.memory_space<vmem>> -> memref<128xi32, #tpu.memory_space<vmem>>
      %dma_start3A_752 = arith.constant 0 : i32
      %dma_start3A_753 = arith.constant 0 : i32
      %dma_start3A_754 = tpu.memref_slice %arg2[%dma_start3A_752, %dma_start3A_753] : memref<20000x128xf32, #tpu.memory_space<hbm>> -> memref<20000x128xf32, #tpu.memory_space<hbm>>
      tpu.enqueue_indirect_dma source(%dma_start3A_754 : memref<20000x128xf32, #tpu.memory_space<hbm>>) target(%arg9 : memref<128x128xf32, #tpu.memory_space<vmem>>) offsets(%dma_start3A_751 : memref<128xi32, #tpu.memory_space<vmem>>) semaphore(%arg12 : memref<!tpu.dma_semaphore, #tpu.memory_space<semaphore_mem>>)
      %dma_wait3A_755 = arith.constant 14 : i32
      %dma_wait3A_756 = arith.constant 0 : i32
      %dma_wait3A_757 = arith.constant 0 : i32
      %dma_wait3A_758 = tpu.memref_slice %arg6[%rem3A_73, %dma_wait3A_756, %dma_wait3A_757] : memref<2x16x128xi32, #tpu.memory_space<vmem>> -> memref<1x16x128xi32, #tpu.memory_space<vmem>>
      %dma_wait3A_759 = tpu.memref_squeeze %dma_wait3A_758 : memref<1x16x128xi32, #tpu.memory_space<vmem>> -> memref<16x128xi32, #tpu.memory_space<vmem>>
      %dma_wait3A_760 = arith.constant 0 : i32
      %dma_wait3A_761 = tpu.memref_slice %dma_wait3A_759[%dma_wait3A_755, %dma_wait3A_760] : memref<16x128xi32, #tpu.memory_space<vmem>> -> memref<1x128xi32, #tpu.memory_space<vmem>>
      %dma_wait3A_762 = tpu.memref_squeeze %dma_wait3A_761 : memref<1x128xi32, #tpu.memory_space<vmem>> -> memref<128xi32, #tpu.memory_space<vmem>>
      %dma_wait3A_763 = arith.constant 0 : i32
      %dma_wait3A_764 = arith.constant 0 : i32
      %dma_wait3A_765 = tpu.memref_slice %arg2[%dma_wait3A_763, %dma_wait3A_764] : memref<20000x128xf32, #tpu.memory_space<hbm>> -> memref<20000x128xf32, #tpu.memory_space<hbm>>
      tpu.wait_indirect_dma semaphore(%arg11 : memref<!tpu.dma_semaphore, #tpu.memory_space<semaphore_mem>>) src(%dma_wait3A_765 : memref<20000x128xf32, #tpu.memory_space<hbm>>) dst(%arg8 : memref<128x128xf32, #tpu.memory_space<vmem>>)
      %dma_start3A_766 = arith.constant 14 : i32
      %dma_start3A_767 = arith.constant 0 : i32
      %dma_start3A_768 = arith.constant 0 : i32
      %dma_start3A_769 = tpu.memref_slice %arg7[%rem3A_73, %dma_start3A_767, %dma_start3A_768] : memref<2x16x128xi32, #tpu.memory_space<vmem>> -> memref<1x16x128xi32, #tpu.memory_space<vmem>>
      %dma_start3A_770 = tpu.memref_squeeze %dma_start3A_769 : memref<1x16x128xi32, #tpu.memory_space<vmem>> -> memref<16x128xi32, #tpu.memory_space<vmem>>
      %dma_start3A_771 = arith.constant 0 : i32
      %dma_start3A_772 = tpu.memref_slice %dma_start3A_770[%dma_start3A_766, %dma_start3A_771] : memref<16x128xi32, #tpu.memory_space<vmem>> -> memref<1x128xi32, #tpu.memory_space<vmem>>
      %dma_start3A_773 = tpu.memref_squeeze %dma_start3A_772 : memref<1x128xi32, #tpu.memory_space<vmem>> -> memref<128xi32, #tpu.memory_space<vmem>>
      %dma_start3A_774 = arith.constant 0 : i32
      %dma_start3A_775 = arith.constant 0 : i32
      %dma_start3A_776 = tpu.memref_slice %arg10[%dma_start3A_774, %dma_start3A_775] : memref<10064x128xf32, #tpu.memory_space<vmem_shared>> -> memref<10064x128xf32, #tpu.memory_space<vmem_shared>>
      tpu.enqueue_indirect_dma source(%arg8 : memref<128x128xf32, #tpu.memory_space<vmem>>) target(%dma_start3A_776 : memref<10064x128xf32, #tpu.memory_space<vmem_shared>>) offsets(%dma_start3A_773 : memref<128xi32, #tpu.memory_space<vmem>>) semaphore(%arg13 : memref<!tpu.dma_semaphore, #tpu.memory_space<semaphore_mem>>) {add = true}
      %dma_wait3A_777 = arith.constant 15 : i32
      %dma_wait3A_778 = arith.constant 0 : i32
      %dma_wait3A_779 = arith.constant 0 : i32
      %dma_wait3A_780 = tpu.memref_slice %arg6[%rem3A_73, %dma_wait3A_778, %dma_wait3A_779] : memref<2x16x128xi32, #tpu.memory_space<vmem>> -> memref<1x16x128xi32, #tpu.memory_space<vmem>>
      %dma_wait3A_781 = tpu.memref_squeeze %dma_wait3A_780 : memref<1x16x128xi32, #tpu.memory_space<vmem>> -> memref<16x128xi32, #tpu.memory_space<vmem>>
      %dma_wait3A_782 = arith.constant 0 : i32
      %dma_wait3A_783 = tpu.memref_slice %dma_wait3A_781[%dma_wait3A_777, %dma_wait3A_782] : memref<16x128xi32, #tpu.memory_space<vmem>> -> memref<1x128xi32, #tpu.memory_space<vmem>>
      %dma_wait3A_784 = tpu.memref_squeeze %dma_wait3A_783 : memref<1x128xi32, #tpu.memory_space<vmem>> -> memref<128xi32, #tpu.memory_space<vmem>>
      %dma_wait3A_785 = arith.constant 0 : i32
      %dma_wait3A_786 = arith.constant 0 : i32
      %dma_wait3A_787 = tpu.memref_slice %arg2[%dma_wait3A_785, %dma_wait3A_786] : memref<20000x128xf32, #tpu.memory_space<hbm>> -> memref<20000x128xf32, #tpu.memory_space<hbm>>
      tpu.wait_indirect_dma semaphore(%arg12 : memref<!tpu.dma_semaphore, #tpu.memory_space<semaphore_mem>>) src(%dma_wait3A_787 : memref<20000x128xf32, #tpu.memory_space<hbm>>) dst(%arg9 : memref<128x128xf32, #tpu.memory_space<vmem>>)
      %dma_start3A_788 = arith.constant 15 : i32
      %dma_start3A_789 = arith.constant 0 : i32
      %dma_start3A_790 = arith.constant 0 : i32
      %dma_start3A_791 = tpu.memref_slice %arg7[%rem3A_73, %dma_start3A_789, %dma_start3A_790] : memref<2x16x128xi32, #tpu.memory_space<vmem>> -> memref<1x16x128xi32, #tpu.memory_space<vmem>>
      %dma_start3A_792 = tpu.memref_squeeze %dma_start3A_791 : memref<1x16x128xi32, #tpu.memory_space<vmem>> -> memref<16x128xi32, #tpu.memory_space<vmem>>
      %dma_start3A_793 = arith.constant 0 : i32
      %dma_start3A_794 = tpu.memref_slice %dma_start3A_792[%dma_start3A_788, %dma_start3A_793] : memref<16x128xi32, #tpu.memory_space<vmem>> -> memref<1x128xi32, #tpu.memory_space<vmem>>
      %dma_start3A_795 = tpu.memref_squeeze %dma_start3A_794 : memref<1x128xi32, #tpu.memory_space<vmem>> -> memref<128xi32, #tpu.memory_space<vmem>>
      %dma_start3A_796 = arith.constant 0 : i32
      %dma_start3A_797 = arith.constant 0 : i32
      %dma_start3A_798 = tpu.memref_slice %arg10[%dma_start3A_796, %dma_start3A_797] : memref<10064x128xf32, #tpu.memory_space<vmem_shared>> -> memref<10064x128xf32, #tpu.memory_space<vmem_shared>>
      tpu.enqueue_indirect_dma source(%arg9 : memref<128x128xf32, #tpu.memory_space<vmem>>) target(%dma_start3A_798 : memref<10064x128xf32, #tpu.memory_space<vmem_shared>>) offsets(%dma_start3A_795 : memref<128xi32, #tpu.memory_space<vmem>>) semaphore(%arg14 : memref<!tpu.dma_semaphore, #tpu.memory_space<semaphore_mem>>) {add = true}
    }
    %scan3A_44 = arith.constant 10 : i32
    %dma_wait3A = arith.constant 0 : i32
    %dma_wait3A_45 = arith.constant 0 : i32
    %dma_wait3A_46 = arith.constant 0 : i32
    %dma_wait3A_47 = arith.constant 0 : i32
    %dma_wait3A_48 = tpu.memref_slice %arg7[%dma_wait3A, %dma_wait3A_46, %dma_wait3A_47] : memref<2x16x128xi32, #tpu.memory_space<vmem>> -> memref<1x16x128xi32, #tpu.memory_space<vmem>>
    %dma_wait3A_49 = tpu.memref_squeeze %dma_wait3A_48 : memref<1x16x128xi32, #tpu.memory_space<vmem>> -> memref<16x128xi32, #tpu.memory_space<vmem>>
    %dma_wait3A_50 = arith.constant 0 : i32
    %dma_wait3A_51 = tpu.memref_slice %dma_wait3A_49[%dma_wait3A_45, %dma_wait3A_50] : memref<16x128xi32, #tpu.memory_space<vmem>> -> memref<1x128xi32, #tpu.memory_space<vmem>>
    %dma_wait3A_52 = tpu.memref_squeeze %dma_wait3A_51 : memref<1x128xi32, #tpu.memory_space<vmem>> -> memref<128xi32, #tpu.memory_space<vmem>>
    %dma_wait3A_53 = arith.constant 0 : i32
    %dma_wait3A_54 = arith.constant 0 : i32
    %dma_wait3A_55 = tpu.memref_slice %arg10[%dma_wait3A_53, %dma_wait3A_54] : memref<10064x128xf32, #tpu.memory_space<vmem_shared>> -> memref<10064x128xf32, #tpu.memory_space<vmem_shared>>
    tpu.wait_indirect_dma semaphore(%arg13 : memref<!tpu.dma_semaphore, #tpu.memory_space<semaphore_mem>>) src(%arg8 : memref<128x128xf32, #tpu.memory_space<vmem>>) dst(%dma_wait3A_55 : memref<10064x128xf32, #tpu.memory_space<vmem_shared>>)
    %dma_wait3A_56 = arith.constant 0 : i32
    %dma_wait3A_57 = arith.constant 0 : i32
    %dma_wait3A_58 = arith.constant 0 : i32
    %dma_wait3A_59 = arith.constant 0 : i32
    %dma_wait3A_60 = tpu.memref_slice %arg7[%dma_wait3A_56, %dma_wait3A_58, %dma_wait3A_59] : memref<2x16x128xi32, #tpu.memory_space<vmem>> -> memref<1x16x128xi32, #tpu.memory_space<vmem>>
    %dma_wait3A_61 = tpu.memref_squeeze %dma_wait3A_60 : memref<1x16x128xi32, #tpu.memory_space<vmem>> -> memref<16x128xi32, #tpu.memory_space<vmem>>
    %dma_wait3A_62 = arith.constant 0 : i32
    %dma_wait3A_63 = tpu.memref_slice %dma_wait3A_61[%dma_wait3A_57, %dma_wait3A_62] : memref<16x128xi32, #tpu.memory_space<vmem>> -> memref<1x128xi32, #tpu.memory_space<vmem>>
    %dma_wait3A_64 = tpu.memref_squeeze %dma_wait3A_63 : memref<1x128xi32, #tpu.memory_space<vmem>> -> memref<128xi32, #tpu.memory_space<vmem>>
    %dma_wait3A_65 = arith.constant 0 : i32
    %dma_wait3A_66 = arith.constant 0 : i32
    %dma_wait3A_67 = tpu.memref_slice %arg10[%dma_wait3A_65, %dma_wait3A_66] : memref<10064x128xf32, #tpu.memory_space<vmem_shared>> -> memref<10064x128xf32, #tpu.memory_space<vmem_shared>>
    tpu.wait_indirect_dma semaphore(%arg14 : memref<!tpu.dma_semaphore, #tpu.memory_space<semaphore_mem>>) src(%arg9 : memref<128x128xf32, #tpu.memory_space<vmem>>) dst(%dma_wait3A_67 : memref<10064x128xf32, #tpu.memory_space<vmem_shared>>)
    %barrier3A_68 = arith.constant 0 : index
    tpu.barrier barrier_id(%barrier3A_68)
    %mul3A_69 = arith.constant 10000 : i32
    %mul3A_70 = arith.muli %arg0, %mul3A_69 : i32
    %add3A_71 = arith.addi %mul3A_70, %select_n3A : i32
    "tpu.region"() ({
      %run_scoped3A = tpu.sem_alloc : memref<!tpu.dma_semaphore, #tpu.memory_space<semaphore_mem>>
      %dma_start3A_72 = arith.constant 0 : i32
      %dma_start3A_73 = tpu.memref_slice %arg5[%add3A_71, %dma_start3A_72] : memref<20000x128xf32, #tpu.memory_space<hbm>> -> memref<632x128xf32, #tpu.memory_space<hbm>>
      %dma_start3A_74 = arith.constant 0 : i32
      %dma_start3A_75 = tpu.memref_slice %arg10[%select_n3A, %dma_start3A_74] : memref<10064x128xf32, #tpu.memory_space<vmem_shared>> -> memref<632x128xf32, #tpu.memory_space<vmem_shared>>
      tpu.enqueue_dma source(%dma_start3A_75 : memref<632x128xf32, #tpu.memory_space<vmem_shared>>) target(%dma_start3A_73 : memref<632x128xf32, #tpu.memory_space<hbm>>) target_semaphore(%run_scoped3A : memref<!tpu.dma_semaphore, #tpu.memory_space<semaphore_mem>>)
      %dma_wait3A_76 = arith.constant 0 : i32
      %dma_wait3A_77 = tpu.memref_slice %arg5[%add3A_71, %dma_wait3A_76] : memref<20000x128xf32, #tpu.memory_space<hbm>> -> memref<632x128xf32, #tpu.memory_space<hbm>>
      %dma_wait3A_78 = arith.constant 0 : i32
      %dma_wait3A_79 = tpu.memref_slice %arg10[%select_n3A, %dma_wait3A_78] : memref<10064x128xf32, #tpu.memory_space<vmem_shared>> -> memref<632x128xf32, #tpu.memory_space<vmem_shared>>
      tpu.wait_dma2 semaphore(%run_scoped3A : memref<!tpu.dma_semaphore, #tpu.memory_space<semaphore_mem>>) src(%dma_wait3A_79 : memref<632x128xf32, #tpu.memory_space<vmem_shared>>) dst(%dma_wait3A_77 : memref<632x128xf32, #tpu.memory_space<hbm>>)
      tpu.yield
    }) : () -> ()
    return
  }
}

#map = affine_map<(d0, d1) -> (0, 0)>
module attributes {stable_mosaic.version = 14 : i64} {
  func.func @k(%arg0: i32, %arg1: i32, %arg2: memref<20000x128xf32, #tpu.memory_space<hbm>>, %arg3: memref<5120x128xi32, #tpu.memory_space<hbm>>, %arg4: memref<2560x128xi32, #tpu.memory_space<hbm>>, %arg5: memref<20000x128xf32, #tpu.memory_space<hbm>>, %arg6: memref<2x16x128xi32, #tpu.memory_space<vmem>>, %arg7: memref<2x16x128xi32, #tpu.memory_space<vmem>>, %arg8: memref<128x128xf32, #tpu.memory_space<vmem>>, %arg9: memref<128x128xf32, #tpu.memory_space<vmem>>, %arg10: memref<10064x128xf32, #tpu.memory_space<vmem_shared>>, %arg11: memref<!tpu.dma_semaphore, #tpu.memory_space<semaphore_mem>>, %arg12: memref<!tpu.dma_semaphore, #tpu.memory_space<semaphore_mem>>, %arg13: memref<!tpu.dma_semaphore, #tpu.memory_space<semaphore_mem>>, %arg14: memref<!tpu.dma_semaphore, #tpu.memory_space<semaphore_mem>>, %arg15: memref<!tpu.dma_semaphore, #tpu.memory_space<semaphore_mem>>, %arg16: memref<!tpu.dma_semaphore, #tpu.memory_space<semaphore_mem>>) attributes {dimension_semantics = [#tpu.dimension_semantics<core_parallel>, #tpu.dimension_semantics<subcore_parallel>], iteration_bounds = array<i64: 2, 16>, scalar_prefetch = 0 : i64, scratch_operands = 11 : i64, tpu.core_type = #tpu.core_type<sc_vector_subcore>, window_params = [{transform_indices = #map}, {transform_indices = #map}, {transform_indices = #map}, {transform_indices = #map}]} {
    %eq3A = arith.constant 15 : i32
    %eq3A_0 = arith.cmpi eq, %arg1, %eq3A : i32
    %mul3A = arith.constant 632 : i32
    %mul3A_1 = arith.muli %arg1, %mul3A : i32
    %jit3A = arith.constant 9368 : i32
    %select_n3A = arith.select %eq3A_0, %jit3A, %mul3A_1 : i32
    %mul3A_2 = arith.constant 10000 : i32
    %mul3A_3 = arith.muli %arg0, %mul3A_2 : i32
    %add3A = arith.addi %mul3A_3, %select_n3A : i32
    "tpu.region"() ({
      %run_scoped3A = tpu.sem_alloc : memref<!tpu.dma_semaphore, #tpu.memory_space<semaphore_mem>>
      %dma_start3A_72 = arith.constant 0 : i32
      %dma_start3A_73 = tpu.memref_slice %arg10[%select_n3A, %dma_start3A_72] : memref<10064x128xf32, #tpu.memory_space<vmem_shared>> -> memref<632x128xf32, #tpu.memory_space<vmem_shared>>
      %dma_start3A_74 = arith.constant 0 : i32
      %dma_start3A_75 = tpu.memref_slice %arg2[%add3A, %dma_start3A_74] : memref<20000x128xf32, #tpu.memory_space<hbm>> -> memref<632x128xf32, #tpu.memory_space<hbm>>
      tpu.enqueue_dma source(%dma_start3A_75 : memref<632x128xf32, #tpu.memory_space<hbm>>) target(%dma_start3A_73 : memref<632x128xf32, #tpu.memory_space<vmem_shared>>) target_semaphore(%run_scoped3A : memref<!tpu.dma_semaphore, #tpu.memory_space<semaphore_mem>>)
      %dma_wait3A_76 = arith.constant 0 : i32
      %dma_wait3A_77 = tpu.memref_slice %arg10[%select_n3A, %dma_wait3A_76] : memref<10064x128xf32, #tpu.memory_space<vmem_shared>> -> memref<632x128xf32, #tpu.memory_space<vmem_shared>>
      %dma_wait3A_78 = arith.constant 0 : i32
      %dma_wait3A_79 = tpu.memref_slice %arg2[%add3A, %dma_wait3A_78] : memref<20000x128xf32, #tpu.memory_space<hbm>> -> memref<632x128xf32, #tpu.memory_space<hbm>>
      tpu.wait_dma2 semaphore(%run_scoped3A : memref<!tpu.dma_semaphore, #tpu.memory_space<semaphore_mem>>) src(%dma_wait3A_79 : memref<632x128xf32, #tpu.memory_space<hbm>>) dst(%dma_wait3A_77 : memref<632x128xf32, #tpu.memory_space<vmem_shared>>)
      tpu.yield
    }) : () -> ()
    %barrier3A = arith.constant 0 : index
    tpu.barrier barrier_id(%barrier3A)
    %mul3A_4 = arith.constant 2560 : i32
    %mul3A_5 = arith.muli %arg0, %mul3A_4 : i32
    %mul3A_6 = arith.constant 160 : i32
    %mul3A_7 = arith.muli %arg1, %mul3A_6 : i32
    %add3A_8 = arith.addi %mul3A_5, %mul3A_7 : i32
    %mul3A_9 = arith.constant 160 : i32
    %mul3A_10 = arith.muli %arg1, %mul3A_9 : i32
    %add3A_11 = arith.constant 0 : i32
    %add3A_12 = arith.addi %add3A_8, %add3A_11 : i32
    %dma_start3A = arith.constant 0 : i32
    %dma_start3A_13 = arith.constant 0 : i32
    %dma_start3A_14 = arith.constant 0 : i32
    %dma_start3A_15 = tpu.memref_slice %arg6[%dma_start3A, %dma_start3A_13, %dma_start3A_14] : memref<2x16x128xi32, #tpu.memory_space<vmem>> -> memref<1x16x128xi32, #tpu.memory_space<vmem>>
    %dma_start3A_16 = tpu.memref_squeeze %dma_start3A_15 : memref<1x16x128xi32, #tpu.memory_space<vmem>> -> memref<16x128xi32, #tpu.memory_space<vmem>>
    %dma_start3A_17 = arith.constant 0 : i32
    %dma_start3A_18 = tpu.memref_slice %arg3[%add3A_12, %dma_start3A_17] : memref<5120x128xi32, #tpu.memory_space<hbm>> -> memref<16x128xi32, #tpu.memory_space<hbm>>
    %dma_start3A_19 = arith.constant 0 : i32
    %dma_start3A_20 = arith.constant 0 : i32
    %dma_start3A_21 = tpu.memref_slice %arg6[%dma_start3A, %dma_start3A_19, %dma_start3A_20] : memref<2x16x128xi32, #tpu.memory_space<vmem>> -> memref<1x16x128xi32, #tpu.memory_space<vmem>>
    %dma_start3A_22 = tpu.memref_squeeze %dma_start3A_21 : memref<1x16x128xi32, #tpu.memory_space<vmem>> -> memref<16x128xi32, #tpu.memory_space<vmem>>
    %dma_start3A_23 = arith.constant 0 : i32
    %dma_start3A_24 = tpu.memref_slice %arg3[%add3A_12, %dma_start3A_23] : memref<5120x128xi32, #tpu.memory_space<hbm>> -> memref<16x128xi32, #tpu.memory_space<hbm>>
    tpu.enqueue_dma source(%dma_start3A_24 : memref<16x128xi32, #tpu.memory_space<hbm>>) target(%dma_start3A_22 : memref<16x128xi32, #tpu.memory_space<vmem>>) target_semaphore(%arg15 : memref<!tpu.dma_semaphore, #tpu.memory_space<semaphore_mem>>)
    %add3A_25 = arith.constant 0 : i32
    %add3A_26 = arith.addi %mul3A_10, %add3A_25 : i32
    %dma_start3A_27 = arith.constant 0 : i32
    %dma_start3A_28 = arith.constant 0 : i32
    %dma_start3A_29 = arith.constant 0 : i32
    %dma_start3A_30 = tpu.memref_slice %arg7[%dma_start3A_27, %dma_start3A_28, %dma_start3A_29] : memref<2x16x128xi32, #tpu.memory_space<vmem>> -> memref<1x16x128xi32, #tpu.memory_space<vmem>>
    %dma_start3A_31 = tpu.memref_squeeze %dma_start3A_30 : memref<1x16x128xi32, #tpu.memory_space<vmem>> -> memref<16x128xi32, #tpu.memory_space<vmem>>
    %dma_start3A_32 = arith.constant 0 : i32
    %dma_start3A_33 = tpu.memref_slice %arg4[%add3A_26, %dma_start3A_32] : memref<2560x128xi32, #tpu.memory_space<hbm>> -> memref<16x128xi32, #tpu.memory_space<hbm>>
    %dma_start3A_34 = arith.constant 0 : i32
    %dma_start3A_35 = arith.constant 0 : i32
    %dma_start3A_36 = tpu.memref_slice %arg7[%dma_start3A_27, %dma_start3A_34, %dma_start3A_35] : memref<2x16x128xi32, #tpu.memory_space<vmem>> -> memref<1x16x128xi32, #tpu.memory_space<vmem>>
    %dma_start3A_37 = tpu.memref_squeeze %dma_start3A_36 : memref<1x16x128xi32, #tpu.memory_space<vmem>> -> memref<16x128xi32, #tpu.memory_space<vmem>>
    %dma_start3A_38 = arith.constant 0 : i32
    %dma_start3A_39 = tpu.memref_slice %arg4[%add3A_26, %dma_start3A_38] : memref<2560x128xi32, #tpu.memory_space<hbm>> -> memref<16x128xi32, #tpu.memory_space<hbm>>
    tpu.enqueue_dma source(%dma_start3A_39 : memref<16x128xi32, #tpu.memory_space<hbm>>) target(%dma_start3A_37 : memref<16x128xi32, #tpu.memory_space<vmem>>) target_semaphore(%arg16 : memref<!tpu.dma_semaphore, #tpu.memory_space<semaphore_mem>>)
    %scan3A = arith.constant 0 : i32
    %scan3A_40 = arith.constant 0 : i32
    %scan3A_41 = arith.constant 10 : i32
    %scan3A_42 = arith.addi %scan3A_40, %scan3A_41 : i32
    %scan3A_43 = arith.constant 1 : i32
    scf.for %scan3A_72 = %scan3A_40 to %scan3A_42 step %scan3A_43  : i32 {
      %rem3A = arith.constant 2 : i32
      %rem3A_73 = arith.remsi %scan3A_72, %rem3A : i32
      %mul3A_74 = arith.constant 16 : i32
      %mul3A_75 = arith.muli %scan3A_72, %mul3A_74 : i32
      %add3A_76 = arith.addi %add3A_8, %mul3A_75 : i32
      %dma_wait3A_77 = arith.constant 0 : i32
      %dma_wait3A_78 = arith.constant 0 : i32
      %dma_wait3A_79 = tpu.memref_slice %arg6[%rem3A_73, %dma_wait3A_77, %dma_wait3A_78] : memref<2x16x128xi32, #tpu.memory_space<vmem>> -> memref<1x16x128xi32, #tpu.memory_space<vmem>>
      %dma_wait3A_80 = tpu.memref_squeeze %dma_wait3A_79 : memref<1x16x128xi32, #tpu.memory_space<vmem>> -> memref<16x128xi32, #tpu.memory_space<vmem>>
      %dma_wait3A_81 = arith.constant 0 : i32
      %dma_wait3A_82 = tpu.memref_slice %arg3[%add3A_76, %dma_wait3A_81] : memref<5120x128xi32, #tpu.memory_space<hbm>> -> memref<16x128xi32, #tpu.memory_space<hbm>>
      %dma_wait3A_83 = arith.constant 0 : i32
      %dma_wait3A_84 = arith.constant 0 : i32
      %dma_wait3A_85 = tpu.memref_slice %arg6[%rem3A_73, %dma_wait3A_83, %dma_wait3A_84] : memref<2x16x128xi32, #tpu.memory_space<vmem>> -> memref<1x16x128xi32, #tpu.memory_space<vmem>>
      %dma_wait3A_86 = tpu.memref_squeeze %dma_wait3A_85 : memref<1x16x128xi32, #tpu.memory_space<vmem>> -> memref<16x128xi32, #tpu.memory_space<vmem>>
      %dma_wait3A_87 = arith.constant 0 : i32
      %dma_wait3A_88 = tpu.memref_slice %arg3[%add3A_76, %dma_wait3A_87] : memref<5120x128xi32, #tpu.memory_space<hbm>> -> memref<16x128xi32, #tpu.memory_space<hbm>>
      tpu.wait_dma2 semaphore(%arg15 : memref<!tpu.dma_semaphore, #tpu.memory_space<semaphore_mem>>) src(%dma_wait3A_88 : memref<16x128xi32, #tpu.memory_space<hbm>>) dst(%dma_wait3A_86 : memref<16x128xi32, #tpu.memory_space<vmem>>)
      %mul3A_89 = arith.constant 16 : i32
      %mul3A_90 = arith.muli %scan3A_72, %mul3A_89 : i32
      %add3A_91 = arith.addi %mul3A_10, %mul3A_90 : i32
      %dma_wait3A_92 = arith.constant 0 : i32
      %dma_wait3A_93 = arith.constant 0 : i32
      %dma_wait3A_94 = tpu.memref_slice %arg7[%rem3A_73, %dma_wait3A_92, %dma_wait3A_93] : memref<2x16x128xi32, #tpu.memory_space<vmem>> -> memref<1x16x128xi32, #tpu.memory_space<vmem>>
      %dma_wait3A_95 = tpu.memref_squeeze %dma_wait3A_94 : memref<1x16x128xi32, #tpu.memory_space<vmem>> -> memref<16x128xi32, #tpu.memory_space<vmem>>
      %dma_wait3A_96 = arith.constant 0 : i32
      %dma_wait3A_97 = tpu.memref_slice %arg4[%add3A_91, %dma_wait3A_96] : memref<2560x128xi32, #tpu.memory_space<hbm>> -> memref<16x128xi32, #tpu.memory_space<hbm>>
      %dma_wait3A_98 = arith.constant 0 : i32
      %dma_wait3A_99 = arith.constant 0 : i32
      %dma_wait3A_100 = tpu.memref_slice %arg7[%rem3A_73, %dma_wait3A_98, %dma_wait3A_99] : memref<2x16x128xi32, #tpu.memory_space<vmem>> -> memref<1x16x128xi32, #tpu.memory_space<vmem>>
      %dma_wait3A_101 = tpu.memref_squeeze %dma_wait3A_100 : memref<1x16x128xi32, #tpu.memory_space<vmem>> -> memref<16x128xi32, #tpu.memory_space<vmem>>
      %dma_wait3A_102 = arith.constant 0 : i32
      %dma_wait3A_103 = tpu.memref_slice %arg4[%add3A_91, %dma_wait3A_102] : memref<2560x128xi32, #tpu.memory_space<hbm>> -> memref<16x128xi32, #tpu.memory_space<hbm>>
      tpu.wait_dma2 semaphore(%arg16 : memref<!tpu.dma_semaphore, #tpu.memory_space<semaphore_mem>>) src(%dma_wait3A_103 : memref<16x128xi32, #tpu.memory_space<hbm>>) dst(%dma_wait3A_101 : memref<16x128xi32, #tpu.memory_space<vmem>>)
      %gt3A = arith.constant 0 : i32
      %gt3A_104 = arith.cmpi sgt, %scan3A_72, %gt3A : i32
      %convert_element_type3A = arith.extui %gt3A_104 : i1 to i32
      %cond3A = arith.constant 0 : i32
      %cond3A_105 = arith.cmpi ne, %convert_element_type3A, %cond3A : i32
      scf.if %cond3A_105 {
        %dma_wait3A_799 = arith.constant 0 : i32
        %dma_wait3A_800 = arith.constant 0 : i32
        %dma_wait3A_801 = arith.constant 0 : i32
        %dma_wait3A_802 = tpu.memref_slice %arg7[%rem3A_73, %dma_wait3A_800, %dma_wait3A_801] : memref<2x16x128xi32, #tpu.memory_space<vmem>> -> memref<1x16x128xi32, #tpu.memory_space<vmem>>
        %dma_wait3A_803 = tpu.memref_squeeze %dma_wait3A_802 : memref<1x16x128xi32, #tpu.memory_space<vmem>> -> memref<16x128xi32, #tpu.memory_space<vmem>>
        %dma_wait3A_804 = arith.constant 0 : i32
        %dma_wait3A_805 = tpu.memref_slice %dma_wait3A_803[%dma_wait3A_799, %dma_wait3A_804] : memref<16x128xi32, #tpu.memory_space<vmem>> -> memref<1x128xi32, #tpu.memory_space<vmem>>
        %dma_wait3A_806 = tpu.memref_squeeze %dma_wait3A_805 : memref<1x128xi32, #tpu.memory_space<vmem>> -> memref<128xi32, #tpu.memory_space<vmem>>
        %dma_wait3A_807 = arith.constant 0 : i32
        %dma_wait3A_808 = arith.constant 0 : i32
        %dma_wait3A_809 = tpu.memref_slice %arg10[%dma_wait3A_807, %dma_wait3A_808] : memref<10064x128xf32, #tpu.memory_space<vmem_shared>> -> memref<10064x128xf32, #tpu.memory_space<vmem_shared>>
        tpu.wait_indirect_dma semaphore(%arg13 : memref<!tpu.dma_semaphore, #tpu.memory_space<semaphore_mem>>) src(%arg8 : memref<128x128xf32, #tpu.memory_space<vmem>>) dst(%dma_wait3A_809 : memref<10064x128xf32, #tpu.memory_space<vmem_shared>>)
      } else {
      }
      %dma_start3A_106 = arith.constant 0 : i32
      %dma_start3A_107 = arith.constant 0 : i32
      %dma_start3A_108 = arith.constant 0 : i32
      %dma_start3A_109 = tpu.memref_slice %arg6[%rem3A_73, %dma_start3A_107, %dma_start3A_108] : memref<2x16x128xi32, #tpu.memory_space<vmem>> -> memref<1x16x128xi32, #tpu.memory_space<vmem>>
      %dma_start3A_110 = tpu.memref_squeeze %dma_start3A_109 : memref<1x16x128xi32, #tpu.memory_space<vmem>> -> memref<16x128xi32, #tpu.memory_space<vmem>>
      %dma_start3A_111 = arith.constant 0 : i32
      %dma_start3A_112 = tpu.memref_slice %dma_start3A_110[%dma_start3A_106, %dma_start3A_111] : memref<16x128xi32, #tpu.memory_space<vmem>> -> memref<1x128xi32, #tpu.memory_space<vmem>>
      %dma_start3A_113 = tpu.memref_squeeze %dma_start3A_112 : memref<1x128xi32, #tpu.memory_space<vmem>> -> memref<128xi32, #tpu.memory_space<vmem>>
      %dma_start3A_114 = arith.constant 0 : i32
      %dma_start3A_115 = arith.constant 0 : i32
      %dma_start3A_116 = tpu.memref_slice %arg2[%dma_start3A_114, %dma_start3A_115] : memref<20000x128xf32, #tpu.memory_space<hbm>> -> memref<20000x128xf32, #tpu.memory_space<hbm>>
      tpu.enqueue_indirect_dma source(%dma_start3A_116 : memref<20000x128xf32, #tpu.memory_space<hbm>>) target(%arg8 : memref<128x128xf32, #tpu.memory_space<vmem>>) offsets(%dma_start3A_113 : memref<128xi32, #tpu.memory_space<vmem>>) semaphore(%arg11 : memref<!tpu.dma_semaphore, #tpu.memory_space<semaphore_mem>>)
      %gt3A_117 = arith.constant 0 : i32
      %gt3A_118 = arith.cmpi sgt, %scan3A_72, %gt3A_117 : i32
      %convert_element_type3A_119 = arith.extui %gt3A_118 : i1 to i32
      %cond3A_120 = arith.constant 0 : i32
      %cond3A_121 = arith.cmpi ne, %convert_element_type3A_119, %cond3A_120 : i32
      scf.if %cond3A_121 {
        %dma_wait3A_799 = arith.constant 0 : i32
        %dma_wait3A_800 = arith.constant 0 : i32
        %dma_wait3A_801 = arith.constant 0 : i32
        %dma_wait3A_802 = tpu.memref_slice %arg7[%rem3A_73, %dma_wait3A_800, %dma_wait3A_801] : memref<2x16x128xi32, #tpu.memory_space<vmem>> -> memref<1x16x128xi32, #tpu.memory_space<vmem>>
        %dma_wait3A_803 = tpu.memref_squeeze %dma_wait3A_802 : memref<1x16x128xi32, #tpu.memory_space<vmem>> -> memref<16x128xi32, #tpu.memory_space<vmem>>
        %dma_wait3A_804 = arith.constant 0 : i32
        %dma_wait3A_805 = tpu.memref_slice %dma_wait3A_803[%dma_wait3A_799, %dma_wait3A_804] : memref<16x128xi32, #tpu.memory_space<vmem>> -> memref<1x128xi32, #tpu.memory_space<vmem>>
        %dma_wait3A_806 = tpu.memref_squeeze %dma_wait3A_805 : memref<1x128xi32, #tpu.memory_space<vmem>> -> memref<128xi32, #tpu.memory_space<vmem>>
        %dma_wait3A_807 = arith.constant 0 : i32
        %dma_wait3A_808 = arith.constant 0 : i32
        %dma_wait3A_809 = tpu.memref_slice %arg10[%dma_wait3A_807, %dma_wait3A_808] : memref<10064x128xf32, #tpu.memory_space<vmem_shared>> -> memref<10064x128xf32, #tpu.memory_space<vmem_shared>>
        tpu.wait_indirect_dma semaphore(%arg14 : memref<!tpu.dma_semaphore, #tpu.memory_space<semaphore_mem>>) src(%arg9 : memref<128x128xf32, #tpu.memory_space<vmem>>) dst(%dma_wait3A_809 : memref<10064x128xf32, #tpu.memory_space<vmem_shared>>)
      } else {
      }
      %add3A_122 = arith.constant 1 : i32
      %add3A_123 = arith.addi %scan3A_72, %add3A_122 : i32
      %lt3A = arith.constant 10 : i32
      %lt3A_124 = arith.cmpi slt, %add3A_123, %lt3A : i32
      %convert_element_type3A_125 = arith.extui %lt3A_124 : i1 to i32
      %cond3A_126 = arith.constant 0 : i32
      %cond3A_127 = arith.cmpi ne, %convert_element_type3A_125, %cond3A_126 : i32
      scf.if %cond3A_127 {
        %add3A_799 = arith.constant 1 : i32
        %add3A_800 = arith.addi %scan3A_72, %add3A_799 : i32
        %sub3A = arith.constant 1 : i32
        %sub3A_801 = arith.subi %sub3A, %rem3A_73 : i32
        %mul3A_802 = arith.constant 16 : i32
        %mul3A_803 = arith.muli %add3A_800, %mul3A_802 : i32
        %add3A_804 = arith.addi %add3A_8, %mul3A_803 : i32
        %dma_start3A_805 = arith.constant 0 : i32
        %dma_start3A_806 = arith.constant 0 : i32
        %dma_start3A_807 = tpu.memref_slice %arg6[%sub3A_801, %dma_start3A_805, %dma_start3A_806] : memref<2x16x128xi32, #tpu.memory_space<vmem>> -> memref<1x16x128xi32, #tpu.memory_space<vmem>>
        %dma_start3A_808 = tpu.memref_squeeze %dma_start3A_807 : memref<1x16x128xi32, #tpu.memory_space<vmem>> -> memref<16x128xi32, #tpu.memory_space<vmem>>
        %dma_start3A_809 = arith.constant 0 : i32
        %dma_start3A_810 = tpu.memref_slice %arg3[%add3A_804, %dma_start3A_809] : memref<5120x128xi32, #tpu.memory_space<hbm>> -> memref<16x128xi32, #tpu.memory_space<hbm>>
        %dma_start3A_811 = arith.constant 0 : i32
        %dma_start3A_812 = arith.constant 0 : i32
        %dma_start3A_813 = tpu.memref_slice %arg6[%sub3A_801, %dma_start3A_811, %dma_start3A_812] : memref<2x16x128xi32, #tpu.memory_space<vmem>> -> memref<1x16x128xi32, #tpu.memory_space<vmem>>
        %dma_start3A_814 = tpu.memref_squeeze %dma_start3A_813 : memref<1x16x128xi32, #tpu.memory_space<vmem>> -> memref<16x128xi32, #tpu.memory_space<vmem>>
        %dma_start3A_815 = arith.constant 0 : i32
        %dma_start3A_816 = tpu.memref_slice %arg3[%add3A_804, %dma_start3A_815] : memref<5120x128xi32, #tpu.memory_space<hbm>> -> memref<16x128xi32, #tpu.memory_space<hbm>>
        tpu.enqueue_dma source(%dma_start3A_816 : memref<16x128xi32, #tpu.memory_space<hbm>>) target(%dma_start3A_814 : memref<16x128xi32, #tpu.memory_space<vmem>>) target_semaphore(%arg15 : memref<!tpu.dma_semaphore, #tpu.memory_space<semaphore_mem>>)
        %mul3A_817 = arith.constant 16 : i32
        %mul3A_818 = arith.muli %add3A_800, %mul3A_817 : i32
        %add3A_819 = arith.addi %mul3A_10, %mul3A_818 : i32
        %dma_start3A_820 = arith.constant 0 : i32
        %dma_start3A_821 = arith.constant 0 : i32
        %dma_start3A_822 = tpu.memref_slice %arg7[%sub3A_801, %dma_start3A_820, %dma_start3A_821] : memref<2x16x128xi32, #tpu.memory_space<vmem>> -> memref<1x16x128xi32, #tpu.memory_space<vmem>>
        %dma_start3A_823 = tpu.memref_squeeze %dma_start3A_822 : memref<1x16x128xi32, #tpu.memory_space<vmem>> -> memref<16x128xi32, #tpu.memory_space<vmem>>
        %dma_start3A_824 = arith.constant 0 : i32
        %dma_start3A_825 = tpu.memref_slice %arg4[%add3A_819, %dma_start3A_824] : memref<2560x128xi32, #tpu.memory_space<hbm>> -> memref<16x128xi32, #tpu.memory_space<hbm>>
        %dma_start3A_826 = arith.constant 0 : i32
        %dma_start3A_827 = arith.constant 0 : i32
        %dma_start3A_828 = tpu.memref_slice %arg7[%sub3A_801, %dma_start3A_826, %dma_start3A_827] : memref<2x16x128xi32, #tpu.memory_space<vmem>> -> memref<1x16x128xi32, #tpu.memory_space<vmem>>
        %dma_start3A_829 = tpu.memref_squeeze %dma_start3A_828 : memref<1x16x128xi32, #tpu.memory_space<vmem>> -> memref<16x128xi32, #tpu.memory_space<vmem>>
        %dma_start3A_830 = arith.constant 0 : i32
        %dma_start3A_831 = tpu.memref_slice %arg4[%add3A_819, %dma_start3A_830] : memref<2560x128xi32, #tpu.memory_space<hbm>> -> memref<16x128xi32, #tpu.memory_space<hbm>>
        tpu.enqueue_dma source(%dma_start3A_831 : memref<16x128xi32, #tpu.memory_space<hbm>>) target(%dma_start3A_829 : memref<16x128xi32, #tpu.memory_space<vmem>>) target_semaphore(%arg16 : memref<!tpu.dma_semaphore, #tpu.memory_space<semaphore_mem>>)
      } else {
      }
      %dma_start3A_128 = arith.constant 1 : i32
      %dma_start3A_129 = arith.constant 0 : i32
      %dma_start3A_130 = arith.constant 0 : i32
      %dma_start3A_131 = tpu.memref_slice %arg6[%rem3A_73, %dma_start3A_129, %dma_start3A_130] : memref<2x16x128xi32, #tpu.memory_space<vmem>> -> memref<1x16x128xi32, #tpu.memory_space<vmem>>
      %dma_start3A_132 = tpu.memref_squeeze %dma_start3A_131 : memref<1x16x128xi32, #tpu.memory_space<vmem>> -> memref<16x128xi32, #tpu.memory_space<vmem>>
      %dma_start3A_133 = arith.constant 0 : i32
      %dma_start3A_134 = tpu.memref_slice %dma_start3A_132[%dma_start3A_128, %dma_start3A_133] : memref<16x128xi32, #tpu.memory_space<vmem>> -> memref<1x128xi32, #tpu.memory_space<vmem>>
      %dma_start3A_135 = tpu.memref_squeeze %dma_start3A_134 : memref<1x128xi32, #tpu.memory_space<vmem>> -> memref<128xi32, #tpu.memory_space<vmem>>
      %dma_start3A_136 = arith.constant 0 : i32
      %dma_start3A_137 = arith.constant 0 : i32
      %dma_start3A_138 = tpu.memref_slice %arg2[%dma_start3A_136, %dma_start3A_137] : memref<20000x128xf32, #tpu.memory_space<hbm>> -> memref<20000x128xf32, #tpu.memory_space<hbm>>
      tpu.enqueue_indirect_dma source(%dma_start3A_138 : memref<20000x128xf32, #tpu.memory_space<hbm>>) target(%arg9 : memref<128x128xf32, #tpu.memory_space<vmem>>) offsets(%dma_start3A_135 : memref<128xi32, #tpu.memory_space<vmem>>) semaphore(%arg12 : memref<!tpu.dma_semaphore, #tpu.memory_space<semaphore_mem>>)
      %dma_wait3A_139 = arith.constant 0 : i32
      %dma_wait3A_140 = arith.constant 0 : i32
      %dma_wait3A_141 = arith.constant 0 : i32
      %dma_wait3A_142 = tpu.memref_slice %arg6[%rem3A_73, %dma_wait3A_140, %dma_wait3A_141] : memref<2x16x128xi32, #tpu.memory_space<vmem>> -> memref<1x16x128xi32, #tpu.memory_space<vmem>>
      %dma_wait3A_143 = tpu.memref_squeeze %dma_wait3A_142 : memref<1x16x128xi32, #tpu.memory_space<vmem>> -> memref<16x128xi32, #tpu.memory_space<vmem>>
      %dma_wait3A_144 = arith.constant 0 : i32
      %dma_wait3A_145 = tpu.memref_slice %dma_wait3A_143[%dma_wait3A_139, %dma_wait3A_144] : memref<16x128xi32, #tpu.memory_space<vmem>> -> memref<1x128xi32, #tpu.memory_space<vmem>>
      %dma_wait3A_146 = tpu.memref_squeeze %dma_wait3A_145 : memref<1x128xi32, #tpu.memory_space<vmem>> -> memref<128xi32, #tpu.memory_space<vmem>>
      %dma_wait3A_147 = arith.constant 0 : i32
      %dma_wait3A_148 = arith.constant 0 : i32
      %dma_wait3A_149 = tpu.memref_slice %arg2[%dma_wait3A_147, %dma_wait3A_148] : memref<20000x128xf32, #tpu.memory_space<hbm>> -> memref<20000x128xf32, #tpu.memory_space<hbm>>
      tpu.wait_indirect_dma semaphore(%arg11 : memref<!tpu.dma_semaphore, #tpu.memory_space<semaphore_mem>>) src(%dma_wait3A_149 : memref<20000x128xf32, #tpu.memory_space<hbm>>) dst(%arg8 : memref<128x128xf32, #tpu.memory_space<vmem>>)
      %dma_start3A_150 = arith.constant 0 : i32
      %dma_start3A_151 = arith.constant 0 : i32
      %dma_start3A_152 = arith.constant 0 : i32
      %dma_start3A_153 = tpu.memref_slice %arg7[%rem3A_73, %dma_start3A_151, %dma_start3A_152] : memref<2x16x128xi32, #tpu.memory_space<vmem>> -> memref<1x16x128xi32, #tpu.memory_space<vmem>>
      %dma_start3A_154 = tpu.memref_squeeze %dma_start3A_153 : memref<1x16x128xi32, #tpu.memory_space<vmem>> -> memref<16x128xi32, #tpu.memory_space<vmem>>
      %dma_start3A_155 = arith.constant 0 : i32
      %dma_start3A_156 = tpu.memref_slice %dma_start3A_154[%dma_start3A_150, %dma_start3A_155] : memref<16x128xi32, #tpu.memory_space<vmem>> -> memref<1x128xi32, #tpu.memory_space<vmem>>
      %dma_start3A_157 = tpu.memref_squeeze %dma_start3A_156 : memref<1x128xi32, #tpu.memory_space<vmem>> -> memref<128xi32, #tpu.memory_space<vmem>>
      %dma_start3A_158 = arith.constant 0 : i32
      %dma_start3A_159 = arith.constant 0 : i32
      %dma_start3A_160 = tpu.memref_slice %arg10[%dma_start3A_158, %dma_start3A_159] : memref<10064x128xf32, #tpu.memory_space<vmem_shared>> -> memref<10064x128xf32, #tpu.memory_space<vmem_shared>>
      tpu.enqueue_indirect_dma source(%arg8 : memref<128x128xf32, #tpu.memory_space<vmem>>) target(%dma_start3A_160 : memref<10064x128xf32, #tpu.memory_space<vmem_shared>>) offsets(%dma_start3A_157 : memref<128xi32, #tpu.memory_space<vmem>>) semaphore(%arg13 : memref<!tpu.dma_semaphore, #tpu.memory_space<semaphore_mem>>) {add = true}
      %dma_wait3A_161 = arith.constant 0 : i32
      %dma_wait3A_162 = arith.constant 0 : i32
      %dma_wait3A_163 = arith.constant 0 : i32
      %dma_wait3A_164 = tpu.memref_slice %arg7[%rem3A_73, %dma_wait3A_162, %dma_wait3A_163] : memref<2x16x128xi32, #tpu.memory_space<vmem>> -> memref<1x16x128xi32, #tpu.memory_space<vmem>>
      %dma_wait3A_165 = tpu.memref_squeeze %dma_wait3A_164 : memref<1x16x128xi32, #tpu.memory_space<vmem>> -> memref<16x128xi32, #tpu.memory_space<vmem>>
      %dma_wait3A_166 = arith.constant 0 : i32
      %dma_wait3A_167 = tpu.memref_slice %dma_wait3A_165[%dma_wait3A_161, %dma_wait3A_166] : memref<16x128xi32, #tpu.memory_space<vmem>> -> memref<1x128xi32, #tpu.memory_space<vmem>>
      %dma_wait3A_168 = tpu.memref_squeeze %dma_wait3A_167 : memref<1x128xi32, #tpu.memory_space<vmem>> -> memref<128xi32, #tpu.memory_space<vmem>>
      %dma_wait3A_169 = arith.constant 0 : i32
      %dma_wait3A_170 = arith.constant 0 : i32
      %dma_wait3A_171 = tpu.memref_slice %arg10[%dma_wait3A_169, %dma_wait3A_170] : memref<10064x128xf32, #tpu.memory_space<vmem_shared>> -> memref<10064x128xf32, #tpu.memory_space<vmem_shared>>
      tpu.wait_indirect_dma semaphore(%arg13 : memref<!tpu.dma_semaphore, #tpu.memory_space<semaphore_mem>>) src(%arg8 : memref<128x128xf32, #tpu.memory_space<vmem>>) dst(%dma_wait3A_171 : memref<10064x128xf32, #tpu.memory_space<vmem_shared>>)
      %dma_start3A_172 = arith.constant 2 : i32
      %dma_start3A_173 = arith.constant 0 : i32
      %dma_start3A_174 = arith.constant 0 : i32
      %dma_start3A_175 = tpu.memref_slice %arg6[%rem3A_73, %dma_start3A_173, %dma_start3A_174] : memref<2x16x128xi32, #tpu.memory_space<vmem>> -> memref<1x16x128xi32, #tpu.memory_space<vmem>>
      %dma_start3A_176 = tpu.memref_squeeze %dma_start3A_175 : memref<1x16x128xi32, #tpu.memory_space<vmem>> -> memref<16x128xi32, #tpu.memory_space<vmem>>
      %dma_start3A_177 = arith.constant 0 : i32
      %dma_start3A_178 = tpu.memref_slice %dma_start3A_176[%dma_start3A_172, %dma_start3A_177] : memref<16x128xi32, #tpu.memory_space<vmem>> -> memref<1x128xi32, #tpu.memory_space<vmem>>
      %dma_start3A_179 = tpu.memref_squeeze %dma_start3A_178 : memref<1x128xi32, #tpu.memory_space<vmem>> -> memref<128xi32, #tpu.memory_space<vmem>>
      %dma_start3A_180 = arith.constant 0 : i32
      %dma_start3A_181 = arith.constant 0 : i32
      %dma_start3A_182 = tpu.memref_slice %arg2[%dma_start3A_180, %dma_start3A_181] : memref<20000x128xf32, #tpu.memory_space<hbm>> -> memref<20000x128xf32, #tpu.memory_space<hbm>>
      tpu.enqueue_indirect_dma source(%dma_start3A_182 : memref<20000x128xf32, #tpu.memory_space<hbm>>) target(%arg8 : memref<128x128xf32, #tpu.memory_space<vmem>>) offsets(%dma_start3A_179 : memref<128xi32, #tpu.memory_space<vmem>>) semaphore(%arg11 : memref<!tpu.dma_semaphore, #tpu.memory_space<semaphore_mem>>)
      %dma_wait3A_183 = arith.constant 1 : i32
      %dma_wait3A_184 = arith.constant 0 : i32
      %dma_wait3A_185 = arith.constant 0 : i32
      %dma_wait3A_186 = tpu.memref_slice %arg6[%rem3A_73, %dma_wait3A_184, %dma_wait3A_185] : memref<2x16x128xi32, #tpu.memory_space<vmem>> -> memref<1x16x128xi32, #tpu.memory_space<vmem>>
      %dma_wait3A_187 = tpu.memref_squeeze %dma_wait3A_186 : memref<1x16x128xi32, #tpu.memory_space<vmem>> -> memref<16x128xi32, #tpu.memory_space<vmem>>
      %dma_wait3A_188 = arith.constant 0 : i32
      %dma_wait3A_189 = tpu.memref_slice %dma_wait3A_187[%dma_wait3A_183, %dma_wait3A_188] : memref<16x128xi32, #tpu.memory_space<vmem>> -> memref<1x128xi32, #tpu.memory_space<vmem>>
      %dma_wait3A_190 = tpu.memref_squeeze %dma_wait3A_189 : memref<1x128xi32, #tpu.memory_space<vmem>> -> memref<128xi32, #tpu.memory_space<vmem>>
      %dma_wait3A_191 = arith.constant 0 : i32
      %dma_wait3A_192 = arith.constant 0 : i32
      %dma_wait3A_193 = tpu.memref_slice %arg2[%dma_wait3A_191, %dma_wait3A_192] : memref<20000x128xf32, #tpu.memory_space<hbm>> -> memref<20000x128xf32, #tpu.memory_space<hbm>>
      tpu.wait_indirect_dma semaphore(%arg12 : memref<!tpu.dma_semaphore, #tpu.memory_space<semaphore_mem>>) src(%dma_wait3A_193 : memref<20000x128xf32, #tpu.memory_space<hbm>>) dst(%arg9 : memref<128x128xf32, #tpu.memory_space<vmem>>)
      %dma_start3A_194 = arith.constant 1 : i32
      %dma_start3A_195 = arith.constant 0 : i32
      %dma_start3A_196 = arith.constant 0 : i32
      %dma_start3A_197 = tpu.memref_slice %arg7[%rem3A_73, %dma_start3A_195, %dma_start3A_196] : memref<2x16x128xi32, #tpu.memory_space<vmem>> -> memref<1x16x128xi32, #tpu.memory_space<vmem>>
      %dma_start3A_198 = tpu.memref_squeeze %dma_start3A_197 : memref<1x16x128xi32, #tpu.memory_space<vmem>> -> memref<16x128xi32, #tpu.memory_space<vmem>>
      %dma_start3A_199 = arith.constant 0 : i32
      %dma_start3A_200 = tpu.memref_slice %dma_start3A_198[%dma_start3A_194, %dma_start3A_199] : memref<16x128xi32, #tpu.memory_space<vmem>> -> memref<1x128xi32, #tpu.memory_space<vmem>>
      %dma_start3A_201 = tpu.memref_squeeze %dma_start3A_200 : memref<1x128xi32, #tpu.memory_space<vmem>> -> memref<128xi32, #tpu.memory_space<vmem>>
      %dma_start3A_202 = arith.constant 0 : i32
      %dma_start3A_203 = arith.constant 0 : i32
      %dma_start3A_204 = tpu.memref_slice %arg10[%dma_start3A_202, %dma_start3A_203] : memref<10064x128xf32, #tpu.memory_space<vmem_shared>> -> memref<10064x128xf32, #tpu.memory_space<vmem_shared>>
      tpu.enqueue_indirect_dma source(%arg9 : memref<128x128xf32, #tpu.memory_space<vmem>>) target(%dma_start3A_204 : memref<10064x128xf32, #tpu.memory_space<vmem_shared>>) offsets(%dma_start3A_201 : memref<128xi32, #tpu.memory_space<vmem>>) semaphore(%arg14 : memref<!tpu.dma_semaphore, #tpu.memory_space<semaphore_mem>>) {add = true}
      %dma_wait3A_205 = arith.constant 0 : i32
      %dma_wait3A_206 = arith.constant 0 : i32
      %dma_wait3A_207 = arith.constant 0 : i32
      %dma_wait3A_208 = tpu.memref_slice %arg7[%rem3A_73, %dma_wait3A_206, %dma_wait3A_207] : memref<2x16x128xi32, #tpu.memory_space<vmem>> -> memref<1x16x128xi32, #tpu.memory_space<vmem>>
      %dma_wait3A_209 = tpu.memref_squeeze %dma_wait3A_208 : memref<1x16x128xi32, #tpu.memory_space<vmem>> -> memref<16x128xi32, #tpu.memory_space<vmem>>
      %dma_wait3A_210 = arith.constant 0 : i32
      %dma_wait3A_211 = tpu.memref_slice %dma_wait3A_209[%dma_wait3A_205, %dma_wait3A_210] : memref<16x128xi32, #tpu.memory_space<vmem>> -> memref<1x128xi32, #tpu.memory_space<vmem>>
      %dma_wait3A_212 = tpu.memref_squeeze %dma_wait3A_211 : memref<1x128xi32, #tpu.memory_space<vmem>> -> memref<128xi32, #tpu.memory_space<vmem>>
      %dma_wait3A_213 = arith.constant 0 : i32
      %dma_wait3A_214 = arith.constant 0 : i32
      %dma_wait3A_215 = tpu.memref_slice %arg10[%dma_wait3A_213, %dma_wait3A_214] : memref<10064x128xf32, #tpu.memory_space<vmem_shared>> -> memref<10064x128xf32, #tpu.memory_space<vmem_shared>>
      tpu.wait_indirect_dma semaphore(%arg14 : memref<!tpu.dma_semaphore, #tpu.memory_space<semaphore_mem>>) src(%arg9 : memref<128x128xf32, #tpu.memory_space<vmem>>) dst(%dma_wait3A_215 : memref<10064x128xf32, #tpu.memory_space<vmem_shared>>)
      %dma_start3A_216 = arith.constant 3 : i32
      %dma_start3A_217 = arith.constant 0 : i32
      %dma_start3A_218 = arith.constant 0 : i32
      %dma_start3A_219 = tpu.memref_slice %arg6[%rem3A_73, %dma_start3A_217, %dma_start3A_218] : memref<2x16x128xi32, #tpu.memory_space<vmem>> -> memref<1x16x128xi32, #tpu.memory_space<vmem>>
      %dma_start3A_220 = tpu.memref_squeeze %dma_start3A_219 : memref<1x16x128xi32, #tpu.memory_space<vmem>> -> memref<16x128xi32, #tpu.memory_space<vmem>>
      %dma_start3A_221 = arith.constant 0 : i32
      %dma_start3A_222 = tpu.memref_slice %dma_start3A_220[%dma_start3A_216, %dma_start3A_221] : memref<16x128xi32, #tpu.memory_space<vmem>> -> memref<1x128xi32, #tpu.memory_space<vmem>>
      %dma_start3A_223 = tpu.memref_squeeze %dma_start3A_222 : memref<1x128xi32, #tpu.memory_space<vmem>> -> memref<128xi32, #tpu.memory_space<vmem>>
      %dma_start3A_224 = arith.constant 0 : i32
      %dma_start3A_225 = arith.constant 0 : i32
      %dma_start3A_226 = tpu.memref_slice %arg2[%dma_start3A_224, %dma_start3A_225] : memref<20000x128xf32, #tpu.memory_space<hbm>> -> memref<20000x128xf32, #tpu.memory_space<hbm>>
      tpu.enqueue_indirect_dma source(%dma_start3A_226 : memref<20000x128xf32, #tpu.memory_space<hbm>>) target(%arg9 : memref<128x128xf32, #tpu.memory_space<vmem>>) offsets(%dma_start3A_223 : memref<128xi32, #tpu.memory_space<vmem>>) semaphore(%arg12 : memref<!tpu.dma_semaphore, #tpu.memory_space<semaphore_mem>>)
      %dma_wait3A_227 = arith.constant 2 : i32
      %dma_wait3A_228 = arith.constant 0 : i32
      %dma_wait3A_229 = arith.constant 0 : i32
      %dma_wait3A_230 = tpu.memref_slice %arg6[%rem3A_73, %dma_wait3A_228, %dma_wait3A_229] : memref<2x16x128xi32, #tpu.memory_space<vmem>> -> memref<1x16x128xi32, #tpu.memory_space<vmem>>
      %dma_wait3A_231 = tpu.memref_squeeze %dma_wait3A_230 : memref<1x16x128xi32, #tpu.memory_space<vmem>> -> memref<16x128xi32, #tpu.memory_space<vmem>>
      %dma_wait3A_232 = arith.constant 0 : i32
      %dma_wait3A_233 = tpu.memref_slice %dma_wait3A_231[%dma_wait3A_227, %dma_wait3A_232] : memref<16x128xi32, #tpu.memory_space<vmem>> -> memref<1x128xi32, #tpu.memory_space<vmem>>
      %dma_wait3A_234 = tpu.memref_squeeze %dma_wait3A_233 : memref<1x128xi32, #tpu.memory_space<vmem>> -> memref<128xi32, #tpu.memory_space<vmem>>
      %dma_wait3A_235 = arith.constant 0 : i32
      %dma_wait3A_236 = arith.constant 0 : i32
      %dma_wait3A_237 = tpu.memref_slice %arg2[%dma_wait3A_235, %dma_wait3A_236] : memref<20000x128xf32, #tpu.memory_space<hbm>> -> memref<20000x128xf32, #tpu.memory_space<hbm>>
      tpu.wait_indirect_dma semaphore(%arg11 : memref<!tpu.dma_semaphore, #tpu.memory_space<semaphore_mem>>) src(%dma_wait3A_237 : memref<20000x128xf32, #tpu.memory_space<hbm>>) dst(%arg8 : memref<128x128xf32, #tpu.memory_space<vmem>>)
      %dma_start3A_238 = arith.constant 2 : i32
      %dma_start3A_239 = arith.constant 0 : i32
      %dma_start3A_240 = arith.constant 0 : i32
      %dma_start3A_241 = tpu.memref_slice %arg7[%rem3A_73, %dma_start3A_239, %dma_start3A_240] : memref<2x16x128xi32, #tpu.memory_space<vmem>> -> memref<1x16x128xi32, #tpu.memory_space<vmem>>
      %dma_start3A_242 = tpu.memref_squeeze %dma_start3A_241 : memref<1x16x128xi32, #tpu.memory_space<vmem>> -> memref<16x128xi32, #tpu.memory_space<vmem>>
      %dma_start3A_243 = arith.constant 0 : i32
      %dma_start3A_244 = tpu.memref_slice %dma_start3A_242[%dma_start3A_238, %dma_start3A_243] : memref<16x128xi32, #tpu.memory_space<vmem>> -> memref<1x128xi32, #tpu.memory_space<vmem>>
      %dma_start3A_245 = tpu.memref_squeeze %dma_start3A_244 : memref<1x128xi32, #tpu.memory_space<vmem>> -> memref<128xi32, #tpu.memory_space<vmem>>
      %dma_start3A_246 = arith.constant 0 : i32
      %dma_start3A_247 = arith.constant 0 : i32
      %dma_start3A_248 = tpu.memref_slice %arg10[%dma_start3A_246, %dma_start3A_247] : memref<10064x128xf32, #tpu.memory_space<vmem_shared>> -> memref<10064x128xf32, #tpu.memory_space<vmem_shared>>
      tpu.enqueue_indirect_dma source(%arg8 : memref<128x128xf32, #tpu.memory_space<vmem>>) target(%dma_start3A_248 : memref<10064x128xf32, #tpu.memory_space<vmem_shared>>) offsets(%dma_start3A_245 : memref<128xi32, #tpu.memory_space<vmem>>) semaphore(%arg13 : memref<!tpu.dma_semaphore, #tpu.memory_space<semaphore_mem>>) {add = true}
      %dma_wait3A_249 = arith.constant 0 : i32
      %dma_wait3A_250 = arith.constant 0 : i32
      %dma_wait3A_251 = arith.constant 0 : i32
      %dma_wait3A_252 = tpu.memref_slice %arg7[%rem3A_73, %dma_wait3A_250, %dma_wait3A_251] : memref<2x16x128xi32, #tpu.memory_space<vmem>> -> memref<1x16x128xi32, #tpu.memory_space<vmem>>
      %dma_wait3A_253 = tpu.memref_squeeze %dma_wait3A_252 : memref<1x16x128xi32, #tpu.memory_space<vmem>> -> memref<16x128xi32, #tpu.memory_space<vmem>>
      %dma_wait3A_254 = arith.constant 0 : i32
      %dma_wait3A_255 = tpu.memref_slice %dma_wait3A_253[%dma_wait3A_249, %dma_wait3A_254] : memref<16x128xi32, #tpu.memory_space<vmem>> -> memref<1x128xi32, #tpu.memory_space<vmem>>
      %dma_wait3A_256 = tpu.memref_squeeze %dma_wait3A_255 : memref<1x128xi32, #tpu.memory_space<vmem>> -> memref<128xi32, #tpu.memory_space<vmem>>
      %dma_wait3A_257 = arith.constant 0 : i32
      %dma_wait3A_258 = arith.constant 0 : i32
      %dma_wait3A_259 = tpu.memref_slice %arg10[%dma_wait3A_257, %dma_wait3A_258] : memref<10064x128xf32, #tpu.memory_space<vmem_shared>> -> memref<10064x128xf32, #tpu.memory_space<vmem_shared>>
      tpu.wait_indirect_dma semaphore(%arg13 : memref<!tpu.dma_semaphore, #tpu.memory_space<semaphore_mem>>) src(%arg8 : memref<128x128xf32, #tpu.memory_space<vmem>>) dst(%dma_wait3A_259 : memref<10064x128xf32, #tpu.memory_space<vmem_shared>>)
      %dma_start3A_260 = arith.constant 4 : i32
      %dma_start3A_261 = arith.constant 0 : i32
      %dma_start3A_262 = arith.constant 0 : i32
      %dma_start3A_263 = tpu.memref_slice %arg6[%rem3A_73, %dma_start3A_261, %dma_start3A_262] : memref<2x16x128xi32, #tpu.memory_space<vmem>> -> memref<1x16x128xi32, #tpu.memory_space<vmem>>
      %dma_start3A_264 = tpu.memref_squeeze %dma_start3A_263 : memref<1x16x128xi32, #tpu.memory_space<vmem>> -> memref<16x128xi32, #tpu.memory_space<vmem>>
      %dma_start3A_265 = arith.constant 0 : i32
      %dma_start3A_266 = tpu.memref_slice %dma_start3A_264[%dma_start3A_260, %dma_start3A_265] : memref<16x128xi32, #tpu.memory_space<vmem>> -> memref<1x128xi32, #tpu.memory_space<vmem>>
      %dma_start3A_267 = tpu.memref_squeeze %dma_start3A_266 : memref<1x128xi32, #tpu.memory_space<vmem>> -> memref<128xi32, #tpu.memory_space<vmem>>
      %dma_start3A_268 = arith.constant 0 : i32
      %dma_start3A_269 = arith.constant 0 : i32
      %dma_start3A_270 = tpu.memref_slice %arg2[%dma_start3A_268, %dma_start3A_269] : memref<20000x128xf32, #tpu.memory_space<hbm>> -> memref<20000x128xf32, #tpu.memory_space<hbm>>
      tpu.enqueue_indirect_dma source(%dma_start3A_270 : memref<20000x128xf32, #tpu.memory_space<hbm>>) target(%arg8 : memref<128x128xf32, #tpu.memory_space<vmem>>) offsets(%dma_start3A_267 : memref<128xi32, #tpu.memory_space<vmem>>) semaphore(%arg11 : memref<!tpu.dma_semaphore, #tpu.memory_space<semaphore_mem>>)
      %dma_wait3A_271 = arith.constant 3 : i32
      %dma_wait3A_272 = arith.constant 0 : i32
      %dma_wait3A_273 = arith.constant 0 : i32
      %dma_wait3A_274 = tpu.memref_slice %arg6[%rem3A_73, %dma_wait3A_272, %dma_wait3A_273] : memref<2x16x128xi32, #tpu.memory_space<vmem>> -> memref<1x16x128xi32, #tpu.memory_space<vmem>>
      %dma_wait3A_275 = tpu.memref_squeeze %dma_wait3A_274 : memref<1x16x128xi32, #tpu.memory_space<vmem>> -> memref<16x128xi32, #tpu.memory_space<vmem>>
      %dma_wait3A_276 = arith.constant 0 : i32
      %dma_wait3A_277 = tpu.memref_slice %dma_wait3A_275[%dma_wait3A_271, %dma_wait3A_276] : memref<16x128xi32, #tpu.memory_space<vmem>> -> memref<1x128xi32, #tpu.memory_space<vmem>>
      %dma_wait3A_278 = tpu.memref_squeeze %dma_wait3A_277 : memref<1x128xi32, #tpu.memory_space<vmem>> -> memref<128xi32, #tpu.memory_space<vmem>>
      %dma_wait3A_279 = arith.constant 0 : i32
      %dma_wait3A_280 = arith.constant 0 : i32
      %dma_wait3A_281 = tpu.memref_slice %arg2[%dma_wait3A_279, %dma_wait3A_280] : memref<20000x128xf32, #tpu.memory_space<hbm>> -> memref<20000x128xf32, #tpu.memory_space<hbm>>
      tpu.wait_indirect_dma semaphore(%arg12 : memref<!tpu.dma_semaphore, #tpu.memory_space<semaphore_mem>>) src(%dma_wait3A_281 : memref<20000x128xf32, #tpu.memory_space<hbm>>) dst(%arg9 : memref<128x128xf32, #tpu.memory_space<vmem>>)
      %dma_start3A_282 = arith.constant 3 : i32
      %dma_start3A_283 = arith.constant 0 : i32
      %dma_start3A_284 = arith.constant 0 : i32
      %dma_start3A_285 = tpu.memref_slice %arg7[%rem3A_73, %dma_start3A_283, %dma_start3A_284] : memref<2x16x128xi32, #tpu.memory_space<vmem>> -> memref<1x16x128xi32, #tpu.memory_space<vmem>>
      %dma_start3A_286 = tpu.memref_squeeze %dma_start3A_285 : memref<1x16x128xi32, #tpu.memory_space<vmem>> -> memref<16x128xi32, #tpu.memory_space<vmem>>
      %dma_start3A_287 = arith.constant 0 : i32
      %dma_start3A_288 = tpu.memref_slice %dma_start3A_286[%dma_start3A_282, %dma_start3A_287] : memref<16x128xi32, #tpu.memory_space<vmem>> -> memref<1x128xi32, #tpu.memory_space<vmem>>
      %dma_start3A_289 = tpu.memref_squeeze %dma_start3A_288 : memref<1x128xi32, #tpu.memory_space<vmem>> -> memref<128xi32, #tpu.memory_space<vmem>>
      %dma_start3A_290 = arith.constant 0 : i32
      %dma_start3A_291 = arith.constant 0 : i32
      %dma_start3A_292 = tpu.memref_slice %arg10[%dma_start3A_290, %dma_start3A_291] : memref<10064x128xf32, #tpu.memory_space<vmem_shared>> -> memref<10064x128xf32, #tpu.memory_space<vmem_shared>>
      tpu.enqueue_indirect_dma source(%arg9 : memref<128x128xf32, #tpu.memory_space<vmem>>) target(%dma_start3A_292 : memref<10064x128xf32, #tpu.memory_space<vmem_shared>>) offsets(%dma_start3A_289 : memref<128xi32, #tpu.memory_space<vmem>>) semaphore(%arg14 : memref<!tpu.dma_semaphore, #tpu.memory_space<semaphore_mem>>) {add = true}
      %dma_wait3A_293 = arith.constant 0 : i32
      %dma_wait3A_294 = arith.constant 0 : i32
      %dma_wait3A_295 = arith.constant 0 : i32
      %dma_wait3A_296 = tpu.memref_slice %arg7[%rem3A_73, %dma_wait3A_294, %dma_wait3A_295] : memref<2x16x128xi32, #tpu.memory_space<vmem>> -> memref<1x16x128xi32, #tpu.memory_space<vmem>>
      %dma_wait3A_297 = tpu.memref_squeeze %dma_wait3A_296 : memref<1x16x128xi32, #tpu.memory_space<vmem>> -> memref<16x128xi32, #tpu.memory_space<vmem>>
      %dma_wait3A_298 = arith.constant 0 : i32
      %dma_wait3A_299 = tpu.memref_slice %dma_wait3A_297[%dma_wait3A_293, %dma_wait3A_298] : memref<16x128xi32, #tpu.memory_space<vmem>> -> memref<1x128xi32, #tpu.memory_space<vmem>>
      %dma_wait3A_300 = tpu.memref_squeeze %dma_wait3A_299 : memref<1x128xi32, #tpu.memory_space<vmem>> -> memref<128xi32, #tpu.memory_space<vmem>>
      %dma_wait3A_301 = arith.constant 0 : i32
      %dma_wait3A_302 = arith.constant 0 : i32
      %dma_wait3A_303 = tpu.memref_slice %arg10[%dma_wait3A_301, %dma_wait3A_302] : memref<10064x128xf32, #tpu.memory_space<vmem_shared>> -> memref<10064x128xf32, #tpu.memory_space<vmem_shared>>
      tpu.wait_indirect_dma semaphore(%arg14 : memref<!tpu.dma_semaphore, #tpu.memory_space<semaphore_mem>>) src(%arg9 : memref<128x128xf32, #tpu.memory_space<vmem>>) dst(%dma_wait3A_303 : memref<10064x128xf32, #tpu.memory_space<vmem_shared>>)
      %dma_start3A_304 = arith.constant 5 : i32
      %dma_start3A_305 = arith.constant 0 : i32
      %dma_start3A_306 = arith.constant 0 : i32
      %dma_start3A_307 = tpu.memref_slice %arg6[%rem3A_73, %dma_start3A_305, %dma_start3A_306] : memref<2x16x128xi32, #tpu.memory_space<vmem>> -> memref<1x16x128xi32, #tpu.memory_space<vmem>>
      %dma_start3A_308 = tpu.memref_squeeze %dma_start3A_307 : memref<1x16x128xi32, #tpu.memory_space<vmem>> -> memref<16x128xi32, #tpu.memory_space<vmem>>
      %dma_start3A_309 = arith.constant 0 : i32
      %dma_start3A_310 = tpu.memref_slice %dma_start3A_308[%dma_start3A_304, %dma_start3A_309] : memref<16x128xi32, #tpu.memory_space<vmem>> -> memref<1x128xi32, #tpu.memory_space<vmem>>
      %dma_start3A_311 = tpu.memref_squeeze %dma_start3A_310 : memref<1x128xi32, #tpu.memory_space<vmem>> -> memref<128xi32, #tpu.memory_space<vmem>>
      %dma_start3A_312 = arith.constant 0 : i32
      %dma_start3A_313 = arith.constant 0 : i32
      %dma_start3A_314 = tpu.memref_slice %arg2[%dma_start3A_312, %dma_start3A_313] : memref<20000x128xf32, #tpu.memory_space<hbm>> -> memref<20000x128xf32, #tpu.memory_space<hbm>>
      tpu.enqueue_indirect_dma source(%dma_start3A_314 : memref<20000x128xf32, #tpu.memory_space<hbm>>) target(%arg9 : memref<128x128xf32, #tpu.memory_space<vmem>>) offsets(%dma_start3A_311 : memref<128xi32, #tpu.memory_space<vmem>>) semaphore(%arg12 : memref<!tpu.dma_semaphore, #tpu.memory_space<semaphore_mem>>)
      %dma_wait3A_315 = arith.constant 4 : i32
      %dma_wait3A_316 = arith.constant 0 : i32
      %dma_wait3A_317 = arith.constant 0 : i32
      %dma_wait3A_318 = tpu.memref_slice %arg6[%rem3A_73, %dma_wait3A_316, %dma_wait3A_317] : memref<2x16x128xi32, #tpu.memory_space<vmem>> -> memref<1x16x128xi32, #tpu.memory_space<vmem>>
      %dma_wait3A_319 = tpu.memref_squeeze %dma_wait3A_318 : memref<1x16x128xi32, #tpu.memory_space<vmem>> -> memref<16x128xi32, #tpu.memory_space<vmem>>
      %dma_wait3A_320 = arith.constant 0 : i32
      %dma_wait3A_321 = tpu.memref_slice %dma_wait3A_319[%dma_wait3A_315, %dma_wait3A_320] : memref<16x128xi32, #tpu.memory_space<vmem>> -> memref<1x128xi32, #tpu.memory_space<vmem>>
      %dma_wait3A_322 = tpu.memref_squeeze %dma_wait3A_321 : memref<1x128xi32, #tpu.memory_space<vmem>> -> memref<128xi32, #tpu.memory_space<vmem>>
      %dma_wait3A_323 = arith.constant 0 : i32
      %dma_wait3A_324 = arith.constant 0 : i32
      %dma_wait3A_325 = tpu.memref_slice %arg2[%dma_wait3A_323, %dma_wait3A_324] : memref<20000x128xf32, #tpu.memory_space<hbm>> -> memref<20000x128xf32, #tpu.memory_space<hbm>>
      tpu.wait_indirect_dma semaphore(%arg11 : memref<!tpu.dma_semaphore, #tpu.memory_space<semaphore_mem>>) src(%dma_wait3A_325 : memref<20000x128xf32, #tpu.memory_space<hbm>>) dst(%arg8 : memref<128x128xf32, #tpu.memory_space<vmem>>)
      %dma_start3A_326 = arith.constant 4 : i32
      %dma_start3A_327 = arith.constant 0 : i32
      %dma_start3A_328 = arith.constant 0 : i32
      %dma_start3A_329 = tpu.memref_slice %arg7[%rem3A_73, %dma_start3A_327, %dma_start3A_328] : memref<2x16x128xi32, #tpu.memory_space<vmem>> -> memref<1x16x128xi32, #tpu.memory_space<vmem>>
      %dma_start3A_330 = tpu.memref_squeeze %dma_start3A_329 : memref<1x16x128xi32, #tpu.memory_space<vmem>> -> memref<16x128xi32, #tpu.memory_space<vmem>>
      %dma_start3A_331 = arith.constant 0 : i32
      %dma_start3A_332 = tpu.memref_slice %dma_start3A_330[%dma_start3A_326, %dma_start3A_331] : memref<16x128xi32, #tpu.memory_space<vmem>> -> memref<1x128xi32, #tpu.memory_space<vmem>>
      %dma_start3A_333 = tpu.memref_squeeze %dma_start3A_332 : memref<1x128xi32, #tpu.memory_space<vmem>> -> memref<128xi32, #tpu.memory_space<vmem>>
      %dma_start3A_334 = arith.constant 0 : i32
      %dma_start3A_335 = arith.constant 0 : i32
      %dma_start3A_336 = tpu.memref_slice %arg10[%dma_start3A_334, %dma_start3A_335] : memref<10064x128xf32, #tpu.memory_space<vmem_shared>> -> memref<10064x128xf32, #tpu.memory_space<vmem_shared>>
      tpu.enqueue_indirect_dma source(%arg8 : memref<128x128xf32, #tpu.memory_space<vmem>>) target(%dma_start3A_336 : memref<10064x128xf32, #tpu.memory_space<vmem_shared>>) offsets(%dma_start3A_333 : memref<128xi32, #tpu.memory_space<vmem>>) semaphore(%arg13 : memref<!tpu.dma_semaphore, #tpu.memory_space<semaphore_mem>>) {add = true}
      %dma_wait3A_337 = arith.constant 0 : i32
      %dma_wait3A_338 = arith.constant 0 : i32
      %dma_wait3A_339 = arith.constant 0 : i32
      %dma_wait3A_340 = tpu.memref_slice %arg7[%rem3A_73, %dma_wait3A_338, %dma_wait3A_339] : memref<2x16x128xi32, #tpu.memory_space<vmem>> -> memref<1x16x128xi32, #tpu.memory_space<vmem>>
      %dma_wait3A_341 = tpu.memref_squeeze %dma_wait3A_340 : memref<1x16x128xi32, #tpu.memory_space<vmem>> -> memref<16x128xi32, #tpu.memory_space<vmem>>
      %dma_wait3A_342 = arith.constant 0 : i32
      %dma_wait3A_343 = tpu.memref_slice %dma_wait3A_341[%dma_wait3A_337, %dma_wait3A_342] : memref<16x128xi32, #tpu.memory_space<vmem>> -> memref<1x128xi32, #tpu.memory_space<vmem>>
      %dma_wait3A_344 = tpu.memref_squeeze %dma_wait3A_343 : memref<1x128xi32, #tpu.memory_space<vmem>> -> memref<128xi32, #tpu.memory_space<vmem>>
      %dma_wait3A_345 = arith.constant 0 : i32
      %dma_wait3A_346 = arith.constant 0 : i32
      %dma_wait3A_347 = tpu.memref_slice %arg10[%dma_wait3A_345, %dma_wait3A_346] : memref<10064x128xf32, #tpu.memory_space<vmem_shared>> -> memref<10064x128xf32, #tpu.memory_space<vmem_shared>>
      tpu.wait_indirect_dma semaphore(%arg13 : memref<!tpu.dma_semaphore, #tpu.memory_space<semaphore_mem>>) src(%arg8 : memref<128x128xf32, #tpu.memory_space<vmem>>) dst(%dma_wait3A_347 : memref<10064x128xf32, #tpu.memory_space<vmem_shared>>)
      %dma_start3A_348 = arith.constant 6 : i32
      %dma_start3A_349 = arith.constant 0 : i32
      %dma_start3A_350 = arith.constant 0 : i32
      %dma_start3A_351 = tpu.memref_slice %arg6[%rem3A_73, %dma_start3A_349, %dma_start3A_350] : memref<2x16x128xi32, #tpu.memory_space<vmem>> -> memref<1x16x128xi32, #tpu.memory_space<vmem>>
      %dma_start3A_352 = tpu.memref_squeeze %dma_start3A_351 : memref<1x16x128xi32, #tpu.memory_space<vmem>> -> memref<16x128xi32, #tpu.memory_space<vmem>>
      %dma_start3A_353 = arith.constant 0 : i32
      %dma_start3A_354 = tpu.memref_slice %dma_start3A_352[%dma_start3A_348, %dma_start3A_353] : memref<16x128xi32, #tpu.memory_space<vmem>> -> memref<1x128xi32, #tpu.memory_space<vmem>>
      %dma_start3A_355 = tpu.memref_squeeze %dma_start3A_354 : memref<1x128xi32, #tpu.memory_space<vmem>> -> memref<128xi32, #tpu.memory_space<vmem>>
      %dma_start3A_356 = arith.constant 0 : i32
      %dma_start3A_357 = arith.constant 0 : i32
      %dma_start3A_358 = tpu.memref_slice %arg2[%dma_start3A_356, %dma_start3A_357] : memref<20000x128xf32, #tpu.memory_space<hbm>> -> memref<20000x128xf32, #tpu.memory_space<hbm>>
      tpu.enqueue_indirect_dma source(%dma_start3A_358 : memref<20000x128xf32, #tpu.memory_space<hbm>>) target(%arg8 : memref<128x128xf32, #tpu.memory_space<vmem>>) offsets(%dma_start3A_355 : memref<128xi32, #tpu.memory_space<vmem>>) semaphore(%arg11 : memref<!tpu.dma_semaphore, #tpu.memory_space<semaphore_mem>>)
      %dma_wait3A_359 = arith.constant 5 : i32
      %dma_wait3A_360 = arith.constant 0 : i32
      %dma_wait3A_361 = arith.constant 0 : i32
      %dma_wait3A_362 = tpu.memref_slice %arg6[%rem3A_73, %dma_wait3A_360, %dma_wait3A_361] : memref<2x16x128xi32, #tpu.memory_space<vmem>> -> memref<1x16x128xi32, #tpu.memory_space<vmem>>
      %dma_wait3A_363 = tpu.memref_squeeze %dma_wait3A_362 : memref<1x16x128xi32, #tpu.memory_space<vmem>> -> memref<16x128xi32, #tpu.memory_space<vmem>>
      %dma_wait3A_364 = arith.constant 0 : i32
      %dma_wait3A_365 = tpu.memref_slice %dma_wait3A_363[%dma_wait3A_359, %dma_wait3A_364] : memref<16x128xi32, #tpu.memory_space<vmem>> -> memref<1x128xi32, #tpu.memory_space<vmem>>
      %dma_wait3A_366 = tpu.memref_squeeze %dma_wait3A_365 : memref<1x128xi32, #tpu.memory_space<vmem>> -> memref<128xi32, #tpu.memory_space<vmem>>
      %dma_wait3A_367 = arith.constant 0 : i32
      %dma_wait3A_368 = arith.constant 0 : i32
      %dma_wait3A_369 = tpu.memref_slice %arg2[%dma_wait3A_367, %dma_wait3A_368] : memref<20000x128xf32, #tpu.memory_space<hbm>> -> memref<20000x128xf32, #tpu.memory_space<hbm>>
      tpu.wait_indirect_dma semaphore(%arg12 : memref<!tpu.dma_semaphore, #tpu.memory_space<semaphore_mem>>) src(%dma_wait3A_369 : memref<20000x128xf32, #tpu.memory_space<hbm>>) dst(%arg9 : memref<128x128xf32, #tpu.memory_space<vmem>>)
      %dma_start3A_370 = arith.constant 5 : i32
      %dma_start3A_371 = arith.constant 0 : i32
      %dma_start3A_372 = arith.constant 0 : i32
      %dma_start3A_373 = tpu.memref_slice %arg7[%rem3A_73, %dma_start3A_371, %dma_start3A_372] : memref<2x16x128xi32, #tpu.memory_space<vmem>> -> memref<1x16x128xi32, #tpu.memory_space<vmem>>
      %dma_start3A_374 = tpu.memref_squeeze %dma_start3A_373 : memref<1x16x128xi32, #tpu.memory_space<vmem>> -> memref<16x128xi32, #tpu.memory_space<vmem>>
      %dma_start3A_375 = arith.constant 0 : i32
      %dma_start3A_376 = tpu.memref_slice %dma_start3A_374[%dma_start3A_370, %dma_start3A_375] : memref<16x128xi32, #tpu.memory_space<vmem>> -> memref<1x128xi32, #tpu.memory_space<vmem>>
      %dma_start3A_377 = tpu.memref_squeeze %dma_start3A_376 : memref<1x128xi32, #tpu.memory_space<vmem>> -> memref<128xi32, #tpu.memory_space<vmem>>
      %dma_start3A_378 = arith.constant 0 : i32
      %dma_start3A_379 = arith.constant 0 : i32
      %dma_start3A_380 = tpu.memref_slice %arg10[%dma_start3A_378, %dma_start3A_379] : memref<10064x128xf32, #tpu.memory_space<vmem_shared>> -> memref<10064x128xf32, #tpu.memory_space<vmem_shared>>
      tpu.enqueue_indirect_dma source(%arg9 : memref<128x128xf32, #tpu.memory_space<vmem>>) target(%dma_start3A_380 : memref<10064x128xf32, #tpu.memory_space<vmem_shared>>) offsets(%dma_start3A_377 : memref<128xi32, #tpu.memory_space<vmem>>) semaphore(%arg14 : memref<!tpu.dma_semaphore, #tpu.memory_space<semaphore_mem>>) {add = true}
      %dma_wait3A_381 = arith.constant 0 : i32
      %dma_wait3A_382 = arith.constant 0 : i32
      %dma_wait3A_383 = arith.constant 0 : i32
      %dma_wait3A_384 = tpu.memref_slice %arg7[%rem3A_73, %dma_wait3A_382, %dma_wait3A_383] : memref<2x16x128xi32, #tpu.memory_space<vmem>> -> memref<1x16x128xi32, #tpu.memory_space<vmem>>
      %dma_wait3A_385 = tpu.memref_squeeze %dma_wait3A_384 : memref<1x16x128xi32, #tpu.memory_space<vmem>> -> memref<16x128xi32, #tpu.memory_space<vmem>>
      %dma_wait3A_386 = arith.constant 0 : i32
      %dma_wait3A_387 = tpu.memref_slice %dma_wait3A_385[%dma_wait3A_381, %dma_wait3A_386] : memref<16x128xi32, #tpu.memory_space<vmem>> -> memref<1x128xi32, #tpu.memory_space<vmem>>
      %dma_wait3A_388 = tpu.memref_squeeze %dma_wait3A_387 : memref<1x128xi32, #tpu.memory_space<vmem>> -> memref<128xi32, #tpu.memory_space<vmem>>
      %dma_wait3A_389 = arith.constant 0 : i32
      %dma_wait3A_390 = arith.constant 0 : i32
      %dma_wait3A_391 = tpu.memref_slice %arg10[%dma_wait3A_389, %dma_wait3A_390] : memref<10064x128xf32, #tpu.memory_space<vmem_shared>> -> memref<10064x128xf32, #tpu.memory_space<vmem_shared>>
      tpu.wait_indirect_dma semaphore(%arg14 : memref<!tpu.dma_semaphore, #tpu.memory_space<semaphore_mem>>) src(%arg9 : memref<128x128xf32, #tpu.memory_space<vmem>>) dst(%dma_wait3A_391 : memref<10064x128xf32, #tpu.memory_space<vmem_shared>>)
      %dma_start3A_392 = arith.constant 7 : i32
      %dma_start3A_393 = arith.constant 0 : i32
      %dma_start3A_394 = arith.constant 0 : i32
      %dma_start3A_395 = tpu.memref_slice %arg6[%rem3A_73, %dma_start3A_393, %dma_start3A_394] : memref<2x16x128xi32, #tpu.memory_space<vmem>> -> memref<1x16x128xi32, #tpu.memory_space<vmem>>
      %dma_start3A_396 = tpu.memref_squeeze %dma_start3A_395 : memref<1x16x128xi32, #tpu.memory_space<vmem>> -> memref<16x128xi32, #tpu.memory_space<vmem>>
      %dma_start3A_397 = arith.constant 0 : i32
      %dma_start3A_398 = tpu.memref_slice %dma_start3A_396[%dma_start3A_392, %dma_start3A_397] : memref<16x128xi32, #tpu.memory_space<vmem>> -> memref<1x128xi32, #tpu.memory_space<vmem>>
      %dma_start3A_399 = tpu.memref_squeeze %dma_start3A_398 : memref<1x128xi32, #tpu.memory_space<vmem>> -> memref<128xi32, #tpu.memory_space<vmem>>
      %dma_start3A_400 = arith.constant 0 : i32
      %dma_start3A_401 = arith.constant 0 : i32
      %dma_start3A_402 = tpu.memref_slice %arg2[%dma_start3A_400, %dma_start3A_401] : memref<20000x128xf32, #tpu.memory_space<hbm>> -> memref<20000x128xf32, #tpu.memory_space<hbm>>
      tpu.enqueue_indirect_dma source(%dma_start3A_402 : memref<20000x128xf32, #tpu.memory_space<hbm>>) target(%arg9 : memref<128x128xf32, #tpu.memory_space<vmem>>) offsets(%dma_start3A_399 : memref<128xi32, #tpu.memory_space<vmem>>) semaphore(%arg12 : memref<!tpu.dma_semaphore, #tpu.memory_space<semaphore_mem>>)
      %dma_wait3A_403 = arith.constant 6 : i32
      %dma_wait3A_404 = arith.constant 0 : i32
      %dma_wait3A_405 = arith.constant 0 : i32
      %dma_wait3A_406 = tpu.memref_slice %arg6[%rem3A_73, %dma_wait3A_404, %dma_wait3A_405] : memref<2x16x128xi32, #tpu.memory_space<vmem>> -> memref<1x16x128xi32, #tpu.memory_space<vmem>>
      %dma_wait3A_407 = tpu.memref_squeeze %dma_wait3A_406 : memref<1x16x128xi32, #tpu.memory_space<vmem>> -> memref<16x128xi32, #tpu.memory_space<vmem>>
      %dma_wait3A_408 = arith.constant 0 : i32
      %dma_wait3A_409 = tpu.memref_slice %dma_wait3A_407[%dma_wait3A_403, %dma_wait3A_408] : memref<16x128xi32, #tpu.memory_space<vmem>> -> memref<1x128xi32, #tpu.memory_space<vmem>>
      %dma_wait3A_410 = tpu.memref_squeeze %dma_wait3A_409 : memref<1x128xi32, #tpu.memory_space<vmem>> -> memref<128xi32, #tpu.memory_space<vmem>>
      %dma_wait3A_411 = arith.constant 0 : i32
      %dma_wait3A_412 = arith.constant 0 : i32
      %dma_wait3A_413 = tpu.memref_slice %arg2[%dma_wait3A_411, %dma_wait3A_412] : memref<20000x128xf32, #tpu.memory_space<hbm>> -> memref<20000x128xf32, #tpu.memory_space<hbm>>
      tpu.wait_indirect_dma semaphore(%arg11 : memref<!tpu.dma_semaphore, #tpu.memory_space<semaphore_mem>>) src(%dma_wait3A_413 : memref<20000x128xf32, #tpu.memory_space<hbm>>) dst(%arg8 : memref<128x128xf32, #tpu.memory_space<vmem>>)
      %dma_start3A_414 = arith.constant 6 : i32
      %dma_start3A_415 = arith.constant 0 : i32
      %dma_start3A_416 = arith.constant 0 : i32
      %dma_start3A_417 = tpu.memref_slice %arg7[%rem3A_73, %dma_start3A_415, %dma_start3A_416] : memref<2x16x128xi32, #tpu.memory_space<vmem>> -> memref<1x16x128xi32, #tpu.memory_space<vmem>>
      %dma_start3A_418 = tpu.memref_squeeze %dma_start3A_417 : memref<1x16x128xi32, #tpu.memory_space<vmem>> -> memref<16x128xi32, #tpu.memory_space<vmem>>
      %dma_start3A_419 = arith.constant 0 : i32
      %dma_start3A_420 = tpu.memref_slice %dma_start3A_418[%dma_start3A_414, %dma_start3A_419] : memref<16x128xi32, #tpu.memory_space<vmem>> -> memref<1x128xi32, #tpu.memory_space<vmem>>
      %dma_start3A_421 = tpu.memref_squeeze %dma_start3A_420 : memref<1x128xi32, #tpu.memory_space<vmem>> -> memref<128xi32, #tpu.memory_space<vmem>>
      %dma_start3A_422 = arith.constant 0 : i32
      %dma_start3A_423 = arith.constant 0 : i32
      %dma_start3A_424 = tpu.memref_slice %arg10[%dma_start3A_422, %dma_start3A_423] : memref<10064x128xf32, #tpu.memory_space<vmem_shared>> -> memref<10064x128xf32, #tpu.memory_space<vmem_shared>>
      tpu.enqueue_indirect_dma source(%arg8 : memref<128x128xf32, #tpu.memory_space<vmem>>) target(%dma_start3A_424 : memref<10064x128xf32, #tpu.memory_space<vmem_shared>>) offsets(%dma_start3A_421 : memref<128xi32, #tpu.memory_space<vmem>>) semaphore(%arg13 : memref<!tpu.dma_semaphore, #tpu.memory_space<semaphore_mem>>) {add = true}
      %dma_wait3A_425 = arith.constant 0 : i32
      %dma_wait3A_426 = arith.constant 0 : i32
      %dma_wait3A_427 = arith.constant 0 : i32
      %dma_wait3A_428 = tpu.memref_slice %arg7[%rem3A_73, %dma_wait3A_426, %dma_wait3A_427] : memref<2x16x128xi32, #tpu.memory_space<vmem>> -> memref<1x16x128xi32, #tpu.memory_space<vmem>>
      %dma_wait3A_429 = tpu.memref_squeeze %dma_wait3A_428 : memref<1x16x128xi32, #tpu.memory_space<vmem>> -> memref<16x128xi32, #tpu.memory_space<vmem>>
      %dma_wait3A_430 = arith.constant 0 : i32
      %dma_wait3A_431 = tpu.memref_slice %dma_wait3A_429[%dma_wait3A_425, %dma_wait3A_430] : memref<16x128xi32, #tpu.memory_space<vmem>> -> memref<1x128xi32, #tpu.memory_space<vmem>>
      %dma_wait3A_432 = tpu.memref_squeeze %dma_wait3A_431 : memref<1x128xi32, #tpu.memory_space<vmem>> -> memref<128xi32, #tpu.memory_space<vmem>>
      %dma_wait3A_433 = arith.constant 0 : i32
      %dma_wait3A_434 = arith.constant 0 : i32
      %dma_wait3A_435 = tpu.memref_slice %arg10[%dma_wait3A_433, %dma_wait3A_434] : memref<10064x128xf32, #tpu.memory_space<vmem_shared>> -> memref<10064x128xf32, #tpu.memory_space<vmem_shared>>
      tpu.wait_indirect_dma semaphore(%arg13 : memref<!tpu.dma_semaphore, #tpu.memory_space<semaphore_mem>>) src(%arg8 : memref<128x128xf32, #tpu.memory_space<vmem>>) dst(%dma_wait3A_435 : memref<10064x128xf32, #tpu.memory_space<vmem_shared>>)
      %dma_start3A_436 = arith.constant 8 : i32
      %dma_start3A_437 = arith.constant 0 : i32
      %dma_start3A_438 = arith.constant 0 : i32
      %dma_start3A_439 = tpu.memref_slice %arg6[%rem3A_73, %dma_start3A_437, %dma_start3A_438] : memref<2x16x128xi32, #tpu.memory_space<vmem>> -> memref<1x16x128xi32, #tpu.memory_space<vmem>>
      %dma_start3A_440 = tpu.memref_squeeze %dma_start3A_439 : memref<1x16x128xi32, #tpu.memory_space<vmem>> -> memref<16x128xi32, #tpu.memory_space<vmem>>
      %dma_start3A_441 = arith.constant 0 : i32
      %dma_start3A_442 = tpu.memref_slice %dma_start3A_440[%dma_start3A_436, %dma_start3A_441] : memref<16x128xi32, #tpu.memory_space<vmem>> -> memref<1x128xi32, #tpu.memory_space<vmem>>
      %dma_start3A_443 = tpu.memref_squeeze %dma_start3A_442 : memref<1x128xi32, #tpu.memory_space<vmem>> -> memref<128xi32, #tpu.memory_space<vmem>>
      %dma_start3A_444 = arith.constant 0 : i32
      %dma_start3A_445 = arith.constant 0 : i32
      %dma_start3A_446 = tpu.memref_slice %arg2[%dma_start3A_444, %dma_start3A_445] : memref<20000x128xf32, #tpu.memory_space<hbm>> -> memref<20000x128xf32, #tpu.memory_space<hbm>>
      tpu.enqueue_indirect_dma source(%dma_start3A_446 : memref<20000x128xf32, #tpu.memory_space<hbm>>) target(%arg8 : memref<128x128xf32, #tpu.memory_space<vmem>>) offsets(%dma_start3A_443 : memref<128xi32, #tpu.memory_space<vmem>>) semaphore(%arg11 : memref<!tpu.dma_semaphore, #tpu.memory_space<semaphore_mem>>)
      %dma_wait3A_447 = arith.constant 7 : i32
      %dma_wait3A_448 = arith.constant 0 : i32
      %dma_wait3A_449 = arith.constant 0 : i32
      %dma_wait3A_450 = tpu.memref_slice %arg6[%rem3A_73, %dma_wait3A_448, %dma_wait3A_449] : memref<2x16x128xi32, #tpu.memory_space<vmem>> -> memref<1x16x128xi32, #tpu.memory_space<vmem>>
      %dma_wait3A_451 = tpu.memref_squeeze %dma_wait3A_450 : memref<1x16x128xi32, #tpu.memory_space<vmem>> -> memref<16x128xi32, #tpu.memory_space<vmem>>
      %dma_wait3A_452 = arith.constant 0 : i32
      %dma_wait3A_453 = tpu.memref_slice %dma_wait3A_451[%dma_wait3A_447, %dma_wait3A_452] : memref<16x128xi32, #tpu.memory_space<vmem>> -> memref<1x128xi32, #tpu.memory_space<vmem>>
      %dma_wait3A_454 = tpu.memref_squeeze %dma_wait3A_453 : memref<1x128xi32, #tpu.memory_space<vmem>> -> memref<128xi32, #tpu.memory_space<vmem>>
      %dma_wait3A_455 = arith.constant 0 : i32
      %dma_wait3A_456 = arith.constant 0 : i32
      %dma_wait3A_457 = tpu.memref_slice %arg2[%dma_wait3A_455, %dma_wait3A_456] : memref<20000x128xf32, #tpu.memory_space<hbm>> -> memref<20000x128xf32, #tpu.memory_space<hbm>>
      tpu.wait_indirect_dma semaphore(%arg12 : memref<!tpu.dma_semaphore, #tpu.memory_space<semaphore_mem>>) src(%dma_wait3A_457 : memref<20000x128xf32, #tpu.memory_space<hbm>>) dst(%arg9 : memref<128x128xf32, #tpu.memory_space<vmem>>)
      %dma_start3A_458 = arith.constant 7 : i32
      %dma_start3A_459 = arith.constant 0 : i32
      %dma_start3A_460 = arith.constant 0 : i32
      %dma_start3A_461 = tpu.memref_slice %arg7[%rem3A_73, %dma_start3A_459, %dma_start3A_460] : memref<2x16x128xi32, #tpu.memory_space<vmem>> -> memref<1x16x128xi32, #tpu.memory_space<vmem>>
      %dma_start3A_462 = tpu.memref_squeeze %dma_start3A_461 : memref<1x16x128xi32, #tpu.memory_space<vmem>> -> memref<16x128xi32, #tpu.memory_space<vmem>>
      %dma_start3A_463 = arith.constant 0 : i32
      %dma_start3A_464 = tpu.memref_slice %dma_start3A_462[%dma_start3A_458, %dma_start3A_463] : memref<16x128xi32, #tpu.memory_space<vmem>> -> memref<1x128xi32, #tpu.memory_space<vmem>>
      %dma_start3A_465 = tpu.memref_squeeze %dma_start3A_464 : memref<1x128xi32, #tpu.memory_space<vmem>> -> memref<128xi32, #tpu.memory_space<vmem>>
      %dma_start3A_466 = arith.constant 0 : i32
      %dma_start3A_467 = arith.constant 0 : i32
      %dma_start3A_468 = tpu.memref_slice %arg10[%dma_start3A_466, %dma_start3A_467] : memref<10064x128xf32, #tpu.memory_space<vmem_shared>> -> memref<10064x128xf32, #tpu.memory_space<vmem_shared>>
      tpu.enqueue_indirect_dma source(%arg9 : memref<128x128xf32, #tpu.memory_space<vmem>>) target(%dma_start3A_468 : memref<10064x128xf32, #tpu.memory_space<vmem_shared>>) offsets(%dma_start3A_465 : memref<128xi32, #tpu.memory_space<vmem>>) semaphore(%arg14 : memref<!tpu.dma_semaphore, #tpu.memory_space<semaphore_mem>>) {add = true}
      %dma_wait3A_469 = arith.constant 0 : i32
      %dma_wait3A_470 = arith.constant 0 : i32
      %dma_wait3A_471 = arith.constant 0 : i32
      %dma_wait3A_472 = tpu.memref_slice %arg7[%rem3A_73, %dma_wait3A_470, %dma_wait3A_471] : memref<2x16x128xi32, #tpu.memory_space<vmem>> -> memref<1x16x128xi32, #tpu.memory_space<vmem>>
      %dma_wait3A_473 = tpu.memref_squeeze %dma_wait3A_472 : memref<1x16x128xi32, #tpu.memory_space<vmem>> -> memref<16x128xi32, #tpu.memory_space<vmem>>
      %dma_wait3A_474 = arith.constant 0 : i32
      %dma_wait3A_475 = tpu.memref_slice %dma_wait3A_473[%dma_wait3A_469, %dma_wait3A_474] : memref<16x128xi32, #tpu.memory_space<vmem>> -> memref<1x128xi32, #tpu.memory_space<vmem>>
      %dma_wait3A_476 = tpu.memref_squeeze %dma_wait3A_475 : memref<1x128xi32, #tpu.memory_space<vmem>> -> memref<128xi32, #tpu.memory_space<vmem>>
      %dma_wait3A_477 = arith.constant 0 : i32
      %dma_wait3A_478 = arith.constant 0 : i32
      %dma_wait3A_479 = tpu.memref_slice %arg10[%dma_wait3A_477, %dma_wait3A_478] : memref<10064x128xf32, #tpu.memory_space<vmem_shared>> -> memref<10064x128xf32, #tpu.memory_space<vmem_shared>>
      tpu.wait_indirect_dma semaphore(%arg14 : memref<!tpu.dma_semaphore, #tpu.memory_space<semaphore_mem>>) src(%arg9 : memref<128x128xf32, #tpu.memory_space<vmem>>) dst(%dma_wait3A_479 : memref<10064x128xf32, #tpu.memory_space<vmem_shared>>)
      %dma_start3A_480 = arith.constant 9 : i32
      %dma_start3A_481 = arith.constant 0 : i32
      %dma_start3A_482 = arith.constant 0 : i32
      %dma_start3A_483 = tpu.memref_slice %arg6[%rem3A_73, %dma_start3A_481, %dma_start3A_482] : memref<2x16x128xi32, #tpu.memory_space<vmem>> -> memref<1x16x128xi32, #tpu.memory_space<vmem>>
      %dma_start3A_484 = tpu.memref_squeeze %dma_start3A_483 : memref<1x16x128xi32, #tpu.memory_space<vmem>> -> memref<16x128xi32, #tpu.memory_space<vmem>>
      %dma_start3A_485 = arith.constant 0 : i32
      %dma_start3A_486 = tpu.memref_slice %dma_start3A_484[%dma_start3A_480, %dma_start3A_485] : memref<16x128xi32, #tpu.memory_space<vmem>> -> memref<1x128xi32, #tpu.memory_space<vmem>>
      %dma_start3A_487 = tpu.memref_squeeze %dma_start3A_486 : memref<1x128xi32, #tpu.memory_space<vmem>> -> memref<128xi32, #tpu.memory_space<vmem>>
      %dma_start3A_488 = arith.constant 0 : i32
      %dma_start3A_489 = arith.constant 0 : i32
      %dma_start3A_490 = tpu.memref_slice %arg2[%dma_start3A_488, %dma_start3A_489] : memref<20000x128xf32, #tpu.memory_space<hbm>> -> memref<20000x128xf32, #tpu.memory_space<hbm>>
      tpu.enqueue_indirect_dma source(%dma_start3A_490 : memref<20000x128xf32, #tpu.memory_space<hbm>>) target(%arg9 : memref<128x128xf32, #tpu.memory_space<vmem>>) offsets(%dma_start3A_487 : memref<128xi32, #tpu.memory_space<vmem>>) semaphore(%arg12 : memref<!tpu.dma_semaphore, #tpu.memory_space<semaphore_mem>>)
      %dma_wait3A_491 = arith.constant 8 : i32
      %dma_wait3A_492 = arith.constant 0 : i32
      %dma_wait3A_493 = arith.constant 0 : i32
      %dma_wait3A_494 = tpu.memref_slice %arg6[%rem3A_73, %dma_wait3A_492, %dma_wait3A_493] : memref<2x16x128xi32, #tpu.memory_space<vmem>> -> memref<1x16x128xi32, #tpu.memory_space<vmem>>
      %dma_wait3A_495 = tpu.memref_squeeze %dma_wait3A_494 : memref<1x16x128xi32, #tpu.memory_space<vmem>> -> memref<16x128xi32, #tpu.memory_space<vmem>>
      %dma_wait3A_496 = arith.constant 0 : i32
      %dma_wait3A_497 = tpu.memref_slice %dma_wait3A_495[%dma_wait3A_491, %dma_wait3A_496] : memref<16x128xi32, #tpu.memory_space<vmem>> -> memref<1x128xi32, #tpu.memory_space<vmem>>
      %dma_wait3A_498 = tpu.memref_squeeze %dma_wait3A_497 : memref<1x128xi32, #tpu.memory_space<vmem>> -> memref<128xi32, #tpu.memory_space<vmem>>
      %dma_wait3A_499 = arith.constant 0 : i32
      %dma_wait3A_500 = arith.constant 0 : i32
      %dma_wait3A_501 = tpu.memref_slice %arg2[%dma_wait3A_499, %dma_wait3A_500] : memref<20000x128xf32, #tpu.memory_space<hbm>> -> memref<20000x128xf32, #tpu.memory_space<hbm>>
      tpu.wait_indirect_dma semaphore(%arg11 : memref<!tpu.dma_semaphore, #tpu.memory_space<semaphore_mem>>) src(%dma_wait3A_501 : memref<20000x128xf32, #tpu.memory_space<hbm>>) dst(%arg8 : memref<128x128xf32, #tpu.memory_space<vmem>>)
      %dma_start3A_502 = arith.constant 8 : i32
      %dma_start3A_503 = arith.constant 0 : i32
      %dma_start3A_504 = arith.constant 0 : i32
      %dma_start3A_505 = tpu.memref_slice %arg7[%rem3A_73, %dma_start3A_503, %dma_start3A_504] : memref<2x16x128xi32, #tpu.memory_space<vmem>> -> memref<1x16x128xi32, #tpu.memory_space<vmem>>
      %dma_start3A_506 = tpu.memref_squeeze %dma_start3A_505 : memref<1x16x128xi32, #tpu.memory_space<vmem>> -> memref<16x128xi32, #tpu.memory_space<vmem>>
      %dma_start3A_507 = arith.constant 0 : i32
      %dma_start3A_508 = tpu.memref_slice %dma_start3A_506[%dma_start3A_502, %dma_start3A_507] : memref<16x128xi32, #tpu.memory_space<vmem>> -> memref<1x128xi32, #tpu.memory_space<vmem>>
      %dma_start3A_509 = tpu.memref_squeeze %dma_start3A_508 : memref<1x128xi32, #tpu.memory_space<vmem>> -> memref<128xi32, #tpu.memory_space<vmem>>
      %dma_start3A_510 = arith.constant 0 : i32
      %dma_start3A_511 = arith.constant 0 : i32
      %dma_start3A_512 = tpu.memref_slice %arg10[%dma_start3A_510, %dma_start3A_511] : memref<10064x128xf32, #tpu.memory_space<vmem_shared>> -> memref<10064x128xf32, #tpu.memory_space<vmem_shared>>
      tpu.enqueue_indirect_dma source(%arg8 : memref<128x128xf32, #tpu.memory_space<vmem>>) target(%dma_start3A_512 : memref<10064x128xf32, #tpu.memory_space<vmem_shared>>) offsets(%dma_start3A_509 : memref<128xi32, #tpu.memory_space<vmem>>) semaphore(%arg13 : memref<!tpu.dma_semaphore, #tpu.memory_space<semaphore_mem>>) {add = true}
      %dma_wait3A_513 = arith.constant 0 : i32
      %dma_wait3A_514 = arith.constant 0 : i32
      %dma_wait3A_515 = arith.constant 0 : i32
      %dma_wait3A_516 = tpu.memref_slice %arg7[%rem3A_73, %dma_wait3A_514, %dma_wait3A_515] : memref<2x16x128xi32, #tpu.memory_space<vmem>> -> memref<1x16x128xi32, #tpu.memory_space<vmem>>
      %dma_wait3A_517 = tpu.memref_squeeze %dma_wait3A_516 : memref<1x16x128xi32, #tpu.memory_space<vmem>> -> memref<16x128xi32, #tpu.memory_space<vmem>>
      %dma_wait3A_518 = arith.constant 0 : i32
      %dma_wait3A_519 = tpu.memref_slice %dma_wait3A_517[%dma_wait3A_513, %dma_wait3A_518] : memref<16x128xi32, #tpu.memory_space<vmem>> -> memref<1x128xi32, #tpu.memory_space<vmem>>
      %dma_wait3A_520 = tpu.memref_squeeze %dma_wait3A_519 : memref<1x128xi32, #tpu.memory_space<vmem>> -> memref<128xi32, #tpu.memory_space<vmem>>
      %dma_wait3A_521 = arith.constant 0 : i32
      %dma_wait3A_522 = arith.constant 0 : i32
      %dma_wait3A_523 = tpu.memref_slice %arg10[%dma_wait3A_521, %dma_wait3A_522] : memref<10064x128xf32, #tpu.memory_space<vmem_shared>> -> memref<10064x128xf32, #tpu.memory_space<vmem_shared>>
      tpu.wait_indirect_dma semaphore(%arg13 : memref<!tpu.dma_semaphore, #tpu.memory_space<semaphore_mem>>) src(%arg8 : memref<128x128xf32, #tpu.memory_space<vmem>>) dst(%dma_wait3A_523 : memref<10064x128xf32, #tpu.memory_space<vmem_shared>>)
      %dma_start3A_524 = arith.constant 10 : i32
      %dma_start3A_525 = arith.constant 0 : i32
      %dma_start3A_526 = arith.constant 0 : i32
      %dma_start3A_527 = tpu.memref_slice %arg6[%rem3A_73, %dma_start3A_525, %dma_start3A_526] : memref<2x16x128xi32, #tpu.memory_space<vmem>> -> memref<1x16x128xi32, #tpu.memory_space<vmem>>
      %dma_start3A_528 = tpu.memref_squeeze %dma_start3A_527 : memref<1x16x128xi32, #tpu.memory_space<vmem>> -> memref<16x128xi32, #tpu.memory_space<vmem>>
      %dma_start3A_529 = arith.constant 0 : i32
      %dma_start3A_530 = tpu.memref_slice %dma_start3A_528[%dma_start3A_524, %dma_start3A_529] : memref<16x128xi32, #tpu.memory_space<vmem>> -> memref<1x128xi32, #tpu.memory_space<vmem>>
      %dma_start3A_531 = tpu.memref_squeeze %dma_start3A_530 : memref<1x128xi32, #tpu.memory_space<vmem>> -> memref<128xi32, #tpu.memory_space<vmem>>
      %dma_start3A_532 = arith.constant 0 : i32
      %dma_start3A_533 = arith.constant 0 : i32
      %dma_start3A_534 = tpu.memref_slice %arg2[%dma_start3A_532, %dma_start3A_533] : memref<20000x128xf32, #tpu.memory_space<hbm>> -> memref<20000x128xf32, #tpu.memory_space<hbm>>
      tpu.enqueue_indirect_dma source(%dma_start3A_534 : memref<20000x128xf32, #tpu.memory_space<hbm>>) target(%arg8 : memref<128x128xf32, #tpu.memory_space<vmem>>) offsets(%dma_start3A_531 : memref<128xi32, #tpu.memory_space<vmem>>) semaphore(%arg11 : memref<!tpu.dma_semaphore, #tpu.memory_space<semaphore_mem>>)
      %dma_wait3A_535 = arith.constant 9 : i32
      %dma_wait3A_536 = arith.constant 0 : i32
      %dma_wait3A_537 = arith.constant 0 : i32
      %dma_wait3A_538 = tpu.memref_slice %arg6[%rem3A_73, %dma_wait3A_536, %dma_wait3A_537] : memref<2x16x128xi32, #tpu.memory_space<vmem>> -> memref<1x16x128xi32, #tpu.memory_space<vmem>>
      %dma_wait3A_539 = tpu.memref_squeeze %dma_wait3A_538 : memref<1x16x128xi32, #tpu.memory_space<vmem>> -> memref<16x128xi32, #tpu.memory_space<vmem>>
      %dma_wait3A_540 = arith.constant 0 : i32
      %dma_wait3A_541 = tpu.memref_slice %dma_wait3A_539[%dma_wait3A_535, %dma_wait3A_540] : memref<16x128xi32, #tpu.memory_space<vmem>> -> memref<1x128xi32, #tpu.memory_space<vmem>>
      %dma_wait3A_542 = tpu.memref_squeeze %dma_wait3A_541 : memref<1x128xi32, #tpu.memory_space<vmem>> -> memref<128xi32, #tpu.memory_space<vmem>>
      %dma_wait3A_543 = arith.constant 0 : i32
      %dma_wait3A_544 = arith.constant 0 : i32
      %dma_wait3A_545 = tpu.memref_slice %arg2[%dma_wait3A_543, %dma_wait3A_544] : memref<20000x128xf32, #tpu.memory_space<hbm>> -> memref<20000x128xf32, #tpu.memory_space<hbm>>
      tpu.wait_indirect_dma semaphore(%arg12 : memref<!tpu.dma_semaphore, #tpu.memory_space<semaphore_mem>>) src(%dma_wait3A_545 : memref<20000x128xf32, #tpu.memory_space<hbm>>) dst(%arg9 : memref<128x128xf32, #tpu.memory_space<vmem>>)
      %dma_start3A_546 = arith.constant 9 : i32
      %dma_start3A_547 = arith.constant 0 : i32
      %dma_start3A_548 = arith.constant 0 : i32
      %dma_start3A_549 = tpu.memref_slice %arg7[%rem3A_73, %dma_start3A_547, %dma_start3A_548] : memref<2x16x128xi32, #tpu.memory_space<vmem>> -> memref<1x16x128xi32, #tpu.memory_space<vmem>>
      %dma_start3A_550 = tpu.memref_squeeze %dma_start3A_549 : memref<1x16x128xi32, #tpu.memory_space<vmem>> -> memref<16x128xi32, #tpu.memory_space<vmem>>
      %dma_start3A_551 = arith.constant 0 : i32
      %dma_start3A_552 = tpu.memref_slice %dma_start3A_550[%dma_start3A_546, %dma_start3A_551] : memref<16x128xi32, #tpu.memory_space<vmem>> -> memref<1x128xi32, #tpu.memory_space<vmem>>
      %dma_start3A_553 = tpu.memref_squeeze %dma_start3A_552 : memref<1x128xi32, #tpu.memory_space<vmem>> -> memref<128xi32, #tpu.memory_space<vmem>>
      %dma_start3A_554 = arith.constant 0 : i32
      %dma_start3A_555 = arith.constant 0 : i32
      %dma_start3A_556 = tpu.memref_slice %arg10[%dma_start3A_554, %dma_start3A_555] : memref<10064x128xf32, #tpu.memory_space<vmem_shared>> -> memref<10064x128xf32, #tpu.memory_space<vmem_shared>>
      tpu.enqueue_indirect_dma source(%arg9 : memref<128x128xf32, #tpu.memory_space<vmem>>) target(%dma_start3A_556 : memref<10064x128xf32, #tpu.memory_space<vmem_shared>>) offsets(%dma_start3A_553 : memref<128xi32, #tpu.memory_space<vmem>>) semaphore(%arg14 : memref<!tpu.dma_semaphore, #tpu.memory_space<semaphore_mem>>) {add = true}
      %dma_wait3A_557 = arith.constant 0 : i32
      %dma_wait3A_558 = arith.constant 0 : i32
      %dma_wait3A_559 = arith.constant 0 : i32
      %dma_wait3A_560 = tpu.memref_slice %arg7[%rem3A_73, %dma_wait3A_558, %dma_wait3A_559] : memref<2x16x128xi32, #tpu.memory_space<vmem>> -> memref<1x16x128xi32, #tpu.memory_space<vmem>>
      %dma_wait3A_561 = tpu.memref_squeeze %dma_wait3A_560 : memref<1x16x128xi32, #tpu.memory_space<vmem>> -> memref<16x128xi32, #tpu.memory_space<vmem>>
      %dma_wait3A_562 = arith.constant 0 : i32
      %dma_wait3A_563 = tpu.memref_slice %dma_wait3A_561[%dma_wait3A_557, %dma_wait3A_562] : memref<16x128xi32, #tpu.memory_space<vmem>> -> memref<1x128xi32, #tpu.memory_space<vmem>>
      %dma_wait3A_564 = tpu.memref_squeeze %dma_wait3A_563 : memref<1x128xi32, #tpu.memory_space<vmem>> -> memref<128xi32, #tpu.memory_space<vmem>>
      %dma_wait3A_565 = arith.constant 0 : i32
      %dma_wait3A_566 = arith.constant 0 : i32
      %dma_wait3A_567 = tpu.memref_slice %arg10[%dma_wait3A_565, %dma_wait3A_566] : memref<10064x128xf32, #tpu.memory_space<vmem_shared>> -> memref<10064x128xf32, #tpu.memory_space<vmem_shared>>
      tpu.wait_indirect_dma semaphore(%arg14 : memref<!tpu.dma_semaphore, #tpu.memory_space<semaphore_mem>>) src(%arg9 : memref<128x128xf32, #tpu.memory_space<vmem>>) dst(%dma_wait3A_567 : memref<10064x128xf32, #tpu.memory_space<vmem_shared>>)
      %dma_start3A_568 = arith.constant 11 : i32
      %dma_start3A_569 = arith.constant 0 : i32
      %dma_start3A_570 = arith.constant 0 : i32
      %dma_start3A_571 = tpu.memref_slice %arg6[%rem3A_73, %dma_start3A_569, %dma_start3A_570] : memref<2x16x128xi32, #tpu.memory_space<vmem>> -> memref<1x16x128xi32, #tpu.memory_space<vmem>>
      %dma_start3A_572 = tpu.memref_squeeze %dma_start3A_571 : memref<1x16x128xi32, #tpu.memory_space<vmem>> -> memref<16x128xi32, #tpu.memory_space<vmem>>
      %dma_start3A_573 = arith.constant 0 : i32
      %dma_start3A_574 = tpu.memref_slice %dma_start3A_572[%dma_start3A_568, %dma_start3A_573] : memref<16x128xi32, #tpu.memory_space<vmem>> -> memref<1x128xi32, #tpu.memory_space<vmem>>
      %dma_start3A_575 = tpu.memref_squeeze %dma_start3A_574 : memref<1x128xi32, #tpu.memory_space<vmem>> -> memref<128xi32, #tpu.memory_space<vmem>>
      %dma_start3A_576 = arith.constant 0 : i32
      %dma_start3A_577 = arith.constant 0 : i32
      %dma_start3A_578 = tpu.memref_slice %arg2[%dma_start3A_576, %dma_start3A_577] : memref<20000x128xf32, #tpu.memory_space<hbm>> -> memref<20000x128xf32, #tpu.memory_space<hbm>>
      tpu.enqueue_indirect_dma source(%dma_start3A_578 : memref<20000x128xf32, #tpu.memory_space<hbm>>) target(%arg9 : memref<128x128xf32, #tpu.memory_space<vmem>>) offsets(%dma_start3A_575 : memref<128xi32, #tpu.memory_space<vmem>>) semaphore(%arg12 : memref<!tpu.dma_semaphore, #tpu.memory_space<semaphore_mem>>)
      %dma_wait3A_579 = arith.constant 10 : i32
      %dma_wait3A_580 = arith.constant 0 : i32
      %dma_wait3A_581 = arith.constant 0 : i32
      %dma_wait3A_582 = tpu.memref_slice %arg6[%rem3A_73, %dma_wait3A_580, %dma_wait3A_581] : memref<2x16x128xi32, #tpu.memory_space<vmem>> -> memref<1x16x128xi32, #tpu.memory_space<vmem>>
      %dma_wait3A_583 = tpu.memref_squeeze %dma_wait3A_582 : memref<1x16x128xi32, #tpu.memory_space<vmem>> -> memref<16x128xi32, #tpu.memory_space<vmem>>
      %dma_wait3A_584 = arith.constant 0 : i32
      %dma_wait3A_585 = tpu.memref_slice %dma_wait3A_583[%dma_wait3A_579, %dma_wait3A_584] : memref<16x128xi32, #tpu.memory_space<vmem>> -> memref<1x128xi32, #tpu.memory_space<vmem>>
      %dma_wait3A_586 = tpu.memref_squeeze %dma_wait3A_585 : memref<1x128xi32, #tpu.memory_space<vmem>> -> memref<128xi32, #tpu.memory_space<vmem>>
      %dma_wait3A_587 = arith.constant 0 : i32
      %dma_wait3A_588 = arith.constant 0 : i32
      %dma_wait3A_589 = tpu.memref_slice %arg2[%dma_wait3A_587, %dma_wait3A_588] : memref<20000x128xf32, #tpu.memory_space<hbm>> -> memref<20000x128xf32, #tpu.memory_space<hbm>>
      tpu.wait_indirect_dma semaphore(%arg11 : memref<!tpu.dma_semaphore, #tpu.memory_space<semaphore_mem>>) src(%dma_wait3A_589 : memref<20000x128xf32, #tpu.memory_space<hbm>>) dst(%arg8 : memref<128x128xf32, #tpu.memory_space<vmem>>)
      %dma_start3A_590 = arith.constant 10 : i32
      %dma_start3A_591 = arith.constant 0 : i32
      %dma_start3A_592 = arith.constant 0 : i32
      %dma_start3A_593 = tpu.memref_slice %arg7[%rem3A_73, %dma_start3A_591, %dma_start3A_592] : memref<2x16x128xi32, #tpu.memory_space<vmem>> -> memref<1x16x128xi32, #tpu.memory_space<vmem>>
      %dma_start3A_594 = tpu.memref_squeeze %dma_start3A_593 : memref<1x16x128xi32, #tpu.memory_space<vmem>> -> memref<16x128xi32, #tpu.memory_space<vmem>>
      %dma_start3A_595 = arith.constant 0 : i32
      %dma_start3A_596 = tpu.memref_slice %dma_start3A_594[%dma_start3A_590, %dma_start3A_595] : memref<16x128xi32, #tpu.memory_space<vmem>> -> memref<1x128xi32, #tpu.memory_space<vmem>>
      %dma_start3A_597 = tpu.memref_squeeze %dma_start3A_596 : memref<1x128xi32, #tpu.memory_space<vmem>> -> memref<128xi32, #tpu.memory_space<vmem>>
      %dma_start3A_598 = arith.constant 0 : i32
      %dma_start3A_599 = arith.constant 0 : i32
      %dma_start3A_600 = tpu.memref_slice %arg10[%dma_start3A_598, %dma_start3A_599] : memref<10064x128xf32, #tpu.memory_space<vmem_shared>> -> memref<10064x128xf32, #tpu.memory_space<vmem_shared>>
      tpu.enqueue_indirect_dma source(%arg8 : memref<128x128xf32, #tpu.memory_space<vmem>>) target(%dma_start3A_600 : memref<10064x128xf32, #tpu.memory_space<vmem_shared>>) offsets(%dma_start3A_597 : memref<128xi32, #tpu.memory_space<vmem>>) semaphore(%arg13 : memref<!tpu.dma_semaphore, #tpu.memory_space<semaphore_mem>>) {add = true}
      %dma_wait3A_601 = arith.constant 0 : i32
      %dma_wait3A_602 = arith.constant 0 : i32
      %dma_wait3A_603 = arith.constant 0 : i32
      %dma_wait3A_604 = tpu.memref_slice %arg7[%rem3A_73, %dma_wait3A_602, %dma_wait3A_603] : memref<2x16x128xi32, #tpu.memory_space<vmem>> -> memref<1x16x128xi32, #tpu.memory_space<vmem>>
      %dma_wait3A_605 = tpu.memref_squeeze %dma_wait3A_604 : memref<1x16x128xi32, #tpu.memory_space<vmem>> -> memref<16x128xi32, #tpu.memory_space<vmem>>
      %dma_wait3A_606 = arith.constant 0 : i32
      %dma_wait3A_607 = tpu.memref_slice %dma_wait3A_605[%dma_wait3A_601, %dma_wait3A_606] : memref<16x128xi32, #tpu.memory_space<vmem>> -> memref<1x128xi32, #tpu.memory_space<vmem>>
      %dma_wait3A_608 = tpu.memref_squeeze %dma_wait3A_607 : memref<1x128xi32, #tpu.memory_space<vmem>> -> memref<128xi32, #tpu.memory_space<vmem>>
      %dma_wait3A_609 = arith.constant 0 : i32
      %dma_wait3A_610 = arith.constant 0 : i32
      %dma_wait3A_611 = tpu.memref_slice %arg10[%dma_wait3A_609, %dma_wait3A_610] : memref<10064x128xf32, #tpu.memory_space<vmem_shared>> -> memref<10064x128xf32, #tpu.memory_space<vmem_shared>>
      tpu.wait_indirect_dma semaphore(%arg13 : memref<!tpu.dma_semaphore, #tpu.memory_space<semaphore_mem>>) src(%arg8 : memref<128x128xf32, #tpu.memory_space<vmem>>) dst(%dma_wait3A_611 : memref<10064x128xf32, #tpu.memory_space<vmem_shared>>)
      %dma_start3A_612 = arith.constant 12 : i32
      %dma_start3A_613 = arith.constant 0 : i32
      %dma_start3A_614 = arith.constant 0 : i32
      %dma_start3A_615 = tpu.memref_slice %arg6[%rem3A_73, %dma_start3A_613, %dma_start3A_614] : memref<2x16x128xi32, #tpu.memory_space<vmem>> -> memref<1x16x128xi32, #tpu.memory_space<vmem>>
      %dma_start3A_616 = tpu.memref_squeeze %dma_start3A_615 : memref<1x16x128xi32, #tpu.memory_space<vmem>> -> memref<16x128xi32, #tpu.memory_space<vmem>>
      %dma_start3A_617 = arith.constant 0 : i32
      %dma_start3A_618 = tpu.memref_slice %dma_start3A_616[%dma_start3A_612, %dma_start3A_617] : memref<16x128xi32, #tpu.memory_space<vmem>> -> memref<1x128xi32, #tpu.memory_space<vmem>>
      %dma_start3A_619 = tpu.memref_squeeze %dma_start3A_618 : memref<1x128xi32, #tpu.memory_space<vmem>> -> memref<128xi32, #tpu.memory_space<vmem>>
      %dma_start3A_620 = arith.constant 0 : i32
      %dma_start3A_621 = arith.constant 0 : i32
      %dma_start3A_622 = tpu.memref_slice %arg2[%dma_start3A_620, %dma_start3A_621] : memref<20000x128xf32, #tpu.memory_space<hbm>> -> memref<20000x128xf32, #tpu.memory_space<hbm>>
      tpu.enqueue_indirect_dma source(%dma_start3A_622 : memref<20000x128xf32, #tpu.memory_space<hbm>>) target(%arg8 : memref<128x128xf32, #tpu.memory_space<vmem>>) offsets(%dma_start3A_619 : memref<128xi32, #tpu.memory_space<vmem>>) semaphore(%arg11 : memref<!tpu.dma_semaphore, #tpu.memory_space<semaphore_mem>>)
      %dma_wait3A_623 = arith.constant 11 : i32
      %dma_wait3A_624 = arith.constant 0 : i32
      %dma_wait3A_625 = arith.constant 0 : i32
      %dma_wait3A_626 = tpu.memref_slice %arg6[%rem3A_73, %dma_wait3A_624, %dma_wait3A_625] : memref<2x16x128xi32, #tpu.memory_space<vmem>> -> memref<1x16x128xi32, #tpu.memory_space<vmem>>
      %dma_wait3A_627 = tpu.memref_squeeze %dma_wait3A_626 : memref<1x16x128xi32, #tpu.memory_space<vmem>> -> memref<16x128xi32, #tpu.memory_space<vmem>>
      %dma_wait3A_628 = arith.constant 0 : i32
      %dma_wait3A_629 = tpu.memref_slice %dma_wait3A_627[%dma_wait3A_623, %dma_wait3A_628] : memref<16x128xi32, #tpu.memory_space<vmem>> -> memref<1x128xi32, #tpu.memory_space<vmem>>
      %dma_wait3A_630 = tpu.memref_squeeze %dma_wait3A_629 : memref<1x128xi32, #tpu.memory_space<vmem>> -> memref<128xi32, #tpu.memory_space<vmem>>
      %dma_wait3A_631 = arith.constant 0 : i32
      %dma_wait3A_632 = arith.constant 0 : i32
      %dma_wait3A_633 = tpu.memref_slice %arg2[%dma_wait3A_631, %dma_wait3A_632] : memref<20000x128xf32, #tpu.memory_space<hbm>> -> memref<20000x128xf32, #tpu.memory_space<hbm>>
      tpu.wait_indirect_dma semaphore(%arg12 : memref<!tpu.dma_semaphore, #tpu.memory_space<semaphore_mem>>) src(%dma_wait3A_633 : memref<20000x128xf32, #tpu.memory_space<hbm>>) dst(%arg9 : memref<128x128xf32, #tpu.memory_space<vmem>>)
      %dma_start3A_634 = arith.constant 11 : i32
      %dma_start3A_635 = arith.constant 0 : i32
      %dma_start3A_636 = arith.constant 0 : i32
      %dma_start3A_637 = tpu.memref_slice %arg7[%rem3A_73, %dma_start3A_635, %dma_start3A_636] : memref<2x16x128xi32, #tpu.memory_space<vmem>> -> memref<1x16x128xi32, #tpu.memory_space<vmem>>
      %dma_start3A_638 = tpu.memref_squeeze %dma_start3A_637 : memref<1x16x128xi32, #tpu.memory_space<vmem>> -> memref<16x128xi32, #tpu.memory_space<vmem>>
      %dma_start3A_639 = arith.constant 0 : i32
      %dma_start3A_640 = tpu.memref_slice %dma_start3A_638[%dma_start3A_634, %dma_start3A_639] : memref<16x128xi32, #tpu.memory_space<vmem>> -> memref<1x128xi32, #tpu.memory_space<vmem>>
      %dma_start3A_641 = tpu.memref_squeeze %dma_start3A_640 : memref<1x128xi32, #tpu.memory_space<vmem>> -> memref<128xi32, #tpu.memory_space<vmem>>
      %dma_start3A_642 = arith.constant 0 : i32
      %dma_start3A_643 = arith.constant 0 : i32
      %dma_start3A_644 = tpu.memref_slice %arg10[%dma_start3A_642, %dma_start3A_643] : memref<10064x128xf32, #tpu.memory_space<vmem_shared>> -> memref<10064x128xf32, #tpu.memory_space<vmem_shared>>
      tpu.enqueue_indirect_dma source(%arg9 : memref<128x128xf32, #tpu.memory_space<vmem>>) target(%dma_start3A_644 : memref<10064x128xf32, #tpu.memory_space<vmem_shared>>) offsets(%dma_start3A_641 : memref<128xi32, #tpu.memory_space<vmem>>) semaphore(%arg14 : memref<!tpu.dma_semaphore, #tpu.memory_space<semaphore_mem>>) {add = true}
      %dma_wait3A_645 = arith.constant 0 : i32
      %dma_wait3A_646 = arith.constant 0 : i32
      %dma_wait3A_647 = arith.constant 0 : i32
      %dma_wait3A_648 = tpu.memref_slice %arg7[%rem3A_73, %dma_wait3A_646, %dma_wait3A_647] : memref<2x16x128xi32, #tpu.memory_space<vmem>> -> memref<1x16x128xi32, #tpu.memory_space<vmem>>
      %dma_wait3A_649 = tpu.memref_squeeze %dma_wait3A_648 : memref<1x16x128xi32, #tpu.memory_space<vmem>> -> memref<16x128xi32, #tpu.memory_space<vmem>>
      %dma_wait3A_650 = arith.constant 0 : i32
      %dma_wait3A_651 = tpu.memref_slice %dma_wait3A_649[%dma_wait3A_645, %dma_wait3A_650] : memref<16x128xi32, #tpu.memory_space<vmem>> -> memref<1x128xi32, #tpu.memory_space<vmem>>
      %dma_wait3A_652 = tpu.memref_squeeze %dma_wait3A_651 : memref<1x128xi32, #tpu.memory_space<vmem>> -> memref<128xi32, #tpu.memory_space<vmem>>
      %dma_wait3A_653 = arith.constant 0 : i32
      %dma_wait3A_654 = arith.constant 0 : i32
      %dma_wait3A_655 = tpu.memref_slice %arg10[%dma_wait3A_653, %dma_wait3A_654] : memref<10064x128xf32, #tpu.memory_space<vmem_shared>> -> memref<10064x128xf32, #tpu.memory_space<vmem_shared>>
      tpu.wait_indirect_dma semaphore(%arg14 : memref<!tpu.dma_semaphore, #tpu.memory_space<semaphore_mem>>) src(%arg9 : memref<128x128xf32, #tpu.memory_space<vmem>>) dst(%dma_wait3A_655 : memref<10064x128xf32, #tpu.memory_space<vmem_shared>>)
      %dma_start3A_656 = arith.constant 13 : i32
      %dma_start3A_657 = arith.constant 0 : i32
      %dma_start3A_658 = arith.constant 0 : i32
      %dma_start3A_659 = tpu.memref_slice %arg6[%rem3A_73, %dma_start3A_657, %dma_start3A_658] : memref<2x16x128xi32, #tpu.memory_space<vmem>> -> memref<1x16x128xi32, #tpu.memory_space<vmem>>
      %dma_start3A_660 = tpu.memref_squeeze %dma_start3A_659 : memref<1x16x128xi32, #tpu.memory_space<vmem>> -> memref<16x128xi32, #tpu.memory_space<vmem>>
      %dma_start3A_661 = arith.constant 0 : i32
      %dma_start3A_662 = tpu.memref_slice %dma_start3A_660[%dma_start3A_656, %dma_start3A_661] : memref<16x128xi32, #tpu.memory_space<vmem>> -> memref<1x128xi32, #tpu.memory_space<vmem>>
      %dma_start3A_663 = tpu.memref_squeeze %dma_start3A_662 : memref<1x128xi32, #tpu.memory_space<vmem>> -> memref<128xi32, #tpu.memory_space<vmem>>
      %dma_start3A_664 = arith.constant 0 : i32
      %dma_start3A_665 = arith.constant 0 : i32
      %dma_start3A_666 = tpu.memref_slice %arg2[%dma_start3A_664, %dma_start3A_665] : memref<20000x128xf32, #tpu.memory_space<hbm>> -> memref<20000x128xf32, #tpu.memory_space<hbm>>
      tpu.enqueue_indirect_dma source(%dma_start3A_666 : memref<20000x128xf32, #tpu.memory_space<hbm>>) target(%arg9 : memref<128x128xf32, #tpu.memory_space<vmem>>) offsets(%dma_start3A_663 : memref<128xi32, #tpu.memory_space<vmem>>) semaphore(%arg12 : memref<!tpu.dma_semaphore, #tpu.memory_space<semaphore_mem>>)
      %dma_wait3A_667 = arith.constant 12 : i32
      %dma_wait3A_668 = arith.constant 0 : i32
      %dma_wait3A_669 = arith.constant 0 : i32
      %dma_wait3A_670 = tpu.memref_slice %arg6[%rem3A_73, %dma_wait3A_668, %dma_wait3A_669] : memref<2x16x128xi32, #tpu.memory_space<vmem>> -> memref<1x16x128xi32, #tpu.memory_space<vmem>>
      %dma_wait3A_671 = tpu.memref_squeeze %dma_wait3A_670 : memref<1x16x128xi32, #tpu.memory_space<vmem>> -> memref<16x128xi32, #tpu.memory_space<vmem>>
      %dma_wait3A_672 = arith.constant 0 : i32
      %dma_wait3A_673 = tpu.memref_slice %dma_wait3A_671[%dma_wait3A_667, %dma_wait3A_672] : memref<16x128xi32, #tpu.memory_space<vmem>> -> memref<1x128xi32, #tpu.memory_space<vmem>>
      %dma_wait3A_674 = tpu.memref_squeeze %dma_wait3A_673 : memref<1x128xi32, #tpu.memory_space<vmem>> -> memref<128xi32, #tpu.memory_space<vmem>>
      %dma_wait3A_675 = arith.constant 0 : i32
      %dma_wait3A_676 = arith.constant 0 : i32
      %dma_wait3A_677 = tpu.memref_slice %arg2[%dma_wait3A_675, %dma_wait3A_676] : memref<20000x128xf32, #tpu.memory_space<hbm>> -> memref<20000x128xf32, #tpu.memory_space<hbm>>
      tpu.wait_indirect_dma semaphore(%arg11 : memref<!tpu.dma_semaphore, #tpu.memory_space<semaphore_mem>>) src(%dma_wait3A_677 : memref<20000x128xf32, #tpu.memory_space<hbm>>) dst(%arg8 : memref<128x128xf32, #tpu.memory_space<vmem>>)
      %dma_start3A_678 = arith.constant 12 : i32
      %dma_start3A_679 = arith.constant 0 : i32
      %dma_start3A_680 = arith.constant 0 : i32
      %dma_start3A_681 = tpu.memref_slice %arg7[%rem3A_73, %dma_start3A_679, %dma_start3A_680] : memref<2x16x128xi32, #tpu.memory_space<vmem>> -> memref<1x16x128xi32, #tpu.memory_space<vmem>>
      %dma_start3A_682 = tpu.memref_squeeze %dma_start3A_681 : memref<1x16x128xi32, #tpu.memory_space<vmem>> -> memref<16x128xi32, #tpu.memory_space<vmem>>
      %dma_start3A_683 = arith.constant 0 : i32
      %dma_start3A_684 = tpu.memref_slice %dma_start3A_682[%dma_start3A_678, %dma_start3A_683] : memref<16x128xi32, #tpu.memory_space<vmem>> -> memref<1x128xi32, #tpu.memory_space<vmem>>
      %dma_start3A_685 = tpu.memref_squeeze %dma_start3A_684 : memref<1x128xi32, #tpu.memory_space<vmem>> -> memref<128xi32, #tpu.memory_space<vmem>>
      %dma_start3A_686 = arith.constant 0 : i32
      %dma_start3A_687 = arith.constant 0 : i32
      %dma_start3A_688 = tpu.memref_slice %arg10[%dma_start3A_686, %dma_start3A_687] : memref<10064x128xf32, #tpu.memory_space<vmem_shared>> -> memref<10064x128xf32, #tpu.memory_space<vmem_shared>>
      tpu.enqueue_indirect_dma source(%arg8 : memref<128x128xf32, #tpu.memory_space<vmem>>) target(%dma_start3A_688 : memref<10064x128xf32, #tpu.memory_space<vmem_shared>>) offsets(%dma_start3A_685 : memref<128xi32, #tpu.memory_space<vmem>>) semaphore(%arg13 : memref<!tpu.dma_semaphore, #tpu.memory_space<semaphore_mem>>) {add = true}
      %dma_wait3A_689 = arith.constant 0 : i32
      %dma_wait3A_690 = arith.constant 0 : i32
      %dma_wait3A_691 = arith.constant 0 : i32
      %dma_wait3A_692 = tpu.memref_slice %arg7[%rem3A_73, %dma_wait3A_690, %dma_wait3A_691] : memref<2x16x128xi32, #tpu.memory_space<vmem>> -> memref<1x16x128xi32, #tpu.memory_space<vmem>>
      %dma_wait3A_693 = tpu.memref_squeeze %dma_wait3A_692 : memref<1x16x128xi32, #tpu.memory_space<vmem>> -> memref<16x128xi32, #tpu.memory_space<vmem>>
      %dma_wait3A_694 = arith.constant 0 : i32
      %dma_wait3A_695 = tpu.memref_slice %dma_wait3A_693[%dma_wait3A_689, %dma_wait3A_694] : memref<16x128xi32, #tpu.memory_space<vmem>> -> memref<1x128xi32, #tpu.memory_space<vmem>>
      %dma_wait3A_696 = tpu.memref_squeeze %dma_wait3A_695 : memref<1x128xi32, #tpu.memory_space<vmem>> -> memref<128xi32, #tpu.memory_space<vmem>>
      %dma_wait3A_697 = arith.constant 0 : i32
      %dma_wait3A_698 = arith.constant 0 : i32
      %dma_wait3A_699 = tpu.memref_slice %arg10[%dma_wait3A_697, %dma_wait3A_698] : memref<10064x128xf32, #tpu.memory_space<vmem_shared>> -> memref<10064x128xf32, #tpu.memory_space<vmem_shared>>
      tpu.wait_indirect_dma semaphore(%arg13 : memref<!tpu.dma_semaphore, #tpu.memory_space<semaphore_mem>>) src(%arg8 : memref<128x128xf32, #tpu.memory_space<vmem>>) dst(%dma_wait3A_699 : memref<10064x128xf32, #tpu.memory_space<vmem_shared>>)
      %dma_start3A_700 = arith.constant 14 : i32
      %dma_start3A_701 = arith.constant 0 : i32
      %dma_start3A_702 = arith.constant 0 : i32
      %dma_start3A_703 = tpu.memref_slice %arg6[%rem3A_73, %dma_start3A_701, %dma_start3A_702] : memref<2x16x128xi32, #tpu.memory_space<vmem>> -> memref<1x16x128xi32, #tpu.memory_space<vmem>>
      %dma_start3A_704 = tpu.memref_squeeze %dma_start3A_703 : memref<1x16x128xi32, #tpu.memory_space<vmem>> -> memref<16x128xi32, #tpu.memory_space<vmem>>
      %dma_start3A_705 = arith.constant 0 : i32
      %dma_start3A_706 = tpu.memref_slice %dma_start3A_704[%dma_start3A_700, %dma_start3A_705] : memref<16x128xi32, #tpu.memory_space<vmem>> -> memref<1x128xi32, #tpu.memory_space<vmem>>
      %dma_start3A_707 = tpu.memref_squeeze %dma_start3A_706 : memref<1x128xi32, #tpu.memory_space<vmem>> -> memref<128xi32, #tpu.memory_space<vmem>>
      %dma_start3A_708 = arith.constant 0 : i32
      %dma_start3A_709 = arith.constant 0 : i32
      %dma_start3A_710 = tpu.memref_slice %arg2[%dma_start3A_708, %dma_start3A_709] : memref<20000x128xf32, #tpu.memory_space<hbm>> -> memref<20000x128xf32, #tpu.memory_space<hbm>>
      tpu.enqueue_indirect_dma source(%dma_start3A_710 : memref<20000x128xf32, #tpu.memory_space<hbm>>) target(%arg8 : memref<128x128xf32, #tpu.memory_space<vmem>>) offsets(%dma_start3A_707 : memref<128xi32, #tpu.memory_space<vmem>>) semaphore(%arg11 : memref<!tpu.dma_semaphore, #tpu.memory_space<semaphore_mem>>)
      %dma_wait3A_711 = arith.constant 13 : i32
      %dma_wait3A_712 = arith.constant 0 : i32
      %dma_wait3A_713 = arith.constant 0 : i32
      %dma_wait3A_714 = tpu.memref_slice %arg6[%rem3A_73, %dma_wait3A_712, %dma_wait3A_713] : memref<2x16x128xi32, #tpu.memory_space<vmem>> -> memref<1x16x128xi32, #tpu.memory_space<vmem>>
      %dma_wait3A_715 = tpu.memref_squeeze %dma_wait3A_714 : memref<1x16x128xi32, #tpu.memory_space<vmem>> -> memref<16x128xi32, #tpu.memory_space<vmem>>
      %dma_wait3A_716 = arith.constant 0 : i32
      %dma_wait3A_717 = tpu.memref_slice %dma_wait3A_715[%dma_wait3A_711, %dma_wait3A_716] : memref<16x128xi32, #tpu.memory_space<vmem>> -> memref<1x128xi32, #tpu.memory_space<vmem>>
      %dma_wait3A_718 = tpu.memref_squeeze %dma_wait3A_717 : memref<1x128xi32, #tpu.memory_space<vmem>> -> memref<128xi32, #tpu.memory_space<vmem>>
      %dma_wait3A_719 = arith.constant 0 : i32
      %dma_wait3A_720 = arith.constant 0 : i32
      %dma_wait3A_721 = tpu.memref_slice %arg2[%dma_wait3A_719, %dma_wait3A_720] : memref<20000x128xf32, #tpu.memory_space<hbm>> -> memref<20000x128xf32, #tpu.memory_space<hbm>>
      tpu.wait_indirect_dma semaphore(%arg12 : memref<!tpu.dma_semaphore, #tpu.memory_space<semaphore_mem>>) src(%dma_wait3A_721 : memref<20000x128xf32, #tpu.memory_space<hbm>>) dst(%arg9 : memref<128x128xf32, #tpu.memory_space<vmem>>)
      %dma_start3A_722 = arith.constant 13 : i32
      %dma_start3A_723 = arith.constant 0 : i32
      %dma_start3A_724 = arith.constant 0 : i32
      %dma_start3A_725 = tpu.memref_slice %arg7[%rem3A_73, %dma_start3A_723, %dma_start3A_724] : memref<2x16x128xi32, #tpu.memory_space<vmem>> -> memref<1x16x128xi32, #tpu.memory_space<vmem>>
      %dma_start3A_726 = tpu.memref_squeeze %dma_start3A_725 : memref<1x16x128xi32, #tpu.memory_space<vmem>> -> memref<16x128xi32, #tpu.memory_space<vmem>>
      %dma_start3A_727 = arith.constant 0 : i32
      %dma_start3A_728 = tpu.memref_slice %dma_start3A_726[%dma_start3A_722, %dma_start3A_727] : memref<16x128xi32, #tpu.memory_space<vmem>> -> memref<1x128xi32, #tpu.memory_space<vmem>>
      %dma_start3A_729 = tpu.memref_squeeze %dma_start3A_728 : memref<1x128xi32, #tpu.memory_space<vmem>> -> memref<128xi32, #tpu.memory_space<vmem>>
      %dma_start3A_730 = arith.constant 0 : i32
      %dma_start3A_731 = arith.constant 0 : i32
      %dma_start3A_732 = tpu.memref_slice %arg10[%dma_start3A_730, %dma_start3A_731] : memref<10064x128xf32, #tpu.memory_space<vmem_shared>> -> memref<10064x128xf32, #tpu.memory_space<vmem_shared>>
      tpu.enqueue_indirect_dma source(%arg9 : memref<128x128xf32, #tpu.memory_space<vmem>>) target(%dma_start3A_732 : memref<10064x128xf32, #tpu.memory_space<vmem_shared>>) offsets(%dma_start3A_729 : memref<128xi32, #tpu.memory_space<vmem>>) semaphore(%arg14 : memref<!tpu.dma_semaphore, #tpu.memory_space<semaphore_mem>>) {add = true}
      %dma_wait3A_733 = arith.constant 0 : i32
      %dma_wait3A_734 = arith.constant 0 : i32
      %dma_wait3A_735 = arith.constant 0 : i32
      %dma_wait3A_736 = tpu.memref_slice %arg7[%rem3A_73, %dma_wait3A_734, %dma_wait3A_735] : memref<2x16x128xi32, #tpu.memory_space<vmem>> -> memref<1x16x128xi32, #tpu.memory_space<vmem>>
      %dma_wait3A_737 = tpu.memref_squeeze %dma_wait3A_736 : memref<1x16x128xi32, #tpu.memory_space<vmem>> -> memref<16x128xi32, #tpu.memory_space<vmem>>
      %dma_wait3A_738 = arith.constant 0 : i32
      %dma_wait3A_739 = tpu.memref_slice %dma_wait3A_737[%dma_wait3A_733, %dma_wait3A_738] : memref<16x128xi32, #tpu.memory_space<vmem>> -> memref<1x128xi32, #tpu.memory_space<vmem>>
      %dma_wait3A_740 = tpu.memref_squeeze %dma_wait3A_739 : memref<1x128xi32, #tpu.memory_space<vmem>> -> memref<128xi32, #tpu.memory_space<vmem>>
      %dma_wait3A_741 = arith.constant 0 : i32
      %dma_wait3A_742 = arith.constant 0 : i32
      %dma_wait3A_743 = tpu.memref_slice %arg10[%dma_wait3A_741, %dma_wait3A_742] : memref<10064x128xf32, #tpu.memory_space<vmem_shared>> -> memref<10064x128xf32, #tpu.memory_space<vmem_shared>>
      tpu.wait_indirect_dma semaphore(%arg14 : memref<!tpu.dma_semaphore, #tpu.memory_space<semaphore_mem>>) src(%arg9 : memref<128x128xf32, #tpu.memory_space<vmem>>) dst(%dma_wait3A_743 : memref<10064x128xf32, #tpu.memory_space<vmem_shared>>)
      %dma_start3A_744 = arith.constant 15 : i32
      %dma_start3A_745 = arith.constant 0 : i32
      %dma_start3A_746 = arith.constant 0 : i32
      %dma_start3A_747 = tpu.memref_slice %arg6[%rem3A_73, %dma_start3A_745, %dma_start3A_746] : memref<2x16x128xi32, #tpu.memory_space<vmem>> -> memref<1x16x128xi32, #tpu.memory_space<vmem>>
      %dma_start3A_748 = tpu.memref_squeeze %dma_start3A_747 : memref<1x16x128xi32, #tpu.memory_space<vmem>> -> memref<16x128xi32, #tpu.memory_space<vmem>>
      %dma_start3A_749 = arith.constant 0 : i32
      %dma_start3A_750 = tpu.memref_slice %dma_start3A_748[%dma_start3A_744, %dma_start3A_749] : memref<16x128xi32, #tpu.memory_space<vmem>> -> memref<1x128xi32, #tpu.memory_space<vmem>>
      %dma_start3A_751 = tpu.memref_squeeze %dma_start3A_750 : memref<1x128xi32, #tpu.memory_space<vmem>> -> memref<128xi32, #tpu.memory_space<vmem>>
      %dma_start3A_752 = arith.constant 0 : i32
      %dma_start3A_753 = arith.constant 0 : i32
      %dma_start3A_754 = tpu.memref_slice %arg2[%dma_start3A_752, %dma_start3A_753] : memref<20000x128xf32, #tpu.memory_space<hbm>> -> memref<20000x128xf32, #tpu.memory_space<hbm>>
      tpu.enqueue_indirect_dma source(%dma_start3A_754 : memref<20000x128xf32, #tpu.memory_space<hbm>>) target(%arg9 : memref<128x128xf32, #tpu.memory_space<vmem>>) offsets(%dma_start3A_751 : memref<128xi32, #tpu.memory_space<vmem>>) semaphore(%arg12 : memref<!tpu.dma_semaphore, #tpu.memory_space<semaphore_mem>>)
      %dma_wait3A_755 = arith.constant 14 : i32
      %dma_wait3A_756 = arith.constant 0 : i32
      %dma_wait3A_757 = arith.constant 0 : i32
      %dma_wait3A_758 = tpu.memref_slice %arg6[%rem3A_73, %dma_wait3A_756, %dma_wait3A_757] : memref<2x16x128xi32, #tpu.memory_space<vmem>> -> memref<1x16x128xi32, #tpu.memory_space<vmem>>
      %dma_wait3A_759 = tpu.memref_squeeze %dma_wait3A_758 : memref<1x16x128xi32, #tpu.memory_space<vmem>> -> memref<16x128xi32, #tpu.memory_space<vmem>>
      %dma_wait3A_760 = arith.constant 0 : i32
      %dma_wait3A_761 = tpu.memref_slice %dma_wait3A_759[%dma_wait3A_755, %dma_wait3A_760] : memref<16x128xi32, #tpu.memory_space<vmem>> -> memref<1x128xi32, #tpu.memory_space<vmem>>
      %dma_wait3A_762 = tpu.memref_squeeze %dma_wait3A_761 : memref<1x128xi32, #tpu.memory_space<vmem>> -> memref<128xi32, #tpu.memory_space<vmem>>
      %dma_wait3A_763 = arith.constant 0 : i32
      %dma_wait3A_764 = arith.constant 0 : i32
      %dma_wait3A_765 = tpu.memref_slice %arg2[%dma_wait3A_763, %dma_wait3A_764] : memref<20000x128xf32, #tpu.memory_space<hbm>> -> memref<20000x128xf32, #tpu.memory_space<hbm>>
      tpu.wait_indirect_dma semaphore(%arg11 : memref<!tpu.dma_semaphore, #tpu.memory_space<semaphore_mem>>) src(%dma_wait3A_765 : memref<20000x128xf32, #tpu.memory_space<hbm>>) dst(%arg8 : memref<128x128xf32, #tpu.memory_space<vmem>>)
      %dma_start3A_766 = arith.constant 14 : i32
      %dma_start3A_767 = arith.constant 0 : i32
      %dma_start3A_768 = arith.constant 0 : i32
      %dma_start3A_769 = tpu.memref_slice %arg7[%rem3A_73, %dma_start3A_767, %dma_start3A_768] : memref<2x16x128xi32, #tpu.memory_space<vmem>> -> memref<1x16x128xi32, #tpu.memory_space<vmem>>
      %dma_start3A_770 = tpu.memref_squeeze %dma_start3A_769 : memref<1x16x128xi32, #tpu.memory_space<vmem>> -> memref<16x128xi32, #tpu.memory_space<vmem>>
      %dma_start3A_771 = arith.constant 0 : i32
      %dma_start3A_772 = tpu.memref_slice %dma_start3A_770[%dma_start3A_766, %dma_start3A_771] : memref<16x128xi32, #tpu.memory_space<vmem>> -> memref<1x128xi32, #tpu.memory_space<vmem>>
      %dma_start3A_773 = tpu.memref_squeeze %dma_start3A_772 : memref<1x128xi32, #tpu.memory_space<vmem>> -> memref<128xi32, #tpu.memory_space<vmem>>
      %dma_start3A_774 = arith.constant 0 : i32
      %dma_start3A_775 = arith.constant 0 : i32
      %dma_start3A_776 = tpu.memref_slice %arg10[%dma_start3A_774, %dma_start3A_775] : memref<10064x128xf32, #tpu.memory_space<vmem_shared>> -> memref<10064x128xf32, #tpu.memory_space<vmem_shared>>
      tpu.enqueue_indirect_dma source(%arg8 : memref<128x128xf32, #tpu.memory_space<vmem>>) target(%dma_start3A_776 : memref<10064x128xf32, #tpu.memory_space<vmem_shared>>) offsets(%dma_start3A_773 : memref<128xi32, #tpu.memory_space<vmem>>) semaphore(%arg13 : memref<!tpu.dma_semaphore, #tpu.memory_space<semaphore_mem>>) {add = true}
      %dma_wait3A_777 = arith.constant 15 : i32
      %dma_wait3A_778 = arith.constant 0 : i32
      %dma_wait3A_779 = arith.constant 0 : i32
      %dma_wait3A_780 = tpu.memref_slice %arg6[%rem3A_73, %dma_wait3A_778, %dma_wait3A_779] : memref<2x16x128xi32, #tpu.memory_space<vmem>> -> memref<1x16x128xi32, #tpu.memory_space<vmem>>
      %dma_wait3A_781 = tpu.memref_squeeze %dma_wait3A_780 : memref<1x16x128xi32, #tpu.memory_space<vmem>> -> memref<16x128xi32, #tpu.memory_space<vmem>>
      %dma_wait3A_782 = arith.constant 0 : i32
      %dma_wait3A_783 = tpu.memref_slice %dma_wait3A_781[%dma_wait3A_777, %dma_wait3A_782] : memref<16x128xi32, #tpu.memory_space<vmem>> -> memref<1x128xi32, #tpu.memory_space<vmem>>
      %dma_wait3A_784 = tpu.memref_squeeze %dma_wait3A_783 : memref<1x128xi32, #tpu.memory_space<vmem>> -> memref<128xi32, #tpu.memory_space<vmem>>
      %dma_wait3A_785 = arith.constant 0 : i32
      %dma_wait3A_786 = arith.constant 0 : i32
      %dma_wait3A_787 = tpu.memref_slice %arg2[%dma_wait3A_785, %dma_wait3A_786] : memref<20000x128xf32, #tpu.memory_space<hbm>> -> memref<20000x128xf32, #tpu.memory_space<hbm>>
      tpu.wait_indirect_dma semaphore(%arg12 : memref<!tpu.dma_semaphore, #tpu.memory_space<semaphore_mem>>) src(%dma_wait3A_787 : memref<20000x128xf32, #tpu.memory_space<hbm>>) dst(%arg9 : memref<128x128xf32, #tpu.memory_space<vmem>>)
      %dma_start3A_788 = arith.constant 15 : i32
      %dma_start3A_789 = arith.constant 0 : i32
      %dma_start3A_790 = arith.constant 0 : i32
      %dma_start3A_791 = tpu.memref_slice %arg7[%rem3A_73, %dma_start3A_789, %dma_start3A_790] : memref<2x16x128xi32, #tpu.memory_space<vmem>> -> memref<1x16x128xi32, #tpu.memory_space<vmem>>
      %dma_start3A_792 = tpu.memref_squeeze %dma_start3A_791 : memref<1x16x128xi32, #tpu.memory_space<vmem>> -> memref<16x128xi32, #tpu.memory_space<vmem>>
      %dma_start3A_793 = arith.constant 0 : i32
      %dma_start3A_794 = tpu.memref_slice %dma_start3A_792[%dma_start3A_788, %dma_start3A_793] : memref<16x128xi32, #tpu.memory_space<vmem>> -> memref<1x128xi32, #tpu.memory_space<vmem>>
      %dma_start3A_795 = tpu.memref_squeeze %dma_start3A_794 : memref<1x128xi32, #tpu.memory_space<vmem>> -> memref<128xi32, #tpu.memory_space<vmem>>
      %dma_start3A_796 = arith.constant 0 : i32
      %dma_start3A_797 = arith.constant 0 : i32
      %dma_start3A_798 = tpu.memref_slice %arg10[%dma_start3A_796, %dma_start3A_797] : memref<10064x128xf32, #tpu.memory_space<vmem_shared>> -> memref<10064x128xf32, #tpu.memory_space<vmem_shared>>
      tpu.enqueue_indirect_dma source(%arg9 : memref<128x128xf32, #tpu.memory_space<vmem>>) target(%dma_start3A_798 : memref<10064x128xf32, #tpu.memory_space<vmem_shared>>) offsets(%dma_start3A_795 : memref<128xi32, #tpu.memory_space<vmem>>) semaphore(%arg14 : memref<!tpu.dma_semaphore, #tpu.memory_space<semaphore_mem>>) {add = true}
    }
    %scan3A_44 = arith.constant 10 : i32
    %dma_wait3A = arith.constant 0 : i32
    %dma_wait3A_45 = arith.constant 0 : i32
    %dma_wait3A_46 = arith.constant 0 : i32
    %dma_wait3A_47 = arith.constant 0 : i32
    %dma_wait3A_48 = tpu.memref_slice %arg7[%dma_wait3A, %dma_wait3A_46, %dma_wait3A_47] : memref<2x16x128xi32, #tpu.memory_space<vmem>> -> memref<1x16x128xi32, #tpu.memory_space<vmem>>
    %dma_wait3A_49 = tpu.memref_squeeze %dma_wait3A_48 : memref<1x16x128xi32, #tpu.memory_space<vmem>> -> memref<16x128xi32, #tpu.memory_space<vmem>>
    %dma_wait3A_50 = arith.constant 0 : i32
    %dma_wait3A_51 = tpu.memref_slice %dma_wait3A_49[%dma_wait3A_45, %dma_wait3A_50] : memref<16x128xi32, #tpu.memory_space<vmem>> -> memref<1x128xi32, #tpu.memory_space<vmem>>
    %dma_wait3A_52 = tpu.memref_squeeze %dma_wait3A_51 : memref<1x128xi32, #tpu.memory_space<vmem>> -> memref<128xi32, #tpu.memory_space<vmem>>
    %dma_wait3A_53 = arith.constant 0 : i32
    %dma_wait3A_54 = arith.constant 0 : i32
    %dma_wait3A_55 = tpu.memref_slice %arg10[%dma_wait3A_53, %dma_wait3A_54] : memref<10064x128xf32, #tpu.memory_space<vmem_shared>> -> memref<10064x128xf32, #tpu.memory_space<vmem_shared>>
    tpu.wait_indirect_dma semaphore(%arg13 : memref<!tpu.dma_semaphore, #tpu.memory_space<semaphore_mem>>) src(%arg8 : memref<128x128xf32, #tpu.memory_space<vmem>>) dst(%dma_wait3A_55 : memref<10064x128xf32, #tpu.memory_space<vmem_shared>>)
    %dma_wait3A_56 = arith.constant 0 : i32
    %dma_wait3A_57 = arith.constant 0 : i32
    %dma_wait3A_58 = arith.constant 0 : i32
    %dma_wait3A_59 = arith.constant 0 : i32
    %dma_wait3A_60 = tpu.memref_slice %arg7[%dma_wait3A_56, %dma_wait3A_58, %dma_wait3A_59] : memref<2x16x128xi32, #tpu.memory_space<vmem>> -> memref<1x16x128xi32, #tpu.memory_space<vmem>>
    %dma_wait3A_61 = tpu.memref_squeeze %dma_wait3A_60 : memref<1x16x128xi32, #tpu.memory_space<vmem>> -> memref<16x128xi32, #tpu.memory_space<vmem>>
    %dma_wait3A_62 = arith.constant 0 : i32
    %dma_wait3A_63 = tpu.memref_slice %dma_wait3A_61[%dma_wait3A_57, %dma_wait3A_62] : memref<16x128xi32, #tpu.memory_space<vmem>> -> memref<1x128xi32, #tpu.memory_space<vmem>>
    %dma_wait3A_64 = tpu.memref_squeeze %dma_wait3A_63 : memref<1x128xi32, #tpu.memory_space<vmem>> -> memref<128xi32, #tpu.memory_space<vmem>>
    %dma_wait3A_65 = arith.constant 0 : i32
    %dma_wait3A_66 = arith.constant 0 : i32
    %dma_wait3A_67 = tpu.memref_slice %arg10[%dma_wait3A_65, %dma_wait3A_66] : memref<10064x128xf32, #tpu.memory_space<vmem_shared>> -> memref<10064x128xf32, #tpu.memory_space<vmem_shared>>
    tpu.wait_indirect_dma semaphore(%arg14 : memref<!tpu.dma_semaphore, #tpu.memory_space<semaphore_mem>>) src(%arg9 : memref<128x128xf32, #tpu.memory_space<vmem>>) dst(%dma_wait3A_67 : memref<10064x128xf32, #tpu.memory_space<vmem_shared>>)
    %barrier3A_68 = arith.constant 0 : index
    tpu.barrier barrier_id(%barrier3A_68)
    %mul3A_69 = arith.constant 10000 : i32
    %mul3A_70 = arith.muli %arg0, %mul3A_69 : i32
    %add3A_71 = arith.addi %mul3A_70, %select_n3A : i32
    "tpu.region"() ({
      %run_scoped3A = tpu.sem_alloc : memref<!tpu.dma_semaphore, #tpu.memory_space<semaphore_mem>>
      %dma_start3A_72 = arith.constant 0 : i32
      %dma_start3A_73 = tpu.memref_slice %arg5[%add3A_71, %dma_start3A_72] : memref<20000x128xf32, #tpu.memory_space<hbm>> -> memref<632x128xf32, #tpu.memory_space<hbm>>
      %dma_start3A_74 = arith.constant 0 : i32
      %dma_start3A_75 = tpu.memref_slice %arg10[%select_n3A, %dma_start3A_74] : memref<10064x128xf32, #tpu.memory_space<vmem_shared>> -> memref<632x128xf32, #tpu.memory_space<vmem_shared>>
      tpu.enqueue_dma source(%dma_start3A_75 : memref<632x128xf32, #tpu.memory_space<vmem_shared>>) target(%dma_start3A_73 : memref<632x128xf32, #tpu.memory_space<hbm>>) target_semaphore(%run_scoped3A : memref<!tpu.dma_semaphore, #tpu.memory_space<semaphore_mem>>)
      %dma_wait3A_76 = arith.constant 0 : i32
      %dma_wait3A_77 = tpu.memref_slice %arg5[%add3A_71, %dma_wait3A_76] : memref<20000x128xf32, #tpu.memory_space<hbm>> -> memref<632x128xf32, #tpu.memory_space<hbm>>
      %dma_wait3A_78 = arith.constant 0 : i32
      %dma_wait3A_79 = tpu.memref_slice %arg10[%select_n3A, %dma_wait3A_78] : memref<10064x128xf32, #tpu.memory_space<vmem_shared>> -> memref<632x128xf32, #tpu.memory_space<vmem_shared>>
      tpu.wait_dma2 semaphore(%run_scoped3A : memref<!tpu.dma_semaphore, #tpu.memory_space<semaphore_mem>>) src(%dma_wait3A_79 : memref<632x128xf32, #tpu.memory_space<vmem_shared>>) dst(%dma_wait3A_77 : memref<632x128xf32, #tpu.memory_space<hbm>>)
      tpu.yield
    }) : () -> ()
    return
  }
}

#map = affine_map<(d0, d1) -> (0, 0)>
module attributes {stable_mosaic.version = 14 : i64} {
  func.func @k(%arg0: i32, %arg1: i32, %arg2: memref<20000x128xf32, #tpu.memory_space<hbm>>, %arg3: memref<5120x128xi32, #tpu.memory_space<hbm>>, %arg4: memref<2560x128xi32, #tpu.memory_space<hbm>>, %arg5: memref<20000x128xf32, #tpu.memory_space<hbm>>, %arg6: memref<2x16x128xi32, #tpu.memory_space<vmem>>, %arg7: memref<2x16x128xi32, #tpu.memory_space<vmem>>, %arg8: memref<128x128xf32, #tpu.memory_space<vmem>>, %arg9: memref<128x128xf32, #tpu.memory_space<vmem>>, %arg10: memref<10064x128xf32, #tpu.memory_space<vmem_shared>>, %arg11: memref<!tpu.dma_semaphore, #tpu.memory_space<semaphore_mem>>, %arg12: memref<!tpu.dma_semaphore, #tpu.memory_space<semaphore_mem>>, %arg13: memref<!tpu.dma_semaphore, #tpu.memory_space<semaphore_mem>>, %arg14: memref<!tpu.dma_semaphore, #tpu.memory_space<semaphore_mem>>, %arg15: memref<!tpu.dma_semaphore, #tpu.memory_space<semaphore_mem>>, %arg16: memref<!tpu.dma_semaphore, #tpu.memory_space<semaphore_mem>>) attributes {dimension_semantics = [#tpu.dimension_semantics<core_parallel>, #tpu.dimension_semantics<subcore_parallel>], iteration_bounds = array<i64: 2, 16>, scalar_prefetch = 0 : i64, scratch_operands = 11 : i64, tpu.core_type = #tpu.core_type<sc_vector_subcore>, window_params = [{transform_indices = #map}, {transform_indices = #map}, {transform_indices = #map}, {transform_indices = #map}]} {
    %eq3A = arith.constant 15 : i32
    %eq3A_0 = arith.cmpi eq, %arg1, %eq3A : i32
    %mul3A = arith.constant 632 : i32
    %mul3A_1 = arith.muli %arg1, %mul3A : i32
    %jit3A = arith.constant 9368 : i32
    %select_n3A = arith.select %eq3A_0, %jit3A, %mul3A_1 : i32
    %mul3A_2 = arith.constant 10000 : i32
    %mul3A_3 = arith.muli %arg0, %mul3A_2 : i32
    %add3A = arith.addi %mul3A_3, %select_n3A : i32
    "tpu.region"() ({
      %run_scoped3A = tpu.sem_alloc : memref<!tpu.dma_semaphore, #tpu.memory_space<semaphore_mem>>
      %dma_start3A_72 = arith.constant 0 : i32
      %dma_start3A_73 = tpu.memref_slice %arg10[%select_n3A, %dma_start3A_72] : memref<10064x128xf32, #tpu.memory_space<vmem_shared>> -> memref<632x128xf32, #tpu.memory_space<vmem_shared>>
      %dma_start3A_74 = arith.constant 0 : i32
      %dma_start3A_75 = tpu.memref_slice %arg2[%add3A, %dma_start3A_74] : memref<20000x128xf32, #tpu.memory_space<hbm>> -> memref<632x128xf32, #tpu.memory_space<hbm>>
      tpu.enqueue_dma source(%dma_start3A_75 : memref<632x128xf32, #tpu.memory_space<hbm>>) target(%dma_start3A_73 : memref<632x128xf32, #tpu.memory_space<vmem_shared>>) target_semaphore(%run_scoped3A : memref<!tpu.dma_semaphore, #tpu.memory_space<semaphore_mem>>)
      %dma_wait3A_76 = arith.constant 0 : i32
      %dma_wait3A_77 = tpu.memref_slice %arg10[%select_n3A, %dma_wait3A_76] : memref<10064x128xf32, #tpu.memory_space<vmem_shared>> -> memref<632x128xf32, #tpu.memory_space<vmem_shared>>
      %dma_wait3A_78 = arith.constant 0 : i32
      %dma_wait3A_79 = tpu.memref_slice %arg2[%add3A, %dma_wait3A_78] : memref<20000x128xf32, #tpu.memory_space<hbm>> -> memref<632x128xf32, #tpu.memory_space<hbm>>
      tpu.wait_dma2 semaphore(%run_scoped3A : memref<!tpu.dma_semaphore, #tpu.memory_space<semaphore_mem>>) src(%dma_wait3A_79 : memref<632x128xf32, #tpu.memory_space<hbm>>) dst(%dma_wait3A_77 : memref<632x128xf32, #tpu.memory_space<vmem_shared>>)
      tpu.yield
    }) : () -> ()
    %barrier3A = arith.constant 0 : index
    tpu.barrier barrier_id(%barrier3A)
    %mul3A_4 = arith.constant 2560 : i32
    %mul3A_5 = arith.muli %arg0, %mul3A_4 : i32
    %mul3A_6 = arith.constant 160 : i32
    %mul3A_7 = arith.muli %arg1, %mul3A_6 : i32
    %add3A_8 = arith.addi %mul3A_5, %mul3A_7 : i32
    %mul3A_9 = arith.constant 160 : i32
    %mul3A_10 = arith.muli %arg1, %mul3A_9 : i32
    %add3A_11 = arith.constant 0 : i32
    %add3A_12 = arith.addi %add3A_8, %add3A_11 : i32
    %dma_start3A = arith.constant 0 : i32
    %dma_start3A_13 = arith.constant 0 : i32
    %dma_start3A_14 = arith.constant 0 : i32
    %dma_start3A_15 = tpu.memref_slice %arg6[%dma_start3A, %dma_start3A_13, %dma_start3A_14] : memref<2x16x128xi32, #tpu.memory_space<vmem>> -> memref<1x16x128xi32, #tpu.memory_space<vmem>>
    %dma_start3A_16 = tpu.memref_squeeze %dma_start3A_15 : memref<1x16x128xi32, #tpu.memory_space<vmem>> -> memref<16x128xi32, #tpu.memory_space<vmem>>
    %dma_start3A_17 = arith.constant 0 : i32
    %dma_start3A_18 = tpu.memref_slice %arg3[%add3A_12, %dma_start3A_17] : memref<5120x128xi32, #tpu.memory_space<hbm>> -> memref<16x128xi32, #tpu.memory_space<hbm>>
    %dma_start3A_19 = arith.constant 0 : i32
    %dma_start3A_20 = arith.constant 0 : i32
    %dma_start3A_21 = tpu.memref_slice %arg6[%dma_start3A, %dma_start3A_19, %dma_start3A_20] : memref<2x16x128xi32, #tpu.memory_space<vmem>> -> memref<1x16x128xi32, #tpu.memory_space<vmem>>
    %dma_start3A_22 = tpu.memref_squeeze %dma_start3A_21 : memref<1x16x128xi32, #tpu.memory_space<vmem>> -> memref<16x128xi32, #tpu.memory_space<vmem>>
    %dma_start3A_23 = arith.constant 0 : i32
    %dma_start3A_24 = tpu.memref_slice %arg3[%add3A_12, %dma_start3A_23] : memref<5120x128xi32, #tpu.memory_space<hbm>> -> memref<16x128xi32, #tpu.memory_space<hbm>>
    tpu.enqueue_dma source(%dma_start3A_24 : memref<16x128xi32, #tpu.memory_space<hbm>>) target(%dma_start3A_22 : memref<16x128xi32, #tpu.memory_space<vmem>>) target_semaphore(%arg15 : memref<!tpu.dma_semaphore, #tpu.memory_space<semaphore_mem>>)
    %add3A_25 = arith.constant 0 : i32
    %add3A_26 = arith.addi %mul3A_10, %add3A_25 : i32
    %dma_start3A_27 = arith.constant 0 : i32
    %dma_start3A_28 = arith.constant 0 : i32
    %dma_start3A_29 = arith.constant 0 : i32
    %dma_start3A_30 = tpu.memref_slice %arg7[%dma_start3A_27, %dma_start3A_28, %dma_start3A_29] : memref<2x16x128xi32, #tpu.memory_space<vmem>> -> memref<1x16x128xi32, #tpu.memory_space<vmem>>
    %dma_start3A_31 = tpu.memref_squeeze %dma_start3A_30 : memref<1x16x128xi32, #tpu.memory_space<vmem>> -> memref<16x128xi32, #tpu.memory_space<vmem>>
    %dma_start3A_32 = arith.constant 0 : i32
    %dma_start3A_33 = tpu.memref_slice %arg4[%add3A_26, %dma_start3A_32] : memref<2560x128xi32, #tpu.memory_space<hbm>> -> memref<16x128xi32, #tpu.memory_space<hbm>>
    %dma_start3A_34 = arith.constant 0 : i32
    %dma_start3A_35 = arith.constant 0 : i32
    %dma_start3A_36 = tpu.memref_slice %arg7[%dma_start3A_27, %dma_start3A_34, %dma_start3A_35] : memref<2x16x128xi32, #tpu.memory_space<vmem>> -> memref<1x16x128xi32, #tpu.memory_space<vmem>>
    %dma_start3A_37 = tpu.memref_squeeze %dma_start3A_36 : memref<1x16x128xi32, #tpu.memory_space<vmem>> -> memref<16x128xi32, #tpu.memory_space<vmem>>
    %dma_start3A_38 = arith.constant 0 : i32
    %dma_start3A_39 = tpu.memref_slice %arg4[%add3A_26, %dma_start3A_38] : memref<2560x128xi32, #tpu.memory_space<hbm>> -> memref<16x128xi32, #tpu.memory_space<hbm>>
    tpu.enqueue_dma source(%dma_start3A_39 : memref<16x128xi32, #tpu.memory_space<hbm>>) target(%dma_start3A_37 : memref<16x128xi32, #tpu.memory_space<vmem>>) target_semaphore(%arg16 : memref<!tpu.dma_semaphore, #tpu.memory_space<semaphore_mem>>)
    %scan3A = arith.constant 0 : i32
    %scan3A_40 = arith.constant 0 : i32
    %scan3A_41 = arith.constant 10 : i32
    %scan3A_42 = arith.addi %scan3A_40, %scan3A_41 : i32
    %scan3A_43 = arith.constant 1 : i32
    scf.for %scan3A_72 = %scan3A_40 to %scan3A_42 step %scan3A_43  : i32 {
      %rem3A = arith.constant 2 : i32
      %rem3A_73 = arith.remsi %scan3A_72, %rem3A : i32
      %mul3A_74 = arith.constant 16 : i32
      %mul3A_75 = arith.muli %scan3A_72, %mul3A_74 : i32
      %add3A_76 = arith.addi %add3A_8, %mul3A_75 : i32
      %dma_wait3A_77 = arith.constant 0 : i32
      %dma_wait3A_78 = arith.constant 0 : i32
      %dma_wait3A_79 = tpu.memref_slice %arg6[%rem3A_73, %dma_wait3A_77, %dma_wait3A_78] : memref<2x16x128xi32, #tpu.memory_space<vmem>> -> memref<1x16x128xi32, #tpu.memory_space<vmem>>
      %dma_wait3A_80 = tpu.memref_squeeze %dma_wait3A_79 : memref<1x16x128xi32, #tpu.memory_space<vmem>> -> memref<16x128xi32, #tpu.memory_space<vmem>>
      %dma_wait3A_81 = arith.constant 0 : i32
      %dma_wait3A_82 = tpu.memref_slice %arg3[%add3A_76, %dma_wait3A_81] : memref<5120x128xi32, #tpu.memory_space<hbm>> -> memref<16x128xi32, #tpu.memory_space<hbm>>
      %dma_wait3A_83 = arith.constant 0 : i32
      %dma_wait3A_84 = arith.constant 0 : i32
      %dma_wait3A_85 = tpu.memref_slice %arg6[%rem3A_73, %dma_wait3A_83, %dma_wait3A_84] : memref<2x16x128xi32, #tpu.memory_space<vmem>> -> memref<1x16x128xi32, #tpu.memory_space<vmem>>
      %dma_wait3A_86 = tpu.memref_squeeze %dma_wait3A_85 : memref<1x16x128xi32, #tpu.memory_space<vmem>> -> memref<16x128xi32, #tpu.memory_space<vmem>>
      %dma_wait3A_87 = arith.constant 0 : i32
      %dma_wait3A_88 = tpu.memref_slice %arg3[%add3A_76, %dma_wait3A_87] : memref<5120x128xi32, #tpu.memory_space<hbm>> -> memref<16x128xi32, #tpu.memory_space<hbm>>
      tpu.wait_dma2 semaphore(%arg15 : memref<!tpu.dma_semaphore, #tpu.memory_space<semaphore_mem>>) src(%dma_wait3A_88 : memref<16x128xi32, #tpu.memory_space<hbm>>) dst(%dma_wait3A_86 : memref<16x128xi32, #tpu.memory_space<vmem>>)
      %mul3A_89 = arith.constant 16 : i32
      %mul3A_90 = arith.muli %scan3A_72, %mul3A_89 : i32
      %add3A_91 = arith.addi %mul3A_10, %mul3A_90 : i32
      %dma_wait3A_92 = arith.constant 0 : i32
      %dma_wait3A_93 = arith.constant 0 : i32
      %dma_wait3A_94 = tpu.memref_slice %arg7[%rem3A_73, %dma_wait3A_92, %dma_wait3A_93] : memref<2x16x128xi32, #tpu.memory_space<vmem>> -> memref<1x16x128xi32, #tpu.memory_space<vmem>>
      %dma_wait3A_95 = tpu.memref_squeeze %dma_wait3A_94 : memref<1x16x128xi32, #tpu.memory_space<vmem>> -> memref<16x128xi32, #tpu.memory_space<vmem>>
      %dma_wait3A_96 = arith.constant 0 : i32
      %dma_wait3A_97 = tpu.memref_slice %arg4[%add3A_91, %dma_wait3A_96] : memref<2560x128xi32, #tpu.memory_space<hbm>> -> memref<16x128xi32, #tpu.memory_space<hbm>>
      %dma_wait3A_98 = arith.constant 0 : i32
      %dma_wait3A_99 = arith.constant 0 : i32
      %dma_wait3A_100 = tpu.memref_slice %arg7[%rem3A_73, %dma_wait3A_98, %dma_wait3A_99] : memref<2x16x128xi32, #tpu.memory_space<vmem>> -> memref<1x16x128xi32, #tpu.memory_space<vmem>>
      %dma_wait3A_101 = tpu.memref_squeeze %dma_wait3A_100 : memref<1x16x128xi32, #tpu.memory_space<vmem>> -> memref<16x128xi32, #tpu.memory_space<vmem>>
      %dma_wait3A_102 = arith.constant 0 : i32
      %dma_wait3A_103 = tpu.memref_slice %arg4[%add3A_91, %dma_wait3A_102] : memref<2560x128xi32, #tpu.memory_space<hbm>> -> memref<16x128xi32, #tpu.memory_space<hbm>>
      tpu.wait_dma2 semaphore(%arg16 : memref<!tpu.dma_semaphore, #tpu.memory_space<semaphore_mem>>) src(%dma_wait3A_103 : memref<16x128xi32, #tpu.memory_space<hbm>>) dst(%dma_wait3A_101 : memref<16x128xi32, #tpu.memory_space<vmem>>)
      %gt3A = arith.constant 0 : i32
      %gt3A_104 = arith.cmpi sgt, %scan3A_72, %gt3A : i32
      %convert_element_type3A = arith.extui %gt3A_104 : i1 to i32
      %cond3A = arith.constant 0 : i32
      %cond3A_105 = arith.cmpi ne, %convert_element_type3A, %cond3A : i32
      scf.if %cond3A_105 {
        %dma_wait3A_799 = arith.constant 0 : i32
        %dma_wait3A_800 = arith.constant 0 : i32
        %dma_wait3A_801 = arith.constant 0 : i32
        %dma_wait3A_802 = tpu.memref_slice %arg7[%rem3A_73, %dma_wait3A_800, %dma_wait3A_801] : memref<2x16x128xi32, #tpu.memory_space<vmem>> -> memref<1x16x128xi32, #tpu.memory_space<vmem>>
        %dma_wait3A_803 = tpu.memref_squeeze %dma_wait3A_802 : memref<1x16x128xi32, #tpu.memory_space<vmem>> -> memref<16x128xi32, #tpu.memory_space<vmem>>
        %dma_wait3A_804 = arith.constant 0 : i32
        %dma_wait3A_805 = tpu.memref_slice %dma_wait3A_803[%dma_wait3A_799, %dma_wait3A_804] : memref<16x128xi32, #tpu.memory_space<vmem>> -> memref<1x128xi32, #tpu.memory_space<vmem>>
        %dma_wait3A_806 = tpu.memref_squeeze %dma_wait3A_805 : memref<1x128xi32, #tpu.memory_space<vmem>> -> memref<128xi32, #tpu.memory_space<vmem>>
        %dma_wait3A_807 = arith.constant 0 : i32
        %dma_wait3A_808 = arith.constant 0 : i32
        %dma_wait3A_809 = tpu.memref_slice %arg10[%dma_wait3A_807, %dma_wait3A_808] : memref<10064x128xf32, #tpu.memory_space<vmem_shared>> -> memref<10064x128xf32, #tpu.memory_space<vmem_shared>>
        tpu.wait_indirect_dma semaphore(%arg13 : memref<!tpu.dma_semaphore, #tpu.memory_space<semaphore_mem>>) src(%arg8 : memref<128x128xf32, #tpu.memory_space<vmem>>) dst(%dma_wait3A_809 : memref<10064x128xf32, #tpu.memory_space<vmem_shared>>)
      } else {
      }
      %dma_start3A_106 = arith.constant 0 : i32
      %dma_start3A_107 = arith.constant 0 : i32
      %dma_start3A_108 = arith.constant 0 : i32
      %dma_start3A_109 = tpu.memref_slice %arg6[%rem3A_73, %dma_start3A_107, %dma_start3A_108] : memref<2x16x128xi32, #tpu.memory_space<vmem>> -> memref<1x16x128xi32, #tpu.memory_space<vmem>>
      %dma_start3A_110 = tpu.memref_squeeze %dma_start3A_109 : memref<1x16x128xi32, #tpu.memory_space<vmem>> -> memref<16x128xi32, #tpu.memory_space<vmem>>
      %dma_start3A_111 = arith.constant 0 : i32
      %dma_start3A_112 = tpu.memref_slice %dma_start3A_110[%dma_start3A_106, %dma_start3A_111] : memref<16x128xi32, #tpu.memory_space<vmem>> -> memref<1x128xi32, #tpu.memory_space<vmem>>
      %dma_start3A_113 = tpu.memref_squeeze %dma_start3A_112 : memref<1x128xi32, #tpu.memory_space<vmem>> -> memref<128xi32, #tpu.memory_space<vmem>>
      %dma_start3A_114 = arith.constant 0 : i32
      %dma_start3A_115 = arith.constant 0 : i32
      %dma_start3A_116 = tpu.memref_slice %arg2[%dma_start3A_114, %dma_start3A_115] : memref<20000x128xf32, #tpu.memory_space<hbm>> -> memref<20000x128xf32, #tpu.memory_space<hbm>>
      tpu.enqueue_indirect_dma source(%dma_start3A_116 : memref<20000x128xf32, #tpu.memory_space<hbm>>) target(%arg8 : memref<128x128xf32, #tpu.memory_space<vmem>>) offsets(%dma_start3A_113 : memref<128xi32, #tpu.memory_space<vmem>>) semaphore(%arg11 : memref<!tpu.dma_semaphore, #tpu.memory_space<semaphore_mem>>)
      %gt3A_117 = arith.constant 0 : i32
      %gt3A_118 = arith.cmpi sgt, %scan3A_72, %gt3A_117 : i32
      %convert_element_type3A_119 = arith.extui %gt3A_118 : i1 to i32
      %cond3A_120 = arith.constant 0 : i32
      %cond3A_121 = arith.cmpi ne, %convert_element_type3A_119, %cond3A_120 : i32
      scf.if %cond3A_121 {
        %dma_wait3A_799 = arith.constant 0 : i32
        %dma_wait3A_800 = arith.constant 0 : i32
        %dma_wait3A_801 = arith.constant 0 : i32
        %dma_wait3A_802 = tpu.memref_slice %arg7[%rem3A_73, %dma_wait3A_800, %dma_wait3A_801] : memref<2x16x128xi32, #tpu.memory_space<vmem>> -> memref<1x16x128xi32, #tpu.memory_space<vmem>>
        %dma_wait3A_803 = tpu.memref_squeeze %dma_wait3A_802 : memref<1x16x128xi32, #tpu.memory_space<vmem>> -> memref<16x128xi32, #tpu.memory_space<vmem>>
        %dma_wait3A_804 = arith.constant 0 : i32
        %dma_wait3A_805 = tpu.memref_slice %dma_wait3A_803[%dma_wait3A_799, %dma_wait3A_804] : memref<16x128xi32, #tpu.memory_space<vmem>> -> memref<1x128xi32, #tpu.memory_space<vmem>>
        %dma_wait3A_806 = tpu.memref_squeeze %dma_wait3A_805 : memref<1x128xi32, #tpu.memory_space<vmem>> -> memref<128xi32, #tpu.memory_space<vmem>>
        %dma_wait3A_807 = arith.constant 0 : i32
        %dma_wait3A_808 = arith.constant 0 : i32
        %dma_wait3A_809 = tpu.memref_slice %arg10[%dma_wait3A_807, %dma_wait3A_808] : memref<10064x128xf32, #tpu.memory_space<vmem_shared>> -> memref<10064x128xf32, #tpu.memory_space<vmem_shared>>
        tpu.wait_indirect_dma semaphore(%arg14 : memref<!tpu.dma_semaphore, #tpu.memory_space<semaphore_mem>>) src(%arg9 : memref<128x128xf32, #tpu.memory_space<vmem>>) dst(%dma_wait3A_809 : memref<10064x128xf32, #tpu.memory_space<vmem_shared>>)
      } else {
      }
      %add3A_122 = arith.constant 1 : i32
      %add3A_123 = arith.addi %scan3A_72, %add3A_122 : i32
      %lt3A = arith.constant 10 : i32
      %lt3A_124 = arith.cmpi slt, %add3A_123, %lt3A : i32
      %convert_element_type3A_125 = arith.extui %lt3A_124 : i1 to i32
      %cond3A_126 = arith.constant 0 : i32
      %cond3A_127 = arith.cmpi ne, %convert_element_type3A_125, %cond3A_126 : i32
      scf.if %cond3A_127 {
        %add3A_799 = arith.constant 1 : i32
        %add3A_800 = arith.addi %scan3A_72, %add3A_799 : i32
        %sub3A = arith.constant 1 : i32
        %sub3A_801 = arith.subi %sub3A, %rem3A_73 : i32
        %mul3A_802 = arith.constant 16 : i32
        %mul3A_803 = arith.muli %add3A_800, %mul3A_802 : i32
        %add3A_804 = arith.addi %add3A_8, %mul3A_803 : i32
        %dma_start3A_805 = arith.constant 0 : i32
        %dma_start3A_806 = arith.constant 0 : i32
        %dma_start3A_807 = tpu.memref_slice %arg6[%sub3A_801, %dma_start3A_805, %dma_start3A_806] : memref<2x16x128xi32, #tpu.memory_space<vmem>> -> memref<1x16x128xi32, #tpu.memory_space<vmem>>
        %dma_start3A_808 = tpu.memref_squeeze %dma_start3A_807 : memref<1x16x128xi32, #tpu.memory_space<vmem>> -> memref<16x128xi32, #tpu.memory_space<vmem>>
        %dma_start3A_809 = arith.constant 0 : i32
        %dma_start3A_810 = tpu.memref_slice %arg3[%add3A_804, %dma_start3A_809] : memref<5120x128xi32, #tpu.memory_space<hbm>> -> memref<16x128xi32, #tpu.memory_space<hbm>>
        %dma_start3A_811 = arith.constant 0 : i32
        %dma_start3A_812 = arith.constant 0 : i32
        %dma_start3A_813 = tpu.memref_slice %arg6[%sub3A_801, %dma_start3A_811, %dma_start3A_812] : memref<2x16x128xi32, #tpu.memory_space<vmem>> -> memref<1x16x128xi32, #tpu.memory_space<vmem>>
        %dma_start3A_814 = tpu.memref_squeeze %dma_start3A_813 : memref<1x16x128xi32, #tpu.memory_space<vmem>> -> memref<16x128xi32, #tpu.memory_space<vmem>>
        %dma_start3A_815 = arith.constant 0 : i32
        %dma_start3A_816 = tpu.memref_slice %arg3[%add3A_804, %dma_start3A_815] : memref<5120x128xi32, #tpu.memory_space<hbm>> -> memref<16x128xi32, #tpu.memory_space<hbm>>
        tpu.enqueue_dma source(%dma_start3A_816 : memref<16x128xi32, #tpu.memory_space<hbm>>) target(%dma_start3A_814 : memref<16x128xi32, #tpu.memory_space<vmem>>) target_semaphore(%arg15 : memref<!tpu.dma_semaphore, #tpu.memory_space<semaphore_mem>>)
        %mul3A_817 = arith.constant 16 : i32
        %mul3A_818 = arith.muli %add3A_800, %mul3A_817 : i32
        %add3A_819 = arith.addi %mul3A_10, %mul3A_818 : i32
        %dma_start3A_820 = arith.constant 0 : i32
        %dma_start3A_821 = arith.constant 0 : i32
        %dma_start3A_822 = tpu.memref_slice %arg7[%sub3A_801, %dma_start3A_820, %dma_start3A_821] : memref<2x16x128xi32, #tpu.memory_space<vmem>> -> memref<1x16x128xi32, #tpu.memory_space<vmem>>
        %dma_start3A_823 = tpu.memref_squeeze %dma_start3A_822 : memref<1x16x128xi32, #tpu.memory_space<vmem>> -> memref<16x128xi32, #tpu.memory_space<vmem>>
        %dma_start3A_824 = arith.constant 0 : i32
        %dma_start3A_825 = tpu.memref_slice %arg4[%add3A_819, %dma_start3A_824] : memref<2560x128xi32, #tpu.memory_space<hbm>> -> memref<16x128xi32, #tpu.memory_space<hbm>>
        %dma_start3A_826 = arith.constant 0 : i32
        %dma_start3A_827 = arith.constant 0 : i32
        %dma_start3A_828 = tpu.memref_slice %arg7[%sub3A_801, %dma_start3A_826, %dma_start3A_827] : memref<2x16x128xi32, #tpu.memory_space<vmem>> -> memref<1x16x128xi32, #tpu.memory_space<vmem>>
        %dma_start3A_829 = tpu.memref_squeeze %dma_start3A_828 : memref<1x16x128xi32, #tpu.memory_space<vmem>> -> memref<16x128xi32, #tpu.memory_space<vmem>>
        %dma_start3A_830 = arith.constant 0 : i32
        %dma_start3A_831 = tpu.memref_slice %arg4[%add3A_819, %dma_start3A_830] : memref<2560x128xi32, #tpu.memory_space<hbm>> -> memref<16x128xi32, #tpu.memory_space<hbm>>
        tpu.enqueue_dma source(%dma_start3A_831 : memref<16x128xi32, #tpu.memory_space<hbm>>) target(%dma_start3A_829 : memref<16x128xi32, #tpu.memory_space<vmem>>) target_semaphore(%arg16 : memref<!tpu.dma_semaphore, #tpu.memory_space<semaphore_mem>>)
      } else {
      }
      %dma_start3A_128 = arith.constant 1 : i32
      %dma_start3A_129 = arith.constant 0 : i32
      %dma_start3A_130 = arith.constant 0 : i32
      %dma_start3A_131 = tpu.memref_slice %arg6[%rem3A_73, %dma_start3A_129, %dma_start3A_130] : memref<2x16x128xi32, #tpu.memory_space<vmem>> -> memref<1x16x128xi32, #tpu.memory_space<vmem>>
      %dma_start3A_132 = tpu.memref_squeeze %dma_start3A_131 : memref<1x16x128xi32, #tpu.memory_space<vmem>> -> memref<16x128xi32, #tpu.memory_space<vmem>>
      %dma_start3A_133 = arith.constant 0 : i32
      %dma_start3A_134 = tpu.memref_slice %dma_start3A_132[%dma_start3A_128, %dma_start3A_133] : memref<16x128xi32, #tpu.memory_space<vmem>> -> memref<1x128xi32, #tpu.memory_space<vmem>>
      %dma_start3A_135 = tpu.memref_squeeze %dma_start3A_134 : memref<1x128xi32, #tpu.memory_space<vmem>> -> memref<128xi32, #tpu.memory_space<vmem>>
      %dma_start3A_136 = arith.constant 0 : i32
      %dma_start3A_137 = arith.constant 0 : i32
      %dma_start3A_138 = tpu.memref_slice %arg2[%dma_start3A_136, %dma_start3A_137] : memref<20000x128xf32, #tpu.memory_space<hbm>> -> memref<20000x128xf32, #tpu.memory_space<hbm>>
      tpu.enqueue_indirect_dma source(%dma_start3A_138 : memref<20000x128xf32, #tpu.memory_space<hbm>>) target(%arg9 : memref<128x128xf32, #tpu.memory_space<vmem>>) offsets(%dma_start3A_135 : memref<128xi32, #tpu.memory_space<vmem>>) semaphore(%arg12 : memref<!tpu.dma_semaphore, #tpu.memory_space<semaphore_mem>>)
      %dma_wait3A_139 = arith.constant 0 : i32
      %dma_wait3A_140 = arith.constant 0 : i32
      %dma_wait3A_141 = arith.constant 0 : i32
      %dma_wait3A_142 = tpu.memref_slice %arg6[%rem3A_73, %dma_wait3A_140, %dma_wait3A_141] : memref<2x16x128xi32, #tpu.memory_space<vmem>> -> memref<1x16x128xi32, #tpu.memory_space<vmem>>
      %dma_wait3A_143 = tpu.memref_squeeze %dma_wait3A_142 : memref<1x16x128xi32, #tpu.memory_space<vmem>> -> memref<16x128xi32, #tpu.memory_space<vmem>>
      %dma_wait3A_144 = arith.constant 0 : i32
      %dma_wait3A_145 = tpu.memref_slice %dma_wait3A_143[%dma_wait3A_139, %dma_wait3A_144] : memref<16x128xi32, #tpu.memory_space<vmem>> -> memref<1x128xi32, #tpu.memory_space<vmem>>
      %dma_wait3A_146 = tpu.memref_squeeze %dma_wait3A_145 : memref<1x128xi32, #tpu.memory_space<vmem>> -> memref<128xi32, #tpu.memory_space<vmem>>
      %dma_wait3A_147 = arith.constant 0 : i32
      %dma_wait3A_148 = arith.constant 0 : i32
      %dma_wait3A_149 = tpu.memref_slice %arg2[%dma_wait3A_147, %dma_wait3A_148] : memref<20000x128xf32, #tpu.memory_space<hbm>> -> memref<20000x128xf32, #tpu.memory_space<hbm>>
      tpu.wait_indirect_dma semaphore(%arg11 : memref<!tpu.dma_semaphore, #tpu.memory_space<semaphore_mem>>) src(%dma_wait3A_149 : memref<20000x128xf32, #tpu.memory_space<hbm>>) dst(%arg8 : memref<128x128xf32, #tpu.memory_space<vmem>>)
      %dma_start3A_150 = arith.constant 0 : i32
      %dma_start3A_151 = arith.constant 0 : i32
      %dma_start3A_152 = arith.constant 0 : i32
      %dma_start3A_153 = tpu.memref_slice %arg7[%rem3A_73, %dma_start3A_151, %dma_start3A_152] : memref<2x16x128xi32, #tpu.memory_space<vmem>> -> memref<1x16x128xi32, #tpu.memory_space<vmem>>
      %dma_start3A_154 = tpu.memref_squeeze %dma_start3A_153 : memref<1x16x128xi32, #tpu.memory_space<vmem>> -> memref<16x128xi32, #tpu.memory_space<vmem>>
      %dma_start3A_155 = arith.constant 0 : i32
      %dma_start3A_156 = tpu.memref_slice %dma_start3A_154[%dma_start3A_150, %dma_start3A_155] : memref<16x128xi32, #tpu.memory_space<vmem>> -> memref<1x128xi32, #tpu.memory_space<vmem>>
      %dma_start3A_157 = tpu.memref_squeeze %dma_start3A_156 : memref<1x128xi32, #tpu.memory_space<vmem>> -> memref<128xi32, #tpu.memory_space<vmem>>
      %dma_start3A_158 = arith.constant 0 : i32
      %dma_start3A_159 = arith.constant 0 : i32
      %dma_start3A_160 = tpu.memref_slice %arg10[%dma_start3A_158, %dma_start3A_159] : memref<10064x128xf32, #tpu.memory_space<vmem_shared>> -> memref<10064x128xf32, #tpu.memory_space<vmem_shared>>
      tpu.enqueue_indirect_dma source(%arg8 : memref<128x128xf32, #tpu.memory_space<vmem>>) target(%dma_start3A_160 : memref<10064x128xf32, #tpu.memory_space<vmem_shared>>) offsets(%dma_start3A_157 : memref<128xi32, #tpu.memory_space<vmem>>) semaphore(%arg13 : memref<!tpu.dma_semaphore, #tpu.memory_space<semaphore_mem>>) {add = true}
      %dma_wait3A_161 = arith.constant 0 : i32
      %dma_wait3A_162 = arith.constant 0 : i32
      %dma_wait3A_163 = arith.constant 0 : i32
      %dma_wait3A_164 = tpu.memref_slice %arg7[%rem3A_73, %dma_wait3A_162, %dma_wait3A_163] : memref<2x16x128xi32, #tpu.memory_space<vmem>> -> memref<1x16x128xi32, #tpu.memory_space<vmem>>
      %dma_wait3A_165 = tpu.memref_squeeze %dma_wait3A_164 : memref<1x16x128xi32, #tpu.memory_space<vmem>> -> memref<16x128xi32, #tpu.memory_space<vmem>>
      %dma_wait3A_166 = arith.constant 0 : i32
      %dma_wait3A_167 = tpu.memref_slice %dma_wait3A_165[%dma_wait3A_161, %dma_wait3A_166] : memref<16x128xi32, #tpu.memory_space<vmem>> -> memref<1x128xi32, #tpu.memory_space<vmem>>
      %dma_wait3A_168 = tpu.memref_squeeze %dma_wait3A_167 : memref<1x128xi32, #tpu.memory_space<vmem>> -> memref<128xi32, #tpu.memory_space<vmem>>
      %dma_wait3A_169 = arith.constant 0 : i32
      %dma_wait3A_170 = arith.constant 0 : i32
      %dma_wait3A_171 = tpu.memref_slice %arg10[%dma_wait3A_169, %dma_wait3A_170] : memref<10064x128xf32, #tpu.memory_space<vmem_shared>> -> memref<10064x128xf32, #tpu.memory_space<vmem_shared>>
      tpu.wait_indirect_dma semaphore(%arg13 : memref<!tpu.dma_semaphore, #tpu.memory_space<semaphore_mem>>) src(%arg8 : memref<128x128xf32, #tpu.memory_space<vmem>>) dst(%dma_wait3A_171 : memref<10064x128xf32, #tpu.memory_space<vmem_shared>>)
      %dma_start3A_172 = arith.constant 2 : i32
      %dma_start3A_173 = arith.constant 0 : i32
      %dma_start3A_174 = arith.constant 0 : i32
      %dma_start3A_175 = tpu.memref_slice %arg6[%rem3A_73, %dma_start3A_173, %dma_start3A_174] : memref<2x16x128xi32, #tpu.memory_space<vmem>> -> memref<1x16x128xi32, #tpu.memory_space<vmem>>
      %dma_start3A_176 = tpu.memref_squeeze %dma_start3A_175 : memref<1x16x128xi32, #tpu.memory_space<vmem>> -> memref<16x128xi32, #tpu.memory_space<vmem>>
      %dma_start3A_177 = arith.constant 0 : i32
      %dma_start3A_178 = tpu.memref_slice %dma_start3A_176[%dma_start3A_172, %dma_start3A_177] : memref<16x128xi32, #tpu.memory_space<vmem>> -> memref<1x128xi32, #tpu.memory_space<vmem>>
      %dma_start3A_179 = tpu.memref_squeeze %dma_start3A_178 : memref<1x128xi32, #tpu.memory_space<vmem>> -> memref<128xi32, #tpu.memory_space<vmem>>
      %dma_start3A_180 = arith.constant 0 : i32
      %dma_start3A_181 = arith.constant 0 : i32
      %dma_start3A_182 = tpu.memref_slice %arg2[%dma_start3A_180, %dma_start3A_181] : memref<20000x128xf32, #tpu.memory_space<hbm>> -> memref<20000x128xf32, #tpu.memory_space<hbm>>
      tpu.enqueue_indirect_dma source(%dma_start3A_182 : memref<20000x128xf32, #tpu.memory_space<hbm>>) target(%arg8 : memref<128x128xf32, #tpu.memory_space<vmem>>) offsets(%dma_start3A_179 : memref<128xi32, #tpu.memory_space<vmem>>) semaphore(%arg11 : memref<!tpu.dma_semaphore, #tpu.memory_space<semaphore_mem>>)
      %dma_wait3A_183 = arith.constant 1 : i32
      %dma_wait3A_184 = arith.constant 0 : i32
      %dma_wait3A_185 = arith.constant 0 : i32
      %dma_wait3A_186 = tpu.memref_slice %arg6[%rem3A_73, %dma_wait3A_184, %dma_wait3A_185] : memref<2x16x128xi32, #tpu.memory_space<vmem>> -> memref<1x16x128xi32, #tpu.memory_space<vmem>>
      %dma_wait3A_187 = tpu.memref_squeeze %dma_wait3A_186 : memref<1x16x128xi32, #tpu.memory_space<vmem>> -> memref<16x128xi32, #tpu.memory_space<vmem>>
      %dma_wait3A_188 = arith.constant 0 : i32
      %dma_wait3A_189 = tpu.memref_slice %dma_wait3A_187[%dma_wait3A_183, %dma_wait3A_188] : memref<16x128xi32, #tpu.memory_space<vmem>> -> memref<1x128xi32, #tpu.memory_space<vmem>>
      %dma_wait3A_190 = tpu.memref_squeeze %dma_wait3A_189 : memref<1x128xi32, #tpu.memory_space<vmem>> -> memref<128xi32, #tpu.memory_space<vmem>>
      %dma_wait3A_191 = arith.constant 0 : i32
      %dma_wait3A_192 = arith.constant 0 : i32
      %dma_wait3A_193 = tpu.memref_slice %arg2[%dma_wait3A_191, %dma_wait3A_192] : memref<20000x128xf32, #tpu.memory_space<hbm>> -> memref<20000x128xf32, #tpu.memory_space<hbm>>
      tpu.wait_indirect_dma semaphore(%arg12 : memref<!tpu.dma_semaphore, #tpu.memory_space<semaphore_mem>>) src(%dma_wait3A_193 : memref<20000x128xf32, #tpu.memory_space<hbm>>) dst(%arg9 : memref<128x128xf32, #tpu.memory_space<vmem>>)
      %dma_start3A_194 = arith.constant 1 : i32
      %dma_start3A_195 = arith.constant 0 : i32
      %dma_start3A_196 = arith.constant 0 : i32
      %dma_start3A_197 = tpu.memref_slice %arg7[%rem3A_73, %dma_start3A_195, %dma_start3A_196] : memref<2x16x128xi32, #tpu.memory_space<vmem>> -> memref<1x16x128xi32, #tpu.memory_space<vmem>>
      %dma_start3A_198 = tpu.memref_squeeze %dma_start3A_197 : memref<1x16x128xi32, #tpu.memory_space<vmem>> -> memref<16x128xi32, #tpu.memory_space<vmem>>
      %dma_start3A_199 = arith.constant 0 : i32
      %dma_start3A_200 = tpu.memref_slice %dma_start3A_198[%dma_start3A_194, %dma_start3A_199] : memref<16x128xi32, #tpu.memory_space<vmem>> -> memref<1x128xi32, #tpu.memory_space<vmem>>
      %dma_start3A_201 = tpu.memref_squeeze %dma_start3A_200 : memref<1x128xi32, #tpu.memory_space<vmem>> -> memref<128xi32, #tpu.memory_space<vmem>>
      %dma_start3A_202 = arith.constant 0 : i32
      %dma_start3A_203 = arith.constant 0 : i32
      %dma_start3A_204 = tpu.memref_slice %arg10[%dma_start3A_202, %dma_start3A_203] : memref<10064x128xf32, #tpu.memory_space<vmem_shared>> -> memref<10064x128xf32, #tpu.memory_space<vmem_shared>>
      tpu.enqueue_indirect_dma source(%arg9 : memref<128x128xf32, #tpu.memory_space<vmem>>) target(%dma_start3A_204 : memref<10064x128xf32, #tpu.memory_space<vmem_shared>>) offsets(%dma_start3A_201 : memref<128xi32, #tpu.memory_space<vmem>>) semaphore(%arg14 : memref<!tpu.dma_semaphore, #tpu.memory_space<semaphore_mem>>) {add = true}
      %dma_wait3A_205 = arith.constant 0 : i32
      %dma_wait3A_206 = arith.constant 0 : i32
      %dma_wait3A_207 = arith.constant 0 : i32
      %dma_wait3A_208 = tpu.memref_slice %arg7[%rem3A_73, %dma_wait3A_206, %dma_wait3A_207] : memref<2x16x128xi32, #tpu.memory_space<vmem>> -> memref<1x16x128xi32, #tpu.memory_space<vmem>>
      %dma_wait3A_209 = tpu.memref_squeeze %dma_wait3A_208 : memref<1x16x128xi32, #tpu.memory_space<vmem>> -> memref<16x128xi32, #tpu.memory_space<vmem>>
      %dma_wait3A_210 = arith.constant 0 : i32
      %dma_wait3A_211 = tpu.memref_slice %dma_wait3A_209[%dma_wait3A_205, %dma_wait3A_210] : memref<16x128xi32, #tpu.memory_space<vmem>> -> memref<1x128xi32, #tpu.memory_space<vmem>>
      %dma_wait3A_212 = tpu.memref_squeeze %dma_wait3A_211 : memref<1x128xi32, #tpu.memory_space<vmem>> -> memref<128xi32, #tpu.memory_space<vmem>>
      %dma_wait3A_213 = arith.constant 0 : i32
      %dma_wait3A_214 = arith.constant 0 : i32
      %dma_wait3A_215 = tpu.memref_slice %arg10[%dma_wait3A_213, %dma_wait3A_214] : memref<10064x128xf32, #tpu.memory_space<vmem_shared>> -> memref<10064x128xf32, #tpu.memory_space<vmem_shared>>
      tpu.wait_indirect_dma semaphore(%arg14 : memref<!tpu.dma_semaphore, #tpu.memory_space<semaphore_mem>>) src(%arg9 : memref<128x128xf32, #tpu.memory_space<vmem>>) dst(%dma_wait3A_215 : memref<10064x128xf32, #tpu.memory_space<vmem_shared>>)
      %dma_start3A_216 = arith.constant 3 : i32
      %dma_start3A_217 = arith.constant 0 : i32
      %dma_start3A_218 = arith.constant 0 : i32
      %dma_start3A_219 = tpu.memref_slice %arg6[%rem3A_73, %dma_start3A_217, %dma_start3A_218] : memref<2x16x128xi32, #tpu.memory_space<vmem>> -> memref<1x16x128xi32, #tpu.memory_space<vmem>>
      %dma_start3A_220 = tpu.memref_squeeze %dma_start3A_219 : memref<1x16x128xi32, #tpu.memory_space<vmem>> -> memref<16x128xi32, #tpu.memory_space<vmem>>
      %dma_start3A_221 = arith.constant 0 : i32
      %dma_start3A_222 = tpu.memref_slice %dma_start3A_220[%dma_start3A_216, %dma_start3A_221] : memref<16x128xi32, #tpu.memory_space<vmem>> -> memref<1x128xi32, #tpu.memory_space<vmem>>
      %dma_start3A_223 = tpu.memref_squeeze %dma_start3A_222 : memref<1x128xi32, #tpu.memory_space<vmem>> -> memref<128xi32, #tpu.memory_space<vmem>>
      %dma_start3A_224 = arith.constant 0 : i32
      %dma_start3A_225 = arith.constant 0 : i32
      %dma_start3A_226 = tpu.memref_slice %arg2[%dma_start3A_224, %dma_start3A_225] : memref<20000x128xf32, #tpu.memory_space<hbm>> -> memref<20000x128xf32, #tpu.memory_space<hbm>>
      tpu.enqueue_indirect_dma source(%dma_start3A_226 : memref<20000x128xf32, #tpu.memory_space<hbm>>) target(%arg9 : memref<128x128xf32, #tpu.memory_space<vmem>>) offsets(%dma_start3A_223 : memref<128xi32, #tpu.memory_space<vmem>>) semaphore(%arg12 : memref<!tpu.dma_semaphore, #tpu.memory_space<semaphore_mem>>)
      %dma_wait3A_227 = arith.constant 2 : i32
      %dma_wait3A_228 = arith.constant 0 : i32
      %dma_wait3A_229 = arith.constant 0 : i32
      %dma_wait3A_230 = tpu.memref_slice %arg6[%rem3A_73, %dma_wait3A_228, %dma_wait3A_229] : memref<2x16x128xi32, #tpu.memory_space<vmem>> -> memref<1x16x128xi32, #tpu.memory_space<vmem>>
      %dma_wait3A_231 = tpu.memref_squeeze %dma_wait3A_230 : memref<1x16x128xi32, #tpu.memory_space<vmem>> -> memref<16x128xi32, #tpu.memory_space<vmem>>
      %dma_wait3A_232 = arith.constant 0 : i32
      %dma_wait3A_233 = tpu.memref_slice %dma_wait3A_231[%dma_wait3A_227, %dma_wait3A_232] : memref<16x128xi32, #tpu.memory_space<vmem>> -> memref<1x128xi32, #tpu.memory_space<vmem>>
      %dma_wait3A_234 = tpu.memref_squeeze %dma_wait3A_233 : memref<1x128xi32, #tpu.memory_space<vmem>> -> memref<128xi32, #tpu.memory_space<vmem>>
      %dma_wait3A_235 = arith.constant 0 : i32
      %dma_wait3A_236 = arith.constant 0 : i32
      %dma_wait3A_237 = tpu.memref_slice %arg2[%dma_wait3A_235, %dma_wait3A_236] : memref<20000x128xf32, #tpu.memory_space<hbm>> -> memref<20000x128xf32, #tpu.memory_space<hbm>>
      tpu.wait_indirect_dma semaphore(%arg11 : memref<!tpu.dma_semaphore, #tpu.memory_space<semaphore_mem>>) src(%dma_wait3A_237 : memref<20000x128xf32, #tpu.memory_space<hbm>>) dst(%arg8 : memref<128x128xf32, #tpu.memory_space<vmem>>)
      %dma_start3A_238 = arith.constant 2 : i32
      %dma_start3A_239 = arith.constant 0 : i32
      %dma_start3A_240 = arith.constant 0 : i32
      %dma_start3A_241 = tpu.memref_slice %arg7[%rem3A_73, %dma_start3A_239, %dma_start3A_240] : memref<2x16x128xi32, #tpu.memory_space<vmem>> -> memref<1x16x128xi32, #tpu.memory_space<vmem>>
      %dma_start3A_242 = tpu.memref_squeeze %dma_start3A_241 : memref<1x16x128xi32, #tpu.memory_space<vmem>> -> memref<16x128xi32, #tpu.memory_space<vmem>>
      %dma_start3A_243 = arith.constant 0 : i32
      %dma_start3A_244 = tpu.memref_slice %dma_start3A_242[%dma_start3A_238, %dma_start3A_243] : memref<16x128xi32, #tpu.memory_space<vmem>> -> memref<1x128xi32, #tpu.memory_space<vmem>>
      %dma_start3A_245 = tpu.memref_squeeze %dma_start3A_244 : memref<1x128xi32, #tpu.memory_space<vmem>> -> memref<128xi32, #tpu.memory_space<vmem>>
      %dma_start3A_246 = arith.constant 0 : i32
      %dma_start3A_247 = arith.constant 0 : i32
      %dma_start3A_248 = tpu.memref_slice %arg10[%dma_start3A_246, %dma_start3A_247] : memref<10064x128xf32, #tpu.memory_space<vmem_shared>> -> memref<10064x128xf32, #tpu.memory_space<vmem_shared>>
      tpu.enqueue_indirect_dma source(%arg8 : memref<128x128xf32, #tpu.memory_space<vmem>>) target(%dma_start3A_248 : memref<10064x128xf32, #tpu.memory_space<vmem_shared>>) offsets(%dma_start3A_245 : memref<128xi32, #tpu.memory_space<vmem>>) semaphore(%arg13 : memref<!tpu.dma_semaphore, #tpu.memory_space<semaphore_mem>>) {add = true}
      %dma_wait3A_249 = arith.constant 0 : i32
      %dma_wait3A_250 = arith.constant 0 : i32
      %dma_wait3A_251 = arith.constant 0 : i32
      %dma_wait3A_252 = tpu.memref_slice %arg7[%rem3A_73, %dma_wait3A_250, %dma_wait3A_251] : memref<2x16x128xi32, #tpu.memory_space<vmem>> -> memref<1x16x128xi32, #tpu.memory_space<vmem>>
      %dma_wait3A_253 = tpu.memref_squeeze %dma_wait3A_252 : memref<1x16x128xi32, #tpu.memory_space<vmem>> -> memref<16x128xi32, #tpu.memory_space<vmem>>
      %dma_wait3A_254 = arith.constant 0 : i32
      %dma_wait3A_255 = tpu.memref_slice %dma_wait3A_253[%dma_wait3A_249, %dma_wait3A_254] : memref<16x128xi32, #tpu.memory_space<vmem>> -> memref<1x128xi32, #tpu.memory_space<vmem>>
      %dma_wait3A_256 = tpu.memref_squeeze %dma_wait3A_255 : memref<1x128xi32, #tpu.memory_space<vmem>> -> memref<128xi32, #tpu.memory_space<vmem>>
      %dma_wait3A_257 = arith.constant 0 : i32
      %dma_wait3A_258 = arith.constant 0 : i32
      %dma_wait3A_259 = tpu.memref_slice %arg10[%dma_wait3A_257, %dma_wait3A_258] : memref<10064x128xf32, #tpu.memory_space<vmem_shared>> -> memref<10064x128xf32, #tpu.memory_space<vmem_shared>>
      tpu.wait_indirect_dma semaphore(%arg13 : memref<!tpu.dma_semaphore, #tpu.memory_space<semaphore_mem>>) src(%arg8 : memref<128x128xf32, #tpu.memory_space<vmem>>) dst(%dma_wait3A_259 : memref<10064x128xf32, #tpu.memory_space<vmem_shared>>)
      %dma_start3A_260 = arith.constant 4 : i32
      %dma_start3A_261 = arith.constant 0 : i32
      %dma_start3A_262 = arith.constant 0 : i32
      %dma_start3A_263 = tpu.memref_slice %arg6[%rem3A_73, %dma_start3A_261, %dma_start3A_262] : memref<2x16x128xi32, #tpu.memory_space<vmem>> -> memref<1x16x128xi32, #tpu.memory_space<vmem>>
      %dma_start3A_264 = tpu.memref_squeeze %dma_start3A_263 : memref<1x16x128xi32, #tpu.memory_space<vmem>> -> memref<16x128xi32, #tpu.memory_space<vmem>>
      %dma_start3A_265 = arith.constant 0 : i32
      %dma_start3A_266 = tpu.memref_slice %dma_start3A_264[%dma_start3A_260, %dma_start3A_265] : memref<16x128xi32, #tpu.memory_space<vmem>> -> memref<1x128xi32, #tpu.memory_space<vmem>>
      %dma_start3A_267 = tpu.memref_squeeze %dma_start3A_266 : memref<1x128xi32, #tpu.memory_space<vmem>> -> memref<128xi32, #tpu.memory_space<vmem>>
      %dma_start3A_268 = arith.constant 0 : i32
      %dma_start3A_269 = arith.constant 0 : i32
      %dma_start3A_270 = tpu.memref_slice %arg2[%dma_start3A_268, %dma_start3A_269] : memref<20000x128xf32, #tpu.memory_space<hbm>> -> memref<20000x128xf32, #tpu.memory_space<hbm>>
      tpu.enqueue_indirect_dma source(%dma_start3A_270 : memref<20000x128xf32, #tpu.memory_space<hbm>>) target(%arg8 : memref<128x128xf32, #tpu.memory_space<vmem>>) offsets(%dma_start3A_267 : memref<128xi32, #tpu.memory_space<vmem>>) semaphore(%arg11 : memref<!tpu.dma_semaphore, #tpu.memory_space<semaphore_mem>>)
      %dma_wait3A_271 = arith.constant 3 : i32
      %dma_wait3A_272 = arith.constant 0 : i32
      %dma_wait3A_273 = arith.constant 0 : i32
      %dma_wait3A_274 = tpu.memref_slice %arg6[%rem3A_73, %dma_wait3A_272, %dma_wait3A_273] : memref<2x16x128xi32, #tpu.memory_space<vmem>> -> memref<1x16x128xi32, #tpu.memory_space<vmem>>
      %dma_wait3A_275 = tpu.memref_squeeze %dma_wait3A_274 : memref<1x16x128xi32, #tpu.memory_space<vmem>> -> memref<16x128xi32, #tpu.memory_space<vmem>>
      %dma_wait3A_276 = arith.constant 0 : i32
      %dma_wait3A_277 = tpu.memref_slice %dma_wait3A_275[%dma_wait3A_271, %dma_wait3A_276] : memref<16x128xi32, #tpu.memory_space<vmem>> -> memref<1x128xi32, #tpu.memory_space<vmem>>
      %dma_wait3A_278 = tpu.memref_squeeze %dma_wait3A_277 : memref<1x128xi32, #tpu.memory_space<vmem>> -> memref<128xi32, #tpu.memory_space<vmem>>
      %dma_wait3A_279 = arith.constant 0 : i32
      %dma_wait3A_280 = arith.constant 0 : i32
      %dma_wait3A_281 = tpu.memref_slice %arg2[%dma_wait3A_279, %dma_wait3A_280] : memref<20000x128xf32, #tpu.memory_space<hbm>> -> memref<20000x128xf32, #tpu.memory_space<hbm>>
      tpu.wait_indirect_dma semaphore(%arg12 : memref<!tpu.dma_semaphore, #tpu.memory_space<semaphore_mem>>) src(%dma_wait3A_281 : memref<20000x128xf32, #tpu.memory_space<hbm>>) dst(%arg9 : memref<128x128xf32, #tpu.memory_space<vmem>>)
      %dma_start3A_282 = arith.constant 3 : i32
      %dma_start3A_283 = arith.constant 0 : i32
      %dma_start3A_284 = arith.constant 0 : i32
      %dma_start3A_285 = tpu.memref_slice %arg7[%rem3A_73, %dma_start3A_283, %dma_start3A_284] : memref<2x16x128xi32, #tpu.memory_space<vmem>> -> memref<1x16x128xi32, #tpu.memory_space<vmem>>
      %dma_start3A_286 = tpu.memref_squeeze %dma_start3A_285 : memref<1x16x128xi32, #tpu.memory_space<vmem>> -> memref<16x128xi32, #tpu.memory_space<vmem>>
      %dma_start3A_287 = arith.constant 0 : i32
      %dma_start3A_288 = tpu.memref_slice %dma_start3A_286[%dma_start3A_282, %dma_start3A_287] : memref<16x128xi32, #tpu.memory_space<vmem>> -> memref<1x128xi32, #tpu.memory_space<vmem>>
      %dma_start3A_289 = tpu.memref_squeeze %dma_start3A_288 : memref<1x128xi32, #tpu.memory_space<vmem>> -> memref<128xi32, #tpu.memory_space<vmem>>
      %dma_start3A_290 = arith.constant 0 : i32
      %dma_start3A_291 = arith.constant 0 : i32
      %dma_start3A_292 = tpu.memref_slice %arg10[%dma_start3A_290, %dma_start3A_291] : memref<10064x128xf32, #tpu.memory_space<vmem_shared>> -> memref<10064x128xf32, #tpu.memory_space<vmem_shared>>
      tpu.enqueue_indirect_dma source(%arg9 : memref<128x128xf32, #tpu.memory_space<vmem>>) target(%dma_start3A_292 : memref<10064x128xf32, #tpu.memory_space<vmem_shared>>) offsets(%dma_start3A_289 : memref<128xi32, #tpu.memory_space<vmem>>) semaphore(%arg14 : memref<!tpu.dma_semaphore, #tpu.memory_space<semaphore_mem>>) {add = true}
      %dma_wait3A_293 = arith.constant 0 : i32
      %dma_wait3A_294 = arith.constant 0 : i32
      %dma_wait3A_295 = arith.constant 0 : i32
      %dma_wait3A_296 = tpu.memref_slice %arg7[%rem3A_73, %dma_wait3A_294, %dma_wait3A_295] : memref<2x16x128xi32, #tpu.memory_space<vmem>> -> memref<1x16x128xi32, #tpu.memory_space<vmem>>
      %dma_wait3A_297 = tpu.memref_squeeze %dma_wait3A_296 : memref<1x16x128xi32, #tpu.memory_space<vmem>> -> memref<16x128xi32, #tpu.memory_space<vmem>>
      %dma_wait3A_298 = arith.constant 0 : i32
      %dma_wait3A_299 = tpu.memref_slice %dma_wait3A_297[%dma_wait3A_293, %dma_wait3A_298] : memref<16x128xi32, #tpu.memory_space<vmem>> -> memref<1x128xi32, #tpu.memory_space<vmem>>
      %dma_wait3A_300 = tpu.memref_squeeze %dma_wait3A_299 : memref<1x128xi32, #tpu.memory_space<vmem>> -> memref<128xi32, #tpu.memory_space<vmem>>
      %dma_wait3A_301 = arith.constant 0 : i32
      %dma_wait3A_302 = arith.constant 0 : i32
      %dma_wait3A_303 = tpu.memref_slice %arg10[%dma_wait3A_301, %dma_wait3A_302] : memref<10064x128xf32, #tpu.memory_space<vmem_shared>> -> memref<10064x128xf32, #tpu.memory_space<vmem_shared>>
      tpu.wait_indirect_dma semaphore(%arg14 : memref<!tpu.dma_semaphore, #tpu.memory_space<semaphore_mem>>) src(%arg9 : memref<128x128xf32, #tpu.memory_space<vmem>>) dst(%dma_wait3A_303 : memref<10064x128xf32, #tpu.memory_space<vmem_shared>>)
      %dma_start3A_304 = arith.constant 5 : i32
      %dma_start3A_305 = arith.constant 0 : i32
      %dma_start3A_306 = arith.constant 0 : i32
      %dma_start3A_307 = tpu.memref_slice %arg6[%rem3A_73, %dma_start3A_305, %dma_start3A_306] : memref<2x16x128xi32, #tpu.memory_space<vmem>> -> memref<1x16x128xi32, #tpu.memory_space<vmem>>
      %dma_start3A_308 = tpu.memref_squeeze %dma_start3A_307 : memref<1x16x128xi32, #tpu.memory_space<vmem>> -> memref<16x128xi32, #tpu.memory_space<vmem>>
      %dma_start3A_309 = arith.constant 0 : i32
      %dma_start3A_310 = tpu.memref_slice %dma_start3A_308[%dma_start3A_304, %dma_start3A_309] : memref<16x128xi32, #tpu.memory_space<vmem>> -> memref<1x128xi32, #tpu.memory_space<vmem>>
      %dma_start3A_311 = tpu.memref_squeeze %dma_start3A_310 : memref<1x128xi32, #tpu.memory_space<vmem>> -> memref<128xi32, #tpu.memory_space<vmem>>
      %dma_start3A_312 = arith.constant 0 : i32
      %dma_start3A_313 = arith.constant 0 : i32
      %dma_start3A_314 = tpu.memref_slice %arg2[%dma_start3A_312, %dma_start3A_313] : memref<20000x128xf32, #tpu.memory_space<hbm>> -> memref<20000x128xf32, #tpu.memory_space<hbm>>
      tpu.enqueue_indirect_dma source(%dma_start3A_314 : memref<20000x128xf32, #tpu.memory_space<hbm>>) target(%arg9 : memref<128x128xf32, #tpu.memory_space<vmem>>) offsets(%dma_start3A_311 : memref<128xi32, #tpu.memory_space<vmem>>) semaphore(%arg12 : memref<!tpu.dma_semaphore, #tpu.memory_space<semaphore_mem>>)
      %dma_wait3A_315 = arith.constant 4 : i32
      %dma_wait3A_316 = arith.constant 0 : i32
      %dma_wait3A_317 = arith.constant 0 : i32
      %dma_wait3A_318 = tpu.memref_slice %arg6[%rem3A_73, %dma_wait3A_316, %dma_wait3A_317] : memref<2x16x128xi32, #tpu.memory_space<vmem>> -> memref<1x16x128xi32, #tpu.memory_space<vmem>>
      %dma_wait3A_319 = tpu.memref_squeeze %dma_wait3A_318 : memref<1x16x128xi32, #tpu.memory_space<vmem>> -> memref<16x128xi32, #tpu.memory_space<vmem>>
      %dma_wait3A_320 = arith.constant 0 : i32
      %dma_wait3A_321 = tpu.memref_slice %dma_wait3A_319[%dma_wait3A_315, %dma_wait3A_320] : memref<16x128xi32, #tpu.memory_space<vmem>> -> memref<1x128xi32, #tpu.memory_space<vmem>>
      %dma_wait3A_322 = tpu.memref_squeeze %dma_wait3A_321 : memref<1x128xi32, #tpu.memory_space<vmem>> -> memref<128xi32, #tpu.memory_space<vmem>>
      %dma_wait3A_323 = arith.constant 0 : i32
      %dma_wait3A_324 = arith.constant 0 : i32
      %dma_wait3A_325 = tpu.memref_slice %arg2[%dma_wait3A_323, %dma_wait3A_324] : memref<20000x128xf32, #tpu.memory_space<hbm>> -> memref<20000x128xf32, #tpu.memory_space<hbm>>
      tpu.wait_indirect_dma semaphore(%arg11 : memref<!tpu.dma_semaphore, #tpu.memory_space<semaphore_mem>>) src(%dma_wait3A_325 : memref<20000x128xf32, #tpu.memory_space<hbm>>) dst(%arg8 : memref<128x128xf32, #tpu.memory_space<vmem>>)
      %dma_start3A_326 = arith.constant 4 : i32
      %dma_start3A_327 = arith.constant 0 : i32
      %dma_start3A_328 = arith.constant 0 : i32
      %dma_start3A_329 = tpu.memref_slice %arg7[%rem3A_73, %dma_start3A_327, %dma_start3A_328] : memref<2x16x128xi32, #tpu.memory_space<vmem>> -> memref<1x16x128xi32, #tpu.memory_space<vmem>>
      %dma_start3A_330 = tpu.memref_squeeze %dma_start3A_329 : memref<1x16x128xi32, #tpu.memory_space<vmem>> -> memref<16x128xi32, #tpu.memory_space<vmem>>
      %dma_start3A_331 = arith.constant 0 : i32
      %dma_start3A_332 = tpu.memref_slice %dma_start3A_330[%dma_start3A_326, %dma_start3A_331] : memref<16x128xi32, #tpu.memory_space<vmem>> -> memref<1x128xi32, #tpu.memory_space<vmem>>
      %dma_start3A_333 = tpu.memref_squeeze %dma_start3A_332 : memref<1x128xi32, #tpu.memory_space<vmem>> -> memref<128xi32, #tpu.memory_space<vmem>>
      %dma_start3A_334 = arith.constant 0 : i32
      %dma_start3A_335 = arith.constant 0 : i32
      %dma_start3A_336 = tpu.memref_slice %arg10[%dma_start3A_334, %dma_start3A_335] : memref<10064x128xf32, #tpu.memory_space<vmem_shared>> -> memref<10064x128xf32, #tpu.memory_space<vmem_shared>>
      tpu.enqueue_indirect_dma source(%arg8 : memref<128x128xf32, #tpu.memory_space<vmem>>) target(%dma_start3A_336 : memref<10064x128xf32, #tpu.memory_space<vmem_shared>>) offsets(%dma_start3A_333 : memref<128xi32, #tpu.memory_space<vmem>>) semaphore(%arg13 : memref<!tpu.dma_semaphore, #tpu.memory_space<semaphore_mem>>) {add = true}
      %dma_wait3A_337 = arith.constant 0 : i32
      %dma_wait3A_338 = arith.constant 0 : i32
      %dma_wait3A_339 = arith.constant 0 : i32
      %dma_wait3A_340 = tpu.memref_slice %arg7[%rem3A_73, %dma_wait3A_338, %dma_wait3A_339] : memref<2x16x128xi32, #tpu.memory_space<vmem>> -> memref<1x16x128xi32, #tpu.memory_space<vmem>>
      %dma_wait3A_341 = tpu.memref_squeeze %dma_wait3A_340 : memref<1x16x128xi32, #tpu.memory_space<vmem>> -> memref<16x128xi32, #tpu.memory_space<vmem>>
      %dma_wait3A_342 = arith.constant 0 : i32
      %dma_wait3A_343 = tpu.memref_slice %dma_wait3A_341[%dma_wait3A_337, %dma_wait3A_342] : memref<16x128xi32, #tpu.memory_space<vmem>> -> memref<1x128xi32, #tpu.memory_space<vmem>>
      %dma_wait3A_344 = tpu.memref_squeeze %dma_wait3A_343 : memref<1x128xi32, #tpu.memory_space<vmem>> -> memref<128xi32, #tpu.memory_space<vmem>>
      %dma_wait3A_345 = arith.constant 0 : i32
      %dma_wait3A_346 = arith.constant 0 : i32
      %dma_wait3A_347 = tpu.memref_slice %arg10[%dma_wait3A_345, %dma_wait3A_346] : memref<10064x128xf32, #tpu.memory_space<vmem_shared>> -> memref<10064x128xf32, #tpu.memory_space<vmem_shared>>
      tpu.wait_indirect_dma semaphore(%arg13 : memref<!tpu.dma_semaphore, #tpu.memory_space<semaphore_mem>>) src(%arg8 : memref<128x128xf32, #tpu.memory_space<vmem>>) dst(%dma_wait3A_347 : memref<10064x128xf32, #tpu.memory_space<vmem_shared>>)
      %dma_start3A_348 = arith.constant 6 : i32
      %dma_start3A_349 = arith.constant 0 : i32
      %dma_start3A_350 = arith.constant 0 : i32
      %dma_start3A_351 = tpu.memref_slice %arg6[%rem3A_73, %dma_start3A_349, %dma_start3A_350] : memref<2x16x128xi32, #tpu.memory_space<vmem>> -> memref<1x16x128xi32, #tpu.memory_space<vmem>>
      %dma_start3A_352 = tpu.memref_squeeze %dma_start3A_351 : memref<1x16x128xi32, #tpu.memory_space<vmem>> -> memref<16x128xi32, #tpu.memory_space<vmem>>
      %dma_start3A_353 = arith.constant 0 : i32
      %dma_start3A_354 = tpu.memref_slice %dma_start3A_352[%dma_start3A_348, %dma_start3A_353] : memref<16x128xi32, #tpu.memory_space<vmem>> -> memref<1x128xi32, #tpu.memory_space<vmem>>
      %dma_start3A_355 = tpu.memref_squeeze %dma_start3A_354 : memref<1x128xi32, #tpu.memory_space<vmem>> -> memref<128xi32, #tpu.memory_space<vmem>>
      %dma_start3A_356 = arith.constant 0 : i32
      %dma_start3A_357 = arith.constant 0 : i32
      %dma_start3A_358 = tpu.memref_slice %arg2[%dma_start3A_356, %dma_start3A_357] : memref<20000x128xf32, #tpu.memory_space<hbm>> -> memref<20000x128xf32, #tpu.memory_space<hbm>>
      tpu.enqueue_indirect_dma source(%dma_start3A_358 : memref<20000x128xf32, #tpu.memory_space<hbm>>) target(%arg8 : memref<128x128xf32, #tpu.memory_space<vmem>>) offsets(%dma_start3A_355 : memref<128xi32, #tpu.memory_space<vmem>>) semaphore(%arg11 : memref<!tpu.dma_semaphore, #tpu.memory_space<semaphore_mem>>)
      %dma_wait3A_359 = arith.constant 5 : i32
      %dma_wait3A_360 = arith.constant 0 : i32
      %dma_wait3A_361 = arith.constant 0 : i32
      %dma_wait3A_362 = tpu.memref_slice %arg6[%rem3A_73, %dma_wait3A_360, %dma_wait3A_361] : memref<2x16x128xi32, #tpu.memory_space<vmem>> -> memref<1x16x128xi32, #tpu.memory_space<vmem>>
      %dma_wait3A_363 = tpu.memref_squeeze %dma_wait3A_362 : memref<1x16x128xi32, #tpu.memory_space<vmem>> -> memref<16x128xi32, #tpu.memory_space<vmem>>
      %dma_wait3A_364 = arith.constant 0 : i32
      %dma_wait3A_365 = tpu.memref_slice %dma_wait3A_363[%dma_wait3A_359, %dma_wait3A_364] : memref<16x128xi32, #tpu.memory_space<vmem>> -> memref<1x128xi32, #tpu.memory_space<vmem>>
      %dma_wait3A_366 = tpu.memref_squeeze %dma_wait3A_365 : memref<1x128xi32, #tpu.memory_space<vmem>> -> memref<128xi32, #tpu.memory_space<vmem>>
      %dma_wait3A_367 = arith.constant 0 : i32
      %dma_wait3A_368 = arith.constant 0 : i32
      %dma_wait3A_369 = tpu.memref_slice %arg2[%dma_wait3A_367, %dma_wait3A_368] : memref<20000x128xf32, #tpu.memory_space<hbm>> -> memref<20000x128xf32, #tpu.memory_space<hbm>>
      tpu.wait_indirect_dma semaphore(%arg12 : memref<!tpu.dma_semaphore, #tpu.memory_space<semaphore_mem>>) src(%dma_wait3A_369 : memref<20000x128xf32, #tpu.memory_space<hbm>>) dst(%arg9 : memref<128x128xf32, #tpu.memory_space<vmem>>)
      %dma_start3A_370 = arith.constant 5 : i32
      %dma_start3A_371 = arith.constant 0 : i32
      %dma_start3A_372 = arith.constant 0 : i32
      %dma_start3A_373 = tpu.memref_slice %arg7[%rem3A_73, %dma_start3A_371, %dma_start3A_372] : memref<2x16x128xi32, #tpu.memory_space<vmem>> -> memref<1x16x128xi32, #tpu.memory_space<vmem>>
      %dma_start3A_374 = tpu.memref_squeeze %dma_start3A_373 : memref<1x16x128xi32, #tpu.memory_space<vmem>> -> memref<16x128xi32, #tpu.memory_space<vmem>>
      %dma_start3A_375 = arith.constant 0 : i32
      %dma_start3A_376 = tpu.memref_slice %dma_start3A_374[%dma_start3A_370, %dma_start3A_375] : memref<16x128xi32, #tpu.memory_space<vmem>> -> memref<1x128xi32, #tpu.memory_space<vmem>>
      %dma_start3A_377 = tpu.memref_squeeze %dma_start3A_376 : memref<1x128xi32, #tpu.memory_space<vmem>> -> memref<128xi32, #tpu.memory_space<vmem>>
      %dma_start3A_378 = arith.constant 0 : i32
      %dma_start3A_379 = arith.constant 0 : i32
      %dma_start3A_380 = tpu.memref_slice %arg10[%dma_start3A_378, %dma_start3A_379] : memref<10064x128xf32, #tpu.memory_space<vmem_shared>> -> memref<10064x128xf32, #tpu.memory_space<vmem_shared>>
      tpu.enqueue_indirect_dma source(%arg9 : memref<128x128xf32, #tpu.memory_space<vmem>>) target(%dma_start3A_380 : memref<10064x128xf32, #tpu.memory_space<vmem_shared>>) offsets(%dma_start3A_377 : memref<128xi32, #tpu.memory_space<vmem>>) semaphore(%arg14 : memref<!tpu.dma_semaphore, #tpu.memory_space<semaphore_mem>>) {add = true}
      %dma_wait3A_381 = arith.constant 0 : i32
      %dma_wait3A_382 = arith.constant 0 : i32
      %dma_wait3A_383 = arith.constant 0 : i32
      %dma_wait3A_384 = tpu.memref_slice %arg7[%rem3A_73, %dma_wait3A_382, %dma_wait3A_383] : memref<2x16x128xi32, #tpu.memory_space<vmem>> -> memref<1x16x128xi32, #tpu.memory_space<vmem>>
      %dma_wait3A_385 = tpu.memref_squeeze %dma_wait3A_384 : memref<1x16x128xi32, #tpu.memory_space<vmem>> -> memref<16x128xi32, #tpu.memory_space<vmem>>
      %dma_wait3A_386 = arith.constant 0 : i32
      %dma_wait3A_387 = tpu.memref_slice %dma_wait3A_385[%dma_wait3A_381, %dma_wait3A_386] : memref<16x128xi32, #tpu.memory_space<vmem>> -> memref<1x128xi32, #tpu.memory_space<vmem>>
      %dma_wait3A_388 = tpu.memref_squeeze %dma_wait3A_387 : memref<1x128xi32, #tpu.memory_space<vmem>> -> memref<128xi32, #tpu.memory_space<vmem>>
      %dma_wait3A_389 = arith.constant 0 : i32
      %dma_wait3A_390 = arith.constant 0 : i32
      %dma_wait3A_391 = tpu.memref_slice %arg10[%dma_wait3A_389, %dma_wait3A_390] : memref<10064x128xf32, #tpu.memory_space<vmem_shared>> -> memref<10064x128xf32, #tpu.memory_space<vmem_shared>>
      tpu.wait_indirect_dma semaphore(%arg14 : memref<!tpu.dma_semaphore, #tpu.memory_space<semaphore_mem>>) src(%arg9 : memref<128x128xf32, #tpu.memory_space<vmem>>) dst(%dma_wait3A_391 : memref<10064x128xf32, #tpu.memory_space<vmem_shared>>)
      %dma_start3A_392 = arith.constant 7 : i32
      %dma_start3A_393 = arith.constant 0 : i32
      %dma_start3A_394 = arith.constant 0 : i32
      %dma_start3A_395 = tpu.memref_slice %arg6[%rem3A_73, %dma_start3A_393, %dma_start3A_394] : memref<2x16x128xi32, #tpu.memory_space<vmem>> -> memref<1x16x128xi32, #tpu.memory_space<vmem>>
      %dma_start3A_396 = tpu.memref_squeeze %dma_start3A_395 : memref<1x16x128xi32, #tpu.memory_space<vmem>> -> memref<16x128xi32, #tpu.memory_space<vmem>>
      %dma_start3A_397 = arith.constant 0 : i32
      %dma_start3A_398 = tpu.memref_slice %dma_start3A_396[%dma_start3A_392, %dma_start3A_397] : memref<16x128xi32, #tpu.memory_space<vmem>> -> memref<1x128xi32, #tpu.memory_space<vmem>>
      %dma_start3A_399 = tpu.memref_squeeze %dma_start3A_398 : memref<1x128xi32, #tpu.memory_space<vmem>> -> memref<128xi32, #tpu.memory_space<vmem>>
      %dma_start3A_400 = arith.constant 0 : i32
      %dma_start3A_401 = arith.constant 0 : i32
      %dma_start3A_402 = tpu.memref_slice %arg2[%dma_start3A_400, %dma_start3A_401] : memref<20000x128xf32, #tpu.memory_space<hbm>> -> memref<20000x128xf32, #tpu.memory_space<hbm>>
      tpu.enqueue_indirect_dma source(%dma_start3A_402 : memref<20000x128xf32, #tpu.memory_space<hbm>>) target(%arg9 : memref<128x128xf32, #tpu.memory_space<vmem>>) offsets(%dma_start3A_399 : memref<128xi32, #tpu.memory_space<vmem>>) semaphore(%arg12 : memref<!tpu.dma_semaphore, #tpu.memory_space<semaphore_mem>>)
      %dma_wait3A_403 = arith.constant 6 : i32
      %dma_wait3A_404 = arith.constant 0 : i32
      %dma_wait3A_405 = arith.constant 0 : i32
      %dma_wait3A_406 = tpu.memref_slice %arg6[%rem3A_73, %dma_wait3A_404, %dma_wait3A_405] : memref<2x16x128xi32, #tpu.memory_space<vmem>> -> memref<1x16x128xi32, #tpu.memory_space<vmem>>
      %dma_wait3A_407 = tpu.memref_squeeze %dma_wait3A_406 : memref<1x16x128xi32, #tpu.memory_space<vmem>> -> memref<16x128xi32, #tpu.memory_space<vmem>>
      %dma_wait3A_408 = arith.constant 0 : i32
      %dma_wait3A_409 = tpu.memref_slice %dma_wait3A_407[%dma_wait3A_403, %dma_wait3A_408] : memref<16x128xi32, #tpu.memory_space<vmem>> -> memref<1x128xi32, #tpu.memory_space<vmem>>
      %dma_wait3A_410 = tpu.memref_squeeze %dma_wait3A_409 : memref<1x128xi32, #tpu.memory_space<vmem>> -> memref<128xi32, #tpu.memory_space<vmem>>
      %dma_wait3A_411 = arith.constant 0 : i32
      %dma_wait3A_412 = arith.constant 0 : i32
      %dma_wait3A_413 = tpu.memref_slice %arg2[%dma_wait3A_411, %dma_wait3A_412] : memref<20000x128xf32, #tpu.memory_space<hbm>> -> memref<20000x128xf32, #tpu.memory_space<hbm>>
      tpu.wait_indirect_dma semaphore(%arg11 : memref<!tpu.dma_semaphore, #tpu.memory_space<semaphore_mem>>) src(%dma_wait3A_413 : memref<20000x128xf32, #tpu.memory_space<hbm>>) dst(%arg8 : memref<128x128xf32, #tpu.memory_space<vmem>>)
      %dma_start3A_414 = arith.constant 6 : i32
      %dma_start3A_415 = arith.constant 0 : i32
      %dma_start3A_416 = arith.constant 0 : i32
      %dma_start3A_417 = tpu.memref_slice %arg7[%rem3A_73, %dma_start3A_415, %dma_start3A_416] : memref<2x16x128xi32, #tpu.memory_space<vmem>> -> memref<1x16x128xi32, #tpu.memory_space<vmem>>
      %dma_start3A_418 = tpu.memref_squeeze %dma_start3A_417 : memref<1x16x128xi32, #tpu.memory_space<vmem>> -> memref<16x128xi32, #tpu.memory_space<vmem>>
      %dma_start3A_419 = arith.constant 0 : i32
      %dma_start3A_420 = tpu.memref_slice %dma_start3A_418[%dma_start3A_414, %dma_start3A_419] : memref<16x128xi32, #tpu.memory_space<vmem>> -> memref<1x128xi32, #tpu.memory_space<vmem>>
      %dma_start3A_421 = tpu.memref_squeeze %dma_start3A_420 : memref<1x128xi32, #tpu.memory_space<vmem>> -> memref<128xi32, #tpu.memory_space<vmem>>
      %dma_start3A_422 = arith.constant 0 : i32
      %dma_start3A_423 = arith.constant 0 : i32
      %dma_start3A_424 = tpu.memref_slice %arg10[%dma_start3A_422, %dma_start3A_423] : memref<10064x128xf32, #tpu.memory_space<vmem_shared>> -> memref<10064x128xf32, #tpu.memory_space<vmem_shared>>
      tpu.enqueue_indirect_dma source(%arg8 : memref<128x128xf32, #tpu.memory_space<vmem>>) target(%dma_start3A_424 : memref<10064x128xf32, #tpu.memory_space<vmem_shared>>) offsets(%dma_start3A_421 : memref<128xi32, #tpu.memory_space<vmem>>) semaphore(%arg13 : memref<!tpu.dma_semaphore, #tpu.memory_space<semaphore_mem>>) {add = true}
      %dma_wait3A_425 = arith.constant 0 : i32
      %dma_wait3A_426 = arith.constant 0 : i32
      %dma_wait3A_427 = arith.constant 0 : i32
      %dma_wait3A_428 = tpu.memref_slice %arg7[%rem3A_73, %dma_wait3A_426, %dma_wait3A_427] : memref<2x16x128xi32, #tpu.memory_space<vmem>> -> memref<1x16x128xi32, #tpu.memory_space<vmem>>
      %dma_wait3A_429 = tpu.memref_squeeze %dma_wait3A_428 : memref<1x16x128xi32, #tpu.memory_space<vmem>> -> memref<16x128xi32, #tpu.memory_space<vmem>>
      %dma_wait3A_430 = arith.constant 0 : i32
      %dma_wait3A_431 = tpu.memref_slice %dma_wait3A_429[%dma_wait3A_425, %dma_wait3A_430] : memref<16x128xi32, #tpu.memory_space<vmem>> -> memref<1x128xi32, #tpu.memory_space<vmem>>
      %dma_wait3A_432 = tpu.memref_squeeze %dma_wait3A_431 : memref<1x128xi32, #tpu.memory_space<vmem>> -> memref<128xi32, #tpu.memory_space<vmem>>
      %dma_wait3A_433 = arith.constant 0 : i32
      %dma_wait3A_434 = arith.constant 0 : i32
      %dma_wait3A_435 = tpu.memref_slice %arg10[%dma_wait3A_433, %dma_wait3A_434] : memref<10064x128xf32, #tpu.memory_space<vmem_shared>> -> memref<10064x128xf32, #tpu.memory_space<vmem_shared>>
      tpu.wait_indirect_dma semaphore(%arg13 : memref<!tpu.dma_semaphore, #tpu.memory_space<semaphore_mem>>) src(%arg8 : memref<128x128xf32, #tpu.memory_space<vmem>>) dst(%dma_wait3A_435 : memref<10064x128xf32, #tpu.memory_space<vmem_shared>>)
      %dma_start3A_436 = arith.constant 8 : i32
      %dma_start3A_437 = arith.constant 0 : i32
      %dma_start3A_438 = arith.constant 0 : i32
      %dma_start3A_439 = tpu.memref_slice %arg6[%rem3A_73, %dma_start3A_437, %dma_start3A_438] : memref<2x16x128xi32, #tpu.memory_space<vmem>> -> memref<1x16x128xi32, #tpu.memory_space<vmem>>
      %dma_start3A_440 = tpu.memref_squeeze %dma_start3A_439 : memref<1x16x128xi32, #tpu.memory_space<vmem>> -> memref<16x128xi32, #tpu.memory_space<vmem>>
      %dma_start3A_441 = arith.constant 0 : i32
      %dma_start3A_442 = tpu.memref_slice %dma_start3A_440[%dma_start3A_436, %dma_start3A_441] : memref<16x128xi32, #tpu.memory_space<vmem>> -> memref<1x128xi32, #tpu.memory_space<vmem>>
      %dma_start3A_443 = tpu.memref_squeeze %dma_start3A_442 : memref<1x128xi32, #tpu.memory_space<vmem>> -> memref<128xi32, #tpu.memory_space<vmem>>
      %dma_start3A_444 = arith.constant 0 : i32
      %dma_start3A_445 = arith.constant 0 : i32
      %dma_start3A_446 = tpu.memref_slice %arg2[%dma_start3A_444, %dma_start3A_445] : memref<20000x128xf32, #tpu.memory_space<hbm>> -> memref<20000x128xf32, #tpu.memory_space<hbm>>
      tpu.enqueue_indirect_dma source(%dma_start3A_446 : memref<20000x128xf32, #tpu.memory_space<hbm>>) target(%arg8 : memref<128x128xf32, #tpu.memory_space<vmem>>) offsets(%dma_start3A_443 : memref<128xi32, #tpu.memory_space<vmem>>) semaphore(%arg11 : memref<!tpu.dma_semaphore, #tpu.memory_space<semaphore_mem>>)
      %dma_wait3A_447 = arith.constant 7 : i32
      %dma_wait3A_448 = arith.constant 0 : i32
      %dma_wait3A_449 = arith.constant 0 : i32
      %dma_wait3A_450 = tpu.memref_slice %arg6[%rem3A_73, %dma_wait3A_448, %dma_wait3A_449] : memref<2x16x128xi32, #tpu.memory_space<vmem>> -> memref<1x16x128xi32, #tpu.memory_space<vmem>>
      %dma_wait3A_451 = tpu.memref_squeeze %dma_wait3A_450 : memref<1x16x128xi32, #tpu.memory_space<vmem>> -> memref<16x128xi32, #tpu.memory_space<vmem>>
      %dma_wait3A_452 = arith.constant 0 : i32
      %dma_wait3A_453 = tpu.memref_slice %dma_wait3A_451[%dma_wait3A_447, %dma_wait3A_452] : memref<16x128xi32, #tpu.memory_space<vmem>> -> memref<1x128xi32, #tpu.memory_space<vmem>>
      %dma_wait3A_454 = tpu.memref_squeeze %dma_wait3A_453 : memref<1x128xi32, #tpu.memory_space<vmem>> -> memref<128xi32, #tpu.memory_space<vmem>>
      %dma_wait3A_455 = arith.constant 0 : i32
      %dma_wait3A_456 = arith.constant 0 : i32
      %dma_wait3A_457 = tpu.memref_slice %arg2[%dma_wait3A_455, %dma_wait3A_456] : memref<20000x128xf32, #tpu.memory_space<hbm>> -> memref<20000x128xf32, #tpu.memory_space<hbm>>
      tpu.wait_indirect_dma semaphore(%arg12 : memref<!tpu.dma_semaphore, #tpu.memory_space<semaphore_mem>>) src(%dma_wait3A_457 : memref<20000x128xf32, #tpu.memory_space<hbm>>) dst(%arg9 : memref<128x128xf32, #tpu.memory_space<vmem>>)
      %dma_start3A_458 = arith.constant 7 : i32
      %dma_start3A_459 = arith.constant 0 : i32
      %dma_start3A_460 = arith.constant 0 : i32
      %dma_start3A_461 = tpu.memref_slice %arg7[%rem3A_73, %dma_start3A_459, %dma_start3A_460] : memref<2x16x128xi32, #tpu.memory_space<vmem>> -> memref<1x16x128xi32, #tpu.memory_space<vmem>>
      %dma_start3A_462 = tpu.memref_squeeze %dma_start3A_461 : memref<1x16x128xi32, #tpu.memory_space<vmem>> -> memref<16x128xi32, #tpu.memory_space<vmem>>
      %dma_start3A_463 = arith.constant 0 : i32
      %dma_start3A_464 = tpu.memref_slice %dma_start3A_462[%dma_start3A_458, %dma_start3A_463] : memref<16x128xi32, #tpu.memory_space<vmem>> -> memref<1x128xi32, #tpu.memory_space<vmem>>
      %dma_start3A_465 = tpu.memref_squeeze %dma_start3A_464 : memref<1x128xi32, #tpu.memory_space<vmem>> -> memref<128xi32, #tpu.memory_space<vmem>>
      %dma_start3A_466 = arith.constant 0 : i32
      %dma_start3A_467 = arith.constant 0 : i32
      %dma_start3A_468 = tpu.memref_slice %arg10[%dma_start3A_466, %dma_start3A_467] : memref<10064x128xf32, #tpu.memory_space<vmem_shared>> -> memref<10064x128xf32, #tpu.memory_space<vmem_shared>>
      tpu.enqueue_indirect_dma source(%arg9 : memref<128x128xf32, #tpu.memory_space<vmem>>) target(%dma_start3A_468 : memref<10064x128xf32, #tpu.memory_space<vmem_shared>>) offsets(%dma_start3A_465 : memref<128xi32, #tpu.memory_space<vmem>>) semaphore(%arg14 : memref<!tpu.dma_semaphore, #tpu.memory_space<semaphore_mem>>) {add = true}
      %dma_wait3A_469 = arith.constant 0 : i32
      %dma_wait3A_470 = arith.constant 0 : i32
      %dma_wait3A_471 = arith.constant 0 : i32
      %dma_wait3A_472 = tpu.memref_slice %arg7[%rem3A_73, %dma_wait3A_470, %dma_wait3A_471] : memref<2x16x128xi32, #tpu.memory_space<vmem>> -> memref<1x16x128xi32, #tpu.memory_space<vmem>>
      %dma_wait3A_473 = tpu.memref_squeeze %dma_wait3A_472 : memref<1x16x128xi32, #tpu.memory_space<vmem>> -> memref<16x128xi32, #tpu.memory_space<vmem>>
      %dma_wait3A_474 = arith.constant 0 : i32
      %dma_wait3A_475 = tpu.memref_slice %dma_wait3A_473[%dma_wait3A_469, %dma_wait3A_474] : memref<16x128xi32, #tpu.memory_space<vmem>> -> memref<1x128xi32, #tpu.memory_space<vmem>>
      %dma_wait3A_476 = tpu.memref_squeeze %dma_wait3A_475 : memref<1x128xi32, #tpu.memory_space<vmem>> -> memref<128xi32, #tpu.memory_space<vmem>>
      %dma_wait3A_477 = arith.constant 0 : i32
      %dma_wait3A_478 = arith.constant 0 : i32
      %dma_wait3A_479 = tpu.memref_slice %arg10[%dma_wait3A_477, %dma_wait3A_478] : memref<10064x128xf32, #tpu.memory_space<vmem_shared>> -> memref<10064x128xf32, #tpu.memory_space<vmem_shared>>
      tpu.wait_indirect_dma semaphore(%arg14 : memref<!tpu.dma_semaphore, #tpu.memory_space<semaphore_mem>>) src(%arg9 : memref<128x128xf32, #tpu.memory_space<vmem>>) dst(%dma_wait3A_479 : memref<10064x128xf32, #tpu.memory_space<vmem_shared>>)
      %dma_start3A_480 = arith.constant 9 : i32
      %dma_start3A_481 = arith.constant 0 : i32
      %dma_start3A_482 = arith.constant 0 : i32
      %dma_start3A_483 = tpu.memref_slice %arg6[%rem3A_73, %dma_start3A_481, %dma_start3A_482] : memref<2x16x128xi32, #tpu.memory_space<vmem>> -> memref<1x16x128xi32, #tpu.memory_space<vmem>>
      %dma_start3A_484 = tpu.memref_squeeze %dma_start3A_483 : memref<1x16x128xi32, #tpu.memory_space<vmem>> -> memref<16x128xi32, #tpu.memory_space<vmem>>
      %dma_start3A_485 = arith.constant 0 : i32
      %dma_start3A_486 = tpu.memref_slice %dma_start3A_484[%dma_start3A_480, %dma_start3A_485] : memref<16x128xi32, #tpu.memory_space<vmem>> -> memref<1x128xi32, #tpu.memory_space<vmem>>
      %dma_start3A_487 = tpu.memref_squeeze %dma_start3A_486 : memref<1x128xi32, #tpu.memory_space<vmem>> -> memref<128xi32, #tpu.memory_space<vmem>>
      %dma_start3A_488 = arith.constant 0 : i32
      %dma_start3A_489 = arith.constant 0 : i32
      %dma_start3A_490 = tpu.memref_slice %arg2[%dma_start3A_488, %dma_start3A_489] : memref<20000x128xf32, #tpu.memory_space<hbm>> -> memref<20000x128xf32, #tpu.memory_space<hbm>>
      tpu.enqueue_indirect_dma source(%dma_start3A_490 : memref<20000x128xf32, #tpu.memory_space<hbm>>) target(%arg9 : memref<128x128xf32, #tpu.memory_space<vmem>>) offsets(%dma_start3A_487 : memref<128xi32, #tpu.memory_space<vmem>>) semaphore(%arg12 : memref<!tpu.dma_semaphore, #tpu.memory_space<semaphore_mem>>)
      %dma_wait3A_491 = arith.constant 8 : i32
      %dma_wait3A_492 = arith.constant 0 : i32
      %dma_wait3A_493 = arith.constant 0 : i32
      %dma_wait3A_494 = tpu.memref_slice %arg6[%rem3A_73, %dma_wait3A_492, %dma_wait3A_493] : memref<2x16x128xi32, #tpu.memory_space<vmem>> -> memref<1x16x128xi32, #tpu.memory_space<vmem>>
      %dma_wait3A_495 = tpu.memref_squeeze %dma_wait3A_494 : memref<1x16x128xi32, #tpu.memory_space<vmem>> -> memref<16x128xi32, #tpu.memory_space<vmem>>
      %dma_wait3A_496 = arith.constant 0 : i32
      %dma_wait3A_497 = tpu.memref_slice %dma_wait3A_495[%dma_wait3A_491, %dma_wait3A_496] : memref<16x128xi32, #tpu.memory_space<vmem>> -> memref<1x128xi32, #tpu.memory_space<vmem>>
      %dma_wait3A_498 = tpu.memref_squeeze %dma_wait3A_497 : memref<1x128xi32, #tpu.memory_space<vmem>> -> memref<128xi32, #tpu.memory_space<vmem>>
      %dma_wait3A_499 = arith.constant 0 : i32
      %dma_wait3A_500 = arith.constant 0 : i32
      %dma_wait3A_501 = tpu.memref_slice %arg2[%dma_wait3A_499, %dma_wait3A_500] : memref<20000x128xf32, #tpu.memory_space<hbm>> -> memref<20000x128xf32, #tpu.memory_space<hbm>>
      tpu.wait_indirect_dma semaphore(%arg11 : memref<!tpu.dma_semaphore, #tpu.memory_space<semaphore_mem>>) src(%dma_wait3A_501 : memref<20000x128xf32, #tpu.memory_space<hbm>>) dst(%arg8 : memref<128x128xf32, #tpu.memory_space<vmem>>)
      %dma_start3A_502 = arith.constant 8 : i32
      %dma_start3A_503 = arith.constant 0 : i32
      %dma_start3A_504 = arith.constant 0 : i32
      %dma_start3A_505 = tpu.memref_slice %arg7[%rem3A_73, %dma_start3A_503, %dma_start3A_504] : memref<2x16x128xi32, #tpu.memory_space<vmem>> -> memref<1x16x128xi32, #tpu.memory_space<vmem>>
      %dma_start3A_506 = tpu.memref_squeeze %dma_start3A_505 : memref<1x16x128xi32, #tpu.memory_space<vmem>> -> memref<16x128xi32, #tpu.memory_space<vmem>>
      %dma_start3A_507 = arith.constant 0 : i32
      %dma_start3A_508 = tpu.memref_slice %dma_start3A_506[%dma_start3A_502, %dma_start3A_507] : memref<16x128xi32, #tpu.memory_space<vmem>> -> memref<1x128xi32, #tpu.memory_space<vmem>>
      %dma_start3A_509 = tpu.memref_squeeze %dma_start3A_508 : memref<1x128xi32, #tpu.memory_space<vmem>> -> memref<128xi32, #tpu.memory_space<vmem>>
      %dma_start3A_510 = arith.constant 0 : i32
      %dma_start3A_511 = arith.constant 0 : i32
      %dma_start3A_512 = tpu.memref_slice %arg10[%dma_start3A_510, %dma_start3A_511] : memref<10064x128xf32, #tpu.memory_space<vmem_shared>> -> memref<10064x128xf32, #tpu.memory_space<vmem_shared>>
      tpu.enqueue_indirect_dma source(%arg8 : memref<128x128xf32, #tpu.memory_space<vmem>>) target(%dma_start3A_512 : memref<10064x128xf32, #tpu.memory_space<vmem_shared>>) offsets(%dma_start3A_509 : memref<128xi32, #tpu.memory_space<vmem>>) semaphore(%arg13 : memref<!tpu.dma_semaphore, #tpu.memory_space<semaphore_mem>>) {add = true}
      %dma_wait3A_513 = arith.constant 0 : i32
      %dma_wait3A_514 = arith.constant 0 : i32
      %dma_wait3A_515 = arith.constant 0 : i32
      %dma_wait3A_516 = tpu.memref_slice %arg7[%rem3A_73, %dma_wait3A_514, %dma_wait3A_515] : memref<2x16x128xi32, #tpu.memory_space<vmem>> -> memref<1x16x128xi32, #tpu.memory_space<vmem>>
      %dma_wait3A_517 = tpu.memref_squeeze %dma_wait3A_516 : memref<1x16x128xi32, #tpu.memory_space<vmem>> -> memref<16x128xi32, #tpu.memory_space<vmem>>
      %dma_wait3A_518 = arith.constant 0 : i32
      %dma_wait3A_519 = tpu.memref_slice %dma_wait3A_517[%dma_wait3A_513, %dma_wait3A_518] : memref<16x128xi32, #tpu.memory_space<vmem>> -> memref<1x128xi32, #tpu.memory_space<vmem>>
      %dma_wait3A_520 = tpu.memref_squeeze %dma_wait3A_519 : memref<1x128xi32, #tpu.memory_space<vmem>> -> memref<128xi32, #tpu.memory_space<vmem>>
      %dma_wait3A_521 = arith.constant 0 : i32
      %dma_wait3A_522 = arith.constant 0 : i32
      %dma_wait3A_523 = tpu.memref_slice %arg10[%dma_wait3A_521, %dma_wait3A_522] : memref<10064x128xf32, #tpu.memory_space<vmem_shared>> -> memref<10064x128xf32, #tpu.memory_space<vmem_shared>>
      tpu.wait_indirect_dma semaphore(%arg13 : memref<!tpu.dma_semaphore, #tpu.memory_space<semaphore_mem>>) src(%arg8 : memref<128x128xf32, #tpu.memory_space<vmem>>) dst(%dma_wait3A_523 : memref<10064x128xf32, #tpu.memory_space<vmem_shared>>)
      %dma_start3A_524 = arith.constant 10 : i32
      %dma_start3A_525 = arith.constant 0 : i32
      %dma_start3A_526 = arith.constant 0 : i32
      %dma_start3A_527 = tpu.memref_slice %arg6[%rem3A_73, %dma_start3A_525, %dma_start3A_526] : memref<2x16x128xi32, #tpu.memory_space<vmem>> -> memref<1x16x128xi32, #tpu.memory_space<vmem>>
      %dma_start3A_528 = tpu.memref_squeeze %dma_start3A_527 : memref<1x16x128xi32, #tpu.memory_space<vmem>> -> memref<16x128xi32, #tpu.memory_space<vmem>>
      %dma_start3A_529 = arith.constant 0 : i32
      %dma_start3A_530 = tpu.memref_slice %dma_start3A_528[%dma_start3A_524, %dma_start3A_529] : memref<16x128xi32, #tpu.memory_space<vmem>> -> memref<1x128xi32, #tpu.memory_space<vmem>>
      %dma_start3A_531 = tpu.memref_squeeze %dma_start3A_530 : memref<1x128xi32, #tpu.memory_space<vmem>> -> memref<128xi32, #tpu.memory_space<vmem>>
      %dma_start3A_532 = arith.constant 0 : i32
      %dma_start3A_533 = arith.constant 0 : i32
      %dma_start3A_534 = tpu.memref_slice %arg2[%dma_start3A_532, %dma_start3A_533] : memref<20000x128xf32, #tpu.memory_space<hbm>> -> memref<20000x128xf32, #tpu.memory_space<hbm>>
      tpu.enqueue_indirect_dma source(%dma_start3A_534 : memref<20000x128xf32, #tpu.memory_space<hbm>>) target(%arg8 : memref<128x128xf32, #tpu.memory_space<vmem>>) offsets(%dma_start3A_531 : memref<128xi32, #tpu.memory_space<vmem>>) semaphore(%arg11 : memref<!tpu.dma_semaphore, #tpu.memory_space<semaphore_mem>>)
      %dma_wait3A_535 = arith.constant 9 : i32
      %dma_wait3A_536 = arith.constant 0 : i32
      %dma_wait3A_537 = arith.constant 0 : i32
      %dma_wait3A_538 = tpu.memref_slice %arg6[%rem3A_73, %dma_wait3A_536, %dma_wait3A_537] : memref<2x16x128xi32, #tpu.memory_space<vmem>> -> memref<1x16x128xi32, #tpu.memory_space<vmem>>
      %dma_wait3A_539 = tpu.memref_squeeze %dma_wait3A_538 : memref<1x16x128xi32, #tpu.memory_space<vmem>> -> memref<16x128xi32, #tpu.memory_space<vmem>>
      %dma_wait3A_540 = arith.constant 0 : i32
      %dma_wait3A_541 = tpu.memref_slice %dma_wait3A_539[%dma_wait3A_535, %dma_wait3A_540] : memref<16x128xi32, #tpu.memory_space<vmem>> -> memref<1x128xi32, #tpu.memory_space<vmem>>
      %dma_wait3A_542 = tpu.memref_squeeze %dma_wait3A_541 : memref<1x128xi32, #tpu.memory_space<vmem>> -> memref<128xi32, #tpu.memory_space<vmem>>
      %dma_wait3A_543 = arith.constant 0 : i32
      %dma_wait3A_544 = arith.constant 0 : i32
      %dma_wait3A_545 = tpu.memref_slice %arg2[%dma_wait3A_543, %dma_wait3A_544] : memref<20000x128xf32, #tpu.memory_space<hbm>> -> memref<20000x128xf32, #tpu.memory_space<hbm>>
      tpu.wait_indirect_dma semaphore(%arg12 : memref<!tpu.dma_semaphore, #tpu.memory_space<semaphore_mem>>) src(%dma_wait3A_545 : memref<20000x128xf32, #tpu.memory_space<hbm>>) dst(%arg9 : memref<128x128xf32, #tpu.memory_space<vmem>>)
      %dma_start3A_546 = arith.constant 9 : i32
      %dma_start3A_547 = arith.constant 0 : i32
      %dma_start3A_548 = arith.constant 0 : i32
      %dma_start3A_549 = tpu.memref_slice %arg7[%rem3A_73, %dma_start3A_547, %dma_start3A_548] : memref<2x16x128xi32, #tpu.memory_space<vmem>> -> memref<1x16x128xi32, #tpu.memory_space<vmem>>
      %dma_start3A_550 = tpu.memref_squeeze %dma_start3A_549 : memref<1x16x128xi32, #tpu.memory_space<vmem>> -> memref<16x128xi32, #tpu.memory_space<vmem>>
      %dma_start3A_551 = arith.constant 0 : i32
      %dma_start3A_552 = tpu.memref_slice %dma_start3A_550[%dma_start3A_546, %dma_start3A_551] : memref<16x128xi32, #tpu.memory_space<vmem>> -> memref<1x128xi32, #tpu.memory_space<vmem>>
      %dma_start3A_553 = tpu.memref_squeeze %dma_start3A_552 : memref<1x128xi32, #tpu.memory_space<vmem>> -> memref<128xi32, #tpu.memory_space<vmem>>
      %dma_start3A_554 = arith.constant 0 : i32
      %dma_start3A_555 = arith.constant 0 : i32
      %dma_start3A_556 = tpu.memref_slice %arg10[%dma_start3A_554, %dma_start3A_555] : memref<10064x128xf32, #tpu.memory_space<vmem_shared>> -> memref<10064x128xf32, #tpu.memory_space<vmem_shared>>
      tpu.enqueue_indirect_dma source(%arg9 : memref<128x128xf32, #tpu.memory_space<vmem>>) target(%dma_start3A_556 : memref<10064x128xf32, #tpu.memory_space<vmem_shared>>) offsets(%dma_start3A_553 : memref<128xi32, #tpu.memory_space<vmem>>) semaphore(%arg14 : memref<!tpu.dma_semaphore, #tpu.memory_space<semaphore_mem>>) {add = true}
      %dma_wait3A_557 = arith.constant 0 : i32
      %dma_wait3A_558 = arith.constant 0 : i32
      %dma_wait3A_559 = arith.constant 0 : i32
      %dma_wait3A_560 = tpu.memref_slice %arg7[%rem3A_73, %dma_wait3A_558, %dma_wait3A_559] : memref<2x16x128xi32, #tpu.memory_space<vmem>> -> memref<1x16x128xi32, #tpu.memory_space<vmem>>
      %dma_wait3A_561 = tpu.memref_squeeze %dma_wait3A_560 : memref<1x16x128xi32, #tpu.memory_space<vmem>> -> memref<16x128xi32, #tpu.memory_space<vmem>>
      %dma_wait3A_562 = arith.constant 0 : i32
      %dma_wait3A_563 = tpu.memref_slice %dma_wait3A_561[%dma_wait3A_557, %dma_wait3A_562] : memref<16x128xi32, #tpu.memory_space<vmem>> -> memref<1x128xi32, #tpu.memory_space<vmem>>
      %dma_wait3A_564 = tpu.memref_squeeze %dma_wait3A_563 : memref<1x128xi32, #tpu.memory_space<vmem>> -> memref<128xi32, #tpu.memory_space<vmem>>
      %dma_wait3A_565 = arith.constant 0 : i32
      %dma_wait3A_566 = arith.constant 0 : i32
      %dma_wait3A_567 = tpu.memref_slice %arg10[%dma_wait3A_565, %dma_wait3A_566] : memref<10064x128xf32, #tpu.memory_space<vmem_shared>> -> memref<10064x128xf32, #tpu.memory_space<vmem_shared>>
      tpu.wait_indirect_dma semaphore(%arg14 : memref<!tpu.dma_semaphore, #tpu.memory_space<semaphore_mem>>) src(%arg9 : memref<128x128xf32, #tpu.memory_space<vmem>>) dst(%dma_wait3A_567 : memref<10064x128xf32, #tpu.memory_space<vmem_shared>>)
      %dma_start3A_568 = arith.constant 11 : i32
      %dma_start3A_569 = arith.constant 0 : i32
      %dma_start3A_570 = arith.constant 0 : i32
      %dma_start3A_571 = tpu.memref_slice %arg6[%rem3A_73, %dma_start3A_569, %dma_start3A_570] : memref<2x16x128xi32, #tpu.memory_space<vmem>> -> memref<1x16x128xi32, #tpu.memory_space<vmem>>
      %dma_start3A_572 = tpu.memref_squeeze %dma_start3A_571 : memref<1x16x128xi32, #tpu.memory_space<vmem>> -> memref<16x128xi32, #tpu.memory_space<vmem>>
      %dma_start3A_573 = arith.constant 0 : i32
      %dma_start3A_574 = tpu.memref_slice %dma_start3A_572[%dma_start3A_568, %dma_start3A_573] : memref<16x128xi32, #tpu.memory_space<vmem>> -> memref<1x128xi32, #tpu.memory_space<vmem>>
      %dma_start3A_575 = tpu.memref_squeeze %dma_start3A_574 : memref<1x128xi32, #tpu.memory_space<vmem>> -> memref<128xi32, #tpu.memory_space<vmem>>
      %dma_start3A_576 = arith.constant 0 : i32
      %dma_start3A_577 = arith.constant 0 : i32
      %dma_start3A_578 = tpu.memref_slice %arg2[%dma_start3A_576, %dma_start3A_577] : memref<20000x128xf32, #tpu.memory_space<hbm>> -> memref<20000x128xf32, #tpu.memory_space<hbm>>
      tpu.enqueue_indirect_dma source(%dma_start3A_578 : memref<20000x128xf32, #tpu.memory_space<hbm>>) target(%arg9 : memref<128x128xf32, #tpu.memory_space<vmem>>) offsets(%dma_start3A_575 : memref<128xi32, #tpu.memory_space<vmem>>) semaphore(%arg12 : memref<!tpu.dma_semaphore, #tpu.memory_space<semaphore_mem>>)
      %dma_wait3A_579 = arith.constant 10 : i32
      %dma_wait3A_580 = arith.constant 0 : i32
      %dma_wait3A_581 = arith.constant 0 : i32
      %dma_wait3A_582 = tpu.memref_slice %arg6[%rem3A_73, %dma_wait3A_580, %dma_wait3A_581] : memref<2x16x128xi32, #tpu.memory_space<vmem>> -> memref<1x16x128xi32, #tpu.memory_space<vmem>>
      %dma_wait3A_583 = tpu.memref_squeeze %dma_wait3A_582 : memref<1x16x128xi32, #tpu.memory_space<vmem>> -> memref<16x128xi32, #tpu.memory_space<vmem>>
      %dma_wait3A_584 = arith.constant 0 : i32
      %dma_wait3A_585 = tpu.memref_slice %dma_wait3A_583[%dma_wait3A_579, %dma_wait3A_584] : memref<16x128xi32, #tpu.memory_space<vmem>> -> memref<1x128xi32, #tpu.memory_space<vmem>>
      %dma_wait3A_586 = tpu.memref_squeeze %dma_wait3A_585 : memref<1x128xi32, #tpu.memory_space<vmem>> -> memref<128xi32, #tpu.memory_space<vmem>>
      %dma_wait3A_587 = arith.constant 0 : i32
      %dma_wait3A_588 = arith.constant 0 : i32
      %dma_wait3A_589 = tpu.memref_slice %arg2[%dma_wait3A_587, %dma_wait3A_588] : memref<20000x128xf32, #tpu.memory_space<hbm>> -> memref<20000x128xf32, #tpu.memory_space<hbm>>
      tpu.wait_indirect_dma semaphore(%arg11 : memref<!tpu.dma_semaphore, #tpu.memory_space<semaphore_mem>>) src(%dma_wait3A_589 : memref<20000x128xf32, #tpu.memory_space<hbm>>) dst(%arg8 : memref<128x128xf32, #tpu.memory_space<vmem>>)
      %dma_start3A_590 = arith.constant 10 : i32
      %dma_start3A_591 = arith.constant 0 : i32
      %dma_start3A_592 = arith.constant 0 : i32
      %dma_start3A_593 = tpu.memref_slice %arg7[%rem3A_73, %dma_start3A_591, %dma_start3A_592] : memref<2x16x128xi32, #tpu.memory_space<vmem>> -> memref<1x16x128xi32, #tpu.memory_space<vmem>>
      %dma_start3A_594 = tpu.memref_squeeze %dma_start3A_593 : memref<1x16x128xi32, #tpu.memory_space<vmem>> -> memref<16x128xi32, #tpu.memory_space<vmem>>
      %dma_start3A_595 = arith.constant 0 : i32
      %dma_start3A_596 = tpu.memref_slice %dma_start3A_594[%dma_start3A_590, %dma_start3A_595] : memref<16x128xi32, #tpu.memory_space<vmem>> -> memref<1x128xi32, #tpu.memory_space<vmem>>
      %dma_start3A_597 = tpu.memref_squeeze %dma_start3A_596 : memref<1x128xi32, #tpu.memory_space<vmem>> -> memref<128xi32, #tpu.memory_space<vmem>>
      %dma_start3A_598 = arith.constant 0 : i32
      %dma_start3A_599 = arith.constant 0 : i32
      %dma_start3A_600 = tpu.memref_slice %arg10[%dma_start3A_598, %dma_start3A_599] : memref<10064x128xf32, #tpu.memory_space<vmem_shared>> -> memref<10064x128xf32, #tpu.memory_space<vmem_shared>>
      tpu.enqueue_indirect_dma source(%arg8 : memref<128x128xf32, #tpu.memory_space<vmem>>) target(%dma_start3A_600 : memref<10064x128xf32, #tpu.memory_space<vmem_shared>>) offsets(%dma_start3A_597 : memref<128xi32, #tpu.memory_space<vmem>>) semaphore(%arg13 : memref<!tpu.dma_semaphore, #tpu.memory_space<semaphore_mem>>) {add = true}
      %dma_wait3A_601 = arith.constant 0 : i32
      %dma_wait3A_602 = arith.constant 0 : i32
      %dma_wait3A_603 = arith.constant 0 : i32
      %dma_wait3A_604 = tpu.memref_slice %arg7[%rem3A_73, %dma_wait3A_602, %dma_wait3A_603] : memref<2x16x128xi32, #tpu.memory_space<vmem>> -> memref<1x16x128xi32, #tpu.memory_space<vmem>>
      %dma_wait3A_605 = tpu.memref_squeeze %dma_wait3A_604 : memref<1x16x128xi32, #tpu.memory_space<vmem>> -> memref<16x128xi32, #tpu.memory_space<vmem>>
      %dma_wait3A_606 = arith.constant 0 : i32
      %dma_wait3A_607 = tpu.memref_slice %dma_wait3A_605[%dma_wait3A_601, %dma_wait3A_606] : memref<16x128xi32, #tpu.memory_space<vmem>> -> memref<1x128xi32, #tpu.memory_space<vmem>>
      %dma_wait3A_608 = tpu.memref_squeeze %dma_wait3A_607 : memref<1x128xi32, #tpu.memory_space<vmem>> -> memref<128xi32, #tpu.memory_space<vmem>>
      %dma_wait3A_609 = arith.constant 0 : i32
      %dma_wait3A_610 = arith.constant 0 : i32
      %dma_wait3A_611 = tpu.memref_slice %arg10[%dma_wait3A_609, %dma_wait3A_610] : memref<10064x128xf32, #tpu.memory_space<vmem_shared>> -> memref<10064x128xf32, #tpu.memory_space<vmem_shared>>
      tpu.wait_indirect_dma semaphore(%arg13 : memref<!tpu.dma_semaphore, #tpu.memory_space<semaphore_mem>>) src(%arg8 : memref<128x128xf32, #tpu.memory_space<vmem>>) dst(%dma_wait3A_611 : memref<10064x128xf32, #tpu.memory_space<vmem_shared>>)
      %dma_start3A_612 = arith.constant 12 : i32
      %dma_start3A_613 = arith.constant 0 : i32
      %dma_start3A_614 = arith.constant 0 : i32
      %dma_start3A_615 = tpu.memref_slice %arg6[%rem3A_73, %dma_start3A_613, %dma_start3A_614] : memref<2x16x128xi32, #tpu.memory_space<vmem>> -> memref<1x16x128xi32, #tpu.memory_space<vmem>>
      %dma_start3A_616 = tpu.memref_squeeze %dma_start3A_615 : memref<1x16x128xi32, #tpu.memory_space<vmem>> -> memref<16x128xi32, #tpu.memory_space<vmem>>
      %dma_start3A_617 = arith.constant 0 : i32
      %dma_start3A_618 = tpu.memref_slice %dma_start3A_616[%dma_start3A_612, %dma_start3A_617] : memref<16x128xi32, #tpu.memory_space<vmem>> -> memref<1x128xi32, #tpu.memory_space<vmem>>
      %dma_start3A_619 = tpu.memref_squeeze %dma_start3A_618 : memref<1x128xi32, #tpu.memory_space<vmem>> -> memref<128xi32, #tpu.memory_space<vmem>>
      %dma_start3A_620 = arith.constant 0 : i32
      %dma_start3A_621 = arith.constant 0 : i32
      %dma_start3A_622 = tpu.memref_slice %arg2[%dma_start3A_620, %dma_start3A_621] : memref<20000x128xf32, #tpu.memory_space<hbm>> -> memref<20000x128xf32, #tpu.memory_space<hbm>>
      tpu.enqueue_indirect_dma source(%dma_start3A_622 : memref<20000x128xf32, #tpu.memory_space<hbm>>) target(%arg8 : memref<128x128xf32, #tpu.memory_space<vmem>>) offsets(%dma_start3A_619 : memref<128xi32, #tpu.memory_space<vmem>>) semaphore(%arg11 : memref<!tpu.dma_semaphore, #tpu.memory_space<semaphore_mem>>)
      %dma_wait3A_623 = arith.constant 11 : i32
      %dma_wait3A_624 = arith.constant 0 : i32
      %dma_wait3A_625 = arith.constant 0 : i32
      %dma_wait3A_626 = tpu.memref_slice %arg6[%rem3A_73, %dma_wait3A_624, %dma_wait3A_625] : memref<2x16x128xi32, #tpu.memory_space<vmem>> -> memref<1x16x128xi32, #tpu.memory_space<vmem>>
      %dma_wait3A_627 = tpu.memref_squeeze %dma_wait3A_626 : memref<1x16x128xi32, #tpu.memory_space<vmem>> -> memref<16x128xi32, #tpu.memory_space<vmem>>
      %dma_wait3A_628 = arith.constant 0 : i32
      %dma_wait3A_629 = tpu.memref_slice %dma_wait3A_627[%dma_wait3A_623, %dma_wait3A_628] : memref<16x128xi32, #tpu.memory_space<vmem>> -> memref<1x128xi32, #tpu.memory_space<vmem>>
      %dma_wait3A_630 = tpu.memref_squeeze %dma_wait3A_629 : memref<1x128xi32, #tpu.memory_space<vmem>> -> memref<128xi32, #tpu.memory_space<vmem>>
      %dma_wait3A_631 = arith.constant 0 : i32
      %dma_wait3A_632 = arith.constant 0 : i32
      %dma_wait3A_633 = tpu.memref_slice %arg2[%dma_wait3A_631, %dma_wait3A_632] : memref<20000x128xf32, #tpu.memory_space<hbm>> -> memref<20000x128xf32, #tpu.memory_space<hbm>>
      tpu.wait_indirect_dma semaphore(%arg12 : memref<!tpu.dma_semaphore, #tpu.memory_space<semaphore_mem>>) src(%dma_wait3A_633 : memref<20000x128xf32, #tpu.memory_space<hbm>>) dst(%arg9 : memref<128x128xf32, #tpu.memory_space<vmem>>)
      %dma_start3A_634 = arith.constant 11 : i32
      %dma_start3A_635 = arith.constant 0 : i32
      %dma_start3A_636 = arith.constant 0 : i32
      %dma_start3A_637 = tpu.memref_slice %arg7[%rem3A_73, %dma_start3A_635, %dma_start3A_636] : memref<2x16x128xi32, #tpu.memory_space<vmem>> -> memref<1x16x128xi32, #tpu.memory_space<vmem>>
      %dma_start3A_638 = tpu.memref_squeeze %dma_start3A_637 : memref<1x16x128xi32, #tpu.memory_space<vmem>> -> memref<16x128xi32, #tpu.memory_space<vmem>>
      %dma_start3A_639 = arith.constant 0 : i32
      %dma_start3A_640 = tpu.memref_slice %dma_start3A_638[%dma_start3A_634, %dma_start3A_639] : memref<16x128xi32, #tpu.memory_space<vmem>> -> memref<1x128xi32, #tpu.memory_space<vmem>>
      %dma_start3A_641 = tpu.memref_squeeze %dma_start3A_640 : memref<1x128xi32, #tpu.memory_space<vmem>> -> memref<128xi32, #tpu.memory_space<vmem>>
      %dma_start3A_642 = arith.constant 0 : i32
      %dma_start3A_643 = arith.constant 0 : i32
      %dma_start3A_644 = tpu.memref_slice %arg10[%dma_start3A_642, %dma_start3A_643] : memref<10064x128xf32, #tpu.memory_space<vmem_shared>> -> memref<10064x128xf32, #tpu.memory_space<vmem_shared>>
      tpu.enqueue_indirect_dma source(%arg9 : memref<128x128xf32, #tpu.memory_space<vmem>>) target(%dma_start3A_644 : memref<10064x128xf32, #tpu.memory_space<vmem_shared>>) offsets(%dma_start3A_641 : memref<128xi32, #tpu.memory_space<vmem>>) semaphore(%arg14 : memref<!tpu.dma_semaphore, #tpu.memory_space<semaphore_mem>>) {add = true}
      %dma_wait3A_645 = arith.constant 0 : i32
      %dma_wait3A_646 = arith.constant 0 : i32
      %dma_wait3A_647 = arith.constant 0 : i32
      %dma_wait3A_648 = tpu.memref_slice %arg7[%rem3A_73, %dma_wait3A_646, %dma_wait3A_647] : memref<2x16x128xi32, #tpu.memory_space<vmem>> -> memref<1x16x128xi32, #tpu.memory_space<vmem>>
      %dma_wait3A_649 = tpu.memref_squeeze %dma_wait3A_648 : memref<1x16x128xi32, #tpu.memory_space<vmem>> -> memref<16x128xi32, #tpu.memory_space<vmem>>
      %dma_wait3A_650 = arith.constant 0 : i32
      %dma_wait3A_651 = tpu.memref_slice %dma_wait3A_649[%dma_wait3A_645, %dma_wait3A_650] : memref<16x128xi32, #tpu.memory_space<vmem>> -> memref<1x128xi32, #tpu.memory_space<vmem>>
      %dma_wait3A_652 = tpu.memref_squeeze %dma_wait3A_651 : memref<1x128xi32, #tpu.memory_space<vmem>> -> memref<128xi32, #tpu.memory_space<vmem>>
      %dma_wait3A_653 = arith.constant 0 : i32
      %dma_wait3A_654 = arith.constant 0 : i32
      %dma_wait3A_655 = tpu.memref_slice %arg10[%dma_wait3A_653, %dma_wait3A_654] : memref<10064x128xf32, #tpu.memory_space<vmem_shared>> -> memref<10064x128xf32, #tpu.memory_space<vmem_shared>>
      tpu.wait_indirect_dma semaphore(%arg14 : memref<!tpu.dma_semaphore, #tpu.memory_space<semaphore_mem>>) src(%arg9 : memref<128x128xf32, #tpu.memory_space<vmem>>) dst(%dma_wait3A_655 : memref<10064x128xf32, #tpu.memory_space<vmem_shared>>)
      %dma_start3A_656 = arith.constant 13 : i32
      %dma_start3A_657 = arith.constant 0 : i32
      %dma_start3A_658 = arith.constant 0 : i32
      %dma_start3A_659 = tpu.memref_slice %arg6[%rem3A_73, %dma_start3A_657, %dma_start3A_658] : memref<2x16x128xi32, #tpu.memory_space<vmem>> -> memref<1x16x128xi32, #tpu.memory_space<vmem>>
      %dma_start3A_660 = tpu.memref_squeeze %dma_start3A_659 : memref<1x16x128xi32, #tpu.memory_space<vmem>> -> memref<16x128xi32, #tpu.memory_space<vmem>>
      %dma_start3A_661 = arith.constant 0 : i32
      %dma_start3A_662 = tpu.memref_slice %dma_start3A_660[%dma_start3A_656, %dma_start3A_661] : memref<16x128xi32, #tpu.memory_space<vmem>> -> memref<1x128xi32, #tpu.memory_space<vmem>>
      %dma_start3A_663 = tpu.memref_squeeze %dma_start3A_662 : memref<1x128xi32, #tpu.memory_space<vmem>> -> memref<128xi32, #tpu.memory_space<vmem>>
      %dma_start3A_664 = arith.constant 0 : i32
      %dma_start3A_665 = arith.constant 0 : i32
      %dma_start3A_666 = tpu.memref_slice %arg2[%dma_start3A_664, %dma_start3A_665] : memref<20000x128xf32, #tpu.memory_space<hbm>> -> memref<20000x128xf32, #tpu.memory_space<hbm>>
      tpu.enqueue_indirect_dma source(%dma_start3A_666 : memref<20000x128xf32, #tpu.memory_space<hbm>>) target(%arg9 : memref<128x128xf32, #tpu.memory_space<vmem>>) offsets(%dma_start3A_663 : memref<128xi32, #tpu.memory_space<vmem>>) semaphore(%arg12 : memref<!tpu.dma_semaphore, #tpu.memory_space<semaphore_mem>>)
      %dma_wait3A_667 = arith.constant 12 : i32
      %dma_wait3A_668 = arith.constant 0 : i32
      %dma_wait3A_669 = arith.constant 0 : i32
      %dma_wait3A_670 = tpu.memref_slice %arg6[%rem3A_73, %dma_wait3A_668, %dma_wait3A_669] : memref<2x16x128xi32, #tpu.memory_space<vmem>> -> memref<1x16x128xi32, #tpu.memory_space<vmem>>
      %dma_wait3A_671 = tpu.memref_squeeze %dma_wait3A_670 : memref<1x16x128xi32, #tpu.memory_space<vmem>> -> memref<16x128xi32, #tpu.memory_space<vmem>>
      %dma_wait3A_672 = arith.constant 0 : i32
      %dma_wait3A_673 = tpu.memref_slice %dma_wait3A_671[%dma_wait3A_667, %dma_wait3A_672] : memref<16x128xi32, #tpu.memory_space<vmem>> -> memref<1x128xi32, #tpu.memory_space<vmem>>
      %dma_wait3A_674 = tpu.memref_squeeze %dma_wait3A_673 : memref<1x128xi32, #tpu.memory_space<vmem>> -> memref<128xi32, #tpu.memory_space<vmem>>
      %dma_wait3A_675 = arith.constant 0 : i32
      %dma_wait3A_676 = arith.constant 0 : i32
      %dma_wait3A_677 = tpu.memref_slice %arg2[%dma_wait3A_675, %dma_wait3A_676] : memref<20000x128xf32, #tpu.memory_space<hbm>> -> memref<20000x128xf32, #tpu.memory_space<hbm>>
      tpu.wait_indirect_dma semaphore(%arg11 : memref<!tpu.dma_semaphore, #tpu.memory_space<semaphore_mem>>) src(%dma_wait3A_677 : memref<20000x128xf32, #tpu.memory_space<hbm>>) dst(%arg8 : memref<128x128xf32, #tpu.memory_space<vmem>>)
      %dma_start3A_678 = arith.constant 12 : i32
      %dma_start3A_679 = arith.constant 0 : i32
      %dma_start3A_680 = arith.constant 0 : i32
      %dma_start3A_681 = tpu.memref_slice %arg7[%rem3A_73, %dma_start3A_679, %dma_start3A_680] : memref<2x16x128xi32, #tpu.memory_space<vmem>> -> memref<1x16x128xi32, #tpu.memory_space<vmem>>
      %dma_start3A_682 = tpu.memref_squeeze %dma_start3A_681 : memref<1x16x128xi32, #tpu.memory_space<vmem>> -> memref<16x128xi32, #tpu.memory_space<vmem>>
      %dma_start3A_683 = arith.constant 0 : i32
      %dma_start3A_684 = tpu.memref_slice %dma_start3A_682[%dma_start3A_678, %dma_start3A_683] : memref<16x128xi32, #tpu.memory_space<vmem>> -> memref<1x128xi32, #tpu.memory_space<vmem>>
      %dma_start3A_685 = tpu.memref_squeeze %dma_start3A_684 : memref<1x128xi32, #tpu.memory_space<vmem>> -> memref<128xi32, #tpu.memory_space<vmem>>
      %dma_start3A_686 = arith.constant 0 : i32
      %dma_start3A_687 = arith.constant 0 : i32
      %dma_start3A_688 = tpu.memref_slice %arg10[%dma_start3A_686, %dma_start3A_687] : memref<10064x128xf32, #tpu.memory_space<vmem_shared>> -> memref<10064x128xf32, #tpu.memory_space<vmem_shared>>
      tpu.enqueue_indirect_dma source(%arg8 : memref<128x128xf32, #tpu.memory_space<vmem>>) target(%dma_start3A_688 : memref<10064x128xf32, #tpu.memory_space<vmem_shared>>) offsets(%dma_start3A_685 : memref<128xi32, #tpu.memory_space<vmem>>) semaphore(%arg13 : memref<!tpu.dma_semaphore, #tpu.memory_space<semaphore_mem>>) {add = true}
      %dma_wait3A_689 = arith.constant 0 : i32
      %dma_wait3A_690 = arith.constant 0 : i32
      %dma_wait3A_691 = arith.constant 0 : i32
      %dma_wait3A_692 = tpu.memref_slice %arg7[%rem3A_73, %dma_wait3A_690, %dma_wait3A_691] : memref<2x16x128xi32, #tpu.memory_space<vmem>> -> memref<1x16x128xi32, #tpu.memory_space<vmem>>
      %dma_wait3A_693 = tpu.memref_squeeze %dma_wait3A_692 : memref<1x16x128xi32, #tpu.memory_space<vmem>> -> memref<16x128xi32, #tpu.memory_space<vmem>>
      %dma_wait3A_694 = arith.constant 0 : i32
      %dma_wait3A_695 = tpu.memref_slice %dma_wait3A_693[%dma_wait3A_689, %dma_wait3A_694] : memref<16x128xi32, #tpu.memory_space<vmem>> -> memref<1x128xi32, #tpu.memory_space<vmem>>
      %dma_wait3A_696 = tpu.memref_squeeze %dma_wait3A_695 : memref<1x128xi32, #tpu.memory_space<vmem>> -> memref<128xi32, #tpu.memory_space<vmem>>
      %dma_wait3A_697 = arith.constant 0 : i32
      %dma_wait3A_698 = arith.constant 0 : i32
      %dma_wait3A_699 = tpu.memref_slice %arg10[%dma_wait3A_697, %dma_wait3A_698] : memref<10064x128xf32, #tpu.memory_space<vmem_shared>> -> memref<10064x128xf32, #tpu.memory_space<vmem_shared>>
      tpu.wait_indirect_dma semaphore(%arg13 : memref<!tpu.dma_semaphore, #tpu.memory_space<semaphore_mem>>) src(%arg8 : memref<128x128xf32, #tpu.memory_space<vmem>>) dst(%dma_wait3A_699 : memref<10064x128xf32, #tpu.memory_space<vmem_shared>>)
      %dma_start3A_700 = arith.constant 14 : i32
      %dma_start3A_701 = arith.constant 0 : i32
      %dma_start3A_702 = arith.constant 0 : i32
      %dma_start3A_703 = tpu.memref_slice %arg6[%rem3A_73, %dma_start3A_701, %dma_start3A_702] : memref<2x16x128xi32, #tpu.memory_space<vmem>> -> memref<1x16x128xi32, #tpu.memory_space<vmem>>
      %dma_start3A_704 = tpu.memref_squeeze %dma_start3A_703 : memref<1x16x128xi32, #tpu.memory_space<vmem>> -> memref<16x128xi32, #tpu.memory_space<vmem>>
      %dma_start3A_705 = arith.constant 0 : i32
      %dma_start3A_706 = tpu.memref_slice %dma_start3A_704[%dma_start3A_700, %dma_start3A_705] : memref<16x128xi32, #tpu.memory_space<vmem>> -> memref<1x128xi32, #tpu.memory_space<vmem>>
      %dma_start3A_707 = tpu.memref_squeeze %dma_start3A_706 : memref<1x128xi32, #tpu.memory_space<vmem>> -> memref<128xi32, #tpu.memory_space<vmem>>
      %dma_start3A_708 = arith.constant 0 : i32
      %dma_start3A_709 = arith.constant 0 : i32
      %dma_start3A_710 = tpu.memref_slice %arg2[%dma_start3A_708, %dma_start3A_709] : memref<20000x128xf32, #tpu.memory_space<hbm>> -> memref<20000x128xf32, #tpu.memory_space<hbm>>
      tpu.enqueue_indirect_dma source(%dma_start3A_710 : memref<20000x128xf32, #tpu.memory_space<hbm>>) target(%arg8 : memref<128x128xf32, #tpu.memory_space<vmem>>) offsets(%dma_start3A_707 : memref<128xi32, #tpu.memory_space<vmem>>) semaphore(%arg11 : memref<!tpu.dma_semaphore, #tpu.memory_space<semaphore_mem>>)
      %dma_wait3A_711 = arith.constant 13 : i32
      %dma_wait3A_712 = arith.constant 0 : i32
      %dma_wait3A_713 = arith.constant 0 : i32
      %dma_wait3A_714 = tpu.memref_slice %arg6[%rem3A_73, %dma_wait3A_712, %dma_wait3A_713] : memref<2x16x128xi32, #tpu.memory_space<vmem>> -> memref<1x16x128xi32, #tpu.memory_space<vmem>>
      %dma_wait3A_715 = tpu.memref_squeeze %dma_wait3A_714 : memref<1x16x128xi32, #tpu.memory_space<vmem>> -> memref<16x128xi32, #tpu.memory_space<vmem>>
      %dma_wait3A_716 = arith.constant 0 : i32
      %dma_wait3A_717 = tpu.memref_slice %dma_wait3A_715[%dma_wait3A_711, %dma_wait3A_716] : memref<16x128xi32, #tpu.memory_space<vmem>> -> memref<1x128xi32, #tpu.memory_space<vmem>>
      %dma_wait3A_718 = tpu.memref_squeeze %dma_wait3A_717 : memref<1x128xi32, #tpu.memory_space<vmem>> -> memref<128xi32, #tpu.memory_space<vmem>>
      %dma_wait3A_719 = arith.constant 0 : i32
      %dma_wait3A_720 = arith.constant 0 : i32
      %dma_wait3A_721 = tpu.memref_slice %arg2[%dma_wait3A_719, %dma_wait3A_720] : memref<20000x128xf32, #tpu.memory_space<hbm>> -> memref<20000x128xf32, #tpu.memory_space<hbm>>
      tpu.wait_indirect_dma semaphore(%arg12 : memref<!tpu.dma_semaphore, #tpu.memory_space<semaphore_mem>>) src(%dma_wait3A_721 : memref<20000x128xf32, #tpu.memory_space<hbm>>) dst(%arg9 : memref<128x128xf32, #tpu.memory_space<vmem>>)
      %dma_start3A_722 = arith.constant 13 : i32
      %dma_start3A_723 = arith.constant 0 : i32
      %dma_start3A_724 = arith.constant 0 : i32
      %dma_start3A_725 = tpu.memref_slice %arg7[%rem3A_73, %dma_start3A_723, %dma_start3A_724] : memref<2x16x128xi32, #tpu.memory_space<vmem>> -> memref<1x16x128xi32, #tpu.memory_space<vmem>>
      %dma_start3A_726 = tpu.memref_squeeze %dma_start3A_725 : memref<1x16x128xi32, #tpu.memory_space<vmem>> -> memref<16x128xi32, #tpu.memory_space<vmem>>
      %dma_start3A_727 = arith.constant 0 : i32
      %dma_start3A_728 = tpu.memref_slice %dma_start3A_726[%dma_start3A_722, %dma_start3A_727] : memref<16x128xi32, #tpu.memory_space<vmem>> -> memref<1x128xi32, #tpu.memory_space<vmem>>
      %dma_start3A_729 = tpu.memref_squeeze %dma_start3A_728 : memref<1x128xi32, #tpu.memory_space<vmem>> -> memref<128xi32, #tpu.memory_space<vmem>>
      %dma_start3A_730 = arith.constant 0 : i32
      %dma_start3A_731 = arith.constant 0 : i32
      %dma_start3A_732 = tpu.memref_slice %arg10[%dma_start3A_730, %dma_start3A_731] : memref<10064x128xf32, #tpu.memory_space<vmem_shared>> -> memref<10064x128xf32, #tpu.memory_space<vmem_shared>>
      tpu.enqueue_indirect_dma source(%arg9 : memref<128x128xf32, #tpu.memory_space<vmem>>) target(%dma_start3A_732 : memref<10064x128xf32, #tpu.memory_space<vmem_shared>>) offsets(%dma_start3A_729 : memref<128xi32, #tpu.memory_space<vmem>>) semaphore(%arg14 : memref<!tpu.dma_semaphore, #tpu.memory_space<semaphore_mem>>) {add = true}
      %dma_wait3A_733 = arith.constant 0 : i32
      %dma_wait3A_734 = arith.constant 0 : i32
      %dma_wait3A_735 = arith.constant 0 : i32
      %dma_wait3A_736 = tpu.memref_slice %arg7[%rem3A_73, %dma_wait3A_734, %dma_wait3A_735] : memref<2x16x128xi32, #tpu.memory_space<vmem>> -> memref<1x16x128xi32, #tpu.memory_space<vmem>>
      %dma_wait3A_737 = tpu.memref_squeeze %dma_wait3A_736 : memref<1x16x128xi32, #tpu.memory_space<vmem>> -> memref<16x128xi32, #tpu.memory_space<vmem>>
      %dma_wait3A_738 = arith.constant 0 : i32
      %dma_wait3A_739 = tpu.memref_slice %dma_wait3A_737[%dma_wait3A_733, %dma_wait3A_738] : memref<16x128xi32, #tpu.memory_space<vmem>> -> memref<1x128xi32, #tpu.memory_space<vmem>>
      %dma_wait3A_740 = tpu.memref_squeeze %dma_wait3A_739 : memref<1x128xi32, #tpu.memory_space<vmem>> -> memref<128xi32, #tpu.memory_space<vmem>>
      %dma_wait3A_741 = arith.constant 0 : i32
      %dma_wait3A_742 = arith.constant 0 : i32
      %dma_wait3A_743 = tpu.memref_slice %arg10[%dma_wait3A_741, %dma_wait3A_742] : memref<10064x128xf32, #tpu.memory_space<vmem_shared>> -> memref<10064x128xf32, #tpu.memory_space<vmem_shared>>
      tpu.wait_indirect_dma semaphore(%arg14 : memref<!tpu.dma_semaphore, #tpu.memory_space<semaphore_mem>>) src(%arg9 : memref<128x128xf32, #tpu.memory_space<vmem>>) dst(%dma_wait3A_743 : memref<10064x128xf32, #tpu.memory_space<vmem_shared>>)
      %dma_start3A_744 = arith.constant 15 : i32
      %dma_start3A_745 = arith.constant 0 : i32
      %dma_start3A_746 = arith.constant 0 : i32
      %dma_start3A_747 = tpu.memref_slice %arg6[%rem3A_73, %dma_start3A_745, %dma_start3A_746] : memref<2x16x128xi32, #tpu.memory_space<vmem>> -> memref<1x16x128xi32, #tpu.memory_space<vmem>>
      %dma_start3A_748 = tpu.memref_squeeze %dma_start3A_747 : memref<1x16x128xi32, #tpu.memory_space<vmem>> -> memref<16x128xi32, #tpu.memory_space<vmem>>
      %dma_start3A_749 = arith.constant 0 : i32
      %dma_start3A_750 = tpu.memref_slice %dma_start3A_748[%dma_start3A_744, %dma_start3A_749] : memref<16x128xi32, #tpu.memory_space<vmem>> -> memref<1x128xi32, #tpu.memory_space<vmem>>
      %dma_start3A_751 = tpu.memref_squeeze %dma_start3A_750 : memref<1x128xi32, #tpu.memory_space<vmem>> -> memref<128xi32, #tpu.memory_space<vmem>>
      %dma_start3A_752 = arith.constant 0 : i32
      %dma_start3A_753 = arith.constant 0 : i32
      %dma_start3A_754 = tpu.memref_slice %arg2[%dma_start3A_752, %dma_start3A_753] : memref<20000x128xf32, #tpu.memory_space<hbm>> -> memref<20000x128xf32, #tpu.memory_space<hbm>>
      tpu.enqueue_indirect_dma source(%dma_start3A_754 : memref<20000x128xf32, #tpu.memory_space<hbm>>) target(%arg9 : memref<128x128xf32, #tpu.memory_space<vmem>>) offsets(%dma_start3A_751 : memref<128xi32, #tpu.memory_space<vmem>>) semaphore(%arg12 : memref<!tpu.dma_semaphore, #tpu.memory_space<semaphore_mem>>)
      %dma_wait3A_755 = arith.constant 14 : i32
      %dma_wait3A_756 = arith.constant 0 : i32
      %dma_wait3A_757 = arith.constant 0 : i32
      %dma_wait3A_758 = tpu.memref_slice %arg6[%rem3A_73, %dma_wait3A_756, %dma_wait3A_757] : memref<2x16x128xi32, #tpu.memory_space<vmem>> -> memref<1x16x128xi32, #tpu.memory_space<vmem>>
      %dma_wait3A_759 = tpu.memref_squeeze %dma_wait3A_758 : memref<1x16x128xi32, #tpu.memory_space<vmem>> -> memref<16x128xi32, #tpu.memory_space<vmem>>
      %dma_wait3A_760 = arith.constant 0 : i32
      %dma_wait3A_761 = tpu.memref_slice %dma_wait3A_759[%dma_wait3A_755, %dma_wait3A_760] : memref<16x128xi32, #tpu.memory_space<vmem>> -> memref<1x128xi32, #tpu.memory_space<vmem>>
      %dma_wait3A_762 = tpu.memref_squeeze %dma_wait3A_761 : memref<1x128xi32, #tpu.memory_space<vmem>> -> memref<128xi32, #tpu.memory_space<vmem>>
      %dma_wait3A_763 = arith.constant 0 : i32
      %dma_wait3A_764 = arith.constant 0 : i32
      %dma_wait3A_765 = tpu.memref_slice %arg2[%dma_wait3A_763, %dma_wait3A_764] : memref<20000x128xf32, #tpu.memory_space<hbm>> -> memref<20000x128xf32, #tpu.memory_space<hbm>>
      tpu.wait_indirect_dma semaphore(%arg11 : memref<!tpu.dma_semaphore, #tpu.memory_space<semaphore_mem>>) src(%dma_wait3A_765 : memref<20000x128xf32, #tpu.memory_space<hbm>>) dst(%arg8 : memref<128x128xf32, #tpu.memory_space<vmem>>)
      %dma_start3A_766 = arith.constant 14 : i32
      %dma_start3A_767 = arith.constant 0 : i32
      %dma_start3A_768 = arith.constant 0 : i32
      %dma_start3A_769 = tpu.memref_slice %arg7[%rem3A_73, %dma_start3A_767, %dma_start3A_768] : memref<2x16x128xi32, #tpu.memory_space<vmem>> -> memref<1x16x128xi32, #tpu.memory_space<vmem>>
      %dma_start3A_770 = tpu.memref_squeeze %dma_start3A_769 : memref<1x16x128xi32, #tpu.memory_space<vmem>> -> memref<16x128xi32, #tpu.memory_space<vmem>>
      %dma_start3A_771 = arith.constant 0 : i32
      %dma_start3A_772 = tpu.memref_slice %dma_start3A_770[%dma_start3A_766, %dma_start3A_771] : memref<16x128xi32, #tpu.memory_space<vmem>> -> memref<1x128xi32, #tpu.memory_space<vmem>>
      %dma_start3A_773 = tpu.memref_squeeze %dma_start3A_772 : memref<1x128xi32, #tpu.memory_space<vmem>> -> memref<128xi32, #tpu.memory_space<vmem>>
      %dma_start3A_774 = arith.constant 0 : i32
      %dma_start3A_775 = arith.constant 0 : i32
      %dma_start3A_776 = tpu.memref_slice %arg10[%dma_start3A_774, %dma_start3A_775] : memref<10064x128xf32, #tpu.memory_space<vmem_shared>> -> memref<10064x128xf32, #tpu.memory_space<vmem_shared>>
      tpu.enqueue_indirect_dma source(%arg8 : memref<128x128xf32, #tpu.memory_space<vmem>>) target(%dma_start3A_776 : memref<10064x128xf32, #tpu.memory_space<vmem_shared>>) offsets(%dma_start3A_773 : memref<128xi32, #tpu.memory_space<vmem>>) semaphore(%arg13 : memref<!tpu.dma_semaphore, #tpu.memory_space<semaphore_mem>>) {add = true}
      %dma_wait3A_777 = arith.constant 15 : i32
      %dma_wait3A_778 = arith.constant 0 : i32
      %dma_wait3A_779 = arith.constant 0 : i32
      %dma_wait3A_780 = tpu.memref_slice %arg6[%rem3A_73, %dma_wait3A_778, %dma_wait3A_779] : memref<2x16x128xi32, #tpu.memory_space<vmem>> -> memref<1x16x128xi32, #tpu.memory_space<vmem>>
      %dma_wait3A_781 = tpu.memref_squeeze %dma_wait3A_780 : memref<1x16x128xi32, #tpu.memory_space<vmem>> -> memref<16x128xi32, #tpu.memory_space<vmem>>
      %dma_wait3A_782 = arith.constant 0 : i32
      %dma_wait3A_783 = tpu.memref_slice %dma_wait3A_781[%dma_wait3A_777, %dma_wait3A_782] : memref<16x128xi32, #tpu.memory_space<vmem>> -> memref<1x128xi32, #tpu.memory_space<vmem>>
      %dma_wait3A_784 = tpu.memref_squeeze %dma_wait3A_783 : memref<1x128xi32, #tpu.memory_space<vmem>> -> memref<128xi32, #tpu.memory_space<vmem>>
      %dma_wait3A_785 = arith.constant 0 : i32
      %dma_wait3A_786 = arith.constant 0 : i32
      %dma_wait3A_787 = tpu.memref_slice %arg2[%dma_wait3A_785, %dma_wait3A_786] : memref<20000x128xf32, #tpu.memory_space<hbm>> -> memref<20000x128xf32, #tpu.memory_space<hbm>>
      tpu.wait_indirect_dma semaphore(%arg12 : memref<!tpu.dma_semaphore, #tpu.memory_space<semaphore_mem>>) src(%dma_wait3A_787 : memref<20000x128xf32, #tpu.memory_space<hbm>>) dst(%arg9 : memref<128x128xf32, #tpu.memory_space<vmem>>)
      %dma_start3A_788 = arith.constant 15 : i32
      %dma_start3A_789 = arith.constant 0 : i32
      %dma_start3A_790 = arith.constant 0 : i32
      %dma_start3A_791 = tpu.memref_slice %arg7[%rem3A_73, %dma_start3A_789, %dma_start3A_790] : memref<2x16x128xi32, #tpu.memory_space<vmem>> -> memref<1x16x128xi32, #tpu.memory_space<vmem>>
      %dma_start3A_792 = tpu.memref_squeeze %dma_start3A_791 : memref<1x16x128xi32, #tpu.memory_space<vmem>> -> memref<16x128xi32, #tpu.memory_space<vmem>>
      %dma_start3A_793 = arith.constant 0 : i32
      %dma_start3A_794 = tpu.memref_slice %dma_start3A_792[%dma_start3A_788, %dma_start3A_793] : memref<16x128xi32, #tpu.memory_space<vmem>> -> memref<1x128xi32, #tpu.memory_space<vmem>>
      %dma_start3A_795 = tpu.memref_squeeze %dma_start3A_794 : memref<1x128xi32, #tpu.memory_space<vmem>> -> memref<128xi32, #tpu.memory_space<vmem>>
      %dma_start3A_796 = arith.constant 0 : i32
      %dma_start3A_797 = arith.constant 0 : i32
      %dma_start3A_798 = tpu.memref_slice %arg10[%dma_start3A_796, %dma_start3A_797] : memref<10064x128xf32, #tpu.memory_space<vmem_shared>> -> memref<10064x128xf32, #tpu.memory_space<vmem_shared>>
      tpu.enqueue_indirect_dma source(%arg9 : memref<128x128xf32, #tpu.memory_space<vmem>>) target(%dma_start3A_798 : memref<10064x128xf32, #tpu.memory_space<vmem_shared>>) offsets(%dma_start3A_795 : memref<128xi32, #tpu.memory_space<vmem>>) semaphore(%arg14 : memref<!tpu.dma_semaphore, #tpu.memory_space<semaphore_mem>>) {add = true}
    }
    %scan3A_44 = arith.constant 10 : i32
    %dma_wait3A = arith.constant 0 : i32
    %dma_wait3A_45 = arith.constant 0 : i32
    %dma_wait3A_46 = arith.constant 0 : i32
    %dma_wait3A_47 = arith.constant 0 : i32
    %dma_wait3A_48 = tpu.memref_slice %arg7[%dma_wait3A, %dma_wait3A_46, %dma_wait3A_47] : memref<2x16x128xi32, #tpu.memory_space<vmem>> -> memref<1x16x128xi32, #tpu.memory_space<vmem>>
    %dma_wait3A_49 = tpu.memref_squeeze %dma_wait3A_48 : memref<1x16x128xi32, #tpu.memory_space<vmem>> -> memref<16x128xi32, #tpu.memory_space<vmem>>
    %dma_wait3A_50 = arith.constant 0 : i32
    %dma_wait3A_51 = tpu.memref_slice %dma_wait3A_49[%dma_wait3A_45, %dma_wait3A_50] : memref<16x128xi32, #tpu.memory_space<vmem>> -> memref<1x128xi32, #tpu.memory_space<vmem>>
    %dma_wait3A_52 = tpu.memref_squeeze %dma_wait3A_51 : memref<1x128xi32, #tpu.memory_space<vmem>> -> memref<128xi32, #tpu.memory_space<vmem>>
    %dma_wait3A_53 = arith.constant 0 : i32
    %dma_wait3A_54 = arith.constant 0 : i32
    %dma_wait3A_55 = tpu.memref_slice %arg10[%dma_wait3A_53, %dma_wait3A_54] : memref<10064x128xf32, #tpu.memory_space<vmem_shared>> -> memref<10064x128xf32, #tpu.memory_space<vmem_shared>>
    tpu.wait_indirect_dma semaphore(%arg13 : memref<!tpu.dma_semaphore, #tpu.memory_space<semaphore_mem>>) src(%arg8 : memref<128x128xf32, #tpu.memory_space<vmem>>) dst(%dma_wait3A_55 : memref<10064x128xf32, #tpu.memory_space<vmem_shared>>)
    %dma_wait3A_56 = arith.constant 0 : i32
    %dma_wait3A_57 = arith.constant 0 : i32
    %dma_wait3A_58 = arith.constant 0 : i32
    %dma_wait3A_59 = arith.constant 0 : i32
    %dma_wait3A_60 = tpu.memref_slice %arg7[%dma_wait3A_56, %dma_wait3A_58, %dma_wait3A_59] : memref<2x16x128xi32, #tpu.memory_space<vmem>> -> memref<1x16x128xi32, #tpu.memory_space<vmem>>
    %dma_wait3A_61 = tpu.memref_squeeze %dma_wait3A_60 : memref<1x16x128xi32, #tpu.memory_space<vmem>> -> memref<16x128xi32, #tpu.memory_space<vmem>>
    %dma_wait3A_62 = arith.constant 0 : i32
    %dma_wait3A_63 = tpu.memref_slice %dma_wait3A_61[%dma_wait3A_57, %dma_wait3A_62] : memref<16x128xi32, #tpu.memory_space<vmem>> -> memref<1x128xi32, #tpu.memory_space<vmem>>
    %dma_wait3A_64 = tpu.memref_squeeze %dma_wait3A_63 : memref<1x128xi32, #tpu.memory_space<vmem>> -> memref<128xi32, #tpu.memory_space<vmem>>
    %dma_wait3A_65 = arith.constant 0 : i32
    %dma_wait3A_66 = arith.constant 0 : i32
    %dma_wait3A_67 = tpu.memref_slice %arg10[%dma_wait3A_65, %dma_wait3A_66] : memref<10064x128xf32, #tpu.memory_space<vmem_shared>> -> memref<10064x128xf32, #tpu.memory_space<vmem_shared>>
    tpu.wait_indirect_dma semaphore(%arg14 : memref<!tpu.dma_semaphore, #tpu.memory_space<semaphore_mem>>) src(%arg9 : memref<128x128xf32, #tpu.memory_space<vmem>>) dst(%dma_wait3A_67 : memref<10064x128xf32, #tpu.memory_space<vmem_shared>>)
    %barrier3A_68 = arith.constant 0 : index
    tpu.barrier barrier_id(%barrier3A_68)
    %mul3A_69 = arith.constant 10000 : i32
    %mul3A_70 = arith.muli %arg0, %mul3A_69 : i32
    %add3A_71 = arith.addi %mul3A_70, %select_n3A : i32
    "tpu.region"() ({
      %run_scoped3A = tpu.sem_alloc : memref<!tpu.dma_semaphore, #tpu.memory_space<semaphore_mem>>
      %dma_start3A_72 = arith.constant 0 : i32
      %dma_start3A_73 = tpu.memref_slice %arg5[%add3A_71, %dma_start3A_72] : memref<20000x128xf32, #tpu.memory_space<hbm>> -> memref<632x128xf32, #tpu.memory_space<hbm>>
      %dma_start3A_74 = arith.constant 0 : i32
      %dma_start3A_75 = tpu.memref_slice %arg10[%select_n3A, %dma_start3A_74] : memref<10064x128xf32, #tpu.memory_space<vmem_shared>> -> memref<632x128xf32, #tpu.memory_space<vmem_shared>>
      tpu.enqueue_dma source(%dma_start3A_75 : memref<632x128xf32, #tpu.memory_space<vmem_shared>>) target(%dma_start3A_73 : memref<632x128xf32, #tpu.memory_space<hbm>>) target_semaphore(%run_scoped3A : memref<!tpu.dma_semaphore, #tpu.memory_space<semaphore_mem>>)
      %dma_wait3A_76 = arith.constant 0 : i32
      %dma_wait3A_77 = tpu.memref_slice %arg5[%add3A_71, %dma_wait3A_76] : memref<20000x128xf32, #tpu.memory_space<hbm>> -> memref<632x128xf32, #tpu.memory_space<hbm>>
      %dma_wait3A_78 = arith.constant 0 : i32
      %dma_wait3A_79 = tpu.memref_slice %arg10[%select_n3A, %dma_wait3A_78] : memref<10064x128xf32, #tpu.memory_space<vmem_shared>> -> memref<632x128xf32, #tpu.memory_space<vmem_shared>>
      tpu.wait_dma2 semaphore(%run_scoped3A : memref<!tpu.dma_semaphore, #tpu.memory_space<semaphore_mem>>) src(%dma_wait3A_79 : memref<632x128xf32, #tpu.memory_space<vmem_shared>>) dst(%dma_wait3A_77 : memref<632x128xf32, #tpu.memory_space<hbm>>)
      tpu.yield
    }) : () -> ()
    return
  }
}

module attributes {stable_mosaic.version = 14 : i64} {
  func.func @_head_body(%arg0: i32, %arg1: memref<2000x128xf32, #tpu.memory_space<vmem>>, %arg2: memref<64x256xf32, #tpu.memory_space<vmem>>, %arg3: memref<1x256xf32, #tpu.memory_space<vmem>>, %arg4: memref<256x256xf32, #tpu.memory_space<vmem>>, %arg5: memref<1x256xf32, #tpu.memory_space<vmem>>, %arg6: memref<2x2000x128xf32, #tpu.memory_space<vmem>>) attributes {dimension_semantics = [#tpu.dimension_semantics<parallel>], iteration_bounds = array<i64: 5>, scalar_prefetch = 0 : i64, scratch_operands = 0 : i64, tpu.core_type = #tpu.core_type<tc>, window_params = [{transform_indices = @transform_0, window_bounds = array<i64: 2000, 128>}, {pipeline_mode = #tpu.pipeline_mode<synchronous>, transform_indices = @transform_1, window_bounds = array<i64: 64, 256>}, {pipeline_mode = #tpu.pipeline_mode<synchronous>, transform_indices = @transform_2, window_bounds = array<i64: 1, 256>}, {pipeline_mode = #tpu.pipeline_mode<synchronous>, transform_indices = @transform_3, window_bounds = array<i64: 256, 256>}, {pipeline_mode = #tpu.pipeline_mode<synchronous>, transform_indices = @transform_4, window_bounds = array<i64: 1, 256>}, {transform_indices = @transform_5, window_bounds = array<i64: 2, 2000, 128>}]} {
    %get3A = arith.constant 0 : index
    %get3A_0 = arith.constant 0 : index
    %get3A_1 = vector.load %arg1[%get3A, %get3A_0] : memref<2000x128xf32, #tpu.memory_space<vmem>>, vector<2000x128xf32>
    %slice3A = vector.extract_strided_slice %get3A_1 {offsets = [0, 0], sizes = [2000, 64], strides = [1, 1]} : vector<2000x128xf32> to vector<2000x64xf32>
    %get3A_2 = arith.constant 0 : index
    %get3A_3 = arith.constant 0 : index
    %get3A_4 = vector.load %arg2[%get3A_2, %get3A_3] : memref<64x256xf32, #tpu.memory_space<vmem>>, vector<64x256xf32>
    %dot_general3A = arith.constant dense<0.000000e+00> : vector<2000x256xf32>
    %dot_general3A_5 = tpu.matmul %slice3A, %get3A_4, %dot_general3A {dimension_numbers = #tpu.dot_dimension_numbers<[1], [0], [0], [1], [0, 0, 1, 1], [], []>, transpose_lhs_hint = false} : vector<2000x64xf32>, vector<64x256xf32>, vector<2000x256xf32> -> vector<2000x256xf32>
    %get3A_6 = arith.constant 0 : index
    %get3A_7 = arith.constant 0 : index
    %get3A_8 = vector.load %arg3[%get3A_6, %get3A_7] : memref<1x256xf32, #tpu.memory_space<vmem>>, vector<1x256xf32>
    %add3A = vector.broadcast %get3A_8 : vector<1x256xf32> to vector<2000x256xf32>
    %add3A_9 = arith.addf %dot_general3A_5, %add3A : vector<2000x256xf32>
    %max3A = arith.constant 0.000000e+00 : f32
    %max3A_10 = vector.broadcast %max3A : f32 to vector<2000x256xf32>
    %max3A_11 = arith.maximumf %add3A_9, %max3A_10 : vector<2000x256xf32>
    %slice3A_12 = vector.extract_strided_slice %get3A_1 {offsets = [0, 64], sizes = [2000, 64], strides = [1, 1]} : vector<2000x128xf32> to vector<2000x64xf32>
    %get3A_13 = arith.constant 0 : index
    %get3A_14 = arith.constant 0 : index
    %get3A_15 = vector.load %arg2[%get3A_13, %get3A_14] : memref<64x256xf32, #tpu.memory_space<vmem>>, vector<64x256xf32>
    %dot_general3A_16 = arith.constant dense<0.000000e+00> : vector<2000x256xf32>
    %dot_general3A_17 = tpu.matmul %slice3A_12, %get3A_15, %dot_general3A_16 {dimension_numbers = #tpu.dot_dimension_numbers<[1], [0], [0], [1], [0, 0, 1, 1], [], []>, transpose_lhs_hint = false} : vector<2000x64xf32>, vector<64x256xf32>, vector<2000x256xf32> -> vector<2000x256xf32>
    %get3A_18 = arith.constant 0 : index
    %get3A_19 = arith.constant 0 : index
    %get3A_20 = vector.load %arg3[%get3A_18, %get3A_19] : memref<1x256xf32, #tpu.memory_space<vmem>>, vector<1x256xf32>
    %add3A_21 = vector.broadcast %get3A_20 : vector<1x256xf32> to vector<2000x256xf32>
    %add3A_22 = arith.addf %dot_general3A_17, %add3A_21 : vector<2000x256xf32>
    %max3A_23 = arith.constant 0.000000e+00 : f32
    %max3A_24 = vector.broadcast %max3A_23 : f32 to vector<2000x256xf32>
    %max3A_25 = arith.maximumf %add3A_22, %max3A_24 : vector<2000x256xf32>
    %add3A_26 = arith.addf %max3A_11, %max3A_25 : vector<2000x256xf32>
    %get3A_27 = arith.constant 0 : index
    %get3A_28 = arith.constant 0 : index
    %get3A_29 = vector.load %arg4[%get3A_27, %get3A_28] : memref<256x256xf32, #tpu.memory_space<vmem>>, vector<256x256xf32>
    %dot_general3A_30 = arith.constant dense<0.000000e+00> : vector<2000x256xf32>
    %dot_general3A_31 = tpu.matmul %add3A_26, %get3A_29, %dot_general3A_30 {dimension_numbers = #tpu.dot_dimension_numbers<[1], [0], [0], [1], [0, 0, 1, 1], [], []>, transpose_lhs_hint = false} : vector<2000x256xf32>, vector<256x256xf32>, vector<2000x256xf32> -> vector<2000x256xf32>
    %get3A_32 = arith.constant 0 : index
    %get3A_33 = arith.constant 0 : index
    %get3A_34 = vector.load %arg5[%get3A_32, %get3A_33] : memref<1x256xf32, #tpu.memory_space<vmem>>, vector<1x256xf32>
    %add3A_35 = vector.broadcast %get3A_34 : vector<1x256xf32> to vector<2000x256xf32>
    %add3A_36 = arith.addf %dot_general3A_31, %add3A_35 : vector<2000x256xf32>
    %slice3A_37 = vector.extract_strided_slice %add3A_36 {offsets = [0, 0], sizes = [2000, 128], strides = [1, 1]} : vector<2000x256xf32> to vector<2000x128xf32>
    %swap3A = arith.constant 0 : index
    %swap3A_38 = arith.constant 0 : index
    %swap3A_39 = arith.constant 0 : index
    %swap3A_40 = vector.load %arg6[%swap3A, %swap3A_38, %swap3A_39] : memref<2x2000x128xf32, #tpu.memory_space<vmem>>, vector<1x2000x128xf32>
    %swap3A_41 = vector.shape_cast %swap3A_40 : vector<1x2000x128xf32> to vector<2000x128xf32>
    %swap3A_42 = vector.shape_cast %slice3A_37 : vector<2000x128xf32> to vector<1x2000x128xf32>
    tpu.vector_store %arg6[%swap3A, %swap3A_38, %swap3A_39], %swap3A_42 {strides = array<i32>} : memref<2x2000x128xf32, #tpu.memory_space<vmem>>, vector<1x2000x128xf32>,
    %slice3A_43 = vector.extract_strided_slice %add3A_36 {offsets = [0, 128], sizes = [2000, 128], strides = [1, 1]} : vector<2000x256xf32> to vector<2000x128xf32>
    %swap3A_44 = arith.constant 1 : index
    %swap3A_45 = arith.constant 0 : index
    %swap3A_46 = arith.constant 0 : index
    %swap3A_47 = vector.load %arg6[%swap3A_44, %swap3A_45, %swap3A_46] : memref<2x2000x128xf32, #tpu.memory_space<vmem>>, vector<1x2000x128xf32>
    %swap3A_48 = vector.shape_cast %swap3A_47 : vector<1x2000x128xf32> to vector<2000x128xf32>
    %swap3A_49 = vector.shape_cast %slice3A_43 : vector<2000x128xf32> to vector<1x2000x128xf32>
    tpu.vector_store %arg6[%swap3A_44, %swap3A_45, %swap3A_46], %swap3A_49 {strides = array<i32>} : memref<2x2000x128xf32, #tpu.memory_space<vmem>>, vector<1x2000x128xf32>,
    return
  }
  func.func @transform_0(%arg0: i32) -> (i32, i32) {
    %c0_i32 = arith.constant 0 : i32
    %c0_i32_0 = arith.constant 0 : i32
    return %arg0, %c0_i32 : i32, i32
  }
  func.func @transform_1(%arg0: i32) -> (i32, i32) {
    %c0_i32 = arith.constant 0 : i32
    %c0_i32_0 = arith.constant 0 : i32
    %c0_i32_1 = arith.constant 0 : i32
    return %c0_i32, %c0_i32_0 : i32, i32
  }
  func.func @transform_2(%arg0: i32) -> (i32, i32) {
    %c0_i32 = arith.constant 0 : i32
    %c0_i32_0 = arith.constant 0 : i32
    %c0_i32_1 = arith.constant 0 : i32
    return %c0_i32, %c0_i32_0 : i32, i32
  }
  func.func @transform_3(%arg0: i32) -> (i32, i32) {
    %c0_i32 = arith.constant 0 : i32
    %c0_i32_0 = arith.constant 0 : i32
    %c0_i32_1 = arith.constant 0 : i32
    return %c0_i32, %c0_i32_0 : i32, i32
  }
  func.func @transform_4(%arg0: i32) -> (i32, i32) {
    %c0_i32 = arith.constant 0 : i32
    %c0_i32_0 = arith.constant 0 : i32
    %c0_i32_1 = arith.constant 0 : i32
    return %c0_i32, %c0_i32_0 : i32, i32
  }
  func.func @transform_5(%arg0: i32) -> (i32, i32, i32) {
    %c0_i32 = arith.constant 0 : i32
    %c0_i32_0 = arith.constant 0 : i32
    %c0_i32_1 = arith.constant 0 : i32
    return %c0_i32, %arg0, %c0_i32_0 : i32, i32, i32
  }
}

module attributes {stable_mosaic.version = 14 : i64} {
  func.func @_gin_body(%arg0: i32, %arg1: memref<2x2000x128xf32, #tpu.memory_space<vmem>>, %arg2: memref<256x256xf32, #tpu.memory_space<vmem>>, %arg3: memref<1x256xf32, #tpu.memory_space<vmem>>, %arg4: memref<256x256xf32, #tpu.memory_space<vmem>>, %arg5: memref<1x256xf32, #tpu.memory_space<vmem>>, %arg6: memref<2x2000x128xf32, #tpu.memory_space<vmem>>) attributes {dimension_semantics = [#tpu.dimension_semantics<parallel>], iteration_bounds = array<i64: 5>, scalar_prefetch = 0 : i64, scratch_operands = 0 : i64, tpu.core_type = #tpu.core_type<tc>, window_params = [{transform_indices = @transform_0, window_bounds = array<i64: 2, 2000, 128>}, {pipeline_mode = #tpu.pipeline_mode<synchronous>, transform_indices = @transform_1, window_bounds = array<i64: 256, 256>}, {pipeline_mode = #tpu.pipeline_mode<synchronous>, transform_indices = @transform_2, window_bounds = array<i64: 1, 256>}, {pipeline_mode = #tpu.pipeline_mode<synchronous>, transform_indices = @transform_3, window_bounds = array<i64: 256, 256>}, {pipeline_mode = #tpu.pipeline_mode<synchronous>, transform_indices = @transform_4, window_bounds = array<i64: 1, 256>}, {transform_indices = @transform_5, window_bounds = array<i64: 2, 2000, 128>}]} {
    %get3A = arith.constant 0 : index
    %get3A_0 = arith.constant 0 : index
    %get3A_1 = arith.constant 0 : index
    %get3A_2 = vector.load %arg1[%get3A, %get3A_0, %get3A_1] : memref<2x2000x128xf32, #tpu.memory_space<vmem>>, vector<1x2000x128xf32>
    %get3A_3 = vector.shape_cast %get3A_2 : vector<1x2000x128xf32> to vector<2000x128xf32>
    %get3A_4 = arith.constant 1 : index
    %get3A_5 = arith.constant 0 : index
    %get3A_6 = arith.constant 0 : index
    %get3A_7 = vector.load %arg1[%get3A_4, %get3A_5, %get3A_6] : memref<2x2000x128xf32, #tpu.memory_space<vmem>>, vector<1x2000x128xf32>
    %get3A_8 = vector.shape_cast %get3A_7 : vector<1x2000x128xf32> to vector<2000x128xf32>
    %concatenate3A = tpu.concatenate %get3A_3, %get3A_8 in 1 : vector<2000x128xf32>, vector<2000x128xf32> -> vector<2000x256xf32>
    %get3A_9 = arith.constant 0 : index
    %get3A_10 = arith.constant 0 : index
    %get3A_11 = vector.load %arg2[%get3A_9, %get3A_10] : memref<256x256xf32, #tpu.memory_space<vmem>>, vector<256x256xf32>
    %dot_general3A = arith.constant dense<0.000000e+00> : vector<2000x256xf32>
    %dot_general3A_12 = tpu.matmul %concatenate3A, %get3A_11, %dot_general3A {dimension_numbers = #tpu.dot_dimension_numbers<[1], [0], [0], [1], [0, 0, 1, 1], [], []>, transpose_lhs_hint = false} : vector<2000x256xf32>, vector<256x256xf32>, vector<2000x256xf32> -> vector<2000x256xf32>
    %get3A_13 = arith.constant 0 : index
    %get3A_14 = arith.constant 0 : index
    %get3A_15 = vector.load %arg3[%get3A_13, %get3A_14] : memref<1x256xf32, #tpu.memory_space<vmem>>, vector<1x256xf32>
    %add3A = vector.broadcast %get3A_15 : vector<1x256xf32> to vector<2000x256xf32>
    %add3A_16 = arith.addf %dot_general3A_12, %add3A : vector<2000x256xf32>
    %max3A = arith.constant 0.000000e+00 : f32
    %max3A_17 = vector.broadcast %max3A : f32 to vector<2000x256xf32>
    %max3A_18 = arith.maximumf %add3A_16, %max3A_17 : vector<2000x256xf32>
    %get3A_19 = arith.constant 0 : index
    %get3A_20 = arith.constant 0 : index
    %get3A_21 = vector.load %arg4[%get3A_19, %get3A_20] : memref<256x256xf32, #tpu.memory_space<vmem>>, vector<256x256xf32>
    %dot_general3A_22 = arith.constant dense<0.000000e+00> : vector<2000x256xf32>
    %dot_general3A_23 = tpu.matmul %max3A_18, %get3A_21, %dot_general3A_22 {dimension_numbers = #tpu.dot_dimension_numbers<[1], [0], [0], [1], [0, 0, 1, 1], [], []>, transpose_lhs_hint = false} : vector<2000x256xf32>, vector<256x256xf32>, vector<2000x256xf32> -> vector<2000x256xf32>
    %get3A_24 = arith.constant 0 : index
    %get3A_25 = arith.constant 0 : index
    %get3A_26 = vector.load %arg5[%get3A_24, %get3A_25] : memref<1x256xf32, #tpu.memory_space<vmem>>, vector<1x256xf32>
    %add3A_27 = vector.broadcast %get3A_26 : vector<1x256xf32> to vector<2000x256xf32>
    %add3A_28 = arith.addf %dot_general3A_23, %add3A_27 : vector<2000x256xf32>
    %max3A_29 = arith.constant 0.000000e+00 : f32
    %max3A_30 = vector.broadcast %max3A_29 : f32 to vector<2000x256xf32>
    %max3A_31 = arith.maximumf %add3A_28, %max3A_30 : vector<2000x256xf32>
    %slice3A = vector.extract_strided_slice %max3A_31 {offsets = [0, 0], sizes = [2000, 128], strides = [1, 1]} : vector<2000x256xf32> to vector<2000x128xf32>
    %swap3A = arith.constant 0 : index
    %swap3A_32 = arith.constant 0 : index
    %swap3A_33 = arith.constant 0 : index
    %swap3A_34 = vector.load %arg6[%swap3A, %swap3A_32, %swap3A_33] : memref<2x2000x128xf32, #tpu.memory_space<vmem>>, vector<1x2000x128xf32>
    %swap3A_35 = vector.shape_cast %swap3A_34 : vector<1x2000x128xf32> to vector<2000x128xf32>
    %swap3A_36 = vector.shape_cast %slice3A : vector<2000x128xf32> to vector<1x2000x128xf32>
    tpu.vector_store %arg6[%swap3A, %swap3A_32, %swap3A_33], %swap3A_36 {strides = array<i32>} : memref<2x2000x128xf32, #tpu.memory_space<vmem>>, vector<1x2000x128xf32>,
    %slice3A_37 = vector.extract_strided_slice %max3A_31 {offsets = [0, 128], sizes = [2000, 128], strides = [1, 1]} : vector<2000x256xf32> to vector<2000x128xf32>
    %swap3A_38 = arith.constant 1 : index
    %swap3A_39 = arith.constant 0 : index
    %swap3A_40 = arith.constant 0 : index
    %swap3A_41 = vector.load %arg6[%swap3A_38, %swap3A_39, %swap3A_40] : memref<2x2000x128xf32, #tpu.memory_space<vmem>>, vector<1x2000x128xf32>
    %swap3A_42 = vector.shape_cast %swap3A_41 : vector<1x2000x128xf32> to vector<2000x128xf32>
    %swap3A_43 = vector.shape_cast %slice3A_37 : vector<2000x128xf32> to vector<1x2000x128xf32>
    tpu.vector_store %arg6[%swap3A_38, %swap3A_39, %swap3A_40], %swap3A_43 {strides = array<i32>} : memref<2x2000x128xf32, #tpu.memory_space<vmem>>, vector<1x2000x128xf32>,
    return
  }
  func.func @transform_0(%arg0: i32) -> (i32, i32, i32) {
    %c0_i32 = arith.constant 0 : i32
    %c0_i32_0 = arith.constant 0 : i32
    %c0_i32_1 = arith.constant 0 : i32
    return %c0_i32, %arg0, %c0_i32_0 : i32, i32, i32
  }
  func.func @transform_1(%arg0: i32) -> (i32, i32) {
    %c0_i32 = arith.constant 0 : i32
    %c0_i32_0 = arith.constant 0 : i32
    %c0_i32_1 = arith.constant 0 : i32
    return %c0_i32, %c0_i32_0 : i32, i32
  }
  func.func @transform_2(%arg0: i32) -> (i32, i32) {
    %c0_i32 = arith.constant 0 : i32
    %c0_i32_0 = arith.constant 0 : i32
    %c0_i32_1 = arith.constant 0 : i32
    return %c0_i32, %c0_i32_0 : i32, i32
  }
  func.func @transform_3(%arg0: i32) -> (i32, i32) {
    %c0_i32 = arith.constant 0 : i32
    %c0_i32_0 = arith.constant 0 : i32
    %c0_i32_1 = arith.constant 0 : i32
    return %c0_i32, %c0_i32_0 : i32, i32
  }
  func.func @transform_4(%arg0: i32) -> (i32, i32) {
    %c0_i32 = arith.constant 0 : i32
    %c0_i32_0 = arith.constant 0 : i32
    %c0_i32_1 = arith.constant 0 : i32
    return %c0_i32, %c0_i32_0 : i32, i32
  }
  func.func @transform_5(%arg0: i32) -> (i32, i32, i32) {
    %c0_i32 = arith.constant 0 : i32
    %c0_i32_0 = arith.constant 0 : i32
    %c0_i32_1 = arith.constant 0 : i32
    return %c0_i32, %arg0, %c0_i32_0 : i32, i32, i32
  }
}

module attributes {stable_mosaic.version = 14 : i64} {
  func.func @_tail_body(%arg0: i32, %arg1: memref<2x2000x128xf32, #tpu.memory_space<vmem>>, %arg2: memref<256x256xf32, #tpu.memory_space<vmem>>, %arg3: memref<1x256xf32, #tpu.memory_space<vmem>>, %arg4: memref<256x192xf32, #tpu.memory_space<vmem>>, %arg5: memref<1x192xf32, #tpu.memory_space<vmem>>, %arg6: memref<192x64xf32, #tpu.memory_space<vmem>>, %arg7: memref<1x64xf32, #tpu.memory_space<vmem>>, %arg8: memref<64x64xf32, #tpu.memory_space<vmem>>, %arg9: memref<1x64xf32, #tpu.memory_space<vmem>>, %arg10: memref<64x64xf32, #tpu.memory_space<vmem>>, %arg11: memref<1x64xf32, #tpu.memory_space<vmem>>, %arg12: memref<2000x64xf32, #tpu.memory_space<vmem>>) attributes {dimension_semantics = [#tpu.dimension_semantics<parallel>], iteration_bounds = array<i64: 5>, scalar_prefetch = 0 : i64, scratch_operands = 0 : i64, tpu.core_type = #tpu.core_type<tc>, window_params = [{transform_indices = @transform_0, window_bounds = array<i64: 2, 2000, 128>}, {pipeline_mode = #tpu.pipeline_mode<synchronous>, transform_indices = @transform_1, window_bounds = array<i64: 256, 256>}, {pipeline_mode = #tpu.pipeline_mode<synchronous>, transform_indices = @transform_2, window_bounds = array<i64: 1, 256>}, {pipeline_mode = #tpu.pipeline_mode<synchronous>, transform_indices = @transform_3, window_bounds = array<i64: 256, 192>}, {pipeline_mode = #tpu.pipeline_mode<synchronous>, transform_indices = @transform_4, window_bounds = array<i64: 1, 192>}, {pipeline_mode = #tpu.pipeline_mode<synchronous>, transform_indices = @transform_5, window_bounds = array<i64: 192, 64>}, {pipeline_mode = #tpu.pipeline_mode<synchronous>, transform_indices = @transform_6, window_bounds = array<i64: 1, 64>}, {pipeline_mode = #tpu.pipeline_mode<synchronous>, transform_indices = @transform_7, window_bounds = array<i64: 64, 64>}, {pipeline_mode = #tpu.pipeline_mode<synchronous>, transform_indices = @transform_8, window_bounds = array<i64: 1, 64>}, {pipeline_mode = #tpu.pipeline_mode<synchronous>, transform_indices = @transform_9, window_bounds = array<i64: 64, 64>}, {pipeline_mode = #tpu.pipeline_mode<synchronous>, transform_indices = @transform_10, window_bounds = array<i64: 1, 64>}, {transform_indices = @transform_11, window_bounds = array<i64: 2000, 64>}]} {
    %get3A = arith.constant 0 : index
    %get3A_0 = arith.constant 0 : index
    %get3A_1 = arith.constant 0 : index
    %get3A_2 = vector.load %arg1[%get3A, %get3A_0, %get3A_1] : memref<2x2000x128xf32, #tpu.memory_space<vmem>>, vector<1x2000x128xf32>
    %get3A_3 = vector.shape_cast %get3A_2 : vector<1x2000x128xf32> to vector<2000x128xf32>
    %get3A_4 = arith.constant 1 : index
    %get3A_5 = arith.constant 0 : index
    %get3A_6 = arith.constant 0 : index
    %get3A_7 = vector.load %arg1[%get3A_4, %get3A_5, %get3A_6] : memref<2x2000x128xf32, #tpu.memory_space<vmem>>, vector<1x2000x128xf32>
    %get3A_8 = vector.shape_cast %get3A_7 : vector<1x2000x128xf32> to vector<2000x128xf32>
    %concatenate3A = tpu.concatenate %get3A_3, %get3A_8 in 1 : vector<2000x128xf32>, vector<2000x128xf32> -> vector<2000x256xf32>
    %get3A_9 = arith.constant 0 : index
    %get3A_10 = arith.constant 0 : index
    %get3A_11 = vector.load %arg2[%get3A_9, %get3A_10] : memref<256x256xf32, #tpu.memory_space<vmem>>, vector<256x256xf32>
    %dot_general3A = arith.constant dense<0.000000e+00> : vector<2000x256xf32>
    %dot_general3A_12 = tpu.matmul %concatenate3A, %get3A_11, %dot_general3A {dimension_numbers = #tpu.dot_dimension_numbers<[1], [0], [0], [1], [0, 0, 1, 1], [], []>, transpose_lhs_hint = false} : vector<2000x256xf32>, vector<256x256xf32>, vector<2000x256xf32> -> vector<2000x256xf32>
    %get3A_13 = arith.constant 0 : index
    %get3A_14 = arith.constant 0 : index
    %get3A_15 = vector.load %arg3[%get3A_13, %get3A_14] : memref<1x256xf32, #tpu.memory_space<vmem>>, vector<1x256xf32>
    %add3A = vector.broadcast %get3A_15 : vector<1x256xf32> to vector<2000x256xf32>
    %add3A_16 = arith.addf %dot_general3A_12, %add3A : vector<2000x256xf32>
    %max3A = arith.constant 0.000000e+00 : f32
    %max3A_17 = vector.broadcast %max3A : f32 to vector<2000x256xf32>
    %max3A_18 = arith.maximumf %add3A_16, %max3A_17 : vector<2000x256xf32>
    %get3A_19 = arith.constant 0 : index
    %get3A_20 = arith.constant 0 : index
    %get3A_21 = vector.load %arg4[%get3A_19, %get3A_20] : memref<256x192xf32, #tpu.memory_space<vmem>>, vector<256x192xf32>
    %dot_general3A_22 = arith.constant dense<0.000000e+00> : vector<2000x192xf32>
    %dot_general3A_23 = tpu.matmul %max3A_18, %get3A_21, %dot_general3A_22 {dimension_numbers = #tpu.dot_dimension_numbers<[1], [0], [0], [1], [0, 0, 1, 1], [], []>, transpose_lhs_hint = false} : vector<2000x256xf32>, vector<256x192xf32>, vector<2000x192xf32> -> vector<2000x192xf32>
    %get3A_24 = arith.constant 0 : index
    %get3A_25 = arith.constant 0 : index
    %get3A_26 = vector.load %arg5[%get3A_24, %get3A_25] : memref<1x192xf32, #tpu.memory_space<vmem>>, vector<1x192xf32>
    %add3A_27 = vector.broadcast %get3A_26 : vector<1x192xf32> to vector<2000x192xf32>
    %add3A_28 = arith.addf %dot_general3A_23, %add3A_27 : vector<2000x192xf32>
    %max3A_29 = arith.constant 0.000000e+00 : f32
    %max3A_30 = vector.broadcast %max3A_29 : f32 to vector<2000x192xf32>
    %max3A_31 = arith.maximumf %add3A_28, %max3A_30 : vector<2000x192xf32>
    %get3A_32 = arith.constant 0 : index
    %get3A_33 = arith.constant 0 : index
    %get3A_34 = vector.load %arg6[%get3A_32, %get3A_33] : memref<192x64xf32, #tpu.memory_space<vmem>>, vector<192x64xf32>
    %dot_general3A_35 = arith.constant dense<0.000000e+00> : vector<2000x64xf32>
    %dot_general3A_36 = tpu.matmul %max3A_31, %get3A_34, %dot_general3A_35 {dimension_numbers = #tpu.dot_dimension_numbers<[1], [0], [0], [1], [0, 0, 1, 1], [], []>, transpose_lhs_hint = false} : vector<2000x192xf32>, vector<192x64xf32>, vector<2000x64xf32> -> vector<2000x64xf32>
    %get3A_37 = arith.constant 0 : index
    %get3A_38 = arith.constant 0 : index
    %get3A_39 = vector.load %arg7[%get3A_37, %get3A_38] : memref<1x64xf32, #tpu.memory_space<vmem>>, vector<1x64xf32>
    %add3A_40 = vector.broadcast %get3A_39 : vector<1x64xf32> to vector<2000x64xf32>
    %add3A_41 = arith.addf %dot_general3A_36, %add3A_40 : vector<2000x64xf32>
    %max3A_42 = arith.constant 0.000000e+00 : f32
    %max3A_43 = vector.broadcast %max3A_42 : f32 to vector<2000x64xf32>
    %max3A_44 = arith.maximumf %add3A_41, %max3A_43 : vector<2000x64xf32>
    %get3A_45 = arith.constant 0 : index
    %get3A_46 = arith.constant 0 : index
    %get3A_47 = vector.load %arg8[%get3A_45, %get3A_46] : memref<64x64xf32, #tpu.memory_space<vmem>>, vector<64x64xf32>
    %dot_general3A_48 = arith.constant dense<0.000000e+00> : vector<2000x64xf32>
    %dot_general3A_49 = tpu.matmul %max3A_44, %get3A_47, %dot_general3A_48 {dimension_numbers = #tpu.dot_dimension_numbers<[1], [0], [0], [1], [0, 0, 1, 1], [], []>, transpose_lhs_hint = false} : vector<2000x64xf32>, vector<64x64xf32>, vector<2000x64xf32> -> vector<2000x64xf32>
    %get3A_50 = arith.constant 0 : index
    %get3A_51 = arith.constant 0 : index
    %get3A_52 = vector.load %arg9[%get3A_50, %get3A_51] : memref<1x64xf32, #tpu.memory_space<vmem>>, vector<1x64xf32>
    %add3A_53 = vector.broadcast %get3A_52 : vector<1x64xf32> to vector<2000x64xf32>
    %add3A_54 = arith.addf %dot_general3A_49, %add3A_53 : vector<2000x64xf32>
    %max3A_55 = arith.constant 0.000000e+00 : f32
    %max3A_56 = vector.broadcast %max3A_55 : f32 to vector<2000x64xf32>
    %max3A_57 = arith.maximumf %add3A_54, %max3A_56 : vector<2000x64xf32>
    %get3A_58 = arith.constant 0 : index
    %get3A_59 = arith.constant 0 : index
    %get3A_60 = vector.load %arg10[%get3A_58, %get3A_59] : memref<64x64xf32, #tpu.memory_space<vmem>>, vector<64x64xf32>
    %dot_general3A_61 = arith.constant dense<0.000000e+00> : vector<2000x64xf32>
    %dot_general3A_62 = tpu.matmul %max3A_57, %get3A_60, %dot_general3A_61 {dimension_numbers = #tpu.dot_dimension_numbers<[1], [0], [0], [1], [0, 0, 1, 1], [], []>, transpose_lhs_hint = false} : vector<2000x64xf32>, vector<64x64xf32>, vector<2000x64xf32> -> vector<2000x64xf32>
    %get3A_63 = arith.constant 0 : index
    %get3A_64 = arith.constant 0 : index
    %get3A_65 = vector.load %arg11[%get3A_63, %get3A_64] : memref<1x64xf32, #tpu.memory_space<vmem>>, vector<1x64xf32>
    %add3A_66 = vector.broadcast %get3A_65 : vector<1x64xf32> to vector<2000x64xf32>
    %add3A_67 = arith.addf %dot_general3A_62, %add3A_66 : vector<2000x64xf32>
    %swap3A = arith.constant 0 : index
    %swap3A_68 = arith.constant 0 : index
    %swap3A_69 = vector.load %arg12[%swap3A, %swap3A_68] : memref<2000x64xf32, #tpu.memory_space<vmem>>, vector<2000x64xf32>
    tpu.vector_store %arg12[%swap3A, %swap3A_68], %add3A_67 {strides = array<i32>} : memref<2000x64xf32, #tpu.memory_space<vmem>>, vector<2000x64xf32>,
    return
  }
  func.func @transform_0(%arg0: i32) -> (i32, i32, i32) {
    %c0_i32 = arith.constant 0 : i32
    %c0_i32_0 = arith.constant 0 : i32
    %c0_i32_1 = arith.constant 0 : i32
    return %c0_i32, %arg0, %c0_i32_0 : i32, i32, i32
  }
  func.func @transform_1(%arg0: i32) -> (i32, i32) {
    %c0_i32 = arith.constant 0 : i32
    %c0_i32_0 = arith.constant 0 : i32
    %c0_i32_1 = arith.constant 0 : i32
    return %c0_i32, %c0_i32_0 : i32, i32
  }
  func.func @transform_2(%arg0: i32) -> (i32, i32) {
    %c0_i32 = arith.constant 0 : i32
    %c0_i32_0 = arith.constant 0 : i32
    %c0_i32_1 = arith.constant 0 : i32
    return %c0_i32, %c0_i32_0 : i32, i32
  }
  func.func @transform_3(%arg0: i32) -> (i32, i32) {
    %c0_i32 = arith.constant 0 : i32
    %c0_i32_0 = arith.constant 0 : i32
    %c0_i32_1 = arith.constant 0 : i32
    return %c0_i32, %c0_i32_0 : i32, i32
  }
  func.func @transform_4(%arg0: i32) -> (i32, i32) {
    %c0_i32 = arith.constant 0 : i32
    %c0_i32_0 = arith.constant 0 : i32
    %c0_i32_1 = arith.constant 0 : i32
    return %c0_i32, %c0_i32_0 : i32, i32
  }
  func.func @transform_5(%arg0: i32) -> (i32, i32) {
    %c0_i32 = arith.constant 0 : i32
    %c0_i32_0 = arith.constant 0 : i32
    %c0_i32_1 = arith.constant 0 : i32
    return %c0_i32, %c0_i32_0 : i32, i32
  }
  func.func @transform_6(%arg0: i32) -> (i32, i32) {
    %c0_i32 = arith.constant 0 : i32
    %c0_i32_0 = arith.constant 0 : i32
    %c0_i32_1 = arith.constant 0 : i32
    return %c0_i32, %c0_i32_0 : i32, i32
  }
  func.func @transform_7(%arg0: i32) -> (i32, i32) {
    %c0_i32 = arith.constant 0 : i32
    %c0_i32_0 = arith.constant 0 : i32
    %c0_i32_1 = arith.constant 0 : i32
    return %c0_i32, %c0_i32_0 : i32, i32
  }
  func.func @transform_8(%arg0: i32) -> (i32, i32) {
    %c0_i32 = arith.constant 0 : i32
    %c0_i32_0 = arith.constant 0 : i32
    %c0_i32_1 = arith.constant 0 : i32
    return %c0_i32, %c0_i32_0 : i32, i32
  }
  func.func @transform_9(%arg0: i32) -> (i32, i32) {
    %c0_i32 = arith.constant 0 : i32
    %c0_i32_0 = arith.constant 0 : i32
    %c0_i32_1 = arith.constant 0 : i32
    return %c0_i32, %c0_i32_0 : i32, i32
  }
  func.func @transform_10(%arg0: i32) -> (i32, i32) {
    %c0_i32 = arith.constant 0 : i32
    %c0_i32_0 = arith.constant 0 : i32
    %c0_i32_1 = arith.constant 0 : i32
    return %c0_i32, %c0_i32_0 : i32, i32
  }
  func.func @transform_11(%arg0: i32) -> (i32, i32) {
    %c0_i32 = arith.constant 0 : i32
    %c0_i32_0 = arith.constant 0 : i32
    return %arg0, %c0_i32 : i32, i32
  }
}

</mosaic_0001>

<sc_bundles>
// kernel: kernel.12.cloned.1.call-start
scs
__scs_entry_jumppad:
0x0: {  	(pc) =	sbr.rel $0x88, $3  }
0x1: {  	(tag) =	ssettag $0x0;
	lr =	simm.s32 $0x1  }
0x2: {  	[smem:$0x3F7D] =	sst lr;
	_ =	strace $0xD0000000  }
0x3: {  	_ = 	snop  }
0x4: {  	_ = 	snop  }
0x5: {  	_ = 	snop  }
0x6: {  	_ = 	snop  }
0x7: {  	_ = 	snop  }
__scs_overlays_trampoline_lowered:
0x8: {  	[smem:$0x3F8C] =	sst s0  }
0x9: {  	[smem:$0x3F8D] =	sst s1  }
0xa: {  	[smem:$0x3F8E] =	sst s2  }
0xb: {  	[smem:$0x3F8F] =	sst s3  }
0xc: {  	[smem:$0x3F90] =	sst s4  }
0xd: {  	[smem:$0x3F91] =	sst s5  }
0xe: {  	[smem:$0x3F92] =	sst s6  }
0xf: {  	[smem:$0x3F93] =	sst s7  }
0x10: {  	[smem:$0x3F94] =	sst s8  }
0x11: {  	[smem:$0x3F95] =	sst s9;
	s0 =	simm.s32 @!p0 $0x0  }
0x12: {  	s1 =	sld [smem:$0x3F7B];
	s0 =	simm.s32 @p0 $0x1  }
0x13: {  	[smem:$0x3F96] =	sst s0;
	s0 =	simm.s32 @!p1 $0x0  }
0x14: {  	s2 =	sld [smem:$0x3F7A];
	s0 =	simm.s32 @p1 $0x1  }
0x15: {  	[smem:$0x3F97] =	sst s0;
	s0 =	simm.s32 @!p2 $0x0  }
0x16: {  	s3 =	sld [smem:$0x3FDB];
	s0 =	simm.s32 @p2 $0x1  }
0x17: {  	s4 =	simm.s32 $0x1BF5;
	[smem:$0x3F99] =	sst s0  }
0x18: {  	s0 =	sld [smem:$0x3F7C];
	_ =	swait.ge [sflag:s4], $0x0  }
0x19: {  	s7 =	sld [smem:$0x3F7D]  }
0x1a: {  	s8 =	sadd.s32 $0xFFFFE003, lr  }
0x1b: {  	s9 =	sadd.s32 $0xFFFFFEF7, lr;
	s5 =	simm.s32 $0xFFFFFFFF;
	p2 =	slt.u32 s8, $0xFFFFF086  }
0x1c: {  	p1 =	slt.u32 s9, $0xF7A;
	s5 =	simm.s32 @!p2 $0x0  }
0x1d: {  	s5 =	simm.s32 @p1 $0x1;
	p0 =	seq.s32 s7, s2  }
0x1e: {  	s7 =	smul.u32 @!p0 $0xF7A, s2;
	p2 =	seq.s32 @!p0 s5, $0x0  }
0x1f: {  	s9 =	smul.u32 $0xF7A, s1;
	s8 =	simm.s32 @!p0 $0x1BF5;
	p2 =	por !p2, p0  }
0x20: {  	[sflag:s8] =	ssyncset.s32 @!p0 $0xFFFFF086;
	s6 =	sadd.s32 @!p0 s3, s7;
	s7 =	simm.s32 @!p0 $0x108  }
0x21: {  	s3 =	sadd.s32 s3, s9;
	s6 =	sadd.s32 @!p0 $0x88, s6;
	s7 =	simm.s32 @p2 $0x1082  }
0x22: {  	[simem:s7], [sflag:s8] =	dma.local @!p0 [hbm:s6], $0xF7A  }
0x23: {  	s9 =	sor.u32 $0xD0000000, s2;
	s6 =	simm.s32 $0x108;
	_ =	swait.ge @!p0 [sflag:s8], $0x0  }
0x24: {  	s3 =	sadd.s32 $0x88, s3;
	s6 =	simm.s32 @!p1 $0x1082;
	[sflag:s4] =	ssyncset.s32 $0xFFFFF086  }
0x25: {  	[simem:s6], [sflag:s4] =	dma.local [hbm:s3], $0xF7A  }
0x26: {  	[smem:$0x3F7D] =	sst s1;
	(tag) =	ssettag s2;
	_ =	strace s9  }
0x27: {  	s1 =	sld [smem:$0x3F8D]  }
0x28: {  	s2 =	sld [smem:$0x3F8E]  }
0x29: {  	s4 =	sld [smem:$0x3F90]  }
0x2a: {  	p0 =	seq.s32 s5, $0x0;
	s5 =	sld [smem:$0x3F91]  }
0x2b: {  	s6 =	sld [smem:$0x3F92]  }
0x2c: {  	s7 =	sld [smem:$0x3F93]  }
0x2d: {  	s3 =	simm.s32 $0x108;
	s8 =	sld [smem:$0x3F94]  }
0x2e: {  	s3 =	simm.s32 @!p0 $0x1082;
	s9 =	sld [smem:$0x3F95]  }
0x2f: {  	lr =	sadd.s32 s0, s3;
	s0 =	sld [smem:$0x3F8C]  }
0x30: {  	s3 =	sld [smem:$0x3F8F]  }
0x31: {  	[smem:$0x3F98] =	sst s10  }
0x32: {  	s10 =	sld [smem:$0x3F96];
	_ =	sdelay $0x3  }
0x33: {  	p0 =	seq.s32 s10, $0x1;
	s10 =	sld [smem:$0x3F98];
	_ =	sdelay $0x3  }
0x34: {  	[smem:$0x3F98] =	sst s10  }
0x35: {  	s10 =	sld [smem:$0x3F97];
	_ =	sdelay $0x3  }
0x36: {  	p1 =	seq.s32 s10, $0x1;
	s10 =	sld [smem:$0x3F98];
	_ =	sdelay $0x3  }
0x37: {  	[smem:$0x3F98] =	sst s10  }
0x38: {  	s10 =	sld [smem:$0x3F99]  }
0x39: {  	_ = 	snop;
	(pc) =	sbr.ind lr, $3  }
0x3a: {  	_ = 	snop  }
0x3b: {  	_ = 	snop  }
0x3c: {  	p2 =	seq.s32 s10, $0x1;
	s10 =	sld [smem:$0x3F98]  }
0x3d: {  	_ =	shalt  }
0x3e: {  	_ =	shalt  }
0x3f: {  	_ =	shalt  }
0x40: {  	_ =	shalt  }
0x41: {  	_ =	shalt  }
0x42: {  	_ =	shalt  }
0x43: {  	_ =	shalt  }
0x44: {  	_ =	shalt  }
0x45: {  	_ =	shalt  }
0x46: {  	_ =	shalt  }
0x47: {  	_ =	shalt  }
0x48: {  	_ =	shalt  }
0x49: {  	_ =	shalt  }
0x4a: {  	_ =	shalt  }
0x4b: {  	_ =	shalt  }
0x4c: {  	_ =	shalt  }
0x4d: {  	_ =	shalt  }
0x4e: {  	_ =	shalt  }
0x4f: {  	_ =	shalt  }
0x50: {  	_ =	shalt  }
0x51: {  	_ =	shalt  }
0x52: {  	_ =	shalt  }
0x53: {  	_ =	shalt  }
0x54: {  	_ =	shalt  }
0x55: {  	_ =	shalt  }
0x56: {  	_ =	shalt  }
0x57: {  	_ =	shalt  }
0x58: {  	_ =	shalt  }
0x59: {  	_ =	shalt  }
0x5a: {  	_ =	shalt  }
0x5b: {  	_ =	shalt  }
0x5c: {  	_ =	shalt  }
0x5d: {  	_ =	shalt  }
0x5e: {  	_ =	shalt  }
0x5f: {  	_ =	shalt  }
0x60: {  	_ =	shalt  }
0x61: {  	_ =	shalt  }
0x62: {  	_ =	shalt  }
0x63: {  	_ =	shalt  }
0x64: {  	_ =	shalt  }
0x65: {  	_ =	shalt  }
0x66: {  	_ =	shalt  }
0x67: {  	_ =	shalt  }
0x68: {  	_ =	shalt  }
0x69: {  	_ =	shalt  }
0x6a: {  	_ =	shalt  }
0x6b: {  	_ =	shalt  }
0x6c: {  	_ =	shalt  }
0x6d: {  	_ =	shalt  }
0x6e: {  	_ =	shalt  }
0x6f: {  	_ =	shalt  }
0x70: {  	_ =	shalt  }
0x71: {  	_ =	shalt  }
0x72: {  	_ =	shalt  }
0x73: {  	_ =	shalt  }
0x74: {  	_ =	shalt  }
0x75: {  	_ =	shalt  }
0x76: {  	_ =	shalt  }
0x77: {  	_ =	shalt  }
0x78: {  	_ =	shalt  }
0x79: {  	_ =	shalt  }
0x7a: {  	_ =	shalt  }
0x7b: {  	_ =	shalt  }
0x7c: {  	_ =	shalt  }
0x7d: {  	_ =	shalt  }
0x7e: {  	_ =	shalt  }
0x7f: {  	_ =	shalt  }
0x80: {  	_ =	shalt  }
0x81: {  	_ =	shalt  }
0x82: {  	_ =	shalt  }
0x83: {  	_ =	shalt  }
0x84: {  	_ =	shalt  }
0x85: {  	_ =	shalt  }
0x86: {  	_ =	shalt  }
0x87: {  	_ =	shalt  }
.Lfunc_end0:
.L_simem_size_0:
called_computation.1_lowered:
.L_overlay_start_0:
0x88: {  	s2 =	sld [smem:$0x3FD9]  }
0x89: {  	s3 =	sld [smem:$0x3FFE];
	_ =	sdelay $0x1  }
0x8a: {  	s1 =	srdreg.scid  }
0x8b: {  	s0 =	sand.u32 $0x1, s1  }
0x8c: {  	s17 =	sshll.u32 s0, $0xA;
	s2 =	sadd.s32 s3, s2  }
0x8d: {  	s2 =	sadd.s32 s2, s17  }
0x8e: {  	[smem:$0x3FA4] =	sst s2  }
0x8f: {  	_ = 	snop  }
0x90: {  	s2 =	sld [smem:$0x3FD0];
	(tm) =	ssettm $0x1  }
0x91: {  	s18 =	sld [smem:$0x3FFB];
	_ =	sdelay $0x3  }
0x92: {  	_ =	strace s18  }
0x93: {  	s3 =	sld [smem:$0x3FFC];
	_ =	sdelay $0x3  }
0x94: {  	_ =	strace s3  }
0x95: {  	s3 =	sld [smem:$0x3FFD];
	_ =	sdelay $0x3  }
0x96: {  	_ =	strace s3  }
0x97: {  	_ =	strace $0x8FFFFFFF  }
0x98: {  	s19 =	sld [smem:$0x3FDB];
	_ =	sdelay $0x1  }
0x99: {  	s4 =	simm.s32 $_scs_section_size  }
0x9a: {  	s5 =	simm.s32 $_size__tile_overlayer_lowered;
	s6 =	simm.s32 $_tile_overlayer_lowered  }
0x9b: {  	s22 =	simm.s32 $0x1BFF;
	s21 =	sshll.u32 s6, $0x1;
	s3 =	sadd.s32 s4, s19  }
0x9c: {  	s7 =	simm.s32 $0x0;
	s20 =	sshll.u32 s5, $0x1;
	s5 =	sadd.s32 s21, s3  }
0x9d: {  	[timem:s7], [sflag:s22] =	dma.local [hbm:s5], s20  }
0x9e: {  	_ =	swait.ge [sflag:s22], s20  }
0x9f: {  	s4 =	ssub.s32 $0x0, s20;
	[sflag:s22] =	ssyncset.done $0x0  }
0xa0: {  	[sflag:s22] =	ssyncadd.s32 s4;
	_ =	sdelay $0x1  }
0xa1: {  	s23 =	simm.s32 $0x1B8B  }
0xa2: {  	_ =	swait.ge [sflag:s23], $0x1  }
0xa3: {  	[sflag:s23] =	ssyncset.done $0x0  }
0xa4: {  	s25 =	simm.s32 $0x1B8E;
	s24 =	sld [smem:$0x3FFE];
	[sflag:s23] =	ssyncadd.s32 $0xFFFFFFFF  }
0xa5: {  	s26 =	simm.s32 $execute0_lowered;
	[smem:$0x3FD2] =	sst s25  }
0xa6: {  	s5 =	sshll.u32 s26, $0x1;
	_ =	strace $0x80000049;
	[dreg:$0x1] =	wrdreg $0xFFFFFFFF  }
0xa7: {  	s28 =	simm.s32 $_size_execute0_lowered;
	s3 =	sadd.s32 s3, s5;
	[dreg:$0x0] =	wrdreg $0x0  }
0xa8: {  	s5 =	sshll.u32 s28, $0x1;
	[dreg:$0x2] =	wrdreg s3  }
0xa9: {  	[dreg:$0x3] =	wrdreg s5  }
0xaa: {  	[dreg:$0x4] =	wrdreg $0xC0  }
0xab: {  	_ =	task [dreg:s7], $0x5FFFF  }
0xac: {  	[dreg:$0x1] =	wrdreg $0xFFFFFFFF  }
0xad: {  	[dreg:$0x0] =	wrdreg $0x60  }
0xae: {  	[dreg:$0x2] =	wrdreg s24  }
0xaf: {  	[dreg:$0x3] =	wrdreg s2  }
0xb0: {  	[dreg:$0x4] =	wrdreg $0xA0000  }
0xb1: {  	[dreg:$0x5] =	wrdreg $0x9  }
0xb2: {  	_ =	task.clear_ibuf [dreg:s7], $0x6FFFF;
	_ =	strace $0x90000049  }
0xb3: {  	s29 =	simm.s32 $0x9;
	_ =	strace $0x8000004B  }
0xb4: {  	_ =	swait.ge [sflag:s29], $0x1  }
0xb5: {  	[sflag:s29] =	ssyncadd.s32 $0xFFFFFFFF  }
0xb6: {  	_ =	strace $0x9000004B  }
0xb7: {  	_ =	sfence  }
0xb8: {  	s30 =	sld [smem:$0x0];
	_ =	sdelay $0x2  }
0xb9: {  	s31 =	sshll.u32 s1, $0xD;
	s1 =	sshrl.u32 s1, $0x2  }
0xba: {  	s3 =	sand.u32 $0x4000, s31;
	s1 =	sadd.s32 s1, s30  }
0xbb: {  	s0 =	sor.u32 s3, s0;
	s1 =	sshll.u32 s1, $0x11  }
0xbc: {  	s0 =	sor.u32 s1, s0  }
0xbd: {  	s0 =	sadd.s32 $0x8F2B, s0  }
0xbe: {  	[sflag:s0] =	ssyncadd.remote.s32 $0x1  }
0xbf: {  	_ =	sfence.sel $0xFFFF  }
0xc0: {  	[dreg:$0x0] =	wrdreg $0xFFFFFFFF;
	(pc) =	sbr.abs _section_cstart, $3  }
0xc1: {  	[dreg:$0x1] =	wrdreg $0xFFFFFFFF  }
0xc2: {  	_ =	task.clear_ibuf [dreg:s7], $0x2FFFF;
	_ =	strace $0x9FFFFFFF  }
0xc3: {  	(tm) =	ssettm $0x7FFFFFFF  }
tec
execute0_lowered:
.L_overlay_start_1:
0x0: {  	(tag) =	ssettag $0x1  }
0x1: {  	s8 =	rddreg [dreg:$0x0]  }
0x2: {  	s1 =	rddreg [dreg:$0x1]  }
0x3: {  	s3 =	rddreg [dreg:$0x2];
	s4 =	simm.s32 $0x0  }
0x4: {  	s5 =	srdreg.scid;
	s0 =	stileid.u32;
	s17 =	simm.s32 $0x1000  }
0x5: {  	s18 =	simm.s32 $0x5;
	s19 =	simm.s32 $0x6;
	s20 =	simm.s32 $0x80  }
0x6: {  	s21 =	simm.s32 $0x2000;
	s22 =	simm.s32 $0x6000;
	s23 =	simm.s32 $0x1  }
0x7: {  	s24 =	simm.s32 $0x3;
	s25 =	simm.s32 $0x2;
	s28 =	simm.s32 $0x0  }
0x8: {  	[smem:$0x7FF] =	sst s4;
	s7 =	sand.u32 $0x1, s5;
	s9 =	smul.u32 $0x278, s0  }
0x9: {  	p0 =	seq.s32 s0, $0xF;
	s5 =	sadd.s32 $0x1A600, s8;
	s29 =	smul.u32 $0xA00, s0  }
0xa: {  	s6 =	sadd.s32 $0x6600, s8;
	s30 =	sshll.u32 s0, $0x6;
	s10 =	smul.u32 $0x2710, s7  }
0xb: {  	_ =	strace $0x8000004A;
	s11 =	ssub.s32 $0x2, s7;
	s12 =	smul.u32 $0xA00, s7  }
0xc: {  	s7 =	smul.u32 $0xA0, s0;
	s9 =	simm.s32 @p0 $0x2498;
	s13 =	sshrl.u32 s11, $0x1  }
0xd: {  	s10 =	sadd.s32 s10, s9;
	s15 =	ssub.s32 s11, s13;
	s26 =	sshll.u32 s9, $0x7  }
.Ltmp0:
0xe: {  	s10 =	sshll.u32 s10, $0x4;
	s16 =	sadd.s32 s26, s3;
	(pc) =	sbr.rel .LBB2_1-.Ltmp0, $4  }
0xf: {  	s26 =	simm.s32 $0x4;
	s14 =	sadd.s32 s10, s8;
	s8 =	sadd.s32 s7, s12  }
0x10: {  	s9 =	sadd.s32 s5, s10;
	s10 =	sor.u32 $0x1C07, s30;
	s12 =	sadd.s32 s1, s29  }
0x11: {  	s31 =	sshll.u32 s8, $0x4;
	s13 =	sadd.s32 $0x68800, s14;
	s14 =	smax.u32 s15, $0x1  }
0x12: {  	s15 =	sshrl.u32 s16, $0x3;
	s16 =	simm.s32 $0x7;
	s11 =	sadd.s32 s6, s31  }
.LBB2_8:
0x13: {  	_ =	swait.ge [sflag:s24], $0x4000  }
0x14: {  	[sflag:s24] =	ssyncset.done $0x0  }
0x15: {  	[sflag:s24] =	ssyncadd.s32 $0xFFFFC000  }
0x16: {  	_ =	swait.ge [sflag:s26], $0x4000  }
0x17: {  	s28 =	sadd.s32 $0x1, s28;
	[sflag:s26] =	ssyncset.done $0x0  }
0x18: {  	p0 =	sne.s32 s28, s14;
	[sflag:s26] =	ssyncadd.s32 $0xFFFFC000  }
.Ltmp1:
0x19: {  	[bflag:$0x0] =	sbarrier.arrive $0xFFFF;
	(pc) =	sbr.rel @!p0 .LBB2_9-.Ltmp1, $4  }
0x1a: {  	[hbm:s13], [sflag:s10] =	dma.local [spmem:s15], $0x2780  }
0x1b: {  	_ =	swait.ge [sflag:s16], $0x2780  }
0x1c: {  	[sflag:s16] =	ssyncset.done $0x0  }
0x1d: {  	[sflag:s16] =	ssyncadd.s32 $0xFFFFD880  }
.LBB2_1:
0x1e: {  	[spmem:s15], [sflag:s10] =	dma.local [hbm:s9], $0x2780  }
0x1f: {  	_ =	swait.ge [sflag:s16], $0x2780  }
0x20: {  	[sflag:s16] =	ssyncset.done $0x0  }
.Ltmp2:
0x21: {  	[sflag:s16] =	ssyncadd.s32 $0xFFFFD880;
	(pc) =	sbr.rel .LBB2_2-.Ltmp2, $4  }
0x22: {  	[bflag:$0x0] =	sbarrier.arrive $0xFFFF  }
0x23: {  	[tilespmem:s4], [sflag:$0x5] =	stream.linear.gather [hbm4b:s11+s4], $0x800, $0x38;
	[tilespmem:$0x1DA80] =	vst v63  }
0x24: {  	s31 =	simm.s32 $0x0  }
0x25: {  	[tilespmem:s17], [sflag:$0x6] =	stream.linear.gather [hbm4b:s12+s4], $0x800, $0x38;
	[tilespmem:$0x1DA80] =	vst v63  }
.LBB2_3:
0x26: {  	[tilespmem:s21], [sflag:$0x1] =	stream.indirect.gather [hbm4b:s5+s20], $0x80, s29, s20, $0xb8;
	[tilespmem:$0x1DA80] =	vst v63  }
0x27: {  	s30 =	simm.s32 $0x1  }
.LBB2_6:
0x28: {  	s31 =	sshll.u32 s30, $0x4  }
0x29: {  	s0 =	sadd.s32 s8, s31  }
0x2a: {  	s0 =	sshll.u32 s0, $0x4  }
0x2b: {  	s2 =	ssub.s32 $0x800, s29;
	s0 =	sadd.s32 s6, s0  }
0x2c: {  	[tilespmem:s2], [sflag:$0x5] =	stream.linear.gather [hbm4b:s0+s4], $0x800, $0x38;
	[tilespmem:$0x1DA80] =	vst v63  }
0x2d: {  	s2 =	sadd.s32 s7, s31  }
0x2e: {  	s0 =	sshll.u32 s2, $0x4  }
0x2f: {  	s31 =	ssub.s32 $0x1800, s29;
	s0 =	sadd.s32 s1, s0  }
0x30: {  	[tilespmem:s31], [sflag:$0x6] =	stream.linear.gather [hbm4b:s0+s4], $0x800, $0x38;
	[tilespmem:$0x1DA80] =	vst v63  }
.LBB2_7:
0x31: {  	s0 =	sadd.s32 $0x80, s29  }
0x32: {  	[tilespmem:s22], [sflag:$0x2] =	stream.indirect.gather [hbm4b:s5+s20], $0x80, s0, s20, $0xb8;
	[tilespmem:$0x1DA80] =	vst v63  }
0x33: {  	_ =	swait.ge [sflag:s23], $0x4000  }
0x34: {  	[sflag:s23] =	ssyncset.done $0x0  }
0x35: {  	s2 =	sor.u32 $0x1000, s29;
	[sflag:s23] =	ssyncadd.s32 $0xFFFFC000  }
0x36: {  	[spmem:s3] =	stream.indirect.scatter.add.f32 [tilespmem:s21], [sflag:$0x3], $0x80, s2, s20, $0xb8;
	[tilespmem:$0x1DA80] =	vst v63  }
0x37: {  	_ =	swait.ge [sflag:s24], $0x4000  }
0x38: {  	[sflag:s24] =	ssyncset.done $0x0  }
0x39: {  	s2 =	sadd.s32 $0x100, s29;
	[sflag:s24] =	ssyncadd.s32 $0xFFFFC000  }
0x3a: {  	[tilespmem:s21], [sflag:$0x1] =	stream.indirect.gather [hbm4b:s5+s20], $0x80, s2, s20, $0xb8;
	[tilespmem:$0x1DA80] =	vst v63  }
0x3b: {  	_ =	swait.ge [sflag:s25], $0x4000  }
0x3c: {  	[sflag:s25] =	ssyncset.done $0x0  }
0x3d: {  	s2 =	sadd.s32 $0x1080, s29;
	[sflag:s25] =	ssyncadd.s32 $0xFFFFC000  }
0x3e: {  	[spmem:s3] =	stream.indirect.scatter.add.f32 [tilespmem:s22], [sflag:$0x4], $0x80, s2, s20, $0xb8;
	[tilespmem:$0x1DA80] =	vst v63  }
0x3f: {  	_ =	swait.ge [sflag:s26], $0x4000  }
0x40: {  	[sflag:s26] =	ssyncset.done $0x0  }
0x41: {  	s2 =	sadd.s32 $0x180, s29;
	[sflag:s26] =	ssyncadd.s32 $0xFFFFC000  }
0x42: {  	[tilespmem:s22], [sflag:$0x2] =	stream.indirect.gather [hbm4b:s5+s20], $0x80, s2, s20, $0xb8;
	[tilespmem:$0x1DA80] =	vst v63  }
0x43: {  	_ =	swait.ge [sflag:s23], $0x4000  }
0x44: {  	[sflag:s23] =	ssyncset.done $0x0  }
0x45: {  	s2 =	sadd.s32 $0x1100, s29;
	[sflag:s23] =	ssyncadd.s32 $0xFFFFC000  }
0x46: {  	[spmem:s3] =	stream.indirect.scatter.add.f32 [tilespmem:s21], [sflag:$0x3], $0x80, s2, s20, $0xb8;
	[tilespmem:$0x1DA80] =	vst v63  }
0x47: {  	_ =	swait.ge [sflag:s24], $0x4000  }
0x48: {  	[sflag:s24] =	ssyncset.done $0x0  }
0x49: {  	s2 =	sadd.s32 $0x200, s29;
	[sflag:s24] =	ssyncadd.s32 $0xFFFFC000  }
0x4a: {  	[tilespmem:s21], [sflag:$0x1] =	stream.indirect.gather [hbm4b:s5+s20], $0x80, s2, s20, $0xb8;
	[tilespmem:$0x1DA80] =	vst v63  }
0x4b: {  	_ =	swait.ge [sflag:s25], $0x4000  }
0x4c: {  	[sflag:s25] =	ssyncset.done $0x0  }
0x4d: {  	s2 =	sadd.s32 $0x1180, s29;
	[sflag:s25] =	ssyncadd.s32 $0xFFFFC000  }
0x4e: {  	[spmem:s3] =	stream.indirect.scatter.add.f32 [tilespmem:s22], [sflag:$0x4], $0x80, s2, s20, $0xb8;
	[tilespmem:$0x1DA80] =	vst v63  }
0x4f: {  	_ =	swait.ge [sflag:s26], $0x4000  }
0x50: {  	[sflag:s26] =	ssyncset.done $0x0  }
0x51: {  	s2 =	sadd.s32 $0x280, s29;
	[sflag:s26] =	ssyncadd.s32 $0xFFFFC000  }
0x52: {  	[tilespmem:s22], [sflag:$0x2] =	stream.indirect.gather [hbm4b:s5+s20], $0x80, s2, s20, $0xb8;
	[tilespmem:$0x1DA80] =	vst v63  }
0x53: {  	_ =	swait.ge [sflag:s23], $0x4000  }
0x54: {  	[sflag:s23] =	ssyncset.done $0x0  }
0x55: {  	s2 =	sadd.s32 $0x1200, s29;
	[sflag:s23] =	ssyncadd.s32 $0xFFFFC000  }
0x56: {  	[spmem:s3] =	stream.indirect.scatter.add.f32 [tilespmem:s21], [sflag:$0x3], $0x80, s2, s20, $0xb8;
	[tilespmem:$0x1DA80] =	vst v63  }
0x57: {  	_ =	swait.ge [sflag:s24], $0x4000  }
0x58: {  	[sflag:s24] =	ssyncset.done $0x0  }
0x59: {  	s2 =	sadd.s32 $0x300, s29;
	[sflag:s24] =	ssyncadd.s32 $0xFFFFC000  }
0x5a: {  	[tilespmem:s21], [sflag:$0x1] =	stream.indirect.gather [hbm4b:s5+s20], $0x80, s2, s20, $0xb8;
	[tilespmem:$0x1DA80] =	vst v63  }
0x5b: {  	_ =	swait.ge [sflag:s25], $0x4000  }
0x5c: {  	[sflag:s25] =	ssyncset.done $0x0  }
0x5d: {  	s2 =	sadd.s32 $0x1280, s29;
	[sflag:s25] =	ssyncadd.s32 $0xFFFFC000  }
0x5e: {  	[spmem:s3] =	stream.indirect.scatter.add.f32 [tilespmem:s22], [sflag:$0x4], $0x80, s2, s20, $0xb8;
	[tilespmem:$0x1DA80] =	vst v63  }
0x5f: {  	_ =	swait.ge [sflag:s26], $0x4000  }
0x60: {  	[sflag:s26] =	ssyncset.done $0x0  }
0x61: {  	s2 =	sadd.s32 $0x380, s29;
	[sflag:s26] =	ssyncadd.s32 $0xFFFFC000  }
0x62: {  	[tilespmem:s22], [sflag:$0x2] =	stream.indirect.gather [hbm4b:s5+s20], $0x80, s2, s20, $0xb8;
	[tilespmem:$0x1DA80] =	vst v63  }
0x63: {  	_ =	swait.ge [sflag:s23], $0x4000  }
0x64: {  	[sflag:s23] =	ssyncset.done $0x0  }
0x65: {  	s2 =	sadd.s32 $0x1300, s29;
	[sflag:s23] =	ssyncadd.s32 $0xFFFFC000  }
0x66: {  	[spmem:s3] =	stream.indirect.scatter.add.f32 [tilespmem:s21], [sflag:$0x3], $0x80, s2, s20, $0xb8;
	[tilespmem:$0x1DA80] =	vst v63  }
0x67: {  	_ =	swait.ge [sflag:s24], $0x4000  }
0x68: {  	[sflag:s24] =	ssyncset.done $0x0  }
0x69: {  	s2 =	sadd.s32 $0x400, s29;
	[sflag:s24] =	ssyncadd.s32 $0xFFFFC000  }
0x6a: {  	[tilespmem:s21], [sflag:$0x1] =	stream.indirect.gather [hbm4b:s5+s20], $0x80, s2, s20, $0xb8;
	[tilespmem:$0x1DA80] =	vst v63  }
0x6b: {  	_ =	swait.ge [sflag:s25], $0x4000  }
0x6c: {  	[sflag:s25] =	ssyncset.done $0x0  }
0x6d: {  	s2 =	sadd.s32 $0x1380, s29;
	[sflag:s25] =	ssyncadd.s32 $0xFFFFC000  }
0x6e: {  	[spmem:s3] =	stream.indirect.scatter.add.f32 [tilespmem:s22], [sflag:$0x4], $0x80, s2, s20, $0xb8;
	[tilespmem:$0x1DA80] =	vst v63  }
0x6f: {  	_ =	swait.ge [sflag:s26], $0x4000  }
0x70: {  	[sflag:s26] =	ssyncset.done $0x0  }
0x71: {  	s2 =	sadd.s32 $0x480, s29;
	[sflag:s26] =	ssyncadd.s32 $0xFFFFC000  }
0x72: {  	[tilespmem:s22], [sflag:$0x2] =	stream.indirect.gather [hbm4b:s5+s20], $0x80, s2, s20, $0xb8;
	[tilespmem:$0x1DA80] =	vst v63  }
0x73: {  	_ =	swait.ge [sflag:s23], $0x4000  }
0x74: {  	[sflag:s23] =	ssyncset.done $0x0  }
0x75: {  	s2 =	sadd.s32 $0x1400, s29;
	[sflag:s23] =	ssyncadd.s32 $0xFFFFC000  }
0x76: {  	[spmem:s3] =	stream.indirect.scatter.add.f32 [tilespmem:s21], [sflag:$0x3], $0x80, s2, s20, $0xb8;
	[tilespmem:$0x1DA80] =	vst v63  }
0x77: {  	_ =	swait.ge [sflag:s24], $0x4000  }
0x78: {  	[sflag:s24] =	ssyncset.done $0x0  }
0x79: {  	s2 =	sadd.s32 $0x500, s29;
	[sflag:s24] =	ssyncadd.s32 $0xFFFFC000  }
0x7a: {  	[tilespmem:s21], [sflag:$0x1] =	stream.indirect.gather [hbm4b:s5+s20], $0x80, s2, s20, $0xb8;
	[tilespmem:$0x1DA80] =	vst v63  }
0x7b: {  	_ =	swait.ge [sflag:s25], $0x4000  }
0x7c: {  	[sflag:s25] =	ssyncset.done $0x0  }
0x7d: {  	s2 =	sadd.s32 $0x1480, s29;
	[sflag:s25] =	ssyncadd.s32 $0xFFFFC000  }
0x7e: {  	[spmem:s3] =	stream.indirect.scatter.add.f32 [tilespmem:s22], [sflag:$0x4], $0x80, s2, s20, $0xb8;
	[tilespmem:$0x1DA80] =	vst v63  }
0x7f: {  	_ =	swait.ge [sflag:s26], $0x4000  }
0x80: {  	[sflag:s26] =	ssyncset.done $0x0  }
0x81: {  	s2 =	sadd.s32 $0x580, s29;
	[sflag:s26] =	ssyncadd.s32 $0xFFFFC000  }
0x82: {  	[tilespmem:s22], [sflag:$0x2] =	stream.indirect.gather [hbm4b:s5+s20], $0x80, s2, s20, $0xb8;
	[tilespmem:$0x1DA80] =	vst v63  }
0x83: {  	_ =	swait.ge [sflag:s23], $0x4000  }
0x84: {  	[sflag:s23] =	ssyncset.done $0x0  }
0x85: {  	s2 =	sadd.s32 $0x1500, s29;
	[sflag:s23] =	ssyncadd.s32 $0xFFFFC000  }
0x86: {  	[spmem:s3] =	stream.indirect.scatter.add.f32 [tilespmem:s21], [sflag:$0x3], $0x80, s2, s20, $0xb8;
	[tilespmem:$0x1DA80] =	vst v63  }
0x87: {  	_ =	swait.ge [sflag:s24], $0x4000  }
0x88: {  	[sflag:s24] =	ssyncset.done $0x0  }
0x89: {  	s2 =	sadd.s32 $0x600, s29;
	[sflag:s24] =	ssyncadd.s32 $0xFFFFC000  }
0x8a: {  	[tilespmem:s21], [sflag:$0x1] =	stream.indirect.gather [hbm4b:s5+s20], $0x80, s2, s20, $0xb8;
	[tilespmem:$0x1DA80] =	vst v63  }
0x8b: {  	_ =	swait.ge [sflag:s25], $0x4000  }
0x8c: {  	[sflag:s25] =	ssyncset.done $0x0  }
0x8d: {  	s2 =	sadd.s32 $0x1580, s29;
	[sflag:s25] =	ssyncadd.s32 $0xFFFFC000  }
0x8e: {  	[spmem:s3] =	stream.indirect.scatter.add.f32 [tilespmem:s22], [sflag:$0x4], $0x80, s2, s20, $0xb8;
	[tilespmem:$0x1DA80] =	vst v63  }
0x8f: {  	_ =	swait.ge [sflag:s26], $0x4000  }
0x90: {  	[sflag:s26] =	ssyncset.done $0x0  }
0x91: {  	s2 =	sadd.s32 $0x680, s29;
	[sflag:s26] =	ssyncadd.s32 $0xFFFFC000  }
0x92: {  	[tilespmem:s22], [sflag:$0x2] =	stream.indirect.gather [hbm4b:s5+s20], $0x80, s2, s20, $0xb8;
	[tilespmem:$0x1DA80] =	vst v63  }
0x93: {  	_ =	swait.ge [sflag:s23], $0x4000  }
0x94: {  	[sflag:s23] =	ssyncset.done $0x0  }
0x95: {  	s2 =	sadd.s32 $0x1600, s29;
	[sflag:s23] =	ssyncadd.s32 $0xFFFFC000  }
0x96: {  	[spmem:s3] =	stream.indirect.scatter.add.f32 [tilespmem:s21], [sflag:$0x3], $0x80, s2, s20, $0xb8;
	[tilespmem:$0x1DA80] =	vst v63  }
0x97: {  	_ =	swait.ge [sflag:s24], $0x4000  }
0x98: {  	[sflag:s24] =	ssyncset.done $0x0  }
0x99: {  	s2 =	sadd.s32 $0x700, s29;
	[sflag:s24] =	ssyncadd.s32 $0xFFFFC000  }
0x9a: {  	[tilespmem:s21], [sflag:$0x1] =	stream.indirect.gather [hbm4b:s5+s20], $0x80, s2, s20, $0xb8;
	[tilespmem:$0x1DA80] =	vst v63  }
0x9b: {  	_ =	swait.ge [sflag:s25], $0x4000  }
0x9c: {  	[sflag:s25] =	ssyncset.done $0x0  }
0x9d: {  	s2 =	sadd.s32 $0x1680, s29;
	[sflag:s25] =	ssyncadd.s32 $0xFFFFC000  }
0x9e: {  	[spmem:s3] =	stream.indirect.scatter.add.f32 [tilespmem:s22], [sflag:$0x4], $0x80, s2, s20, $0xb8;
	[tilespmem:$0x1DA80] =	vst v63  }
0x9f: {  	_ =	swait.ge [sflag:s26], $0x4000  }
0xa0: {  	[sflag:s26] =	ssyncset.done $0x0  }
0xa1: {  	s2 =	sadd.s32 $0x780, s29;
	[sflag:s26] =	ssyncadd.s32 $0xFFFFC000  }
0xa2: {  	[tilespmem:s22], [sflag:$0x2] =	stream.indirect.gather [hbm4b:s5+s20], $0x80, s2, s20, $0xb8;
	[tilespmem:$0x1DA80] =	vst v63  }
0xa3: {  	_ =	swait.ge [sflag:s23], $0x4000  }
0xa4: {  	[sflag:s23] =	ssyncset.done $0x0  }
0xa5: {  	p0 =	slt.u32 s30, $0xA;
	s2 =	sadd.s32 $0x1700, s29;
	[sflag:s23] =	ssyncadd.s32 $0xFFFFC000  }
0xa6: {  	[spmem:s3] =	stream.indirect.scatter.add.f32 [tilespmem:s21], [sflag:$0x3], $0x80, s2, s20, $0xb8;
	[tilespmem:$0x1DA80] =	vst v63  }
.Ltmp3:
0xa7: {  	_ = 	snop;
	(pc) =	sbr.rel @!p0 .LBB2_8-.Ltmp3, $4  }
0xa8: {  	_ =	swait.ge [sflag:s25], $0x4000  }
0xa9: {  	[sflag:s25] =	ssyncset.done $0x0  }
0xaa: {  	s31 =	smov.u32 s30;
	s29 =	sadd.s32 $0x1780, s29;
	[sflag:s25] =	ssyncadd.s32 $0xFFFFC000  }
0xab: {  	[spmem:s3] =	stream.indirect.scatter.add.f32 [tilespmem:s22], [sflag:$0x4], $0x80, s29, s20, $0xb8;
	[tilespmem:$0x1DA80] =	vst v63  }
.LBB2_2:
0xac: {  	_ =	swait.ge [sflag:s18], $0x800;
	p0 =	sne.s32 s31, $0x0  }
.Ltmp4:
0xad: {  	[sflag:s18] =	ssyncset.done $0x0;
	(pc) =	sbr.rel @!p0 .LBB2_3-.Ltmp4, $4  }
0xae: {  	[sflag:s18] =	ssyncadd.s32 $0xFFFFF800  }
0xaf: {  	_ =	swait.ge [sflag:s19], $0x800  }
0xb0: {  	s29 =	sshll.u32 s31, $0xB;
	[sflag:s19] =	ssyncset.done $0x0  }
0xb1: {  	s29 =	sand.u32 $0x800, s29;
	[sflag:s19] =	ssyncadd.s32 $0xFFFFF800  }
0xb2: {  	_ =	swait.ge [sflag:s24], $0x4000  }
0xb3: {  	p0 =	seq.s32 s31, $0x9;
	[sflag:s24] =	ssyncset.done $0x0  }
.Ltmp5:
0xb4: {  	[sflag:s24] =	ssyncadd.s32 $0xFFFFC000;
	(pc) =	sbr.rel @p0 .LBB2_7-.Ltmp5, $4  }
0xb5: {  	[tilespmem:s21], [sflag:$0x1] =	stream.indirect.gather [hbm4b:s5+s20], $0x80, s29, s20, $0xb8;
	[tilespmem:$0x1DA80] =	vst v63  }
0xb6: {  	_ =	swait.ge [sflag:s26], $0x4000  }
0xb7: {  	[sflag:s26] =	ssyncset.done $0x0  }
0xb8: {  	s30 =	simm.s32 $0xA;
	[sflag:s26] =	ssyncadd.s32 $0xFFFFC000  }
.Ltmp6:
0xb9: {  	(pc) =	sbr.rel .LBB2_6-.Ltmp6, $2  }
0xba: {  	_ =	sdelay $0x2  }
0xbb: {  	s30 =	sadd.s32 $0x1, s31  }
.LBB2_9:
0xbc: {  	_ =	sfence.sel $0x180000  }
0xbd: {  	[bflag:$0x0] =	sbarrier.arrive $0xFFFF  }
0xbe: {  	_ =	strace $0x9000004A  }
0xbf: {  	s0 =	stileid.u32;
	[bflag:$0x2] =	sbarrier.arrive $0xFFFF  }
0xc0: {  	p0 =	sne.s32 s0, $0x0;
	s0 =	rddreg [dreg:$0x3]  }
0xc1: {  	s0 =	sadd.s32 @!p0 $0x100000, s0  }
0xc2: {  	[sflag:s0] =	ssyncadd.tile.s32 @!p0 $0x1;
	_ =	shalt  }
.Lfunc_end2:
_tile_overlayer_lowered:
.L_overlay_start_2:
0xc3: {  	(tag) =	ssettag $0x2  }
0xc4: {  	s0 =	rddreg [dreg:$0x0];
	s2 =	stileid.u32  }
0xc5: {  	s1 =	rddreg [dreg:$0x1];
	p0 =	sne.s32 s2, $0x0  }
0xc6: {  	s3 =	rddreg [dreg:$0x2];
	[bflag:$0x3] =	sbarrier.arrive $0xFFFF;
	s2 =	simm.s32 @!p0 $0x1C07  }
0xc7: {  	[timem:s3], [sflag:s2] =	dma.local @!p0 [hbm:s0], s1  }
0xc8: {  	s0 =	simm.s32 @!p0 $0x7  }
0xc9: {  	_ =	swait.ge @!p0 [sflag:s0], s1  }
0xca: {  	s1 =	ssub.s32 @!p0 $0x0, s1;
	[sflag:s0] =	ssyncset.done @!p0 $0x0  }
0xcb: {  	[sflag:s0] =	ssyncadd.s32 @!p0 s1  }
0xcc: {  	[bflag:$0x3] =	sbarrier.arrive $0xFFFF  }
0xcd: {  	_ =	shalt  }

// kernel: kernel.15.cloned.1.call-start
scs
__scs_entry_jumppad:
0x0: {  	(pc) =	sbr.rel $0x88, $3  }
0x1: {  	(tag) =	ssettag $0x0;
	lr =	simm.s32 $0x1  }
0x2: {  	[smem:$0x3F7D] =	sst lr;
	_ =	strace $0xD0000000  }
0x3: {  	_ = 	snop  }
0x4: {  	_ = 	snop  }
0x5: {  	_ = 	snop  }
0x6: {  	_ = 	snop  }
0x7: {  	_ = 	snop  }
__scs_overlays_trampoline_lowered:
0x8: {  	[smem:$0x3F8C] =	sst s0  }
0x9: {  	[smem:$0x3F8D] =	sst s1  }
0xa: {  	[smem:$0x3F8E] =	sst s2  }
0xb: {  	[smem:$0x3F8F] =	sst s3  }
0xc: {  	[smem:$0x3F90] =	sst s4  }
0xd: {  	[smem:$0x3F91] =	sst s5  }
0xe: {  	[smem:$0x3F92] =	sst s6  }
0xf: {  	[smem:$0x3F93] =	sst s7  }
0x10: {  	[smem:$0x3F94] =	sst s8  }
0x11: {  	[smem:$0x3F95] =	sst s9;
	s0 =	simm.s32 @!p0 $0x0  }
0x12: {  	s1 =	sld [smem:$0x3F7B];
	s0 =	simm.s32 @p0 $0x1  }
0x13: {  	[smem:$0x3F96] =	sst s0;
	s0 =	simm.s32 @!p1 $0x0  }
0x14: {  	s2 =	sld [smem:$0x3F7A];
	s0 =	simm.s32 @p1 $0x1  }
0x15: {  	[smem:$0x3F97] =	sst s0;
	s0 =	simm.s32 @!p2 $0x0  }
0x16: {  	s3 =	sld [smem:$0x3FDB];
	s0 =	simm.s32 @p2 $0x1  }
0x17: {  	s4 =	simm.s32 $0x1BF5;
	[smem:$0x3F99] =	sst s0  }
0x18: {  	s0 =	sld [smem:$0x3F7C];
	_ =	swait.ge [sflag:s4], $0x0  }
0x19: {  	s7 =	sld [smem:$0x3F7D]  }
0x1a: {  	s8 =	sadd.s32 $0xFFFFE003, lr  }
0x1b: {  	s9 =	sadd.s32 $0xFFFFFEF7, lr;
	s5 =	simm.s32 $0xFFFFFFFF;
	p2 =	slt.u32 s8, $0xFFFFF086  }
0x1c: {  	p1 =	slt.u32 s9, $0xF7A;
	s5 =	simm.s32 @!p2 $0x0  }
0x1d: {  	s5 =	simm.s32 @p1 $0x1;
	p0 =	seq.s32 s7, s2  }
0x1e: {  	s7 =	smul.u32 @!p0 $0xF7A, s2;
	p2 =	seq.s32 @!p0 s5, $0x0  }
0x1f: {  	s9 =	smul.u32 $0xF7A, s1;
	s8 =	simm.s32 @!p0 $0x1BF5;
	p2 =	por !p2, p0  }
0x20: {  	[sflag:s8] =	ssyncset.s32 @!p0 $0xFFFFF086;
	s6 =	sadd.s32 @!p0 s3, s7;
	s7 =	simm.s32 @!p0 $0x108  }
0x21: {  	s3 =	sadd.s32 s3, s9;
	s6 =	sadd.s32 @!p0 $0x88, s6;
	s7 =	simm.s32 @p2 $0x1082  }
0x22: {  	[simem:s7], [sflag:s8] =	dma.local @!p0 [hbm:s6], $0xF7A  }
0x23: {  	s9 =	sor.u32 $0xD0000000, s2;
	s6 =	simm.s32 $0x108;
	_ =	swait.ge @!p0 [sflag:s8], $0x0  }
0x24: {  	s3 =	sadd.s32 $0x88, s3;
	s6 =	simm.s32 @!p1 $0x1082;
	[sflag:s4] =	ssyncset.s32 $0xFFFFF086  }
0x25: {  	[simem:s6], [sflag:s4] =	dma.local [hbm:s3], $0xF7A  }
0x26: {  	[smem:$0x3F7D] =	sst s1;
	(tag) =	ssettag s2;
	_ =	strace s9  }
0x27: {  	s1 =	sld [smem:$0x3F8D]  }
0x28: {  	s2 =	sld [smem:$0x3F8E]  }
0x29: {  	s4 =	sld [smem:$0x3F90]  }
0x2a: {  	p0 =	seq.s32 s5, $0x0;
	s5 =	sld [smem:$0x3F91]  }
0x2b: {  	s6 =	sld [smem:$0x3F92]  }
0x2c: {  	s7 =	sld [smem:$0x3F93]  }
0x2d: {  	s3 =	simm.s32 $0x108;
	s8 =	sld [smem:$0x3F94]  }
0x2e: {  	s3 =	simm.s32 @!p0 $0x1082;
	s9 =	sld [smem:$0x3F95]  }
0x2f: {  	lr =	sadd.s32 s0, s3;
	s0 =	sld [smem:$0x3F8C]  }
0x30: {  	s3 =	sld [smem:$0x3F8F]  }
0x31: {  	[smem:$0x3F98] =	sst s10  }
0x32: {  	s10 =	sld [smem:$0x3F96];
	_ =	sdelay $0x3  }
0x33: {  	p0 =	seq.s32 s10, $0x1;
	s10 =	sld [smem:$0x3F98];
	_ =	sdelay $0x3  }
0x34: {  	[smem:$0x3F98] =	sst s10  }
0x35: {  	s10 =	sld [smem:$0x3F97];
	_ =	sdelay $0x3  }
0x36: {  	p1 =	seq.s32 s10, $0x1;
	s10 =	sld [smem:$0x3F98];
	_ =	sdelay $0x3  }
0x37: {  	[smem:$0x3F98] =	sst s10  }
0x38: {  	s10 =	sld [smem:$0x3F99]  }
0x39: {  	_ = 	snop;
	(pc) =	sbr.ind lr, $3  }
0x3a: {  	_ = 	snop  }
0x3b: {  	_ = 	snop  }
0x3c: {  	p2 =	seq.s32 s10, $0x1;
	s10 =	sld [smem:$0x3F98]  }
0x3d: {  	_ =	shalt  }
0x3e: {  	_ =	shalt  }
0x3f: {  	_ =	shalt  }
0x40: {  	_ =	shalt  }
0x41: {  	_ =	shalt  }
0x42: {  	_ =	shalt  }
0x43: {  	_ =	shalt  }
0x44: {  	_ =	shalt  }
0x45: {  	_ =	shalt  }
0x46: {  	_ =	shalt  }
0x47: {  	_ =	shalt  }
0x48: {  	_ =	shalt  }
0x49: {  	_ =	shalt  }
0x4a: {  	_ =	shalt  }
0x4b: {  	_ =	shalt  }
0x4c: {  	_ =	shalt  }
0x4d: {  	_ =	shalt  }
0x4e: {  	_ =	shalt  }
0x4f: {  	_ =	shalt  }
0x50: {  	_ =	shalt  }
0x51: {  	_ =	shalt  }
0x52: {  	_ =	shalt  }
0x53: {  	_ =	shalt  }
0x54: {  	_ =	shalt  }
0x55: {  	_ =	shalt  }
0x56: {  	_ =	shalt  }
0x57: {  	_ =	shalt  }
0x58: {  	_ =	shalt  }
0x59: {  	_ =	shalt  }
0x5a: {  	_ =	shalt  }
0x5b: {  	_ =	shalt  }
0x5c: {  	_ =	shalt  }
0x5d: {  	_ =	shalt  }
0x5e: {  	_ =	shalt  }
0x5f: {  	_ =	shalt  }
0x60: {  	_ =	shalt  }
0x61: {  	_ =	shalt  }
0x62: {  	_ =	shalt  }
0x63: {  	_ =	shalt  }
0x64: {  	_ =	shalt  }
0x65: {  	_ =	shalt  }
0x66: {  	_ =	shalt  }
0x67: {  	_ =	shalt  }
0x68: {  	_ =	shalt  }
0x69: {  	_ =	shalt  }
0x6a: {  	_ =	shalt  }
0x6b: {  	_ =	shalt  }
0x6c: {  	_ =	shalt  }
0x6d: {  	_ =	shalt  }
0x6e: {  	_ =	shalt  }
0x6f: {  	_ =	shalt  }
0x70: {  	_ =	shalt  }
0x71: {  	_ =	shalt  }
0x72: {  	_ =	shalt  }
0x73: {  	_ =	shalt  }
0x74: {  	_ =	shalt  }
0x75: {  	_ =	shalt  }
0x76: {  	_ =	shalt  }
0x77: {  	_ =	shalt  }
0x78: {  	_ =	shalt  }
0x79: {  	_ =	shalt  }
0x7a: {  	_ =	shalt  }
0x7b: {  	_ =	shalt  }
0x7c: {  	_ =	shalt  }
0x7d: {  	_ =	shalt  }
0x7e: {  	_ =	shalt  }
0x7f: {  	_ =	shalt  }
0x80: {  	_ =	shalt  }
0x81: {  	_ =	shalt  }
0x82: {  	_ =	shalt  }
0x83: {  	_ =	shalt  }
0x84: {  	_ =	shalt  }
0x85: {  	_ =	shalt  }
0x86: {  	_ =	shalt  }
0x87: {  	_ =	shalt  }
.Lfunc_end0:
.L_simem_size_0:
called_computation.2_lowered:
.L_overlay_start_0:
0x88: {  	s2 =	sld [smem:$0x3FD9]  }
0x89: {  	s3 =	sld [smem:$0x3FFE];
	_ =	sdelay $0x1  }
0x8a: {  	s1 =	srdreg.scid  }
0x8b: {  	s0 =	sand.u32 $0x1, s1  }
0x8c: {  	s17 =	sshll.u32 s0, $0xA;
	s2 =	sadd.s32 s3, s2  }
0x8d: {  	s2 =	sadd.s32 s2, s17  }
0x8e: {  	[smem:$0x3FA4] =	sst s2  }
0x8f: {  	_ = 	snop  }
0x90: {  	s2 =	sld [smem:$0x3FD0];
	(tm) =	ssettm $0x1  }
0x91: {  	s18 =	sld [smem:$0x3FFB];
	_ =	sdelay $0x3  }
0x92: {  	_ =	strace s18  }
0x93: {  	s3 =	sld [smem:$0x3FFC];
	_ =	sdelay $0x3  }
0x94: {  	_ =	strace s3  }
0x95: {  	s3 =	sld [smem:$0x3FFD];
	_ =	sdelay $0x3  }
0x96: {  	_ =	strace s3  }
0x97: {  	_ =	strace $0x8FFFFFFF  }
0x98: {  	s19 =	sld [smem:$0x3FDB];
	_ =	sdelay $0x1  }
0x99: {  	s4 =	simm.s32 $_scs_section_size  }
0x9a: {  	s5 =	simm.s32 $_size__tile_overlayer_lowered;
	s6 =	simm.s32 $_tile_overlayer_lowered  }
0x9b: {  	s22 =	simm.s32 $0x1BFF;
	s21 =	sshll.u32 s6, $0x1;
	s3 =	sadd.s32 s4, s19  }
0x9c: {  	s7 =	simm.s32 $0x0;
	s20 =	sshll.u32 s5, $0x1;
	s5 =	sadd.s32 s21, s3  }
0x9d: {  	[timem:s7], [sflag:s22] =	dma.local [hbm:s5], s20  }
0x9e: {  	_ =	swait.ge [sflag:s22], s20  }
0x9f: {  	s4 =	ssub.s32 $0x0, s20;
	[sflag:s22] =	ssyncset.done $0x0  }
0xa0: {  	[sflag:s22] =	ssyncadd.s32 s4;
	_ =	sdelay $0x1  }
0xa1: {  	s23 =	simm.s32 $0x1B8B  }
0xa2: {  	_ =	swait.ge [sflag:s23], $0x1  }
0xa3: {  	[sflag:s23] =	ssyncset.done $0x0  }
0xa4: {  	s25 =	simm.s32 $0x1B8E;
	s24 =	sld [smem:$0x3FFE];
	[sflag:s23] =	ssyncadd.s32 $0xFFFFFFFF  }
0xa5: {  	s26 =	simm.s32 $execute0_lowered;
	[smem:$0x3FD2] =	sst s25  }
0xa6: {  	s5 =	sshll.u32 s26, $0x1;
	_ =	strace $0x8000004C;
	[dreg:$0x1] =	wrdreg $0xFFFFFFFF  }
0xa7: {  	s28 =	simm.s32 $_size_execute0_lowered;
	s3 =	sadd.s32 s3, s5;
	[dreg:$0x0] =	wrdreg $0x0  }
0xa8: {  	s5 =	sshll.u32 s28, $0x1;
	[dreg:$0x2] =	wrdreg s3  }
0xa9: {  	[dreg:$0x3] =	wrdreg s5  }
0xaa: {  	[dreg:$0x4] =	wrdreg $0xC0  }
0xab: {  	_ =	task [dreg:s7], $0x5FFFF  }
0xac: {  	[dreg:$0x1] =	wrdreg $0xFFFFFFFF  }
0xad: {  	[dreg:$0x0] =	wrdreg $0x60  }
0xae: {  	[dreg:$0x2] =	wrdreg s24  }
0xaf: {  	[dreg:$0x3] =	wrdreg s2  }
0xb0: {  	[dreg:$0x4] =	wrdreg $0xA0000  }
0xb1: {  	[dreg:$0x5] =	wrdreg $0x9  }
0xb2: {  	_ =	task.clear_ibuf [dreg:s7], $0x6FFFF;
	_ =	strace $0x9000004C  }
0xb3: {  	s29 =	simm.s32 $0x9;
	_ =	strace $0x8000004E  }
0xb4: {  	_ =	swait.ge [sflag:s29], $0x1  }
0xb5: {  	[sflag:s29] =	ssyncadd.s32 $0xFFFFFFFF  }
0xb6: {  	_ =	strace $0x9000004E  }
0xb7: {  	_ =	sfence  }
0xb8: {  	s30 =	sld [smem:$0x0];
	_ =	sdelay $0x2  }
0xb9: {  	s31 =	sshll.u32 s1, $0xD;
	s1 =	sshrl.u32 s1, $0x2  }
0xba: {  	s3 =	sand.u32 $0x4000, s31;
	s1 =	sadd.s32 s1, s30  }
0xbb: {  	s0 =	sor.u32 s3, s0;
	s1 =	sshll.u32 s1, $0x11  }
0xbc: {  	s0 =	sor.u32 s1, s0  }
0xbd: {  	s0 =	sadd.s32 $0x8F2B, s0  }
0xbe: {  	[sflag:s0] =	ssyncadd.remote.s32 $0x1  }
0xbf: {  	_ =	sfence.sel $0xFFFF  }
0xc0: {  	[dreg:$0x0] =	wrdreg $0xFFFFFFFF;
	(pc) =	sbr.abs _section_cstart, $3  }
0xc1: {  	[dreg:$0x1] =	wrdreg $0xFFFFFFFF  }
0xc2: {  	_ =	task.clear_ibuf [dreg:s7], $0x2FFFF;
	_ =	strace $0x9FFFFFFF  }
0xc3: {  	(tm) =	ssettm $0x7FFFFFFF  }
tec
execute0_lowered:
.L_overlay_start_1:
0x0: {  	(tag) =	ssettag $0x1  }
0x1: {  	s8 =	rddreg [dreg:$0x0]  }
0x2: {  	s1 =	rddreg [dreg:$0x1]  }
0x3: {  	s3 =	rddreg [dreg:$0x2];
	s4 =	simm.s32 $0x0  }
0x4: {  	s5 =	srdreg.scid;
	s0 =	stileid.u32;
	s17 =	simm.s32 $0x1000  }
0x5: {  	s18 =	simm.s32 $0x5;
	s19 =	simm.s32 $0x6;
	s20 =	simm.s32 $0x80  }
0x6: {  	s21 =	simm.s32 $0x2000;
	s22 =	simm.s32 $0x6000;
	s23 =	simm.s32 $0x1  }
0x7: {  	s24 =	simm.s32 $0x3;
	s25 =	simm.s32 $0x2;
	s28 =	simm.s32 $0x0  }
0x8: {  	[smem:$0x7FF] =	sst s4;
	s7 =	sand.u32 $0x1, s5;
	s9 =	smul.u32 $0x278, s0  }
0x9: {  	p0 =	seq.s32 s0, $0xF;
	s5 =	sadd.s32 $0x1A600, s8;
	s29 =	smul.u32 $0xA00, s0  }
0xa: {  	s6 =	sadd.s32 $0x6600, s8;
	s30 =	sshll.u32 s0, $0x6;
	s10 =	smul.u32 $0x2710, s7  }
0xb: {  	_ =	strace $0x8000004D;
	s11 =	ssub.s32 $0x2, s7;
	s12 =	smul.u32 $0xA00, s7  }
0xc: {  	s7 =	smul.u32 $0xA0, s0;
	s9 =	simm.s32 @p0 $0x2498;
	s13 =	sshrl.u32 s11, $0x1  }
0xd: {  	s10 =	sadd.s32 s10, s9;
	s15 =	ssub.s32 s11, s13;
	s26 =	sshll.u32 s9, $0x7  }
.Ltmp0:
0xe: {  	s10 =	sshll.u32 s10, $0x4;
	s16 =	sadd.s32 s26, s3;
	(pc) =	sbr.rel .LBB2_1-.Ltmp0, $4  }
0xf: {  	s26 =	simm.s32 $0x4;
	s14 =	sadd.s32 s10, s8;
	s8 =	sadd.s32 s7, s12  }
0x10: {  	s9 =	sadd.s32 s5, s10;
	s10 =	sor.u32 $0x1C07, s30;
	s12 =	sadd.s32 s1, s29  }
0x11: {  	s31 =	sshll.u32 s8, $0x4;
	s13 =	sadd.s32 $0x68800, s14;
	s14 =	smax.u32 s15, $0x1  }
0x12: {  	s15 =	sshrl.u32 s16, $0x3;
	s16 =	simm.s32 $0x7;
	s11 =	sadd.s32 s6, s31  }
.LBB2_8:
0x13: {  	_ =	swait.ge [sflag:s24], $0x4000  }
0x14: {  	[sflag:s24] =	ssyncset.done $0x0  }
0x15: {  	[sflag:s24] =	ssyncadd.s32 $0xFFFFC000  }
0x16: {  	_ =	swait.ge [sflag:s26], $0x4000  }
0x17: {  	s28 =	sadd.s32 $0x1, s28;
	[sflag:s26] =	ssyncset.done $0x0  }
0x18: {  	p0 =	sne.s32 s28, s14;
	[sflag:s26] =	ssyncadd.s32 $0xFFFFC000  }
.Ltmp1:
0x19: {  	[bflag:$0x0] =	sbarrier.arrive $0xFFFF;
	(pc) =	sbr.rel @!p0 .LBB2_9-.Ltmp1, $4  }
0x1a: {  	[hbm:s13], [sflag:s10] =	dma.local [spmem:s15], $0x2780  }
0x1b: {  	_ =	swait.ge [sflag:s16], $0x2780  }
0x1c: {  	[sflag:s16] =	ssyncset.done $0x0  }
0x1d: {  	[sflag:s16] =	ssyncadd.s32 $0xFFFFD880  }
.LBB2_1:
0x1e: {  	[spmem:s15], [sflag:s10] =	dma.local [hbm:s9], $0x2780  }
0x1f: {  	_ =	swait.ge [sflag:s16], $0x2780  }
0x20: {  	[sflag:s16] =	ssyncset.done $0x0  }
.Ltmp2:
0x21: {  	[sflag:s16] =	ssyncadd.s32 $0xFFFFD880;
	(pc) =	sbr.rel .LBB2_2-.Ltmp2, $4  }
0x22: {  	[bflag:$0x0] =	sbarrier.arrive $0xFFFF  }
0x23: {  	[tilespmem:s4], [sflag:$0x5] =	stream.linear.gather [hbm4b:s11+s4], $0x800, $0x38;
	[tilespmem:$0x1DA80] =	vst v63  }
0x24: {  	s31 =	simm.s32 $0x0  }
0x25: {  	[tilespmem:s17], [sflag:$0x6] =	stream.linear.gather [hbm4b:s12+s4], $0x800, $0x38;
	[tilespmem:$0x1DA80] =	vst v63  }
.LBB2_3:
0x26: {  	[tilespmem:s21], [sflag:$0x1] =	stream.indirect.gather [hbm4b:s5+s20], $0x80, s29, s20, $0xb8;
	[tilespmem:$0x1DA80] =	vst v63  }
0x27: {  	s30 =	simm.s32 $0x1  }
.LBB2_6:
0x28: {  	s31 =	sshll.u32 s30, $0x4  }
0x29: {  	s0 =	sadd.s32 s8, s31  }
0x2a: {  	s0 =	sshll.u32 s0, $0x4  }
0x2b: {  	s2 =	ssub.s32 $0x800, s29;
	s0 =	sadd.s32 s6, s0  }
0x2c: {  	[tilespmem:s2], [sflag:$0x5] =	stream.linear.gather [hbm4b:s0+s4], $0x800, $0x38;
	[tilespmem:$0x1DA80] =	vst v63  }
0x2d: {  	s2 =	sadd.s32 s7, s31  }
0x2e: {  	s0 =	sshll.u32 s2, $0x4  }
0x2f: {  	s31 =	ssub.s32 $0x1800, s29;
	s0 =	sadd.s32 s1, s0  }
0x30: {  	[tilespmem:s31], [sflag:$0x6] =	stream.linear.gather [hbm4b:s0+s4], $0x800, $0x38;
	[tilespmem:$0x1DA80] =	vst v63  }
.LBB2_7:
0x31: {  	s0 =	sadd.s32 $0x80, s29  }
0x32: {  	[tilespmem:s22], [sflag:$0x2] =	stream.indirect.gather [hbm4b:s5+s20], $0x80, s0, s20, $0xb8;
	[tilespmem:$0x1DA80] =	vst v63  }
0x33: {  	_ =	swait.ge [sflag:s23], $0x4000  }
0x34: {  	[sflag:s23] =	ssyncset.done $0x0  }
0x35: {  	s2 =	sor.u32 $0x1000, s29;
	[sflag:s23] =	ssyncadd.s32 $0xFFFFC000  }
0x36: {  	[spmem:s3] =	stream.indirect.scatter.add.f32 [tilespmem:s21], [sflag:$0x3], $0x80, s2, s20, $0xb8;
	[tilespmem:$0x1DA80] =	vst v63  }
0x37: {  	_ =	swait.ge [sflag:s24], $0x4000  }
0x38: {  	[sflag:s24] =	ssyncset.done $0x0  }
0x39: {  	s2 =	sadd.s32 $0x100, s29;
	[sflag:s24] =	ssyncadd.s32 $0xFFFFC000  }
0x3a: {  	[tilespmem:s21], [sflag:$0x1] =	stream.indirect.gather [hbm4b:s5+s20], $0x80, s2, s20, $0xb8;
	[tilespmem:$0x1DA80] =	vst v63  }
0x3b: {  	_ =	swait.ge [sflag:s25], $0x4000  }
0x3c: {  	[sflag:s25] =	ssyncset.done $0x0  }
0x3d: {  	s2 =	sadd.s32 $0x1080, s29;
	[sflag:s25] =	ssyncadd.s32 $0xFFFFC000  }
0x3e: {  	[spmem:s3] =	stream.indirect.scatter.add.f32 [tilespmem:s22], [sflag:$0x4], $0x80, s2, s20, $0xb8;
	[tilespmem:$0x1DA80] =	vst v63  }
0x3f: {  	_ =	swait.ge [sflag:s26], $0x4000  }
0x40: {  	[sflag:s26] =	ssyncset.done $0x0  }
0x41: {  	s2 =	sadd.s32 $0x180, s29;
	[sflag:s26] =	ssyncadd.s32 $0xFFFFC000  }
0x42: {  	[tilespmem:s22], [sflag:$0x2] =	stream.indirect.gather [hbm4b:s5+s20], $0x80, s2, s20, $0xb8;
	[tilespmem:$0x1DA80] =	vst v63  }
0x43: {  	_ =	swait.ge [sflag:s23], $0x4000  }
0x44: {  	[sflag:s23] =	ssyncset.done $0x0  }
0x45: {  	s2 =	sadd.s32 $0x1100, s29;
	[sflag:s23] =	ssyncadd.s32 $0xFFFFC000  }
0x46: {  	[spmem:s3] =	stream.indirect.scatter.add.f32 [tilespmem:s21], [sflag:$0x3], $0x80, s2, s20, $0xb8;
	[tilespmem:$0x1DA80] =	vst v63  }
0x47: {  	_ =	swait.ge [sflag:s24], $0x4000  }
0x48: {  	[sflag:s24] =	ssyncset.done $0x0  }
0x49: {  	s2 =	sadd.s32 $0x200, s29;
	[sflag:s24] =	ssyncadd.s32 $0xFFFFC000  }
0x4a: {  	[tilespmem:s21], [sflag:$0x1] =	stream.indirect.gather [hbm4b:s5+s20], $0x80, s2, s20, $0xb8;
	[tilespmem:$0x1DA80] =	vst v63  }
0x4b: {  	_ =	swait.ge [sflag:s25], $0x4000  }
0x4c: {  	[sflag:s25] =	ssyncset.done $0x0  }
0x4d: {  	s2 =	sadd.s32 $0x1180, s29;
	[sflag:s25] =	ssyncadd.s32 $0xFFFFC000  }
0x4e: {  	[spmem:s3] =	stream.indirect.scatter.add.f32 [tilespmem:s22], [sflag:$0x4], $0x80, s2, s20, $0xb8;
	[tilespmem:$0x1DA80] =	vst v63  }
0x4f: {  	_ =	swait.ge [sflag:s26], $0x4000  }
0x50: {  	[sflag:s26] =	ssyncset.done $0x0  }
0x51: {  	s2 =	sadd.s32 $0x280, s29;
	[sflag:s26] =	ssyncadd.s32 $0xFFFFC000  }
0x52: {  	[tilespmem:s22], [sflag:$0x2] =	stream.indirect.gather [hbm4b:s5+s20], $0x80, s2, s20, $0xb8;
	[tilespmem:$0x1DA80] =	vst v63  }
0x53: {  	_ =	swait.ge [sflag:s23], $0x4000  }
0x54: {  	[sflag:s23] =	ssyncset.done $0x0  }
0x55: {  	s2 =	sadd.s32 $0x1200, s29;
	[sflag:s23] =	ssyncadd.s32 $0xFFFFC000  }
0x56: {  	[spmem:s3] =	stream.indirect.scatter.add.f32 [tilespmem:s21], [sflag:$0x3], $0x80, s2, s20, $0xb8;
	[tilespmem:$0x1DA80] =	vst v63  }
0x57: {  	_ =	swait.ge [sflag:s24], $0x4000  }
0x58: {  	[sflag:s24] =	ssyncset.done $0x0  }
0x59: {  	s2 =	sadd.s32 $0x300, s29;
	[sflag:s24] =	ssyncadd.s32 $0xFFFFC000  }
0x5a: {  	[tilespmem:s21], [sflag:$0x1] =	stream.indirect.gather [hbm4b:s5+s20], $0x80, s2, s20, $0xb8;
	[tilespmem:$0x1DA80] =	vst v63  }
0x5b: {  	_ =	swait.ge [sflag:s25], $0x4000  }
0x5c: {  	[sflag:s25] =	ssyncset.done $0x0  }
0x5d: {  	s2 =	sadd.s32 $0x1280, s29;
	[sflag:s25] =	ssyncadd.s32 $0xFFFFC000  }
0x5e: {  	[spmem:s3] =	stream.indirect.scatter.add.f32 [tilespmem:s22], [sflag:$0x4], $0x80, s2, s20, $0xb8;
	[tilespmem:$0x1DA80] =	vst v63  }
0x5f: {  	_ =	swait.ge [sflag:s26], $0x4000  }
0x60: {  	[sflag:s26] =	ssyncset.done $0x0  }
0x61: {  	s2 =	sadd.s32 $0x380, s29;
	[sflag:s26] =	ssyncadd.s32 $0xFFFFC000  }
0x62: {  	[tilespmem:s22], [sflag:$0x2] =	stream.indirect.gather [hbm4b:s5+s20], $0x80, s2, s20, $0xb8;
	[tilespmem:$0x1DA80] =	vst v63  }
0x63: {  	_ =	swait.ge [sflag:s23], $0x4000  }
0x64: {  	[sflag:s23] =	ssyncset.done $0x0  }
0x65: {  	s2 =	sadd.s32 $0x1300, s29;
	[sflag:s23] =	ssyncadd.s32 $0xFFFFC000  }
0x66: {  	[spmem:s3] =	stream.indirect.scatter.add.f32 [tilespmem:s21], [sflag:$0x3], $0x80, s2, s20, $0xb8;
	[tilespmem:$0x1DA80] =	vst v63  }
0x67: {  	_ =	swait.ge [sflag:s24], $0x4000  }
0x68: {  	[sflag:s24] =	ssyncset.done $0x0  }
0x69: {  	s2 =	sadd.s32 $0x400, s29;
	[sflag:s24] =	ssyncadd.s32 $0xFFFFC000  }
0x6a: {  	[tilespmem:s21], [sflag:$0x1] =	stream.indirect.gather [hbm4b:s5+s20], $0x80, s2, s20, $0xb8;
	[tilespmem:$0x1DA80] =	vst v63  }
0x6b: {  	_ =	swait.ge [sflag:s25], $0x4000  }
0x6c: {  	[sflag:s25] =	ssyncset.done $0x0  }
0x6d: {  	s2 =	sadd.s32 $0x1380, s29;
	[sflag:s25] =	ssyncadd.s32 $0xFFFFC000  }
0x6e: {  	[spmem:s3] =	stream.indirect.scatter.add.f32 [tilespmem:s22], [sflag:$0x4], $0x80, s2, s20, $0xb8;
	[tilespmem:$0x1DA80] =	vst v63  }
0x6f: {  	_ =	swait.ge [sflag:s26], $0x4000  }
0x70: {  	[sflag:s26] =	ssyncset.done $0x0  }
0x71: {  	s2 =	sadd.s32 $0x480, s29;
	[sflag:s26] =	ssyncadd.s32 $0xFFFFC000  }
0x72: {  	[tilespmem:s22], [sflag:$0x2] =	stream.indirect.gather [hbm4b:s5+s20], $0x80, s2, s20, $0xb8;
	[tilespmem:$0x1DA80] =	vst v63  }
0x73: {  	_ =	swait.ge [sflag:s23], $0x4000  }
0x74: {  	[sflag:s23] =	ssyncset.done $0x0  }
0x75: {  	s2 =	sadd.s32 $0x1400, s29;
	[sflag:s23] =	ssyncadd.s32 $0xFFFFC000  }
0x76: {  	[spmem:s3] =	stream.indirect.scatter.add.f32 [tilespmem:s21], [sflag:$0x3], $0x80, s2, s20, $0xb8;
	[tilespmem:$0x1DA80] =	vst v63  }
0x77: {  	_ =	swait.ge [sflag:s24], $0x4000  }
0x78: {  	[sflag:s24] =	ssyncset.done $0x0  }
0x79: {  	s2 =	sadd.s32 $0x500, s29;
	[sflag:s24] =	ssyncadd.s32 $0xFFFFC000  }
0x7a: {  	[tilespmem:s21], [sflag:$0x1] =	stream.indirect.gather [hbm4b:s5+s20], $0x80, s2, s20, $0xb8;
	[tilespmem:$0x1DA80] =	vst v63  }
0x7b: {  	_ =	swait.ge [sflag:s25], $0x4000  }
0x7c: {  	[sflag:s25] =	ssyncset.done $0x0  }
0x7d: {  	s2 =	sadd.s32 $0x1480, s29;
	[sflag:s25] =	ssyncadd.s32 $0xFFFFC000  }
0x7e: {  	[spmem:s3] =	stream.indirect.scatter.add.f32 [tilespmem:s22], [sflag:$0x4], $0x80, s2, s20, $0xb8;
	[tilespmem:$0x1DA80] =	vst v63  }
0x7f: {  	_ =	swait.ge [sflag:s26], $0x4000  }
0x80: {  	[sflag:s26] =	ssyncset.done $0x0  }
0x81: {  	s2 =	sadd.s32 $0x580, s29;
	[sflag:s26] =	ssyncadd.s32 $0xFFFFC000  }
0x82: {  	[tilespmem:s22], [sflag:$0x2] =	stream.indirect.gather [hbm4b:s5+s20], $0x80, s2, s20, $0xb8;
	[tilespmem:$0x1DA80] =	vst v63  }
0x83: {  	_ =	swait.ge [sflag:s23], $0x4000  }
0x84: {  	[sflag:s23] =	ssyncset.done $0x0  }
0x85: {  	s2 =	sadd.s32 $0x1500, s29;
	[sflag:s23] =	ssyncadd.s32 $0xFFFFC000  }
0x86: {  	[spmem:s3] =	stream.indirect.scatter.add.f32 [tilespmem:s21], [sflag:$0x3], $0x80, s2, s20, $0xb8;
	[tilespmem:$0x1DA80] =	vst v63  }
0x87: {  	_ =	swait.ge [sflag:s24], $0x4000  }
0x88: {  	[sflag:s24] =	ssyncset.done $0x0  }
0x89: {  	s2 =	sadd.s32 $0x600, s29;
	[sflag:s24] =	ssyncadd.s32 $0xFFFFC000  }
0x8a: {  	[tilespmem:s21], [sflag:$0x1] =	stream.indirect.gather [hbm4b:s5+s20], $0x80, s2, s20, $0xb8;
	[tilespmem:$0x1DA80] =	vst v63  }
0x8b: {  	_ =	swait.ge [sflag:s25], $0x4000  }
0x8c: {  	[sflag:s25] =	ssyncset.done $0x0  }
0x8d: {  	s2 =	sadd.s32 $0x1580, s29;
	[sflag:s25] =	ssyncadd.s32 $0xFFFFC000  }
0x8e: {  	[spmem:s3] =	stream.indirect.scatter.add.f32 [tilespmem:s22], [sflag:$0x4], $0x80, s2, s20, $0xb8;
	[tilespmem:$0x1DA80] =	vst v63  }
0x8f: {  	_ =	swait.ge [sflag:s26], $0x4000  }
0x90: {  	[sflag:s26] =	ssyncset.done $0x0  }
0x91: {  	s2 =	sadd.s32 $0x680, s29;
	[sflag:s26] =	ssyncadd.s32 $0xFFFFC000  }
0x92: {  	[tilespmem:s22], [sflag:$0x2] =	stream.indirect.gather [hbm4b:s5+s20], $0x80, s2, s20, $0xb8;
	[tilespmem:$0x1DA80] =	vst v63  }
0x93: {  	_ =	swait.ge [sflag:s23], $0x4000  }
0x94: {  	[sflag:s23] =	ssyncset.done $0x0  }
0x95: {  	s2 =	sadd.s32 $0x1600, s29;
	[sflag:s23] =	ssyncadd.s32 $0xFFFFC000  }
0x96: {  	[spmem:s3] =	stream.indirect.scatter.add.f32 [tilespmem:s21], [sflag:$0x3], $0x80, s2, s20, $0xb8;
	[tilespmem:$0x1DA80] =	vst v63  }
0x97: {  	_ =	swait.ge [sflag:s24], $0x4000  }
0x98: {  	[sflag:s24] =	ssyncset.done $0x0  }
0x99: {  	s2 =	sadd.s32 $0x700, s29;
	[sflag:s24] =	ssyncadd.s32 $0xFFFFC000  }
0x9a: {  	[tilespmem:s21], [sflag:$0x1] =	stream.indirect.gather [hbm4b:s5+s20], $0x80, s2, s20, $0xb8;
	[tilespmem:$0x1DA80] =	vst v63  }
0x9b: {  	_ =	swait.ge [sflag:s25], $0x4000  }
0x9c: {  	[sflag:s25] =	ssyncset.done $0x0  }
0x9d: {  	s2 =	sadd.s32 $0x1680, s29;
	[sflag:s25] =	ssyncadd.s32 $0xFFFFC000  }
0x9e: {  	[spmem:s3] =	stream.indirect.scatter.add.f32 [tilespmem:s22], [sflag:$0x4], $0x80, s2, s20, $0xb8;
	[tilespmem:$0x1DA80] =	vst v63  }
0x9f: {  	_ =	swait.ge [sflag:s26], $0x4000  }
0xa0: {  	[sflag:s26] =	ssyncset.done $0x0  }
0xa1: {  	s2 =	sadd.s32 $0x780, s29;
	[sflag:s26] =	ssyncadd.s32 $0xFFFFC000  }
0xa2: {  	[tilespmem:s22], [sflag:$0x2] =	stream.indirect.gather [hbm4b:s5+s20], $0x80, s2, s20, $0xb8;
	[tilespmem:$0x1DA80] =	vst v63  }
0xa3: {  	_ =	swait.ge [sflag:s23], $0x4000  }
0xa4: {  	[sflag:s23] =	ssyncset.done $0x0  }
0xa5: {  	p0 =	slt.u32 s30, $0xA;
	s2 =	sadd.s32 $0x1700, s29;
	[sflag:s23] =	ssyncadd.s32 $0xFFFFC000  }
0xa6: {  	[spmem:s3] =	stream.indirect.scatter.add.f32 [tilespmem:s21], [sflag:$0x3], $0x80, s2, s20, $0xb8;
	[tilespmem:$0x1DA80] =	vst v63  }
.Ltmp3:
0xa7: {  	_ = 	snop;
	(pc) =	sbr.rel @!p0 .LBB2_8-.Ltmp3, $4  }
0xa8: {  	_ =	swait.ge [sflag:s25], $0x4000  }
0xa9: {  	[sflag:s25] =	ssyncset.done $0x0  }
0xaa: {  	s31 =	smov.u32 s30;
	s29 =	sadd.s32 $0x1780, s29;
	[sflag:s25] =	ssyncadd.s32 $0xFFFFC000  }
0xab: {  	[spmem:s3] =	stream.indirect.scatter.add.f32 [tilespmem:s22], [sflag:$0x4], $0x80, s29, s20, $0xb8;
	[tilespmem:$0x1DA80] =	vst v63  }
.LBB2_2:
0xac: {  	_ =	swait.ge [sflag:s18], $0x800;
	p0 =	sne.s32 s31, $0x0  }
.Ltmp4:
0xad: {  	[sflag:s18] =	ssyncset.done $0x0;
	(pc) =	sbr.rel @!p0 .LBB2_3-.Ltmp4, $4  }
0xae: {  	[sflag:s18] =	ssyncadd.s32 $0xFFFFF800  }
0xaf: {  	_ =	swait.ge [sflag:s19], $0x800  }
0xb0: {  	s29 =	sshll.u32 s31, $0xB;
	[sflag:s19] =	ssyncset.done $0x0  }
0xb1: {  	s29 =	sand.u32 $0x800, s29;
	[sflag:s19] =	ssyncadd.s32 $0xFFFFF800  }
0xb2: {  	_ =	swait.ge [sflag:s24], $0x4000  }
0xb3: {  	p0 =	seq.s32 s31, $0x9;
	[sflag:s24] =	ssyncset.done $0x0  }
.Ltmp5:
0xb4: {  	[sflag:s24] =	ssyncadd.s32 $0xFFFFC000;
	(pc) =	sbr.rel @p0 .LBB2_7-.Ltmp5, $4  }
0xb5: {  	[tilespmem:s21], [sflag:$0x1] =	stream.indirect.gather [hbm4b:s5+s20], $0x80, s29, s20, $0xb8;
	[tilespmem:$0x1DA80] =	vst v63  }
0xb6: {  	_ =	swait.ge [sflag:s26], $0x4000  }
0xb7: {  	[sflag:s26] =	ssyncset.done $0x0  }
0xb8: {  	s30 =	simm.s32 $0xA;
	[sflag:s26] =	ssyncadd.s32 $0xFFFFC000  }
.Ltmp6:
0xb9: {  	(pc) =	sbr.rel .LBB2_6-.Ltmp6, $2  }
0xba: {  	_ =	sdelay $0x2  }
0xbb: {  	s30 =	sadd.s32 $0x1, s31  }
.LBB2_9:
0xbc: {  	_ =	sfence.sel $0x180000  }
0xbd: {  	[bflag:$0x0] =	sbarrier.arrive $0xFFFF  }
0xbe: {  	_ =	strace $0x9000004D  }
0xbf: {  	s0 =	stileid.u32;
	[bflag:$0x2] =	sbarrier.arrive $0xFFFF  }
0xc0: {  	p0 =	sne.s32 s0, $0x0;
	s0 =	rddreg [dreg:$0x3]  }
0xc1: {  	s0 =	sadd.s32 @!p0 $0x100000, s0  }
0xc2: {  	[sflag:s0] =	ssyncadd.tile.s32 @!p0 $0x1;
	_ =	shalt  }
.Lfunc_end2:
_tile_overlayer_lowered:
.L_overlay_start_2:
0xc3: {  	(tag) =	ssettag $0x2  }
0xc4: {  	s0 =	rddreg [dreg:$0x0];
	s2 =	stileid.u32  }
0xc5: {  	s1 =	rddreg [dreg:$0x1];
	p0 =	sne.s32 s2, $0x0  }
0xc6: {  	s3 =	rddreg [dreg:$0x2];
	[bflag:$0x3] =	sbarrier.arrive $0xFFFF;
	s2 =	simm.s32 @!p0 $0x1C07  }
0xc7: {  	[timem:s3], [sflag:s2] =	dma.local @!p0 [hbm:s0], s1  }
0xc8: {  	s0 =	simm.s32 @!p0 $0x7  }
0xc9: {  	_ =	swait.ge @!p0 [sflag:s0], s1  }
0xca: {  	s1 =	ssub.s32 @!p0 $0x0, s1;
	[sflag:s0] =	ssyncset.done @!p0 $0x0  }
0xcb: {  	[sflag:s0] =	ssyncadd.s32 @!p0 s1  }
0xcc: {  	[bflag:$0x3] =	sbarrier.arrive $0xFFFF  }
0xcd: {  	_ =	shalt  }

// kernel: kernel.9.cloned.1.call-start
scs
__scs_entry_jumppad:
0x0: {  	(pc) =	sbr.rel $0x88, $3  }
0x1: {  	(tag) =	ssettag $0x0;
	lr =	simm.s32 $0x1  }
0x2: {  	[smem:$0x3F7D] =	sst lr;
	_ =	strace $0xD0000000  }
0x3: {  	_ = 	snop  }
0x4: {  	_ = 	snop  }
0x5: {  	_ = 	snop  }
0x6: {  	_ = 	snop  }
0x7: {  	_ = 	snop  }
__scs_overlays_trampoline_lowered:
0x8: {  	[smem:$0x3F8C] =	sst s0  }
0x9: {  	[smem:$0x3F8D] =	sst s1  }
0xa: {  	[smem:$0x3F8E] =	sst s2  }
0xb: {  	[smem:$0x3F8F] =	sst s3  }
0xc: {  	[smem:$0x3F90] =	sst s4  }
0xd: {  	[smem:$0x3F91] =	sst s5  }
0xe: {  	[smem:$0x3F92] =	sst s6  }
0xf: {  	[smem:$0x3F93] =	sst s7  }
0x10: {  	[smem:$0x3F94] =	sst s8  }
0x11: {  	[smem:$0x3F95] =	sst s9;
	s0 =	simm.s32 @!p0 $0x0  }
0x12: {  	s1 =	sld [smem:$0x3F7B];
	s0 =	simm.s32 @p0 $0x1  }
0x13: {  	[smem:$0x3F96] =	sst s0;
	s0 =	simm.s32 @!p1 $0x0  }
0x14: {  	s2 =	sld [smem:$0x3F7A];
	s0 =	simm.s32 @p1 $0x1  }
0x15: {  	[smem:$0x3F97] =	sst s0;
	s0 =	simm.s32 @!p2 $0x0  }
0x16: {  	s3 =	sld [smem:$0x3FDB];
	s0 =	simm.s32 @p2 $0x1  }
0x17: {  	s4 =	simm.s32 $0x1BF5;
	[smem:$0x3F99] =	sst s0  }
0x18: {  	s0 =	sld [smem:$0x3F7C];
	_ =	swait.ge [sflag:s4], $0x0  }
0x19: {  	s7 =	sld [smem:$0x3F7D]  }
0x1a: {  	s8 =	sadd.s32 $0xFFFFE003, lr  }
0x1b: {  	s9 =	sadd.s32 $0xFFFFFEF7, lr;
	s5 =	simm.s32 $0xFFFFFFFF;
	p2 =	slt.u32 s8, $0xFFFFF086  }
0x1c: {  	p1 =	slt.u32 s9, $0xF7A;
	s5 =	simm.s32 @!p2 $0x0  }
0x1d: {  	s5 =	simm.s32 @p1 $0x1;
	p0 =	seq.s32 s7, s2  }
0x1e: {  	s7 =	smul.u32 @!p0 $0xF7A, s2;
	p2 =	seq.s32 @!p0 s5, $0x0  }
0x1f: {  	s9 =	smul.u32 $0xF7A, s1;
	s8 =	simm.s32 @!p0 $0x1BF5;
	p2 =	por !p2, p0  }
0x20: {  	[sflag:s8] =	ssyncset.s32 @!p0 $0xFFFFF086;
	s6 =	sadd.s32 @!p0 s3, s7;
	s7 =	simm.s32 @!p0 $0x108  }
0x21: {  	s3 =	sadd.s32 s3, s9;
	s6 =	sadd.s32 @!p0 $0x88, s6;
	s7 =	simm.s32 @p2 $0x1082  }
0x22: {  	[simem:s7], [sflag:s8] =	dma.local @!p0 [hbm:s6], $0xF7A  }
0x23: {  	s9 =	sor.u32 $0xD0000000, s2;
	s6 =	simm.s32 $0x108;
	_ =	swait.ge @!p0 [sflag:s8], $0x0  }
0x24: {  	s3 =	sadd.s32 $0x88, s3;
	s6 =	simm.s32 @!p1 $0x1082;
	[sflag:s4] =	ssyncset.s32 $0xFFFFF086  }
0x25: {  	[simem:s6], [sflag:s4] =	dma.local [hbm:s3], $0xF7A  }
0x26: {  	[smem:$0x3F7D] =	sst s1;
	(tag) =	ssettag s2;
	_ =	strace s9  }
0x27: {  	s1 =	sld [smem:$0x3F8D]  }
0x28: {  	s2 =	sld [smem:$0x3F8E]  }
0x29: {  	s4 =	sld [smem:$0x3F90]  }
0x2a: {  	p0 =	seq.s32 s5, $0x0;
	s5 =	sld [smem:$0x3F91]  }
0x2b: {  	s6 =	sld [smem:$0x3F92]  }
0x2c: {  	s7 =	sld [smem:$0x3F93]  }
0x2d: {  	s3 =	simm.s32 $0x108;
	s8 =	sld [smem:$0x3F94]  }
0x2e: {  	s3 =	simm.s32 @!p0 $0x1082;
	s9 =	sld [smem:$0x3F95]  }
0x2f: {  	lr =	sadd.s32 s0, s3;
	s0 =	sld [smem:$0x3F8C]  }
0x30: {  	s3 =	sld [smem:$0x3F8F]  }
0x31: {  	[smem:$0x3F98] =	sst s10  }
0x32: {  	s10 =	sld [smem:$0x3F96];
	_ =	sdelay $0x3  }
0x33: {  	p0 =	seq.s32 s10, $0x1;
	s10 =	sld [smem:$0x3F98];
	_ =	sdelay $0x3  }
0x34: {  	[smem:$0x3F98] =	sst s10  }
0x35: {  	s10 =	sld [smem:$0x3F97];
	_ =	sdelay $0x3  }
0x36: {  	p1 =	seq.s32 s10, $0x1;
	s10 =	sld [smem:$0x3F98];
	_ =	sdelay $0x3  }
0x37: {  	[smem:$0x3F98] =	sst s10  }
0x38: {  	s10 =	sld [smem:$0x3F99]  }
0x39: {  	_ = 	snop;
	(pc) =	sbr.ind lr, $3  }
0x3a: {  	_ = 	snop  }
0x3b: {  	_ = 	snop  }
0x3c: {  	p2 =	seq.s32 s10, $0x1;
	s10 =	sld [smem:$0x3F98]  }
0x3d: {  	_ =	shalt  }
0x3e: {  	_ =	shalt  }
0x3f: {  	_ =	shalt  }
0x40: {  	_ =	shalt  }
0x41: {  	_ =	shalt  }
0x42: {  	_ =	shalt  }
0x43: {  	_ =	shalt  }
0x44: {  	_ =	shalt  }
0x45: {  	_ =	shalt  }
0x46: {  	_ =	shalt  }
0x47: {  	_ =	shalt  }
0x48: {  	_ =	shalt  }
0x49: {  	_ =	shalt  }
0x4a: {  	_ =	shalt  }
0x4b: {  	_ =	shalt  }
0x4c: {  	_ =	shalt  }
0x4d: {  	_ =	shalt  }
0x4e: {  	_ =	shalt  }
0x4f: {  	_ =	shalt  }
0x50: {  	_ =	shalt  }
0x51: {  	_ =	shalt  }
0x52: {  	_ =	shalt  }
0x53: {  	_ =	shalt  }
0x54: {  	_ =	shalt  }
0x55: {  	_ =	shalt  }
0x56: {  	_ =	shalt  }
0x57: {  	_ =	shalt  }
0x58: {  	_ =	shalt  }
0x59: {  	_ =	shalt  }
0x5a: {  	_ =	shalt  }
0x5b: {  	_ =	shalt  }
0x5c: {  	_ =	shalt  }
0x5d: {  	_ =	shalt  }
0x5e: {  	_ =	shalt  }
0x5f: {  	_ =	shalt  }
0x60: {  	_ =	shalt  }
0x61: {  	_ =	shalt  }
0x62: {  	_ =	shalt  }
0x63: {  	_ =	shalt  }
0x64: {  	_ =	shalt  }
0x65: {  	_ =	shalt  }
0x66: {  	_ =	shalt  }
0x67: {  	_ =	shalt  }
0x68: {  	_ =	shalt  }
0x69: {  	_ =	shalt  }
0x6a: {  	_ =	shalt  }
0x6b: {  	_ =	shalt  }
0x6c: {  	_ =	shalt  }
0x6d: {  	_ =	shalt  }
0x6e: {  	_ =	shalt  }
0x6f: {  	_ =	shalt  }
0x70: {  	_ =	shalt  }
0x71: {  	_ =	shalt  }
0x72: {  	_ =	shalt  }
0x73: {  	_ =	shalt  }
0x74: {  	_ =	shalt  }
0x75: {  	_ =	shalt  }
0x76: {  	_ =	shalt  }
0x77: {  	_ =	shalt  }
0x78: {  	_ =	shalt  }
0x79: {  	_ =	shalt  }
0x7a: {  	_ =	shalt  }
0x7b: {  	_ =	shalt  }
0x7c: {  	_ =	shalt  }
0x7d: {  	_ =	shalt  }
0x7e: {  	_ =	shalt  }
0x7f: {  	_ =	shalt  }
0x80: {  	_ =	shalt  }
0x81: {  	_ =	shalt  }
0x82: {  	_ =	shalt  }
0x83: {  	_ =	shalt  }
0x84: {  	_ =	shalt  }
0x85: {  	_ =	shalt  }
0x86: {  	_ =	shalt  }
0x87: {  	_ =	shalt  }
.Lfunc_end0:
.L_simem_size_0:
called_computation_lowered:
.L_overlay_start_0:
0x88: {  	s2 =	sld [smem:$0x3FD9]  }
0x89: {  	s3 =	sld [smem:$0x3FFE];
	_ =	sdelay $0x1  }
0x8a: {  	s1 =	srdreg.scid  }
0x8b: {  	s0 =	sand.u32 $0x1, s1  }
0x8c: {  	s17 =	sshll.u32 s0, $0xA;
	s2 =	sadd.s32 s3, s2  }
0x8d: {  	s2 =	sadd.s32 s2, s17  }
0x8e: {  	[smem:$0x3FA4] =	sst s2  }
0x8f: {  	_ = 	snop  }
0x90: {  	s2 =	sld [smem:$0x3FD0];
	(tm) =	ssettm $0x1  }
0x91: {  	s18 =	sld [smem:$0x3FFB];
	_ =	sdelay $0x3  }
0x92: {  	_ =	strace s18  }
0x93: {  	s3 =	sld [smem:$0x3FFC];
	_ =	sdelay $0x3  }
0x94: {  	_ =	strace s3  }
0x95: {  	s3 =	sld [smem:$0x3FFD];
	_ =	sdelay $0x3  }
0x96: {  	_ =	strace s3  }
0x97: {  	_ =	strace $0x8FFFFFFF  }
0x98: {  	s19 =	sld [smem:$0x3FDB];
	_ =	sdelay $0x1  }
0x99: {  	s4 =	simm.s32 $_scs_section_size  }
0x9a: {  	s5 =	simm.s32 $_size__tile_overlayer_lowered;
	s6 =	simm.s32 $_tile_overlayer_lowered  }
0x9b: {  	s22 =	simm.s32 $0x1BFF;
	s21 =	sshll.u32 s6, $0x1;
	s3 =	sadd.s32 s4, s19  }
0x9c: {  	s7 =	simm.s32 $0x0;
	s20 =	sshll.u32 s5, $0x1;
	s5 =	sadd.s32 s21, s3  }
0x9d: {  	[timem:s7], [sflag:s22] =	dma.local [hbm:s5], s20  }
0x9e: {  	_ =	swait.ge [sflag:s22], s20  }
0x9f: {  	s4 =	ssub.s32 $0x0, s20;
	[sflag:s22] =	ssyncset.done $0x0  }
0xa0: {  	[sflag:s22] =	ssyncadd.s32 s4;
	_ =	sdelay $0x1  }
0xa1: {  	s23 =	simm.s32 $0x1B8B  }
0xa2: {  	_ =	swait.ge [sflag:s23], $0x1  }
0xa3: {  	[sflag:s23] =	ssyncset.done $0x0  }
0xa4: {  	s25 =	simm.s32 $0x1B8E;
	s24 =	sld [smem:$0x3FFE];
	[sflag:s23] =	ssyncadd.s32 $0xFFFFFFFF  }
0xa5: {  	s26 =	simm.s32 $execute0_lowered;
	[smem:$0x3FD2] =	sst s25  }
0xa6: {  	s5 =	sshll.u32 s26, $0x1;
	_ =	strace $0x80000046;
	[dreg:$0x1] =	wrdreg $0xFFFFFFFF  }
0xa7: {  	s28 =	simm.s32 $_size_execute0_lowered;
	s3 =	sadd.s32 s3, s5;
	[dreg:$0x0] =	wrdreg $0x0  }
0xa8: {  	s5 =	sshll.u32 s28, $0x1;
	[dreg:$0x2] =	wrdreg s3  }
0xa9: {  	[dreg:$0x3] =	wrdreg s5  }
0xaa: {  	[dreg:$0x4] =	wrdreg $0xC0  }
0xab: {  	_ =	task [dreg:s7], $0x5FFFF  }
0xac: {  	[dreg:$0x1] =	wrdreg $0xFFFFFFFF  }
0xad: {  	[dreg:$0x0] =	wrdreg $0x60  }
0xae: {  	[dreg:$0x2] =	wrdreg s24  }
0xaf: {  	[dreg:$0x3] =	wrdreg s2  }
0xb0: {  	[dreg:$0x4] =	wrdreg $0xA0000  }
0xb1: {  	[dreg:$0x5] =	wrdreg $0x9  }
0xb2: {  	_ =	task.clear_ibuf [dreg:s7], $0x6FFFF;
	_ =	strace $0x90000046  }
0xb3: {  	s29 =	simm.s32 $0x9;
	_ =	strace $0x80000048  }
0xb4: {  	_ =	swait.ge [sflag:s29], $0x1  }
0xb5: {  	[sflag:s29] =	ssyncadd.s32 $0xFFFFFFFF  }
0xb6: {  	_ =	strace $0x90000048  }
0xb7: {  	_ =	sfence  }
0xb8: {  	s30 =	sld [smem:$0x0];
	_ =	sdelay $0x2  }
0xb9: {  	s31 =	sshll.u32 s1, $0xD;
	s1 =	sshrl.u32 s1, $0x2  }
0xba: {  	s3 =	sand.u32 $0x4000, s31;
	s1 =	sadd.s32 s1, s30  }
0xbb: {  	s0 =	sor.u32 s3, s0;
	s1 =	sshll.u32 s1, $0x11  }
0xbc: {  	s0 =	sor.u32 s1, s0  }
0xbd: {  	s0 =	sadd.s32 $0x8F2B, s0  }
0xbe: {  	[sflag:s0] =	ssyncadd.remote.s32 $0x1  }
0xbf: {  	_ =	sfence.sel $0xFFFF  }
0xc0: {  	[dreg:$0x0] =	wrdreg $0xFFFFFFFF;
	(pc) =	sbr.abs _section_cstart, $3  }
0xc1: {  	[dreg:$0x1] =	wrdreg $0xFFFFFFFF  }
0xc2: {  	_ =	task.clear_ibuf [dreg:s7], $0x2FFFF;
	_ =	strace $0x9FFFFFFF  }
0xc3: {  	(tm) =	ssettm $0x7FFFFFFF  }
tec
execute0_lowered:
.L_overlay_start_1:
0x0: {  	(tag) =	ssettag $0x1  }
0x1: {  	s8 =	rddreg [dreg:$0x0]  }
0x2: {  	s1 =	rddreg [dreg:$0x1]  }
0x3: {  	s3 =	rddreg [dreg:$0x2];
	s4 =	simm.s32 $0x0  }
0x4: {  	s5 =	srdreg.scid;
	s0 =	stileid.u32;
	s17 =	simm.s32 $0x1000  }
0x5: {  	s18 =	simm.s32 $0x5;
	s19 =	simm.s32 $0x6;
	s20 =	simm.s32 $0x80  }
0x6: {  	s21 =	simm.s32 $0x2000;
	s22 =	simm.s32 $0x6000;
	s23 =	simm.s32 $0x1  }
0x7: {  	s24 =	simm.s32 $0x3;
	s25 =	simm.s32 $0x2;
	s28 =	simm.s32 $0x0  }
0x8: {  	[smem:$0x7FF] =	sst s4;
	s7 =	sand.u32 $0x1, s5;
	s9 =	smul.u32 $0x278, s0  }
0x9: {  	p0 =	seq.s32 s0, $0xF;
	s5 =	sadd.s32 $0x1A600, s8;
	s29 =	smul.u32 $0xA00, s0  }
0xa: {  	s6 =	sadd.s32 $0x6600, s8;
	s30 =	sshll.u32 s0, $0x6;
	s10 =	smul.u32 $0x2710, s7  }
0xb: {  	_ =	strace $0x80000047;
	s11 =	ssub.s32 $0x2, s7;
	s12 =	smul.u32 $0xA00, s7  }
0xc: {  	s7 =	smul.u32 $0xA0, s0;
	s9 =	simm.s32 @p0 $0x2498;
	s13 =	sshrl.u32 s11, $0x1  }
0xd: {  	s10 =	sadd.s32 s10, s9;
	s15 =	ssub.s32 s11, s13;
	s26 =	sshll.u32 s9, $0x7  }
.Ltmp0:
0xe: {  	s10 =	sshll.u32 s10, $0x4;
	s16 =	sadd.s32 s26, s3;
	(pc) =	sbr.rel .LBB2_1-.Ltmp0, $4  }
0xf: {  	s26 =	simm.s32 $0x4;
	s14 =	sadd.s32 s10, s8;
	s8 =	sadd.s32 s7, s12  }
0x10: {  	s9 =	sadd.s32 s5, s10;
	s10 =	sor.u32 $0x1C07, s30;
	s12 =	sadd.s32 s1, s29  }
0x11: {  	s31 =	sshll.u32 s8, $0x4;
	s13 =	sadd.s32 $0x68800, s14;
	s14 =	smax.u32 s15, $0x1  }
0x12: {  	s15 =	sshrl.u32 s16, $0x3;
	s16 =	simm.s32 $0x7;
	s11 =	sadd.s32 s6, s31  }
.LBB2_8:
0x13: {  	_ =	swait.ge [sflag:s24], $0x4000  }
0x14: {  	[sflag:s24] =	ssyncset.done $0x0  }
0x15: {  	[sflag:s24] =	ssyncadd.s32 $0xFFFFC000  }
0x16: {  	_ =	swait.ge [sflag:s26], $0x4000  }
0x17: {  	s28 =	sadd.s32 $0x1, s28;
	[sflag:s26] =	ssyncset.done $0x0  }
0x18: {  	p0 =	sne.s32 s28, s14;
	[sflag:s26] =	ssyncadd.s32 $0xFFFFC000  }
.Ltmp1:
0x19: {  	[bflag:$0x0] =	sbarrier.arrive $0xFFFF;
	(pc) =	sbr.rel @!p0 .LBB2_9-.Ltmp1, $4  }
0x1a: {  	[hbm:s13], [sflag:s10] =	dma.local [spmem:s15], $0x2780  }
0x1b: {  	_ =	swait.ge [sflag:s16], $0x2780  }
0x1c: {  	[sflag:s16] =	ssyncset.done $0x0  }
0x1d: {  	[sflag:s16] =	ssyncadd.s32 $0xFFFFD880  }
.LBB2_1:
0x1e: {  	[spmem:s15], [sflag:s10] =	dma.local [hbm:s9], $0x2780  }
0x1f: {  	_ =	swait.ge [sflag:s16], $0x2780  }
0x20: {  	[sflag:s16] =	ssyncset.done $0x0  }
.Ltmp2:
0x21: {  	[sflag:s16] =	ssyncadd.s32 $0xFFFFD880;
	(pc) =	sbr.rel .LBB2_2-.Ltmp2, $4  }
0x22: {  	[bflag:$0x0] =	sbarrier.arrive $0xFFFF  }
0x23: {  	[tilespmem:s4], [sflag:$0x5] =	stream.linear.gather [hbm4b:s11+s4], $0x800, $0x38;
	[tilespmem:$0x1DA80] =	vst v63  }
0x24: {  	s31 =	simm.s32 $0x0  }
0x25: {  	[tilespmem:s17], [sflag:$0x6] =	stream.linear.gather [hbm4b:s12+s4], $0x800, $0x38;
	[tilespmem:$0x1DA80] =	vst v63  }
.LBB2_3:
0x26: {  	[tilespmem:s21], [sflag:$0x1] =	stream.indirect.gather [hbm4b:s5+s20], $0x80, s29, s20, $0xb8;
	[tilespmem:$0x1DA80] =	vst v63  }
0x27: {  	s30 =	simm.s32 $0x1  }
.LBB2_6:
0x28: {  	s31 =	sshll.u32 s30, $0x4  }
0x29: {  	s0 =	sadd.s32 s8, s31  }
0x2a: {  	s0 =	sshll.u32 s0, $0x4  }
0x2b: {  	s2 =	ssub.s32 $0x800, s29;
	s0 =	sadd.s32 s6, s0  }
0x2c: {  	[tilespmem:s2], [sflag:$0x5] =	stream.linear.gather [hbm4b:s0+s4], $0x800, $0x38;
	[tilespmem:$0x1DA80] =	vst v63  }
0x2d: {  	s2 =	sadd.s32 s7, s31  }
0x2e: {  	s0 =	sshll.u32 s2, $0x4  }
0x2f: {  	s31 =	ssub.s32 $0x1800, s29;
	s0 =	sadd.s32 s1, s0  }
0x30: {  	[tilespmem:s31], [sflag:$0x6] =	stream.linear.gather [hbm4b:s0+s4], $0x800, $0x38;
	[tilespmem:$0x1DA80] =	vst v63  }
.LBB2_7:
0x31: {  	s0 =	sadd.s32 $0x80, s29  }
0x32: {  	[tilespmem:s22], [sflag:$0x2] =	stream.indirect.gather [hbm4b:s5+s20], $0x80, s0, s20, $0xb8;
	[tilespmem:$0x1DA80] =	vst v63  }
0x33: {  	_ =	swait.ge [sflag:s23], $0x4000  }
0x34: {  	[sflag:s23] =	ssyncset.done $0x0  }
0x35: {  	s2 =	sor.u32 $0x1000, s29;
	[sflag:s23] =	ssyncadd.s32 $0xFFFFC000  }
0x36: {  	[spmem:s3] =	stream.indirect.scatter.add.f32 [tilespmem:s21], [sflag:$0x3], $0x80, s2, s20, $0xb8;
	[tilespmem:$0x1DA80] =	vst v63  }
0x37: {  	_ =	swait.ge [sflag:s24], $0x4000  }
0x38: {  	[sflag:s24] =	ssyncset.done $0x0  }
0x39: {  	s2 =	sadd.s32 $0x100, s29;
	[sflag:s24] =	ssyncadd.s32 $0xFFFFC000  }
0x3a: {  	[tilespmem:s21], [sflag:$0x1] =	stream.indirect.gather [hbm4b:s5+s20], $0x80, s2, s20, $0xb8;
	[tilespmem:$0x1DA80] =	vst v63  }
0x3b: {  	_ =	swait.ge [sflag:s25], $0x4000  }
0x3c: {  	[sflag:s25] =	ssyncset.done $0x0  }
0x3d: {  	s2 =	sadd.s32 $0x1080, s29;
	[sflag:s25] =	ssyncadd.s32 $0xFFFFC000  }
0x3e: {  	[spmem:s3] =	stream.indirect.scatter.add.f32 [tilespmem:s22], [sflag:$0x4], $0x80, s2, s20, $0xb8;
	[tilespmem:$0x1DA80] =	vst v63  }
0x3f: {  	_ =	swait.ge [sflag:s26], $0x4000  }
0x40: {  	[sflag:s26] =	ssyncset.done $0x0  }
0x41: {  	s2 =	sadd.s32 $0x180, s29;
	[sflag:s26] =	ssyncadd.s32 $0xFFFFC000  }
0x42: {  	[tilespmem:s22], [sflag:$0x2] =	stream.indirect.gather [hbm4b:s5+s20], $0x80, s2, s20, $0xb8;
	[tilespmem:$0x1DA80] =	vst v63  }
0x43: {  	_ =	swait.ge [sflag:s23], $0x4000  }
0x44: {  	[sflag:s23] =	ssyncset.done $0x0  }
0x45: {  	s2 =	sadd.s32 $0x1100, s29;
	[sflag:s23] =	ssyncadd.s32 $0xFFFFC000  }
0x46: {  	[spmem:s3] =	stream.indirect.scatter.add.f32 [tilespmem:s21], [sflag:$0x3], $0x80, s2, s20, $0xb8;
	[tilespmem:$0x1DA80] =	vst v63  }
0x47: {  	_ =	swait.ge [sflag:s24], $0x4000  }
0x48: {  	[sflag:s24] =	ssyncset.done $0x0  }
0x49: {  	s2 =	sadd.s32 $0x200, s29;
	[sflag:s24] =	ssyncadd.s32 $0xFFFFC000  }
0x4a: {  	[tilespmem:s21], [sflag:$0x1] =	stream.indirect.gather [hbm4b:s5+s20], $0x80, s2, s20, $0xb8;
	[tilespmem:$0x1DA80] =	vst v63  }
0x4b: {  	_ =	swait.ge [sflag:s25], $0x4000  }
0x4c: {  	[sflag:s25] =	ssyncset.done $0x0  }
0x4d: {  	s2 =	sadd.s32 $0x1180, s29;
	[sflag:s25] =	ssyncadd.s32 $0xFFFFC000  }
0x4e: {  	[spmem:s3] =	stream.indirect.scatter.add.f32 [tilespmem:s22], [sflag:$0x4], $0x80, s2, s20, $0xb8;
	[tilespmem:$0x1DA80] =	vst v63  }
0x4f: {  	_ =	swait.ge [sflag:s26], $0x4000  }
0x50: {  	[sflag:s26] =	ssyncset.done $0x0  }
0x51: {  	s2 =	sadd.s32 $0x280, s29;
	[sflag:s26] =	ssyncadd.s32 $0xFFFFC000  }
0x52: {  	[tilespmem:s22], [sflag:$0x2] =	stream.indirect.gather [hbm4b:s5+s20], $0x80, s2, s20, $0xb8;
	[tilespmem:$0x1DA80] =	vst v63  }
0x53: {  	_ =	swait.ge [sflag:s23], $0x4000  }
0x54: {  	[sflag:s23] =	ssyncset.done $0x0  }
0x55: {  	s2 =	sadd.s32 $0x1200, s29;
	[sflag:s23] =	ssyncadd.s32 $0xFFFFC000  }
0x56: {  	[spmem:s3] =	stream.indirect.scatter.add.f32 [tilespmem:s21], [sflag:$0x3], $0x80, s2, s20, $0xb8;
	[tilespmem:$0x1DA80] =	vst v63  }
0x57: {  	_ =	swait.ge [sflag:s24], $0x4000  }
0x58: {  	[sflag:s24] =	ssyncset.done $0x0  }
0x59: {  	s2 =	sadd.s32 $0x300, s29;
	[sflag:s24] =	ssyncadd.s32 $0xFFFFC000  }
0x5a: {  	[tilespmem:s21], [sflag:$0x1] =	stream.indirect.gather [hbm4b:s5+s20], $0x80, s2, s20, $0xb8;
	[tilespmem:$0x1DA80] =	vst v63  }
0x5b: {  	_ =	swait.ge [sflag:s25], $0x4000  }
0x5c: {  	[sflag:s25] =	ssyncset.done $0x0  }
0x5d: {  	s2 =	sadd.s32 $0x1280, s29;
	[sflag:s25] =	ssyncadd.s32 $0xFFFFC000  }
0x5e: {  	[spmem:s3] =	stream.indirect.scatter.add.f32 [tilespmem:s22], [sflag:$0x4], $0x80, s2, s20, $0xb8;
	[tilespmem:$0x1DA80] =	vst v63  }
0x5f: {  	_ =	swait.ge [sflag:s26], $0x4000  }
0x60: {  	[sflag:s26] =	ssyncset.done $0x0  }
0x61: {  	s2 =	sadd.s32 $0x380, s29;
	[sflag:s26] =	ssyncadd.s32 $0xFFFFC000  }
0x62: {  	[tilespmem:s22], [sflag:$0x2] =	stream.indirect.gather [hbm4b:s5+s20], $0x80, s2, s20, $0xb8;
	[tilespmem:$0x1DA80] =	vst v63  }
0x63: {  	_ =	swait.ge [sflag:s23], $0x4000  }
0x64: {  	[sflag:s23] =	ssyncset.done $0x0  }
0x65: {  	s2 =	sadd.s32 $0x1300, s29;
	[sflag:s23] =	ssyncadd.s32 $0xFFFFC000  }
0x66: {  	[spmem:s3] =	stream.indirect.scatter.add.f32 [tilespmem:s21], [sflag:$0x3], $0x80, s2, s20, $0xb8;
	[tilespmem:$0x1DA80] =	vst v63  }
0x67: {  	_ =	swait.ge [sflag:s24], $0x4000  }
0x68: {  	[sflag:s24] =	ssyncset.done $0x0  }
0x69: {  	s2 =	sadd.s32 $0x400, s29;
	[sflag:s24] =	ssyncadd.s32 $0xFFFFC000  }
0x6a: {  	[tilespmem:s21], [sflag:$0x1] =	stream.indirect.gather [hbm4b:s5+s20], $0x80, s2, s20, $0xb8;
	[tilespmem:$0x1DA80] =	vst v63  }
0x6b: {  	_ =	swait.ge [sflag:s25], $0x4000  }
0x6c: {  	[sflag:s25] =	ssyncset.done $0x0  }
0x6d: {  	s2 =	sadd.s32 $0x1380, s29;
	[sflag:s25] =	ssyncadd.s32 $0xFFFFC000  }
0x6e: {  	[spmem:s3] =	stream.indirect.scatter.add.f32 [tilespmem:s22], [sflag:$0x4], $0x80, s2, s20, $0xb8;
	[tilespmem:$0x1DA80] =	vst v63  }
0x6f: {  	_ =	swait.ge [sflag:s26], $0x4000  }
0x70: {  	[sflag:s26] =	ssyncset.done $0x0  }
0x71: {  	s2 =	sadd.s32 $0x480, s29;
	[sflag:s26] =	ssyncadd.s32 $0xFFFFC000  }
0x72: {  	[tilespmem:s22], [sflag:$0x2] =	stream.indirect.gather [hbm4b:s5+s20], $0x80, s2, s20, $0xb8;
	[tilespmem:$0x1DA80] =	vst v63  }
0x73: {  	_ =	swait.ge [sflag:s23], $0x4000  }
0x74: {  	[sflag:s23] =	ssyncset.done $0x0  }
0x75: {  	s2 =	sadd.s32 $0x1400, s29;
	[sflag:s23] =	ssyncadd.s32 $0xFFFFC000  }
0x76: {  	[spmem:s3] =	stream.indirect.scatter.add.f32 [tilespmem:s21], [sflag:$0x3], $0x80, s2, s20, $0xb8;
	[tilespmem:$0x1DA80] =	vst v63  }
0x77: {  	_ =	swait.ge [sflag:s24], $0x4000  }
0x78: {  	[sflag:s24] =	ssyncset.done $0x0  }
0x79: {  	s2 =	sadd.s32 $0x500, s29;
	[sflag:s24] =	ssyncadd.s32 $0xFFFFC000  }
0x7a: {  	[tilespmem:s21], [sflag:$0x1] =	stream.indirect.gather [hbm4b:s5+s20], $0x80, s2, s20, $0xb8;
	[tilespmem:$0x1DA80] =	vst v63  }
0x7b: {  	_ =	swait.ge [sflag:s25], $0x4000  }
0x7c: {  	[sflag:s25] =	ssyncset.done $0x0  }
0x7d: {  	s2 =	sadd.s32 $0x1480, s29;
	[sflag:s25] =	ssyncadd.s32 $0xFFFFC000  }
0x7e: {  	[spmem:s3] =	stream.indirect.scatter.add.f32 [tilespmem:s22], [sflag:$0x4], $0x80, s2, s20, $0xb8;
	[tilespmem:$0x1DA80] =	vst v63  }
0x7f: {  	_ =	swait.ge [sflag:s26], $0x4000  }
0x80: {  	[sflag:s26] =	ssyncset.done $0x0  }
0x81: {  	s2 =	sadd.s32 $0x580, s29;
	[sflag:s26] =	ssyncadd.s32 $0xFFFFC000  }
0x82: {  	[tilespmem:s22], [sflag:$0x2] =	stream.indirect.gather [hbm4b:s5+s20], $0x80, s2, s20, $0xb8;
	[tilespmem:$0x1DA80] =	vst v63  }
0x83: {  	_ =	swait.ge [sflag:s23], $0x4000  }
0x84: {  	[sflag:s23] =	ssyncset.done $0x0  }
0x85: {  	s2 =	sadd.s32 $0x1500, s29;
	[sflag:s23] =	ssyncadd.s32 $0xFFFFC000  }
0x86: {  	[spmem:s3] =	stream.indirect.scatter.add.f32 [tilespmem:s21], [sflag:$0x3], $0x80, s2, s20, $0xb8;
	[tilespmem:$0x1DA80] =	vst v63  }
0x87: {  	_ =	swait.ge [sflag:s24], $0x4000  }
0x88: {  	[sflag:s24] =	ssyncset.done $0x0  }
0x89: {  	s2 =	sadd.s32 $0x600, s29;
	[sflag:s24] =	ssyncadd.s32 $0xFFFFC000  }
0x8a: {  	[tilespmem:s21], [sflag:$0x1] =	stream.indirect.gather [hbm4b:s5+s20], $0x80, s2, s20, $0xb8;
	[tilespmem:$0x1DA80] =	vst v63  }
0x8b: {  	_ =	swait.ge [sflag:s25], $0x4000  }
0x8c: {  	[sflag:s25] =	ssyncset.done $0x0  }
0x8d: {  	s2 =	sadd.s32 $0x1580, s29;
	[sflag:s25] =	ssyncadd.s32 $0xFFFFC000  }
0x8e: {  	[spmem:s3] =	stream.indirect.scatter.add.f32 [tilespmem:s22], [sflag:$0x4], $0x80, s2, s20, $0xb8;
	[tilespmem:$0x1DA80] =	vst v63  }
0x8f: {  	_ =	swait.ge [sflag:s26], $0x4000  }
0x90: {  	[sflag:s26] =	ssyncset.done $0x0  }
0x91: {  	s2 =	sadd.s32 $0x680, s29;
	[sflag:s26] =	ssyncadd.s32 $0xFFFFC000  }
0x92: {  	[tilespmem:s22], [sflag:$0x2] =	stream.indirect.gather [hbm4b:s5+s20], $0x80, s2, s20, $0xb8;
	[tilespmem:$0x1DA80] =	vst v63  }
0x93: {  	_ =	swait.ge [sflag:s23], $0x4000  }
0x94: {  	[sflag:s23] =	ssyncset.done $0x0  }
0x95: {  	s2 =	sadd.s32 $0x1600, s29;
	[sflag:s23] =	ssyncadd.s32 $0xFFFFC000  }
0x96: {  	[spmem:s3] =	stream.indirect.scatter.add.f32 [tilespmem:s21], [sflag:$0x3], $0x80, s2, s20, $0xb8;
	[tilespmem:$0x1DA80] =	vst v63  }
0x97: {  	_ =	swait.ge [sflag:s24], $0x4000  }
0x98: {  	[sflag:s24] =	ssyncset.done $0x0  }
0x99: {  	s2 =	sadd.s32 $0x700, s29;
	[sflag:s24] =	ssyncadd.s32 $0xFFFFC000  }
0x9a: {  	[tilespmem:s21], [sflag:$0x1] =	stream.indirect.gather [hbm4b:s5+s20], $0x80, s2, s20, $0xb8;
	[tilespmem:$0x1DA80] =	vst v63  }
0x9b: {  	_ =	swait.ge [sflag:s25], $0x4000  }
0x9c: {  	[sflag:s25] =	ssyncset.done $0x0  }
0x9d: {  	s2 =	sadd.s32 $0x1680, s29;
	[sflag:s25] =	ssyncadd.s32 $0xFFFFC000  }
0x9e: {  	[spmem:s3] =	stream.indirect.scatter.add.f32 [tilespmem:s22], [sflag:$0x4], $0x80, s2, s20, $0xb8;
	[tilespmem:$0x1DA80] =	vst v63  }
0x9f: {  	_ =	swait.ge [sflag:s26], $0x4000  }
0xa0: {  	[sflag:s26] =	ssyncset.done $0x0  }
0xa1: {  	s2 =	sadd.s32 $0x780, s29;
	[sflag:s26] =	ssyncadd.s32 $0xFFFFC000  }
0xa2: {  	[tilespmem:s22], [sflag:$0x2] =	stream.indirect.gather [hbm4b:s5+s20], $0x80, s2, s20, $0xb8;
	[tilespmem:$0x1DA80] =	vst v63  }
0xa3: {  	_ =	swait.ge [sflag:s23], $0x4000  }
0xa4: {  	[sflag:s23] =	ssyncset.done $0x0  }
0xa5: {  	p0 =	slt.u32 s30, $0xA;
	s2 =	sadd.s32 $0x1700, s29;
	[sflag:s23] =	ssyncadd.s32 $0xFFFFC000  }
0xa6: {  	[spmem:s3] =	stream.indirect.scatter.add.f32 [tilespmem:s21], [sflag:$0x3], $0x80, s2, s20, $0xb8;
	[tilespmem:$0x1DA80] =	vst v63  }
.Ltmp3:
0xa7: {  	_ = 	snop;
	(pc) =	sbr.rel @!p0 .LBB2_8-.Ltmp3, $4  }
0xa8: {  	_ =	swait.ge [sflag:s25], $0x4000  }
0xa9: {  	[sflag:s25] =	ssyncset.done $0x0  }
0xaa: {  	s31 =	smov.u32 s30;
	s29 =	sadd.s32 $0x1780, s29;
	[sflag:s25] =	ssyncadd.s32 $0xFFFFC000  }
0xab: {  	[spmem:s3] =	stream.indirect.scatter.add.f32 [tilespmem:s22], [sflag:$0x4], $0x80, s29, s20, $0xb8;
	[tilespmem:$0x1DA80] =	vst v63  }
.LBB2_2:
0xac: {  	_ =	swait.ge [sflag:s18], $0x800;
	p0 =	sne.s32 s31, $0x0  }
.Ltmp4:
0xad: {  	[sflag:s18] =	ssyncset.done $0x0;
	(pc) =	sbr.rel @!p0 .LBB2_3-.Ltmp4, $4  }
0xae: {  	[sflag:s18] =	ssyncadd.s32 $0xFFFFF800  }
0xaf: {  	_ =	swait.ge [sflag:s19], $0x800  }
0xb0: {  	s29 =	sshll.u32 s31, $0xB;
	[sflag:s19] =	ssyncset.done $0x0  }
0xb1: {  	s29 =	sand.u32 $0x800, s29;
	[sflag:s19] =	ssyncadd.s32 $0xFFFFF800  }
0xb2: {  	_ =	swait.ge [sflag:s24], $0x4000  }
0xb3: {  	p0 =	seq.s32 s31, $0x9;
	[sflag:s24] =	ssyncset.done $0x0  }
.Ltmp5:
0xb4: {  	[sflag:s24] =	ssyncadd.s32 $0xFFFFC000;
	(pc) =	sbr.rel @p0 .LBB2_7-.Ltmp5, $4  }
0xb5: {  	[tilespmem:s21], [sflag:$0x1] =	stream.indirect.gather [hbm4b:s5+s20], $0x80, s29, s20, $0xb8;
	[tilespmem:$0x1DA80] =	vst v63  }
0xb6: {  	_ =	swait.ge [sflag:s26], $0x4000  }
0xb7: {  	[sflag:s26] =	ssyncset.done $0x0  }
0xb8: {  	s30 =	simm.s32 $0xA;
	[sflag:s26] =	ssyncadd.s32 $0xFFFFC000  }
.Ltmp6:
0xb9: {  	(pc) =	sbr.rel .LBB2_6-.Ltmp6, $2  }
0xba: {  	_ =	sdelay $0x2  }
0xbb: {  	s30 =	sadd.s32 $0x1, s31  }
.LBB2_9:
0xbc: {  	_ =	sfence.sel $0x180000  }
0xbd: {  	[bflag:$0x0] =	sbarrier.arrive $0xFFFF  }
0xbe: {  	_ =	strace $0x90000047  }
0xbf: {  	s0 =	stileid.u32;
	[bflag:$0x2] =	sbarrier.arrive $0xFFFF  }
0xc0: {  	p0 =	sne.s32 s0, $0x0;
	s0 =	rddreg [dreg:$0x3]  }
0xc1: {  	s0 =	sadd.s32 @!p0 $0x100000, s0  }
0xc2: {  	[sflag:s0] =	ssyncadd.tile.s32 @!p0 $0x1;
	_ =	shalt  }
.Lfunc_end2:
_tile_overlayer_lowered:
.L_overlay_start_2:
0xc3: {  	(tag) =	ssettag $0x2  }
0xc4: {  	s0 =	rddreg [dreg:$0x0];
	s2 =	stileid.u32  }
0xc5: {  	s1 =	rddreg [dreg:$0x1];
	p0 =	sne.s32 s2, $0x0  }
0xc6: {  	s3 =	rddreg [dreg:$0x2];
	[bflag:$0x3] =	sbarrier.arrive $0xFFFF;
	s2 =	simm.s32 @!p0 $0x1C07  }
0xc7: {  	[timem:s3], [sflag:s2] =	dma.local @!p0 [hbm:s0], s1  }
0xc8: {  	s0 =	simm.s32 @!p0 $0x7  }
0xc9: {  	_ =	swait.ge @!p0 [sflag:s0], s1  }
0xca: {  	s1 =	ssub.s32 @!p0 $0x0, s1;
	[sflag:s0] =	ssyncset.done @!p0 $0x0  }
0xcb: {  	[sflag:s0] =	ssyncadd.s32 @!p0 s1  }
0xcc: {  	[bflag:$0x3] =	sbarrier.arrive $0xFFFF  }
0xcd: {  	_ =	shalt  }

</sc_bundles>
